<compile_context>
chip_gen: v7x
topology: tpu7x:2x2x1
jax: 0.10.2.dev20260603
libtpu: 0.0.44.dev20260713+nightly
codegen_flags: <defaults>
</compile_context>

<pallas_src>
import functools

import jax
import jax.numpy as jnp
from jax import lax
from jax.experimental import pallas as pl
from jax.experimental.pallas import tpu as pltpu
from jax.experimental.pallas import tpu_sc as plsc

_N = 10000
_E = 160000
_H = 256
_EPAD = 163840
_KCH = 128
_NW = 32
_PER_W = _EPAD // _NW
_PER_S = _EPAD // 16
_CH_S = _PER_S // _KCH
_KG = 64
_NCHG = _PER_W // _KG
_NPAD = 10240
_TN = 1000
_NT = _N // _TN
_TE = 2048
_TEM = 1024
_F32 = jnp.float32


def _sc_mesh():
    return plsc.VectorSubcoreMesh(core_axis_name="c", subcore_axis_name="s")



def _sc_gather_x(xf, srcp):
    import dataclasses
    cp = pltpu.CompilerParams()
    if "needs_layout_passes" in pltpu.CompilerParams.__dataclass_fields__:
        cp = dataclasses.replace(cp, needs_layout_passes=False)

    @functools.partial(
        pl.kernel, mesh=_sc_mesh(),
        out_type=jax.ShapeDtypeStruct((_EPAD,), _F32),
        compiler_params=cp,
        scratch_types=[pltpu.VMEM((_N,), _F32),
                       pltpu.VMEM((_PER_W,), jnp.int32),
                       pltpu.VMEM((_PER_W,), _F32),
                       pltpu.SemaphoreType.DMA],
    )
    def k(x_hbm, s_hbm, o_hbm, xv, iv, ov, sem):
        w = lax.axis_index("s") * 2 + lax.axis_index("c")
        base = w * _PER_W
        pltpu.sync_copy(x_hbm, xv)
        pltpu.sync_copy(s_hbm.at[pl.ds(base, _PER_W)], iv)

        @pl.loop(0, _PER_W // 16)
        def _(j):
            idx = iv[pl.ds(j * 16, 16)]
            ov[pl.ds(j * 16, 16)] = plsc.load_gather(xv, [idx])

        pltpu.sync_copy(ov, o_hbm.at[pl.ds(base, _PER_W)])

    return k(xf, srcp)


def _sc_gather_hh(H, srcp, dstp, start, count):
    per_w = count // _NW
    nchg = per_w // _KG

    @functools.partial(
        pl.kernel, mesh=_sc_mesh(),
        out_type=[jax.ShapeDtypeStruct((count, 256), _F32),
                  jax.ShapeDtypeStruct((count, 256), _F32)],
        scratch_types=[pltpu.VMEM((per_w,), jnp.int32),
                       pltpu.VMEM((per_w,), jnp.int32),
                       pltpu.VMEM((_KG, 256), _F32),
                       pltpu.VMEM((_KG, 256), _F32),
                       pltpu.VMEM((_KG, 256), _F32),
                       pltpu.VMEM((_KG, 256), _F32),
                       pltpu.SemaphoreType.DMA, pltpu.SemaphoreType.DMA,
                       pltpu.SemaphoreType.DMA, pltpu.SemaphoreType.DMA,
                       pltpu.SemaphoreType.DMA, pltpu.SemaphoreType.DMA,
                       pltpu.SemaphoreType.DMA, pltpu.SemaphoreType.DMA],
    )
    def k(h_hbm, s_hbm, d_hbm, hs_hbm, hd_hbm, ivs, ivd,
          rt0, rt1, rq0, rq1, sgt0, sgt1, sgq0, sgq1, swt0, swt1, swq0, swq1):
        w = lax.axis_index("s") * 2 + lax.axis_index("c")
        base = w * per_w
        pltpu.sync_copy(s_hbm.at[pl.ds(start + base, per_w)], ivs)
        pltpu.sync_copy(d_hbm.at[pl.ds(start + base, per_w)], ivd)

        def gstart(i, rt, rq, st, sq):
            pltpu.async_copy(h_hbm.at[ivs.at[pl.ds(i * _KG, _KG)]], rt, st)
            pltpu.async_copy(h_hbm.at[ivd.at[pl.ds(i * _KG, _KG)]], rq, sq)

        def gwait(i, rt, rq, st, sq):
            pltpu.make_async_copy(h_hbm.at[ivs.at[pl.ds(i * _KG, _KG)]], rt, st).wait()
            pltpu.make_async_copy(h_hbm.at[ivd.at[pl.ds(i * _KG, _KG)]], rq, sq).wait()

        def wstart(i, rt, rq, st, sq):
            pltpu.async_copy(rt, hs_hbm.at[pl.ds(base + i * _KG, _KG)], st)
            pltpu.async_copy(rq, hd_hbm.at[pl.ds(base + i * _KG, _KG)], sq)

        def wwait(i, rt, rq, st, sq):
            pltpu.make_async_copy(rt, hs_hbm.at[pl.ds(base + i * _KG, _KG)], st).wait()
            pltpu.make_async_copy(rq, hd_hbm.at[pl.ds(base + i * _KG, _KG)], sq).wait()

        gstart(0, rt0, rq0, sgt0, sgq0)
        gstart(1, rt1, rq1, sgt1, sgq1)

        @pl.loop(0, nchg // 2 - 1)
        def _(p):
            i0 = 2 * p
            gwait(i0, rt0, rq0, sgt0, sgq0)
            wstart(i0, rt0, rq0, swt0, swq0)
            gwait(i0 + 1, rt1, rq1, sgt1, sgq1)
            wstart(i0 + 1, rt1, rq1, swt1, swq1)
            wwait(i0, rt0, rq0, swt0, swq0)
            gstart(i0 + 2, rt0, rq0, sgt0, sgq0)
            wwait(i0 + 1, rt1, rq1, swt1, swq1)
            gstart(i0 + 3, rt1, rq1, sgt1, sgq1)

        i0 = nchg - 2
        gwait(i0, rt0, rq0, sgt0, sgq0)
        wstart(i0, rt0, rq0, swt0, swq0)
        gwait(i0 + 1, rt1, rq1, sgt1, sgq1)
        wstart(i0 + 1, rt1, rq1, swt1, swq1)
        wwait(i0, rt0, rq0, swt0, swq0)
        wwait(i0 + 1, rt1, rq1, swt1, swq1)

    return k(H, srcp, dstp)


def _sc_scatter_add(msg2, dst3, init2):
    ep = msg2.shape[1]
    per_s = ep // 16
    ch_s = per_s // _KCH

    @functools.partial(
        pl.kernel, mesh=_sc_mesh(),
        out_type=jax.ShapeDtypeStruct((2, _NPAD, 128), _F32),
        scratch_types=[pltpu.VMEM((ch_s, _KCH), jnp.int32),
                       pltpu.VMEM((_KCH, 128), _F32),
                       pltpu.VMEM((_KCH, 128), _F32),
                       pltpu.VMEM_SHARED((_NPAD, 128), _F32),
                       pltpu.SemaphoreType.DMA, pltpu.SemaphoreType.DMA],
    )
    def k(m_hbm, d3_hbm, z_hbm, agg_hbm, iv2d, rv0, rv1, acc, sm0, sm1):
        c = lax.axis_index("c")
        s = lax.axis_index("s")

        @pl.when(s == 0)
        def _():
            pltpu.sync_copy(z_hbm.at[c], acc)

        pltpu.sync_copy(d3_hbm.at[s], iv2d)
        plsc.subcore_barrier()
        mbase = s * per_s

        def mstart(i, rv, sm):
            pltpu.async_copy(m_hbm.at[c].at[pl.ds(mbase + i * _KCH, _KCH)], rv, sm)

        def mwait(i, rv, sm):
            pltpu.make_async_copy(
                m_hbm.at[c].at[pl.ds(mbase + i * _KCH, _KCH)], rv, sm).wait()

        def addi(i, rv):
            pltpu.sync_copy(rv, acc.at[iv2d.at[i]], add=True)

        mstart(0, rv0, sm0)
        mstart(1, rv1, sm1)

        @pl.loop(0, ch_s // 2 - 1)
        def _(p):
            i0 = 2 * p
            mwait(i0, rv0, sm0)
            addi(i0, rv0)
            mstart(i0 + 2, rv0, sm0)
            mwait(i0 + 1, rv1, sm1)
            addi(i0 + 1, rv1)
            mstart(i0 + 3, rv1, sm1)

        i0 = ch_s - 2
        mwait(i0, rv0, sm0)
        addi(i0, rv0)
        mwait(i0 + 1, rv1, sm1)
        addi(i0 + 1, rv1)

        plsc.subcore_barrier()
        rows = _NPAD // 16
        pltpu.sync_copy(acc.at[pl.ds(s * rows, rows)],
                        agg_hbm.at[c].at[pl.ds(s * rows, rows)])

    return k(msg2, dst3, init2)



def _dot(a, b):
    return jnp.dot(a, b, preferred_element_type=_F32)


def _embed_body(xs_ref, ea_ref, we_ref, be_ref, wn_ref, bn_ref, eo_ref, msg_ref):
    t = pl.program_id(0)
    e = _dot(ea_ref[...], we_ref[...]) + be_ref[...]
    eo_ref[...] = e
    hsrc = xs_ref[...] * wn_ref[...] + bn_ref[...]
    msg = jnp.maximum(hsrc + e, 0.0)
    ids = lax.broadcasted_iota(jnp.int32, (_TE, 1), 0) + t * _TE
    msg = jnp.where(ids < _E, msg, 0.0)
    msg_ref[0] = msg[:, :128]
    msg_ref[1] = msg[:, 128:]


def _edge_mlp_body(hs_ref, hd_ref, e_ref, a_ref, b_ref, c_ref, w2_ref,
                   be1_ref, be2_ref, msg_ref, *, start):
    t = pl.program_id(0)
    hs = hs_ref[...]
    e = e_ref[...]
    tt = jnp.maximum(
        _dot(hs, a_ref[...]) + _dot(hd_ref[...], b_ref[...])
        + _dot(e, c_ref[...]) + be1_ref[...], 0.0)
    eu = _dot(tt, w2_ref[...]) + be2_ref[...]
    e1 = (e + eu) * 0.5
    msg = jnp.maximum(hs + e1, 0.0)
    ids = lax.broadcasted_iota(jnp.int32, (_TEM, 1), 0) + start + t * _TEM
    msg = jnp.where(ids < _E, msg, 0.0)
    msg_ref[0] = msg[:, :128]
    msg_ref[1] = msg[:, 128:]


def _z_from_x_body(x_ref, agg_ref, wn_ref, bn_ref, w1_ref, b1_ref, w2_ref,
                   b2_ref, z_ref, st_ref):
    h = x_ref[...] * wn_ref[...] + bn_ref[...]
    _z_common(h, agg_ref, w1_ref, b1_ref, w2_ref, b2_ref, z_ref, st_ref)


def _z_from_h_body(h_ref, agg_ref, w1_ref, b1_ref, w2_ref, b2_ref, z_ref, st_ref):
    _z_common(h_ref[...], agg_ref, w1_ref, b1_ref, w2_ref, b2_ref, z_ref, st_ref)


def _z_common(h, agg_ref, w1_ref, b1_ref, w2_ref, b2_ref, z_ref, st_ref):
    agg = jnp.concatenate([agg_ref[0], agg_ref[1]], axis=1)
    zin = h + agg
    z1 = jnp.maximum(_dot(zin, w1_ref[...]) + b1_ref[...], 0.0)
    z = _dot(z1, w2_ref[...]) + b2_ref[...]
    z_ref[...] = z
    t = pl.program_id(0)

    @pl.when(t == 0)
    def _():
        st_ref[...] = jnp.zeros_like(st_ref)

    st_ref[0:1, :] += jnp.sum(z, axis=0, keepdims=True)
    st_ref[1:2, :] += jnp.sum(z * z, axis=0, keepdims=True)


def _bn_h(z_ref, st_ref, hprev):
    mu = st_ref[0:1, :] / _N
    var = st_ref[1:2, :] / _N - mu * mu
    zn = (z_ref[...] - mu) / jnp.sqrt(var + 1e-5)
    return (hprev + jnp.maximum(zn, 0.0)) * 0.5


def _ht_body(x_ref, z_ref, st_ref, wn_ref, bn_ref, h_ref):
    h = x_ref[...] * wn_ref[...] + bn_ref[...]
    h_ref[...] = _bn_h(z_ref, st_ref, h)


def _head_body(h1_ref, z_ref, st_ref, wc1_ref, bc1_ref, wc2_ref, bc2_ref, o_ref):
    h2 = _bn_h(z_ref, st_ref, h1_ref[...])
    y = jnp.maximum(_dot(h2, wc1_ref[...]) + bc1_ref[...], 0.0)
    o_ref[...] = _dot(y, wc2_ref[...]) + bc2_ref[...]



def _const(shape):
    return pl.BlockSpec(shape, lambda t: tuple(0 for _ in shape))


def _tc_embed(xs, eap, W_edge, be, wn, bn):
    nt = _EPAD // _TE
    return pl.pallas_call(
        _embed_body,
        grid=(nt,),
        in_specs=[pl.BlockSpec((_TE, 1), lambda t: (t, 0)),
                  pl.BlockSpec((_TE, 16), lambda t: (t, 0)),
                  _const((16, 256)), _const((1, 256)),
                  _const((1, 256)), _const((1, 256))],
        out_specs=[pl.BlockSpec((_TE, 256), lambda t: (t, 0)),
                   pl.BlockSpec((2, _TE, 128), lambda t: (0, t, 0))],
        out_shape=[jax.ShapeDtypeStruct((_EPAD, 256), _F32),
                   jax.ShapeDtypeStruct((2, _EPAD, 128), _F32)],
    )(xs, eap, W_edge, be, wn, bn)


def _tc_edge_mlp(Hs, Hd, e0, A, B, C, We2i, be1i, be2i, start):
    count = Hs.shape[0]
    nt = count // _TEM
    toff = start // _TEM
    return pl.pallas_call(
        functools.partial(_edge_mlp_body, start=start),
        grid=(nt,),
        in_specs=[pl.BlockSpec((_TEM, 256), lambda t: (t, 0)),
                  pl.BlockSpec((_TEM, 256), lambda t: (t, 0)),
                  pl.BlockSpec((_TEM, 256), lambda t: (t + toff, 0)),
                  _const((256, 256)), _const((256, 256)), _const((256, 256)),
                  _const((256, 256)),
                  _const((1, 256)), _const((1, 256))],
        out_specs=[pl.BlockSpec((2, _TEM, 128), lambda t: (0, t, 0))],
        out_shape=[jax.ShapeDtypeStruct((2, count, 128), _F32)],
    )(Hs, Hd, e0, A, B, C, We2i, be1i, be2i)[0]


def _tc_z(h_or_x, agg, wn_bn, w1, b1r, w2, b2r, from_x):
    if from_x:
        body = _z_from_x_body
        first_specs = [pl.BlockSpec((_TN, 1), lambda t: (t, 0))]
        wspecs = [_const((1, 256)), _const((1, 256))]
        wargs = list(wn_bn)
    else:
        body = _z_from_h_body
        first_specs = [pl.BlockSpec((_TN, 256), lambda t: (t, 0))]
        wspecs = []
        wargs = []
    return pl.pallas_call(
        body,
        grid=(_NT,),
        in_specs=first_specs
        + [pl.BlockSpec((2, _TN, 128), lambda t: (0, t, 0))]
        + wspecs
        + [_const((256, 256)), _const((1, 256)),
           _const((256, 256)), _const((1, 256))],
        out_specs=[pl.BlockSpec((_TN, 256), lambda t: (t, 0)),
                   _const((8, 256))],
        out_shape=[jax.ShapeDtypeStruct((_N, 256), _F32),
                   jax.ShapeDtypeStruct((8, 256), _F32)],
    )(h_or_x, agg, *wargs, w1, b1r, w2, b2r)


def _tc_ht(x, z0, st0, wn, bn):
    return pl.pallas_call(
        _ht_body,
        grid=(_NT,),
        in_specs=[pl.BlockSpec((_TN, 1), lambda t: (t, 0)),
                  pl.BlockSpec((_TN, 256), lambda t: (t, 0)),
                  _const((8, 256)),
                  _const((1, 256)), _const((1, 256))],
        out_specs=[pl.BlockSpec((_TN, 256), lambda t: (t, 0))],
        out_shape=[jax.ShapeDtypeStruct((_N, 256), _F32)],
    )(x, z0, st0, wn, bn)[0]


def _tc_head(H1, z1, st1, Wc1, bc1r, Wc2p, bc2r):
    return pl.pallas_call(
        _head_body,
        grid=(_NT,),
        in_specs=[pl.BlockSpec((_TN, 256), lambda t: (t, 0)),
                  pl.BlockSpec((_TN, 256), lambda t: (t, 0)),
                  _const((8, 256)),
                  _const((256, 256)), _const((1, 256)),
                  _const((256, 128)), _const((1, 128))],
        out_specs=[pl.BlockSpec((_TN, 128), lambda t: (t, 0))],
        out_shape=[jax.ShapeDtypeStruct((_N, 128), _F32)],
    )(H1, z1, st1, Wc1, bc1r, Wc2p, bc2r)[0]



def kernel(x, edge_index, edge_attr, W_node, b_node, W_edge, b_edge, W1, b1,
           W2, b2, We1, be1, We2, be2, Wc1, bc1, Wc2, bc2):
    pad = _EPAD - _E
    padidx = jnp.arange(pad, dtype=jnp.int32) % _N
    srcp = jnp.concatenate([edge_index[0].astype(jnp.int32), padidx])
    dstp = jnp.concatenate([edge_index[1].astype(jnp.int32), padidx])
    eap = jnp.pad(edge_attr, ((0, pad), (0, 0)))
    eh = _EPAD // 2
    dst3 = dstp.reshape(16, _CH_S, _KCH)
    dst3a = dstp[:eh].reshape(16, _CH_S // 2, _KCH)
    dst3b = dstp[eh:].reshape(16, _CH_S // 2, _KCH)
    zrows2 = jnp.zeros((2, _NPAD, 128), _F32)

    wn = W_node
    bn = b_node[None, :]
    ber = b_edge[None, :]
    A0, B0, C0 = We1[0, 0:256], We1[0, 256:512], We1[0, 512:768]
    Wc2p = jnp.pad(Wc2, ((0, 0), (0, 128 - Wc2.shape[1])))
    bc2r = jnp.pad(bc2, (0, 128 - bc2.shape[0]))[None, :]

    xs = _sc_gather_x(x[:, 0], srcp)
    e0, msg0 = _tc_embed(xs[:, None], eap, W_edge, ber, wn, bn)
    agg0 = _sc_scatter_add(msg0, dst3, zrows2)
    z0, st0 = _tc_z(x, agg0, (wn, bn), W1[0], b1[0][None], W2[0], b2[0][None],
                    from_x=True)
    H1 = _tc_ht(x, z0, st0, wn, bn)

    HsA, HdA = _sc_gather_hh(H1, srcp, dstp, 0, eh)
    HsB, HdB = _sc_gather_hh(H1, srcp, dstp, eh, eh)
    msg1a = _tc_edge_mlp(HsA, HdA, e0, A0, B0, C0, We2[0],
                         be1[0][None], be2[0][None], 0)
    msg1b = _tc_edge_mlp(HsB, HdB, e0, A0, B0, C0, We2[0],
                         be1[0][None], be2[0][None], eh)
    agg1p = _sc_scatter_add(msg1a, dst3a, zrows2)
    agg1 = _sc_scatter_add(msg1b, dst3b, agg1p)
    z1, st1 = _tc_z(H1, agg1, None, W1[1], b1[1][None], W2[1], b2[1][None],
                    from_x=False)
    outp = _tc_head(H1, z1, st1, Wc1, bc1[None], Wc2p, bc2r)
    return outp[:, :Wc2.shape[1]]

# --- scband reference (transcript-rebuilt; emitter-appended) ---
"""Pipeline reference for scband-gnn-23983097381169 (READ-ONLY COPY).

The authoritative reference and input builder live on the scoring server;
editing this copy changes nothing except your own understanding.
"""

import jax, jax.numpy as jnp
import numpy as np

N = 10000
E = 160000
H = 256
EDIM = 16
L = 2
NCLS = 2


def setup_inputs(seed: int = 0) -> dict:
    key = jax.random.key(seed)
    ks = jax.random.split(key, 24)
    s = 0.05
    inp = {}
    inp['x'] = jax.random.normal(ks[0], (N, 1), dtype=jnp.float32)
    inp['edge_index'] = jax.random.randint(ks[1], (2, E), 0, N, dtype=jnp.int64 if jax.config.jax_enable_x64 else jnp.int32)
    inp['edge_attr'] = jax.random.normal(ks[2], (E, EDIM), dtype=jnp.float32)
    # learned parameters (GINe: node/edge embeddings, per-layer GIN MLPs + edge-update MLPs, classifier head)
    inp['W_node'] = jax.random.normal(ks[3], (1, H), dtype=jnp.float32) * s
    inp['b_node'] = jnp.zeros((H,), dtype=jnp.float32)
    inp['W_edge'] = jax.random.normal(ks[4], (EDIM, H), dtype=jnp.float32) * s
    inp['b_edge'] = jnp.zeros((H,), dtype=jnp.float32)
    inp['W1'] = jax.random.normal(ks[5], (L, H, H), dtype=jnp.float32) * s
    inp['b1'] = jnp.zeros((L, H), dtype=jnp.float32)
    inp['W2'] = jax.random.normal(ks[6], (L, H, H), dtype=jnp.float32) * s
    inp['b2'] = jnp.zeros((L, H), dtype=jnp.float32)
    inp['We1'] = jax.random.normal(ks[7], (L, 3 * H, H), dtype=jnp.float32) * s
    inp['be1'] = jnp.zeros((L, H), dtype=jnp.float32)
    inp['We2'] = jax.random.normal(ks[8], (L, H, H), dtype=jnp.float32) * s
    inp['be2'] = jnp.zeros((L, H), dtype=jnp.float32)
    inp['Wc1'] = jax.random.normal(ks[9], (H, H), dtype=jnp.float32) * s
    inp['bc1'] = jnp.zeros((H,), dtype=jnp.float32)
    inp['Wc2'] = jax.random.normal(ks[10], (H, NCLS), dtype=jnp.float32) * s
    inp['bc2'] = jnp.zeros((NCLS,), dtype=jnp.float32)
    return inp


def reference(x, edge_index, edge_attr, W_node, b_node, W_edge, b_edge, W1, b1, W2, b2, We1, be1, We2, be2, Wc1, bc1, Wc2, bc2):
    src = edge_index[0]
    dst = edge_index[1]
    h = x @ W_node + b_node
    e = edge_attr @ W_edge + b_edge
    for i in range(L):
        # GINEConv: msg_j = relu(x_j + edge_attr), sum-aggregate to dst, then MLP((1+eps)*x_i + agg), eps=0
        msg = jax.nn.relu(h[src] + e)
        agg = jnp.zeros_like(h).at[dst].add(msg)
        z = h + agg
        z = jax.nn.relu(z @ W1[i] + b1[i]) @ W2[i] + b2[i]
        # batch norm (training-mode batch statistics)
        mu = jnp.mean(z, axis=0)
        var = jnp.var(z, axis=0)
        z = (z - mu) / jnp.sqrt(var + 1e-5)
        h = (h + jax.nn.relu(z)) / 2.0
        # edge update MLP on cat([x_src, x_dst, edge_attr])
        eu = jnp.concatenate([h[src], h[dst], e], axis=-1)
        eu = jax.nn.relu(eu @ We1[i] + be1[i]) @ We2[i] + be2[i]
        e = (e + eu) / 2.0
    # node classification head (dropout=0.0)
    out = jax.nn.relu(h @ Wc1 + bc1) @ Wc2 + bc2
    return out

if __name__ == "__main__":
    import jax
    _d = setup_inputs()
    print(jax.jit(kernel)(*tuple(_d.values())))

</pallas_src>

<mosaic_0001>
#map = affine_map<(d0, d1) -> (0, 0, 0)>
module attributes {stable_mosaic.version = 14 : i64} {
  func.func @k(%arg0: i32, %arg1: i32, %arg2: memref<2x163840x128xf32, #tpu.memory_space<hbm>>, %arg3: memref<16x80x128xi32, #tpu.memory_space<hbm>>, %arg4: memref<2x10240x128xf32, #tpu.memory_space<hbm>>, %arg5: memref<2x10240x128xf32, #tpu.memory_space<hbm>>, %arg6: memref<80x128xi32, #tpu.memory_space<vmem>>, %arg7: memref<128x128xf32, #tpu.memory_space<vmem>>, %arg8: memref<128x128xf32, #tpu.memory_space<vmem>>, %arg9: memref<10240x128xf32, #tpu.memory_space<vmem_shared>>, %arg10: memref<!tpu.dma_semaphore, #tpu.memory_space<semaphore_mem>>, %arg11: memref<!tpu.dma_semaphore, #tpu.memory_space<semaphore_mem>>) attributes {dimension_semantics = [#tpu.dimension_semantics<core_parallel>, #tpu.dimension_semantics<subcore_parallel>], iteration_bounds = array<i64: 2, 16>, scalar_prefetch = 0 : i64, scratch_operands = 6 : i64, tpu.core_type = #tpu.core_type<sc_vector_subcore>, window_params = [{transform_indices = #map}, {transform_indices = #map}, {transform_indices = #map}, {transform_indices = #map}]} {
    %eq3A = arith.constant 0 : i32
    %eq3A_0 = arith.cmpi eq, %arg1, %eq3A : i32
    %convert_element_type3A = arith.extui %eq3A_0 : i1 to i32
    %cond3A = arith.constant 0 : i32
    %cond3A_1 = arith.cmpi ne, %convert_element_type3A, %cond3A : i32
    scf.if %cond3A_1 {
      "tpu.region"() ({
        %run_scoped3A_66 = tpu.sem_alloc : memref<!tpu.dma_semaphore, #tpu.memory_space<semaphore_mem>>
        %dma_start3A_67 = arith.constant 0 : i32
        %dma_start3A_68 = arith.constant 0 : i32
        %dma_start3A_69 = tpu.memref_slice %arg4[%arg0, %dma_start3A_67, %dma_start3A_68] : memref<2x10240x128xf32, #tpu.memory_space<hbm>> -> memref<1x10240x128xf32, #tpu.memory_space<hbm>>
        %dma_start3A_70 = tpu.memref_squeeze %dma_start3A_69 : memref<1x10240x128xf32, #tpu.memory_space<hbm>> -> memref<10240x128xf32, #tpu.memory_space<hbm>>
        tpu.enqueue_dma source(%dma_start3A_70 : memref<10240x128xf32, #tpu.memory_space<hbm>>) target(%arg9 : memref<10240x128xf32, #tpu.memory_space<vmem_shared>>) target_semaphore(%run_scoped3A_66 : memref<!tpu.dma_semaphore, #tpu.memory_space<semaphore_mem>>)
        %dma_wait3A_71 = arith.constant 0 : i32
        %dma_wait3A_72 = arith.constant 0 : i32
        %dma_wait3A_73 = tpu.memref_slice %arg4[%arg0, %dma_wait3A_71, %dma_wait3A_72] : memref<2x10240x128xf32, #tpu.memory_space<hbm>> -> memref<1x10240x128xf32, #tpu.memory_space<hbm>>
        %dma_wait3A_74 = tpu.memref_squeeze %dma_wait3A_73 : memref<1x10240x128xf32, #tpu.memory_space<hbm>> -> memref<10240x128xf32, #tpu.memory_space<hbm>>
        tpu.wait_dma2 semaphore(%run_scoped3A_66 : memref<!tpu.dma_semaphore, #tpu.memory_space<semaphore_mem>>) src(%dma_wait3A_74 : memref<10240x128xf32, #tpu.memory_space<hbm>>) dst(%arg9 : memref<10240x128xf32, #tpu.memory_space<vmem_shared>>)
        tpu.yield
      }) : () -> ()
    } else {
    }
    "tpu.region"() ({
      %run_scoped3A_66 = tpu.sem_alloc : memref<!tpu.dma_semaphore, #tpu.memory_space<semaphore_mem>>
      %dma_start3A_67 = arith.constant 0 : i32
      %dma_start3A_68 = arith.constant 0 : i32
      %dma_start3A_69 = tpu.memref_slice %arg3[%arg1, %dma_start3A_67, %dma_start3A_68] : memref<16x80x128xi32, #tpu.memory_space<hbm>> -> memref<1x80x128xi32, #tpu.memory_space<hbm>>
      %dma_start3A_70 = tpu.memref_squeeze %dma_start3A_69 : memref<1x80x128xi32, #tpu.memory_space<hbm>> -> memref<80x128xi32, #tpu.memory_space<hbm>>
      %dma_start3A_71 = arith.constant 0 : i32
      %dma_start3A_72 = arith.constant 0 : i32
      %dma_start3A_73 = tpu.memref_slice %arg3[%arg1, %dma_start3A_71, %dma_start3A_72] : memref<16x80x128xi32, #tpu.memory_space<hbm>> -> memref<1x80x128xi32, #tpu.memory_space<hbm>>
      %dma_start3A_74 = tpu.memref_squeeze %dma_start3A_73 : memref<1x80x128xi32, #tpu.memory_space<hbm>> -> memref<80x128xi32, #tpu.memory_space<hbm>>
      tpu.enqueue_dma source(%dma_start3A_74 : memref<80x128xi32, #tpu.memory_space<hbm>>) target(%arg6 : memref<80x128xi32, #tpu.memory_space<vmem>>) target_semaphore(%run_scoped3A_66 : memref<!tpu.dma_semaphore, #tpu.memory_space<semaphore_mem>>)
      %dma_wait3A_75 = arith.constant 0 : i32
      %dma_wait3A_76 = arith.constant 0 : i32
      %dma_wait3A_77 = tpu.memref_slice %arg3[%arg1, %dma_wait3A_75, %dma_wait3A_76] : memref<16x80x128xi32, #tpu.memory_space<hbm>> -> memref<1x80x128xi32, #tpu.memory_space<hbm>>
      %dma_wait3A_78 = tpu.memref_squeeze %dma_wait3A_77 : memref<1x80x128xi32, #tpu.memory_space<hbm>> -> memref<80x128xi32, #tpu.memory_space<hbm>>
      %dma_wait3A_79 = arith.constant 0 : i32
      %dma_wait3A_80 = arith.constant 0 : i32
      %dma_wait3A_81 = tpu.memref_slice %arg3[%arg1, %dma_wait3A_79, %dma_wait3A_80] : memref<16x80x128xi32, #tpu.memory_space<hbm>> -> memref<1x80x128xi32, #tpu.memory_space<hbm>>
      %dma_wait3A_82 = tpu.memref_squeeze %dma_wait3A_81 : memref<1x80x128xi32, #tpu.memory_space<hbm>> -> memref<80x128xi32, #tpu.memory_space<hbm>>
      tpu.wait_dma2 semaphore(%run_scoped3A_66 : memref<!tpu.dma_semaphore, #tpu.memory_space<semaphore_mem>>) src(%dma_wait3A_82 : memref<80x128xi32, #tpu.memory_space<hbm>>) dst(%arg6 : memref<80x128xi32, #tpu.memory_space<vmem>>)
      tpu.yield
    }) : () -> ()
    %barrier3A = arith.constant 0 : index
    tpu.barrier barrier_id(%barrier3A)
    %mul3A = arith.constant 10240 : i32
    %mul3A_2 = arith.muli %arg1, %mul3A : i32
    %add3A = arith.constant 0 : i32
    %add3A_3 = arith.addi %mul3A_2, %add3A : i32
    %dma_start3A = arith.constant 0 : i32
    %dma_start3A_4 = arith.constant 0 : i32
    %dma_start3A_5 = tpu.memref_slice %arg2[%arg0, %dma_start3A, %dma_start3A_4] : memref<2x163840x128xf32, #tpu.memory_space<hbm>> -> memref<1x163840x128xf32, #tpu.memory_space<hbm>>
    %dma_start3A_6 = tpu.memref_squeeze %dma_start3A_5 : memref<1x163840x128xf32, #tpu.memory_space<hbm>> -> memref<163840x128xf32, #tpu.memory_space<hbm>>
    %dma_start3A_7 = arith.constant 0 : i32
    %dma_start3A_8 = tpu.memref_slice %dma_start3A_6[%add3A_3, %dma_start3A_7] : memref<163840x128xf32, #tpu.memory_space<hbm>> -> memref<128x128xf32, #tpu.memory_space<hbm>>
    %dma_start3A_9 = arith.constant 0 : i32
    %dma_start3A_10 = arith.constant 0 : i32
    %dma_start3A_11 = tpu.memref_slice %arg2[%arg0, %dma_start3A_9, %dma_start3A_10] : memref<2x163840x128xf32, #tpu.memory_space<hbm>> -> memref<1x163840x128xf32, #tpu.memory_space<hbm>>
    %dma_start3A_12 = tpu.memref_squeeze %dma_start3A_11 : memref<1x163840x128xf32, #tpu.memory_space<hbm>> -> memref<163840x128xf32, #tpu.memory_space<hbm>>
    %dma_start3A_13 = arith.constant 0 : i32
    %dma_start3A_14 = tpu.memref_slice %dma_start3A_12[%add3A_3, %dma_start3A_13] : memref<163840x128xf32, #tpu.memory_space<hbm>> -> memref<128x128xf32, #tpu.memory_space<hbm>>
    tpu.enqueue_dma source(%dma_start3A_14 : memref<128x128xf32, #tpu.memory_space<hbm>>) target(%arg7 : memref<128x128xf32, #tpu.memory_space<vmem>>) target_semaphore(%arg10 : memref<!tpu.dma_semaphore, #tpu.memory_space<semaphore_mem>>)
    %add3A_15 = arith.constant 128 : i32
    %add3A_16 = arith.addi %mul3A_2, %add3A_15 : i32
    %dma_start3A_17 = arith.constant 0 : i32
    %dma_start3A_18 = arith.constant 0 : i32
    %dma_start3A_19 = tpu.memref_slice %arg2[%arg0, %dma_start3A_17, %dma_start3A_18] : memref<2x163840x128xf32, #tpu.memory_space<hbm>> -> memref<1x163840x128xf32, #tpu.memory_space<hbm>>
    %dma_start3A_20 = tpu.memref_squeeze %dma_start3A_19 : memref<1x163840x128xf32, #tpu.memory_space<hbm>> -> memref<163840x128xf32, #tpu.memory_space<hbm>>
    %dma_start3A_21 = arith.constant 0 : i32
    %dma_start3A_22 = tpu.memref_slice %dma_start3A_20[%add3A_16, %dma_start3A_21] : memref<163840x128xf32, #tpu.memory_space<hbm>> -> memref<128x128xf32, #tpu.memory_space<hbm>>
    %dma_start3A_23 = arith.constant 0 : i32
    %dma_start3A_24 = arith.constant 0 : i32
    %dma_start3A_25 = tpu.memref_slice %arg2[%arg0, %dma_start3A_23, %dma_start3A_24] : memref<2x163840x128xf32, #tpu.memory_space<hbm>> -> memref<1x163840x128xf32, #tpu.memory_space<hbm>>
    %dma_start3A_26 = tpu.memref_squeeze %dma_start3A_25 : memref<1x163840x128xf32, #tpu.memory_space<hbm>> -> memref<163840x128xf32, #tpu.memory_space<hbm>>
    %dma_start3A_27 = arith.constant 0 : i32
    %dma_start3A_28 = tpu.memref_slice %dma_start3A_26[%add3A_16, %dma_start3A_27] : memref<163840x128xf32, #tpu.memory_space<hbm>> -> memref<128x128xf32, #tpu.memory_space<hbm>>
    tpu.enqueue_dma source(%dma_start3A_28 : memref<128x128xf32, #tpu.memory_space<hbm>>) target(%arg8 : memref<128x128xf32, #tpu.memory_space<vmem>>) target_semaphore(%arg11 : memref<!tpu.dma_semaphore, #tpu.memory_space<semaphore_mem>>)
    %scan3A = arith.constant 0 : i32
    %scan3A_29 = arith.constant 39 : i32
    %scan3A_30 = arith.addi %scan3A, %scan3A_29 : i32
    %scan3A_31 = arith.constant 1 : i32
    scf.for %scan3A_66 = %scan3A to %scan3A_30 step %scan3A_31  : i32 {
      %mul3A_67 = arith.constant 1 : i32
      %mul3A_68 = arith.muli %scan3A_66, %mul3A_67 : i32
      %add3A_69 = arith.constant 0 : i32
      %add3A_70 = arith.addi %add3A_69, %mul3A_68 : i32
      %mul3A_71 = arith.constant 2 : i32
      %mul3A_72 = arith.muli %mul3A_71, %add3A_70 : i32
      %mul3A_73 = arith.constant 128 : i32
      %mul3A_74 = arith.muli %mul3A_72, %mul3A_73 : i32
      %add3A_75 = arith.addi %mul3A_2, %mul3A_74 : i32
      %dma_wait3A_76 = arith.constant 0 : i32
      %dma_wait3A_77 = arith.constant 0 : i32
      %dma_wait3A_78 = tpu.memref_slice %arg2[%arg0, %dma_wait3A_76, %dma_wait3A_77] : memref<2x163840x128xf32, #tpu.memory_space<hbm>> -> memref<1x163840x128xf32, #tpu.memory_space<hbm>>
      %dma_wait3A_79 = tpu.memref_squeeze %dma_wait3A_78 : memref<1x163840x128xf32, #tpu.memory_space<hbm>> -> memref<163840x128xf32, #tpu.memory_space<hbm>>
      %dma_wait3A_80 = arith.constant 0 : i32
      %dma_wait3A_81 = tpu.memref_slice %dma_wait3A_79[%add3A_75, %dma_wait3A_80] : memref<163840x128xf32, #tpu.memory_space<hbm>> -> memref<128x128xf32, #tpu.memory_space<hbm>>
      %dma_wait3A_82 = arith.constant 0 : i32
      %dma_wait3A_83 = arith.constant 0 : i32
      %dma_wait3A_84 = tpu.memref_slice %arg2[%arg0, %dma_wait3A_82, %dma_wait3A_83] : memref<2x163840x128xf32, #tpu.memory_space<hbm>> -> memref<1x163840x128xf32, #tpu.memory_space<hbm>>
      %dma_wait3A_85 = tpu.memref_squeeze %dma_wait3A_84 : memref<1x163840x128xf32, #tpu.memory_space<hbm>> -> memref<163840x128xf32, #tpu.memory_space<hbm>>
      %dma_wait3A_86 = arith.constant 0 : i32
      %dma_wait3A_87 = tpu.memref_slice %dma_wait3A_85[%add3A_75, %dma_wait3A_86] : memref<163840x128xf32, #tpu.memory_space<hbm>> -> memref<128x128xf32, #tpu.memory_space<hbm>>
      tpu.wait_dma2 semaphore(%arg10 : memref<!tpu.dma_semaphore, #tpu.memory_space<semaphore_mem>>) src(%dma_wait3A_87 : memref<128x128xf32, #tpu.memory_space<hbm>>) dst(%arg7 : memref<128x128xf32, #tpu.memory_space<vmem>>)
      "tpu.region"() ({
        %run_scoped3A_141 = tpu.sem_alloc : memref<!tpu.dma_semaphore, #tpu.memory_space<semaphore_mem>>
        %dma_start3A_142 = arith.constant 0 : i32
        %dma_start3A_143 = tpu.memref_slice %arg6[%mul3A_72, %dma_start3A_142] : memref<80x128xi32, #tpu.memory_space<vmem>> -> memref<1x128xi32, #tpu.memory_space<vmem>>
        %dma_start3A_144 = tpu.memref_squeeze %dma_start3A_143 : memref<1x128xi32, #tpu.memory_space<vmem>> -> memref<128xi32, #tpu.memory_space<vmem>>
        %dma_start3A_145 = arith.constant 0 : i32
        %dma_start3A_146 = arith.constant 0 : i32
        %dma_start3A_147 = tpu.memref_slice %arg9[%dma_start3A_145, %dma_start3A_146] : memref<10240x128xf32, #tpu.memory_space<vmem_shared>> -> memref<10240x128xf32, #tpu.memory_space<vmem_shared>>
        tpu.enqueue_indirect_dma source(%arg7 : memref<128x128xf32, #tpu.memory_space<vmem>>) target(%dma_start3A_147 : memref<10240x128xf32, #tpu.memory_space<vmem_shared>>) offsets(%dma_start3A_144 : memref<128xi32, #tpu.memory_space<vmem>>) semaphore(%run_scoped3A_141 : memref<!tpu.dma_semaphore, #tpu.memory_space<semaphore_mem>>) {add = true}
        %dma_wait3A_148 = arith.constant 0 : i32
        %dma_wait3A_149 = tpu.memref_slice %arg6[%mul3A_72, %dma_wait3A_148] : memref<80x128xi32, #tpu.memory_space<vmem>> -> memref<1x128xi32, #tpu.memory_space<vmem>>
        %dma_wait3A_150 = tpu.memref_squeeze %dma_wait3A_149 : memref<1x128xi32, #tpu.memory_space<vmem>> -> memref<128xi32, #tpu.memory_space<vmem>>
        %dma_wait3A_151 = arith.constant 0 : i32
        %dma_wait3A_152 = arith.constant 0 : i32
        %dma_wait3A_153 = tpu.memref_slice %arg9[%dma_wait3A_151, %dma_wait3A_152] : memref<10240x128xf32, #tpu.memory_space<vmem_shared>> -> memref<10240x128xf32, #tpu.memory_space<vmem_shared>>
        tpu.wait_indirect_dma semaphore(%run_scoped3A_141 : memref<!tpu.dma_semaphore, #tpu.memory_space<semaphore_mem>>) src(%arg7 : memref<128x128xf32, #tpu.memory_space<vmem>>) dst(%dma_wait3A_153 : memref<10240x128xf32, #tpu.memory_space<vmem_shared>>)
        tpu.yield
      }) : () -> ()
      %add3A_88 = arith.constant 2 : i32
      %add3A_89 = arith.addi %mul3A_72, %add3A_88 : i32
      %mul3A_90 = arith.constant 128 : i32
      %mul3A_91 = arith.muli %add3A_89, %mul3A_90 : i32
      %add3A_92 = arith.addi %mul3A_2, %mul3A_91 : i32
      %dma_start3A_93 = arith.constant 0 : i32
      %dma_start3A_94 = arith.constant 0 : i32
      %dma_start3A_95 = tpu.memref_slice %arg2[%arg0, %dma_start3A_93, %dma_start3A_94] : memref<2x163840x128xf32, #tpu.memory_space<hbm>> -> memref<1x163840x128xf32, #tpu.memory_space<hbm>>
      %dma_start3A_96 = tpu.memref_squeeze %dma_start3A_95 : memref<1x163840x128xf32, #tpu.memory_space<hbm>> -> memref<163840x128xf32, #tpu.memory_space<hbm>>
      %dma_start3A_97 = arith.constant 0 : i32
      %dma_start3A_98 = tpu.memref_slice %dma_start3A_96[%add3A_92, %dma_start3A_97] : memref<163840x128xf32, #tpu.memory_space<hbm>> -> memref<128x128xf32, #tpu.memory_space<hbm>>
      %dma_start3A_99 = arith.constant 0 : i32
      %dma_start3A_100 = arith.constant 0 : i32
      %dma_start3A_101 = tpu.memref_slice %arg2[%arg0, %dma_start3A_99, %dma_start3A_100] : memref<2x163840x128xf32, #tpu.memory_space<hbm>> -> memref<1x163840x128xf32, #tpu.memory_space<hbm>>
      %dma_start3A_102 = tpu.memref_squeeze %dma_start3A_101 : memref<1x163840x128xf32, #tpu.memory_space<hbm>> -> memref<163840x128xf32, #tpu.memory_space<hbm>>
      %dma_start3A_103 = arith.constant 0 : i32
      %dma_start3A_104 = tpu.memref_slice %dma_start3A_102[%add3A_92, %dma_start3A_103] : memref<163840x128xf32, #tpu.memory_space<hbm>> -> memref<128x128xf32, #tpu.memory_space<hbm>>
      tpu.enqueue_dma source(%dma_start3A_104 : memref<128x128xf32, #tpu.memory_space<hbm>>) target(%arg7 : memref<128x128xf32, #tpu.memory_space<vmem>>) target_semaphore(%arg10 : memref<!tpu.dma_semaphore, #tpu.memory_space<semaphore_mem>>)
      %add3A_105 = arith.constant 1 : i32
      %add3A_106 = arith.addi %mul3A_72, %add3A_105 : i32
      %mul3A_107 = arith.constant 128 : i32
      %mul3A_108 = arith.muli %add3A_106, %mul3A_107 : i32
      %add3A_109 = arith.addi %mul3A_2, %mul3A_108 : i32
      %dma_wait3A_110 = arith.constant 0 : i32
      %dma_wait3A_111 = arith.constant 0 : i32
      %dma_wait3A_112 = tpu.memref_slice %arg2[%arg0, %dma_wait3A_110, %dma_wait3A_111] : memref<2x163840x128xf32, #tpu.memory_space<hbm>> -> memref<1x163840x128xf32, #tpu.memory_space<hbm>>
      %dma_wait3A_113 = tpu.memref_squeeze %dma_wait3A_112 : memref<1x163840x128xf32, #tpu.memory_space<hbm>> -> memref<163840x128xf32, #tpu.memory_space<hbm>>
      %dma_wait3A_114 = arith.constant 0 : i32
      %dma_wait3A_115 = tpu.memref_slice %dma_wait3A_113[%add3A_109, %dma_wait3A_114] : memref<163840x128xf32, #tpu.memory_space<hbm>> -> memref<128x128xf32, #tpu.memory_space<hbm>>
      %dma_wait3A_116 = arith.constant 0 : i32
      %dma_wait3A_117 = arith.constant 0 : i32
      %dma_wait3A_118 = tpu.memref_slice %arg2[%arg0, %dma_wait3A_116, %dma_wait3A_117] : memref<2x163840x128xf32, #tpu.memory_space<hbm>> -> memref<1x163840x128xf32, #tpu.memory_space<hbm>>
      %dma_wait3A_119 = tpu.memref_squeeze %dma_wait3A_118 : memref<1x163840x128xf32, #tpu.memory_space<hbm>> -> memref<163840x128xf32, #tpu.memory_space<hbm>>
      %dma_wait3A_120 = arith.constant 0 : i32
      %dma_wait3A_121 = tpu.memref_slice %dma_wait3A_119[%add3A_109, %dma_wait3A_120] : memref<163840x128xf32, #tpu.memory_space<hbm>> -> memref<128x128xf32, #tpu.memory_space<hbm>>
      tpu.wait_dma2 semaphore(%arg11 : memref<!tpu.dma_semaphore, #tpu.memory_space<semaphore_mem>>) src(%dma_wait3A_121 : memref<128x128xf32, #tpu.memory_space<hbm>>) dst(%arg8 : memref<128x128xf32, #tpu.memory_space<vmem>>)
      %add3A_122 = arith.constant 1 : i32
      %add3A_123 = arith.addi %mul3A_72, %add3A_122 : i32
      "tpu.region"() ({
        %run_scoped3A_141 = tpu.sem_alloc : memref<!tpu.dma_semaphore, #tpu.memory_space<semaphore_mem>>
        %dma_start3A_142 = arith.constant 0 : i32
        %dma_start3A_143 = tpu.memref_slice %arg6[%add3A_123, %dma_start3A_142] : memref<80x128xi32, #tpu.memory_space<vmem>> -> memref<1x128xi32, #tpu.memory_space<vmem>>
        %dma_start3A_144 = tpu.memref_squeeze %dma_start3A_143 : memref<1x128xi32, #tpu.memory_space<vmem>> -> memref<128xi32, #tpu.memory_space<vmem>>
        %dma_start3A_145 = arith.constant 0 : i32
        %dma_start3A_146 = arith.constant 0 : i32
        %dma_start3A_147 = tpu.memref_slice %arg9[%dma_start3A_145, %dma_start3A_146] : memref<10240x128xf32, #tpu.memory_space<vmem_shared>> -> memref<10240x128xf32, #tpu.memory_space<vmem_shared>>
        tpu.enqueue_indirect_dma source(%arg8 : memref<128x128xf32, #tpu.memory_space<vmem>>) target(%dma_start3A_147 : memref<10240x128xf32, #tpu.memory_space<vmem_shared>>) offsets(%dma_start3A_144 : memref<128xi32, #tpu.memory_space<vmem>>) semaphore(%run_scoped3A_141 : memref<!tpu.dma_semaphore, #tpu.memory_space<semaphore_mem>>) {add = true}
        %dma_wait3A_148 = arith.constant 0 : i32
        %dma_wait3A_149 = tpu.memref_slice %arg6[%add3A_123, %dma_wait3A_148] : memref<80x128xi32, #tpu.memory_space<vmem>> -> memref<1x128xi32, #tpu.memory_space<vmem>>
        %dma_wait3A_150 = tpu.memref_squeeze %dma_wait3A_149 : memref<1x128xi32, #tpu.memory_space<vmem>> -> memref<128xi32, #tpu.memory_space<vmem>>
        %dma_wait3A_151 = arith.constant 0 : i32
        %dma_wait3A_152 = arith.constant 0 : i32
        %dma_wait3A_153 = tpu.memref_slice %arg9[%dma_wait3A_151, %dma_wait3A_152] : memref<10240x128xf32, #tpu.memory_space<vmem_shared>> -> memref<10240x128xf32, #tpu.memory_space<vmem_shared>>
        tpu.wait_indirect_dma semaphore(%run_scoped3A_141 : memref<!tpu.dma_semaphore, #tpu.memory_space<semaphore_mem>>) src(%arg8 : memref<128x128xf32, #tpu.memory_space<vmem>>) dst(%dma_wait3A_153 : memref<10240x128xf32, #tpu.memory_space<vmem_shared>>)
        tpu.yield
      }) : () -> ()
      %add3A_124 = arith.constant 3 : i32
      %add3A_125 = arith.addi %mul3A_72, %add3A_124 : i32
      %mul3A_126 = arith.constant 128 : i32
      %mul3A_127 = arith.muli %add3A_125, %mul3A_126 : i32
      %add3A_128 = arith.addi %mul3A_2, %mul3A_127 : i32
      %dma_start3A_129 = arith.constant 0 : i32
      %dma_start3A_130 = arith.constant 0 : i32
      %dma_start3A_131 = tpu.memref_slice %arg2[%arg0, %dma_start3A_129, %dma_start3A_130] : memref<2x163840x128xf32, #tpu.memory_space<hbm>> -> memref<1x163840x128xf32, #tpu.memory_space<hbm>>
      %dma_start3A_132 = tpu.memref_squeeze %dma_start3A_131 : memref<1x163840x128xf32, #tpu.memory_space<hbm>> -> memref<163840x128xf32, #tpu.memory_space<hbm>>
      %dma_start3A_133 = arith.constant 0 : i32
      %dma_start3A_134 = tpu.memref_slice %dma_start3A_132[%add3A_128, %dma_start3A_133] : memref<163840x128xf32, #tpu.memory_space<hbm>> -> memref<128x128xf32, #tpu.memory_space<hbm>>
      %dma_start3A_135 = arith.constant 0 : i32
      %dma_start3A_136 = arith.constant 0 : i32
      %dma_start3A_137 = tpu.memref_slice %arg2[%arg0, %dma_start3A_135, %dma_start3A_136] : memref<2x163840x128xf32, #tpu.memory_space<hbm>> -> memref<1x163840x128xf32, #tpu.memory_space<hbm>>
      %dma_start3A_138 = tpu.memref_squeeze %dma_start3A_137 : memref<1x163840x128xf32, #tpu.memory_space<hbm>> -> memref<163840x128xf32, #tpu.memory_space<hbm>>
      %dma_start3A_139 = arith.constant 0 : i32
      %dma_start3A_140 = tpu.memref_slice %dma_start3A_138[%add3A_128, %dma_start3A_139] : memref<163840x128xf32, #tpu.memory_space<hbm>> -> memref<128x128xf32, #tpu.memory_space<hbm>>
      tpu.enqueue_dma source(%dma_start3A_140 : memref<128x128xf32, #tpu.memory_space<hbm>>) target(%arg8 : memref<128x128xf32, #tpu.memory_space<vmem>>) target_semaphore(%arg11 : memref<!tpu.dma_semaphore, #tpu.memory_space<semaphore_mem>>)
    }
    %scan3A_32 = arith.constant 39 : i32
    %add3A_33 = arith.constant 9984 : i32
    %add3A_34 = arith.addi %mul3A_2, %add3A_33 : i32
    %dma_wait3A = arith.constant 0 : i32
    %dma_wait3A_35 = arith.constant 0 : i32
    %dma_wait3A_36 = tpu.memref_slice %arg2[%arg0, %dma_wait3A, %dma_wait3A_35] : memref<2x163840x128xf32, #tpu.memory_space<hbm>> -> memref<1x163840x128xf32, #tpu.memory_space<hbm>>
    %dma_wait3A_37 = tpu.memref_squeeze %dma_wait3A_36 : memref<1x163840x128xf32, #tpu.memory_space<hbm>> -> memref<163840x128xf32, #tpu.memory_space<hbm>>
    %dma_wait3A_38 = arith.constant 0 : i32
    %dma_wait3A_39 = tpu.memref_slice %dma_wait3A_37[%add3A_34, %dma_wait3A_38] : memref<163840x128xf32, #tpu.memory_space<hbm>> -> memref<128x128xf32, #tpu.memory_space<hbm>>
    %dma_wait3A_40 = arith.constant 0 : i32
    %dma_wait3A_41 = arith.constant 0 : i32
    %dma_wait3A_42 = tpu.memref_slice %arg2[%arg0, %dma_wait3A_40, %dma_wait3A_41] : memref<2x163840x128xf32, #tpu.memory_space<hbm>> -> memref<1x163840x128xf32, #tpu.memory_space<hbm>>
    %dma_wait3A_43 = tpu.memref_squeeze %dma_wait3A_42 : memref<1x163840x128xf32, #tpu.memory_space<hbm>> -> memref<163840x128xf32, #tpu.memory_space<hbm>>
    %dma_wait3A_44 = arith.constant 0 : i32
    %dma_wait3A_45 = tpu.memref_slice %dma_wait3A_43[%add3A_34, %dma_wait3A_44] : memref<163840x128xf32, #tpu.memory_space<hbm>> -> memref<128x128xf32, #tpu.memory_space<hbm>>
    tpu.wait_dma2 semaphore(%arg10 : memref<!tpu.dma_semaphore, #tpu.memory_space<semaphore_mem>>) src(%dma_wait3A_45 : memref<128x128xf32, #tpu.memory_space<hbm>>) dst(%arg7 : memref<128x128xf32, #tpu.memory_space<vmem>>)
    %run_scoped3A = arith.constant 78 : i32
    "tpu.region"() ({
      %run_scoped3A_66 = tpu.sem_alloc : memref<!tpu.dma_semaphore, #tpu.memory_space<semaphore_mem>>
      %dma_start3A_67 = arith.constant 0 : i32
      %dma_start3A_68 = tpu.memref_slice %arg6[%run_scoped3A, %dma_start3A_67] : memref<80x128xi32, #tpu.memory_space<vmem>> -> memref<1x128xi32, #tpu.memory_space<vmem>>
      %dma_start3A_69 = tpu.memref_squeeze %dma_start3A_68 : memref<1x128xi32, #tpu.memory_space<vmem>> -> memref<128xi32, #tpu.memory_space<vmem>>
      %dma_start3A_70 = arith.constant 0 : i32
      %dma_start3A_71 = arith.constant 0 : i32
      %dma_start3A_72 = tpu.memref_slice %arg9[%dma_start3A_70, %dma_start3A_71] : memref<10240x128xf32, #tpu.memory_space<vmem_shared>> -> memref<10240x128xf32, #tpu.memory_space<vmem_shared>>
      tpu.enqueue_indirect_dma source(%arg7 : memref<128x128xf32, #tpu.memory_space<vmem>>) target(%dma_start3A_72 : memref<10240x128xf32, #tpu.memory_space<vmem_shared>>) offsets(%dma_start3A_69 : memref<128xi32, #tpu.memory_space<vmem>>) semaphore(%run_scoped3A_66 : memref<!tpu.dma_semaphore, #tpu.memory_space<semaphore_mem>>) {add = true}
      %dma_wait3A_73 = arith.constant 0 : i32
      %dma_wait3A_74 = tpu.memref_slice %arg6[%run_scoped3A, %dma_wait3A_73] : memref<80x128xi32, #tpu.memory_space<vmem>> -> memref<1x128xi32, #tpu.memory_space<vmem>>
      %dma_wait3A_75 = tpu.memref_squeeze %dma_wait3A_74 : memref<1x128xi32, #tpu.memory_space<vmem>> -> memref<128xi32, #tpu.memory_space<vmem>>
      %dma_wait3A_76 = arith.constant 0 : i32
      %dma_wait3A_77 = arith.constant 0 : i32
      %dma_wait3A_78 = tpu.memref_slice %arg9[%dma_wait3A_76, %dma_wait3A_77] : memref<10240x128xf32, #tpu.memory_space<vmem_shared>> -> memref<10240x128xf32, #tpu.memory_space<vmem_shared>>
      tpu.wait_indirect_dma semaphore(%run_scoped3A_66 : memref<!tpu.dma_semaphore, #tpu.memory_space<semaphore_mem>>) src(%arg7 : memref<128x128xf32, #tpu.memory_space<vmem>>) dst(%dma_wait3A_78 : memref<10240x128xf32, #tpu.memory_space<vmem_shared>>)
      tpu.yield
    }) : () -> ()
    %add3A_46 = arith.constant 10112 : i32
    %add3A_47 = arith.addi %mul3A_2, %add3A_46 : i32
    %dma_wait3A_48 = arith.constant 0 : i32
    %dma_wait3A_49 = arith.constant 0 : i32
    %dma_wait3A_50 = tpu.memref_slice %arg2[%arg0, %dma_wait3A_48, %dma_wait3A_49] : memref<2x163840x128xf32, #tpu.memory_space<hbm>> -> memref<1x163840x128xf32, #tpu.memory_space<hbm>>
    %dma_wait3A_51 = tpu.memref_squeeze %dma_wait3A_50 : memref<1x163840x128xf32, #tpu.memory_space<hbm>> -> memref<163840x128xf32, #tpu.memory_space<hbm>>
    %dma_wait3A_52 = arith.constant 0 : i32
    %dma_wait3A_53 = tpu.memref_slice %dma_wait3A_51[%add3A_47, %dma_wait3A_52] : memref<163840x128xf32, #tpu.memory_space<hbm>> -> memref<128x128xf32, #tpu.memory_space<hbm>>
    %dma_wait3A_54 = arith.constant 0 : i32
    %dma_wait3A_55 = arith.constant 0 : i32
    %dma_wait3A_56 = tpu.memref_slice %arg2[%arg0, %dma_wait3A_54, %dma_wait3A_55] : memref<2x163840x128xf32, #tpu.memory_space<hbm>> -> memref<1x163840x128xf32, #tpu.memory_space<hbm>>
    %dma_wait3A_57 = tpu.memref_squeeze %dma_wait3A_56 : memref<1x163840x128xf32, #tpu.memory_space<hbm>> -> memref<163840x128xf32, #tpu.memory_space<hbm>>
    %dma_wait3A_58 = arith.constant 0 : i32
    %dma_wait3A_59 = tpu.memref_slice %dma_wait3A_57[%add3A_47, %dma_wait3A_58] : memref<163840x128xf32, #tpu.memory_space<hbm>> -> memref<128x128xf32, #tpu.memory_space<hbm>>
    tpu.wait_dma2 semaphore(%arg11 : memref<!tpu.dma_semaphore, #tpu.memory_space<semaphore_mem>>) src(%dma_wait3A_59 : memref<128x128xf32, #tpu.memory_space<hbm>>) dst(%arg8 : memref<128x128xf32, #tpu.memory_space<vmem>>)
    %run_scoped3A_60 = arith.constant 79 : i32
    "tpu.region"() ({
      %run_scoped3A_66 = tpu.sem_alloc : memref<!tpu.dma_semaphore, #tpu.memory_space<semaphore_mem>>
      %dma_start3A_67 = arith.constant 0 : i32
      %dma_start3A_68 = tpu.memref_slice %arg6[%run_scoped3A_60, %dma_start3A_67] : memref<80x128xi32, #tpu.memory_space<vmem>> -> memref<1x128xi32, #tpu.memory_space<vmem>>
      %dma_start3A_69 = tpu.memref_squeeze %dma_start3A_68 : memref<1x128xi32, #tpu.memory_space<vmem>> -> memref<128xi32, #tpu.memory_space<vmem>>
      %dma_start3A_70 = arith.constant 0 : i32
      %dma_start3A_71 = arith.constant 0 : i32
      %dma_start3A_72 = tpu.memref_slice %arg9[%dma_start3A_70, %dma_start3A_71] : memref<10240x128xf32, #tpu.memory_space<vmem_shared>> -> memref<10240x128xf32, #tpu.memory_space<vmem_shared>>
      tpu.enqueue_indirect_dma source(%arg8 : memref<128x128xf32, #tpu.memory_space<vmem>>) target(%dma_start3A_72 : memref<10240x128xf32, #tpu.memory_space<vmem_shared>>) offsets(%dma_start3A_69 : memref<128xi32, #tpu.memory_space<vmem>>) semaphore(%run_scoped3A_66 : memref<!tpu.dma_semaphore, #tpu.memory_space<semaphore_mem>>) {add = true}
      %dma_wait3A_73 = arith.constant 0 : i32
      %dma_wait3A_74 = tpu.memref_slice %arg6[%run_scoped3A_60, %dma_wait3A_73] : memref<80x128xi32, #tpu.memory_space<vmem>> -> memref<1x128xi32, #tpu.memory_space<vmem>>
      %dma_wait3A_75 = tpu.memref_squeeze %dma_wait3A_74 : memref<1x128xi32, #tpu.memory_space<vmem>> -> memref<128xi32, #tpu.memory_space<vmem>>
      %dma_wait3A_76 = arith.constant 0 : i32
      %dma_wait3A_77 = arith.constant 0 : i32
      %dma_wait3A_78 = tpu.memref_slice %arg9[%dma_wait3A_76, %dma_wait3A_77] : memref<10240x128xf32, #tpu.memory_space<vmem_shared>> -> memref<10240x128xf32, #tpu.memory_space<vmem_shared>>
      tpu.wait_indirect_dma semaphore(%run_scoped3A_66 : memref<!tpu.dma_semaphore, #tpu.memory_space<semaphore_mem>>) src(%arg8 : memref<128x128xf32, #tpu.memory_space<vmem>>) dst(%dma_wait3A_78 : memref<10240x128xf32, #tpu.memory_space<vmem_shared>>)
      tpu.yield
    }) : () -> ()
    %barrier3A_61 = arith.constant 0 : index
    tpu.barrier barrier_id(%barrier3A_61)
    %mul3A_62 = arith.constant 640 : i32
    %mul3A_63 = arith.muli %arg1, %mul3A_62 : i32
    %mul3A_64 = arith.constant 640 : i32
    %mul3A_65 = arith.muli %arg1, %mul3A_64 : i32
    "tpu.region"() ({
      %run_scoped3A_66 = tpu.sem_alloc : memref<!tpu.dma_semaphore, #tpu.memory_space<semaphore_mem>>
      %dma_start3A_67 = arith.constant 0 : i32
      %dma_start3A_68 = arith.constant 0 : i32
      %dma_start3A_69 = tpu.memref_slice %arg5[%arg0, %dma_start3A_67, %dma_start3A_68] : memref<2x10240x128xf32, #tpu.memory_space<hbm>> -> memref<1x10240x128xf32, #tpu.memory_space<hbm>>
      %dma_start3A_70 = tpu.memref_squeeze %dma_start3A_69 : memref<1x10240x128xf32, #tpu.memory_space<hbm>> -> memref<10240x128xf32, #tpu.memory_space<hbm>>
      %dma_start3A_71 = arith.constant 0 : i32
      %dma_start3A_72 = tpu.memref_slice %dma_start3A_70[%mul3A_65, %dma_start3A_71] : memref<10240x128xf32, #tpu.memory_space<hbm>> -> memref<640x128xf32, #tpu.memory_space<hbm>>
      %dma_start3A_73 = arith.constant 0 : i32
      %dma_start3A_74 = tpu.memref_slice %arg9[%mul3A_63, %dma_start3A_73] : memref<10240x128xf32, #tpu.memory_space<vmem_shared>> -> memref<640x128xf32, #tpu.memory_space<vmem_shared>>
      tpu.enqueue_dma source(%dma_start3A_74 : memref<640x128xf32, #tpu.memory_space<vmem_shared>>) target(%dma_start3A_72 : memref<640x128xf32, #tpu.memory_space<hbm>>) target_semaphore(%run_scoped3A_66 : memref<!tpu.dma_semaphore, #tpu.memory_space<semaphore_mem>>)
      %dma_wait3A_75 = arith.constant 0 : i32
      %dma_wait3A_76 = arith.constant 0 : i32
      %dma_wait3A_77 = tpu.memref_slice %arg5[%arg0, %dma_wait3A_75, %dma_wait3A_76] : memref<2x10240x128xf32, #tpu.memory_space<hbm>> -> memref<1x10240x128xf32, #tpu.memory_space<hbm>>
      %dma_wait3A_78 = tpu.memref_squeeze %dma_wait3A_77 : memref<1x10240x128xf32, #tpu.memory_space<hbm>> -> memref<10240x128xf32, #tpu.memory_space<hbm>>
      %dma_wait3A_79 = arith.constant 0 : i32
      %dma_wait3A_80 = tpu.memref_slice %dma_wait3A_78[%mul3A_65, %dma_wait3A_79] : memref<10240x128xf32, #tpu.memory_space<hbm>> -> memref<640x128xf32, #tpu.memory_space<hbm>>
      %dma_wait3A_81 = arith.constant 0 : i32
      %dma_wait3A_82 = tpu.memref_slice %arg9[%mul3A_63, %dma_wait3A_81] : memref<10240x128xf32, #tpu.memory_space<vmem_shared>> -> memref<640x128xf32, #tpu.memory_space<vmem_shared>>
      tpu.wait_dma2 semaphore(%run_scoped3A_66 : memref<!tpu.dma_semaphore, #tpu.memory_space<semaphore_mem>>) src(%dma_wait3A_82 : memref<640x128xf32, #tpu.memory_space<vmem_shared>>) dst(%dma_wait3A_80 : memref<640x128xf32, #tpu.memory_space<hbm>>)
      tpu.yield
    }) : () -> ()
    return
  }
}

#map = affine_map<(d0, d1) -> (0)>
module attributes {stable_mosaic.version = 14 : i64} {
  func.func @k(%arg0: i32, %arg1: i32, %arg2: memref<10000xf32, #tpu.memory_space<hbm>>, %arg3: memref<163840xi32, #tpu.memory_space<hbm>>, %arg4: memref<163840xf32, #tpu.memory_space<hbm>>, %arg5: memref<10000xf32, #tpu.memory_space<vmem>>, %arg6: memref<5120xi32, #tpu.memory_space<vmem>>, %arg7: memref<5120xf32, #tpu.memory_space<vmem>>, %arg8: memref<!tpu.dma_semaphore, #tpu.memory_space<semaphore_mem>>) attributes {dimension_semantics = [#tpu.dimension_semantics<core_parallel>, #tpu.dimension_semantics<subcore_parallel>], iteration_bounds = array<i64: 2, 16>, scalar_prefetch = 0 : i64, scratch_operands = 4 : i64, tpu.core_type = #tpu.core_type<sc_vector_subcore>, window_params = [{transform_indices = #map}, {transform_indices = #map}, {transform_indices = #map}]} {
    %mul3A = arith.constant 2 : i32
    %mul3A_0 = arith.muli %arg1, %mul3A : i32
    %add3A = arith.addi %mul3A_0, %arg0 : i32
    %mul3A_1 = arith.constant 5120 : i32
    %mul3A_2 = arith.muli %add3A, %mul3A_1 : i32
    "tpu.region"() ({
      %run_scoped3A = tpu.sem_alloc : memref<!tpu.dma_semaphore, #tpu.memory_space<semaphore_mem>>
      tpu.enqueue_dma source(%arg2 : memref<10000xf32, #tpu.memory_space<hbm>>) target(%arg5 : memref<10000xf32, #tpu.memory_space<vmem>>) target_semaphore(%run_scoped3A : memref<!tpu.dma_semaphore, #tpu.memory_space<semaphore_mem>>)
      tpu.wait_dma2 semaphore(%run_scoped3A : memref<!tpu.dma_semaphore, #tpu.memory_space<semaphore_mem>>) src(%arg2 : memref<10000xf32, #tpu.memory_space<hbm>>) dst(%arg5 : memref<10000xf32, #tpu.memory_space<vmem>>)
      tpu.yield
    }) : () -> ()
    "tpu.region"() ({
      %run_scoped3A = tpu.sem_alloc : memref<!tpu.dma_semaphore, #tpu.memory_space<semaphore_mem>>
      %dma_start3A = tpu.memref_slice %arg3[%mul3A_2] : memref<163840xi32, #tpu.memory_space<hbm>> -> memref<5120xi32, #tpu.memory_space<hbm>>
      %dma_start3A_7 = tpu.memref_slice %arg3[%mul3A_2] : memref<163840xi32, #tpu.memory_space<hbm>> -> memref<5120xi32, #tpu.memory_space<hbm>>
      tpu.enqueue_dma source(%dma_start3A_7 : memref<5120xi32, #tpu.memory_space<hbm>>) target(%arg6 : memref<5120xi32, #tpu.memory_space<vmem>>) target_semaphore(%run_scoped3A : memref<!tpu.dma_semaphore, #tpu.memory_space<semaphore_mem>>)
      %dma_wait3A = tpu.memref_slice %arg3[%mul3A_2] : memref<163840xi32, #tpu.memory_space<hbm>> -> memref<5120xi32, #tpu.memory_space<hbm>>
      %dma_wait3A_8 = tpu.memref_slice %arg3[%mul3A_2] : memref<163840xi32, #tpu.memory_space<hbm>> -> memref<5120xi32, #tpu.memory_space<hbm>>
      tpu.wait_dma2 semaphore(%run_scoped3A : memref<!tpu.dma_semaphore, #tpu.memory_space<semaphore_mem>>) src(%dma_wait3A_8 : memref<5120xi32, #tpu.memory_space<hbm>>) dst(%arg6 : memref<5120xi32, #tpu.memory_space<vmem>>)
      tpu.yield
    }) : () -> ()
    %scan3A = arith.constant 0 : i32
    %scan3A_3 = arith.constant 320 : i32
    %scan3A_4 = arith.addi %scan3A, %scan3A_3 : i32
    %scan3A_5 = arith.constant 1 : i32
    scf.for %scan3A_7 = %scan3A to %scan3A_4 step %scan3A_5  : i32 {
      %mul3A_8 = arith.constant 1 : i32
      %mul3A_9 = arith.muli %scan3A_7, %mul3A_8 : i32
      %add3A_10 = arith.constant 0 : i32
      %add3A_11 = arith.addi %add3A_10, %mul3A_9 : i32
      %mul3A_12 = arith.constant 16 : i32
      %mul3A_13 = arith.muli %add3A_11, %mul3A_12 : i32
      %get3A = arith.index_cast %mul3A_13 : i32 to index
      %get3A_14 = tpu.vector_load %arg6[%get3A] {strides = array<i32>} : memref<5120xi32, #tpu.memory_space<vmem>>, vector<16xi32>,
      %gather3A = tpu.vector_load_idx %arg5[%get3A_14] : memref<10000xf32, #tpu.memory_space<vmem>>[vector<16xi32>], vector<16xf32>,
      %mul3A_15 = arith.constant 16 : i32
      %mul3A_16 = arith.muli %add3A_11, %mul3A_15 : i32
      %swap3A = arith.index_cast %mul3A_16 : i32 to index
      %swap3A_17 = tpu.vector_load %arg7[%swap3A] {strides = array<i32>} : memref<5120xf32, #tpu.memory_space<vmem>>, vector<16xf32>,
      tpu.vector_store %arg7[%swap3A], %gather3A {strides = array<i32>} : memref<5120xf32, #tpu.memory_space<vmem>>, vector<16xf32>,
    }
    %scan3A_6 = arith.constant 320 : i32
    "tpu.region"() ({
      %run_scoped3A = tpu.sem_alloc : memref<!tpu.dma_semaphore, #tpu.memory_space<semaphore_mem>>
      %dma_start3A = tpu.memref_slice %arg4[%mul3A_2] : memref<163840xf32, #tpu.memory_space<hbm>> -> memref<5120xf32, #tpu.memory_space<hbm>>
      %dma_start3A_7 = tpu.memref_slice %arg4[%mul3A_2] : memref<163840xf32, #tpu.memory_space<hbm>> -> memref<5120xf32, #tpu.memory_space<hbm>>
      tpu.enqueue_dma source(%arg7 : memref<5120xf32, #tpu.memory_space<vmem>>) target(%dma_start3A_7 : memref<5120xf32, #tpu.memory_space<hbm>>) target_semaphore(%run_scoped3A : memref<!tpu.dma_semaphore, #tpu.memory_space<semaphore_mem>>)
      %dma_wait3A = tpu.memref_slice %arg4[%mul3A_2] : memref<163840xf32, #tpu.memory_space<hbm>> -> memref<5120xf32, #tpu.memory_space<hbm>>
      %dma_wait3A_8 = tpu.memref_slice %arg4[%mul3A_2] : memref<163840xf32, #tpu.memory_space<hbm>> -> memref<5120xf32, #tpu.memory_space<hbm>>
      tpu.wait_dma2 semaphore(%run_scoped3A : memref<!tpu.dma_semaphore, #tpu.memory_space<semaphore_mem>>) src(%arg7 : memref<5120xf32, #tpu.memory_space<vmem>>) dst(%dma_wait3A_8 : memref<5120xf32, #tpu.memory_space<hbm>>)
      tpu.yield
    }) : () -> ()
    return
  }
}

#map = affine_map<(d0, d1) -> (0, 0)>
#map1 = affine_map<(d0, d1) -> (0)>
module attributes {stable_mosaic.version = 14 : i64} {
  func.func @k(%arg0: i32, %arg1: i32, %arg2: memref<10000x256xf32, #tpu.memory_space<hbm>>, %arg3: memref<163840xi32, #tpu.memory_space<hbm>>, %arg4: memref<163840xi32, #tpu.memory_space<hbm>>, %arg5: memref<81920x256xf32, #tpu.memory_space<hbm>>, %arg6: memref<81920x256xf32, #tpu.memory_space<hbm>>, %arg7: memref<2560xi32, #tpu.memory_space<vmem>>, %arg8: memref<2560xi32, #tpu.memory_space<vmem>>, %arg9: memref<64x256xf32, #tpu.memory_space<vmem>>, %arg10: memref<64x256xf32, #tpu.memory_space<vmem>>, %arg11: memref<64x256xf32, #tpu.memory_space<vmem>>, %arg12: memref<64x256xf32, #tpu.memory_space<vmem>>, %arg13: memref<!tpu.dma_semaphore, #tpu.memory_space<semaphore_mem>>, %arg14: memref<!tpu.dma_semaphore, #tpu.memory_space<semaphore_mem>>, %arg15: memref<!tpu.dma_semaphore, #tpu.memory_space<semaphore_mem>>, %arg16: memref<!tpu.dma_semaphore, #tpu.memory_space<semaphore_mem>>, %arg17: memref<!tpu.dma_semaphore, #tpu.memory_space<semaphore_mem>>, %arg18: memref<!tpu.dma_semaphore, #tpu.memory_space<semaphore_mem>>, %arg19: memref<!tpu.dma_semaphore, #tpu.memory_space<semaphore_mem>>, %arg20: memref<!tpu.dma_semaphore, #tpu.memory_space<semaphore_mem>>) attributes {dimension_semantics = [#tpu.dimension_semantics<core_parallel>, #tpu.dimension_semantics<subcore_parallel>], iteration_bounds = array<i64: 2, 16>, scalar_prefetch = 0 : i64, scratch_operands = 14 : i64, tpu.core_type = #tpu.core_type<sc_vector_subcore>, window_params = [{transform_indices = #map}, {transform_indices = #map1}, {transform_indices = #map1}, {transform_indices = #map}, {transform_indices = #map}]} {
    %mul3A = arith.constant 2 : i32
    %mul3A_0 = arith.muli %arg1, %mul3A : i32
    %add3A = arith.addi %mul3A_0, %arg0 : i32
    %mul3A_1 = arith.constant 2560 : i32
    %mul3A_2 = arith.muli %add3A, %mul3A_1 : i32
    %add3A_3 = arith.constant 0 : i32
    %add3A_4 = arith.addi %add3A_3, %mul3A_2 : i32
    "tpu.region"() ({
      %run_scoped3A = tpu.sem_alloc : memref<!tpu.dma_semaphore, #tpu.memory_space<semaphore_mem>>
      %dma_start3A_97 = tpu.memref_slice %arg3[%add3A_4] : memref<163840xi32, #tpu.memory_space<hbm>> -> memref<2560xi32, #tpu.memory_space<hbm>>
      %dma_start3A_98 = tpu.memref_slice %arg3[%add3A_4] : memref<163840xi32, #tpu.memory_space<hbm>> -> memref<2560xi32, #tpu.memory_space<hbm>>
      tpu.enqueue_dma source(%dma_start3A_98 : memref<2560xi32, #tpu.memory_space<hbm>>) target(%arg7 : memref<2560xi32, #tpu.memory_space<vmem>>) target_semaphore(%run_scoped3A : memref<!tpu.dma_semaphore, #tpu.memory_space<semaphore_mem>>)
      %dma_wait3A_99 = tpu.memref_slice %arg3[%add3A_4] : memref<163840xi32, #tpu.memory_space<hbm>> -> memref<2560xi32, #tpu.memory_space<hbm>>
      %dma_wait3A_100 = tpu.memref_slice %arg3[%add3A_4] : memref<163840xi32, #tpu.memory_space<hbm>> -> memref<2560xi32, #tpu.memory_space<hbm>>
      tpu.wait_dma2 semaphore(%run_scoped3A : memref<!tpu.dma_semaphore, #tpu.memory_space<semaphore_mem>>) src(%dma_wait3A_100 : memref<2560xi32, #tpu.memory_space<hbm>>) dst(%arg7 : memref<2560xi32, #tpu.memory_space<vmem>>)
      tpu.yield
    }) : () -> ()
    %add3A_5 = arith.constant 0 : i32
    %add3A_6 = arith.addi %add3A_5, %mul3A_2 : i32
    "tpu.region"() ({
      %run_scoped3A = tpu.sem_alloc : memref<!tpu.dma_semaphore, #tpu.memory_space<semaphore_mem>>
      %dma_start3A_97 = tpu.memref_slice %arg4[%add3A_6] : memref<163840xi32, #tpu.memory_space<hbm>> -> memref<2560xi32, #tpu.memory_space<hbm>>
      %dma_start3A_98 = tpu.memref_slice %arg4[%add3A_6] : memref<163840xi32, #tpu.memory_space<hbm>> -> memref<2560xi32, #tpu.memory_space<hbm>>
      tpu.enqueue_dma source(%dma_start3A_98 : memref<2560xi32, #tpu.memory_space<hbm>>) target(%arg8 : memref<2560xi32, #tpu.memory_space<vmem>>) target_semaphore(%run_scoped3A : memref<!tpu.dma_semaphore, #tpu.memory_space<semaphore_mem>>)
      %dma_wait3A_99 = tpu.memref_slice %arg4[%add3A_6] : memref<163840xi32, #tpu.memory_space<hbm>> -> memref<2560xi32, #tpu.memory_space<hbm>>
      %dma_wait3A_100 = tpu.memref_slice %arg4[%add3A_6] : memref<163840xi32, #tpu.memory_space<hbm>> -> memref<2560xi32, #tpu.memory_space<hbm>>
      tpu.wait_dma2 semaphore(%run_scoped3A : memref<!tpu.dma_semaphore, #tpu.memory_space<semaphore_mem>>) src(%dma_wait3A_100 : memref<2560xi32, #tpu.memory_space<hbm>>) dst(%arg8 : memref<2560xi32, #tpu.memory_space<vmem>>)
      tpu.yield
    }) : () -> ()
    %dma_start3A = arith.constant 0 : i32
    %dma_start3A_7 = tpu.memref_slice %arg7[%dma_start3A] : memref<2560xi32, #tpu.memory_space<vmem>> -> memref<64xi32, #tpu.memory_space<vmem>>
    %dma_start3A_8 = arith.constant 0 : i32
    %dma_start3A_9 = arith.constant 0 : i32
    %dma_start3A_10 = tpu.memref_slice %arg2[%dma_start3A_8, %dma_start3A_9] : memref<10000x256xf32, #tpu.memory_space<hbm>> -> memref<10000x256xf32, #tpu.memory_space<hbm>>
    tpu.enqueue_indirect_dma source(%dma_start3A_10 : memref<10000x256xf32, #tpu.memory_space<hbm>>) target(%arg9 : memref<64x256xf32, #tpu.memory_space<vmem>>) offsets(%dma_start3A_7 : memref<64xi32, #tpu.memory_space<vmem>>) semaphore(%arg13 : memref<!tpu.dma_semaphore, #tpu.memory_space<semaphore_mem>>)
    %dma_start3A_11 = arith.constant 0 : i32
    %dma_start3A_12 = tpu.memref_slice %arg8[%dma_start3A_11] : memref<2560xi32, #tpu.memory_space<vmem>> -> memref<64xi32, #tpu.memory_space<vmem>>
    %dma_start3A_13 = arith.constant 0 : i32
    %dma_start3A_14 = arith.constant 0 : i32
    %dma_start3A_15 = tpu.memref_slice %arg2[%dma_start3A_13, %dma_start3A_14] : memref<10000x256xf32, #tpu.memory_space<hbm>> -> memref<10000x256xf32, #tpu.memory_space<hbm>>
    tpu.enqueue_indirect_dma source(%dma_start3A_15 : memref<10000x256xf32, #tpu.memory_space<hbm>>) target(%arg11 : memref<64x256xf32, #tpu.memory_space<vmem>>) offsets(%dma_start3A_12 : memref<64xi32, #tpu.memory_space<vmem>>) semaphore(%arg15 : memref<!tpu.dma_semaphore, #tpu.memory_space<semaphore_mem>>)
    %dma_start3A_16 = arith.constant 64 : i32
    %dma_start3A_17 = tpu.memref_slice %arg7[%dma_start3A_16] : memref<2560xi32, #tpu.memory_space<vmem>> -> memref<64xi32, #tpu.memory_space<vmem>>
    %dma_start3A_18 = arith.constant 0 : i32
    %dma_start3A_19 = arith.constant 0 : i32
    %dma_start3A_20 = tpu.memref_slice %arg2[%dma_start3A_18, %dma_start3A_19] : memref<10000x256xf32, #tpu.memory_space<hbm>> -> memref<10000x256xf32, #tpu.memory_space<hbm>>
    tpu.enqueue_indirect_dma source(%dma_start3A_20 : memref<10000x256xf32, #tpu.memory_space<hbm>>) target(%arg10 : memref<64x256xf32, #tpu.memory_space<vmem>>) offsets(%dma_start3A_17 : memref<64xi32, #tpu.memory_space<vmem>>) semaphore(%arg14 : memref<!tpu.dma_semaphore, #tpu.memory_space<semaphore_mem>>)
    %dma_start3A_21 = arith.constant 64 : i32
    %dma_start3A_22 = tpu.memref_slice %arg8[%dma_start3A_21] : memref<2560xi32, #tpu.memory_space<vmem>> -> memref<64xi32, #tpu.memory_space<vmem>>
    %dma_start3A_23 = arith.constant 0 : i32
    %dma_start3A_24 = arith.constant 0 : i32
    %dma_start3A_25 = tpu.memref_slice %arg2[%dma_start3A_23, %dma_start3A_24] : memref<10000x256xf32, #tpu.memory_space<hbm>> -> memref<10000x256xf32, #tpu.memory_space<hbm>>
    tpu.enqueue_indirect_dma source(%dma_start3A_25 : memref<10000x256xf32, #tpu.memory_space<hbm>>) target(%arg12 : memref<64x256xf32, #tpu.memory_space<vmem>>) offsets(%dma_start3A_22 : memref<64xi32, #tpu.memory_space<vmem>>) semaphore(%arg16 : memref<!tpu.dma_semaphore, #tpu.memory_space<semaphore_mem>>)
    %scan3A = arith.constant 0 : i32
    %scan3A_26 = arith.constant 19 : i32
    %scan3A_27 = arith.addi %scan3A, %scan3A_26 : i32
    %scan3A_28 = arith.constant 1 : i32
    scf.for %scan3A_97 = %scan3A to %scan3A_27 step %scan3A_28  : i32 {
      %mul3A_98 = arith.constant 1 : i32
      %mul3A_99 = arith.muli %scan3A_97, %mul3A_98 : i32
      %add3A_100 = arith.constant 0 : i32
      %add3A_101 = arith.addi %add3A_100, %mul3A_99 : i32
      %mul3A_102 = arith.constant 2 : i32
      %mul3A_103 = arith.muli %mul3A_102, %add3A_101 : i32
      %mul3A_104 = arith.constant 64 : i32
      %mul3A_105 = arith.muli %mul3A_103, %mul3A_104 : i32
      %dma_wait3A_106 = tpu.memref_slice %arg7[%mul3A_105] : memref<2560xi32, #tpu.memory_space<vmem>> -> memref<64xi32, #tpu.memory_space<vmem>>
      %dma_wait3A_107 = arith.constant 0 : i32
      %dma_wait3A_108 = arith.constant 0 : i32
      %dma_wait3A_109 = tpu.memref_slice %arg2[%dma_wait3A_107, %dma_wait3A_108] : memref<10000x256xf32, #tpu.memory_space<hbm>> -> memref<10000x256xf32, #tpu.memory_space<hbm>>
      tpu.wait_indirect_dma semaphore(%arg13 : memref<!tpu.dma_semaphore, #tpu.memory_space<semaphore_mem>>) src(%dma_wait3A_109 : memref<10000x256xf32, #tpu.memory_space<hbm>>) dst(%arg9 : memref<64x256xf32, #tpu.memory_space<vmem>>)
      %mul3A_110 = arith.constant 64 : i32
      %mul3A_111 = arith.muli %mul3A_103, %mul3A_110 : i32
      %dma_wait3A_112 = tpu.memref_slice %arg8[%mul3A_111] : memref<2560xi32, #tpu.memory_space<vmem>> -> memref<64xi32, #tpu.memory_space<vmem>>
      %dma_wait3A_113 = arith.constant 0 : i32
      %dma_wait3A_114 = arith.constant 0 : i32
      %dma_wait3A_115 = tpu.memref_slice %arg2[%dma_wait3A_113, %dma_wait3A_114] : memref<10000x256xf32, #tpu.memory_space<hbm>> -> memref<10000x256xf32, #tpu.memory_space<hbm>>
      tpu.wait_indirect_dma semaphore(%arg15 : memref<!tpu.dma_semaphore, #tpu.memory_space<semaphore_mem>>) src(%dma_wait3A_115 : memref<10000x256xf32, #tpu.memory_space<hbm>>) dst(%arg11 : memref<64x256xf32, #tpu.memory_space<vmem>>)
      %mul3A_116 = arith.constant 64 : i32
      %mul3A_117 = arith.muli %mul3A_103, %mul3A_116 : i32
      %add3A_118 = arith.addi %mul3A_2, %mul3A_117 : i32
      %dma_start3A_119 = arith.constant 0 : i32
      %dma_start3A_120 = tpu.memref_slice %arg5[%add3A_118, %dma_start3A_119] : memref<81920x256xf32, #tpu.memory_space<hbm>> -> memref<64x256xf32, #tpu.memory_space<hbm>>
      %dma_start3A_121 = arith.constant 0 : i32
      %dma_start3A_122 = tpu.memref_slice %arg5[%add3A_118, %dma_start3A_121] : memref<81920x256xf32, #tpu.memory_space<hbm>> -> memref<64x256xf32, #tpu.memory_space<hbm>>
      tpu.enqueue_dma source(%arg9 : memref<64x256xf32, #tpu.memory_space<vmem>>) target(%dma_start3A_122 : memref<64x256xf32, #tpu.memory_space<hbm>>) target_semaphore(%arg17 : memref<!tpu.dma_semaphore, #tpu.memory_space<semaphore_mem>>)
      %mul3A_123 = arith.constant 64 : i32
      %mul3A_124 = arith.muli %mul3A_103, %mul3A_123 : i32
      %add3A_125 = arith.addi %mul3A_2, %mul3A_124 : i32
      %dma_start3A_126 = arith.constant 0 : i32
      %dma_start3A_127 = tpu.memref_slice %arg6[%add3A_125, %dma_start3A_126] : memref<81920x256xf32, #tpu.memory_space<hbm>> -> memref<64x256xf32, #tpu.memory_space<hbm>>
      %dma_start3A_128 = arith.constant 0 : i32
      %dma_start3A_129 = tpu.memref_slice %arg6[%add3A_125, %dma_start3A_128] : memref<81920x256xf32, #tpu.memory_space<hbm>> -> memref<64x256xf32, #tpu.memory_space<hbm>>
      tpu.enqueue_dma source(%arg11 : memref<64x256xf32, #tpu.memory_space<vmem>>) target(%dma_start3A_129 : memref<64x256xf32, #tpu.memory_space<hbm>>) target_semaphore(%arg19 : memref<!tpu.dma_semaphore, #tpu.memory_space<semaphore_mem>>)
      %add3A_130 = arith.constant 1 : i32
      %add3A_131 = arith.addi %mul3A_103, %add3A_130 : i32
      %mul3A_132 = arith.constant 64 : i32
      %mul3A_133 = arith.muli %add3A_131, %mul3A_132 : i32
      %dma_wait3A_134 = tpu.memref_slice %arg7[%mul3A_133] : memref<2560xi32, #tpu.memory_space<vmem>> -> memref<64xi32, #tpu.memory_space<vmem>>
      %dma_wait3A_135 = arith.constant 0 : i32
      %dma_wait3A_136 = arith.constant 0 : i32
      %dma_wait3A_137 = tpu.memref_slice %arg2[%dma_wait3A_135, %dma_wait3A_136] : memref<10000x256xf32, #tpu.memory_space<hbm>> -> memref<10000x256xf32, #tpu.memory_space<hbm>>
      tpu.wait_indirect_dma semaphore(%arg14 : memref<!tpu.dma_semaphore, #tpu.memory_space<semaphore_mem>>) src(%dma_wait3A_137 : memref<10000x256xf32, #tpu.memory_space<hbm>>) dst(%arg10 : memref<64x256xf32, #tpu.memory_space<vmem>>)
      %mul3A_138 = arith.constant 64 : i32
      %mul3A_139 = arith.muli %add3A_131, %mul3A_138 : i32
      %dma_wait3A_140 = tpu.memref_slice %arg8[%mul3A_139] : memref<2560xi32, #tpu.memory_space<vmem>> -> memref<64xi32, #tpu.memory_space<vmem>>
      %dma_wait3A_141 = arith.constant 0 : i32
      %dma_wait3A_142 = arith.constant 0 : i32
      %dma_wait3A_143 = tpu.memref_slice %arg2[%dma_wait3A_141, %dma_wait3A_142] : memref<10000x256xf32, #tpu.memory_space<hbm>> -> memref<10000x256xf32, #tpu.memory_space<hbm>>
      tpu.wait_indirect_dma semaphore(%arg16 : memref<!tpu.dma_semaphore, #tpu.memory_space<semaphore_mem>>) src(%dma_wait3A_143 : memref<10000x256xf32, #tpu.memory_space<hbm>>) dst(%arg12 : memref<64x256xf32, #tpu.memory_space<vmem>>)
      %add3A_144 = arith.constant 1 : i32
      %add3A_145 = arith.addi %mul3A_103, %add3A_144 : i32
      %mul3A_146 = arith.constant 64 : i32
      %mul3A_147 = arith.muli %add3A_145, %mul3A_146 : i32
      %add3A_148 = arith.addi %mul3A_2, %mul3A_147 : i32
      %dma_start3A_149 = arith.constant 0 : i32
      %dma_start3A_150 = tpu.memref_slice %arg5[%add3A_148, %dma_start3A_149] : memref<81920x256xf32, #tpu.memory_space<hbm>> -> memref<64x256xf32, #tpu.memory_space<hbm>>
      %dma_start3A_151 = arith.constant 0 : i32
      %dma_start3A_152 = tpu.memref_slice %arg5[%add3A_148, %dma_start3A_151] : memref<81920x256xf32, #tpu.memory_space<hbm>> -> memref<64x256xf32, #tpu.memory_space<hbm>>
      tpu.enqueue_dma source(%arg10 : memref<64x256xf32, #tpu.memory_space<vmem>>) target(%dma_start3A_152 : memref<64x256xf32, #tpu.memory_space<hbm>>) target_semaphore(%arg18 : memref<!tpu.dma_semaphore, #tpu.memory_space<semaphore_mem>>)
      %mul3A_153 = arith.constant 64 : i32
      %mul3A_154 = arith.muli %add3A_145, %mul3A_153 : i32
      %add3A_155 = arith.addi %mul3A_2, %mul3A_154 : i32
      %dma_start3A_156 = arith.constant 0 : i32
      %dma_start3A_157 = tpu.memref_slice %arg6[%add3A_155, %dma_start3A_156] : memref<81920x256xf32, #tpu.memory_space<hbm>> -> memref<64x256xf32, #tpu.memory_space<hbm>>
      %dma_start3A_158 = arith.constant 0 : i32
      %dma_start3A_159 = tpu.memref_slice %arg6[%add3A_155, %dma_start3A_158] : memref<81920x256xf32, #tpu.memory_space<hbm>> -> memref<64x256xf32, #tpu.memory_space<hbm>>
      tpu.enqueue_dma source(%arg12 : memref<64x256xf32, #tpu.memory_space<vmem>>) target(%dma_start3A_159 : memref<64x256xf32, #tpu.memory_space<hbm>>) target_semaphore(%arg20 : memref<!tpu.dma_semaphore, #tpu.memory_space<semaphore_mem>>)
      %mul3A_160 = arith.constant 64 : i32
      %mul3A_161 = arith.muli %mul3A_103, %mul3A_160 : i32
      %add3A_162 = arith.addi %mul3A_2, %mul3A_161 : i32
      %dma_wait3A_163 = arith.constant 0 : i32
      %dma_wait3A_164 = tpu.memref_slice %arg5[%add3A_162, %dma_wait3A_163] : memref<81920x256xf32, #tpu.memory_space<hbm>> -> memref<64x256xf32, #tpu.memory_space<hbm>>
      %dma_wait3A_165 = arith.constant 0 : i32
      %dma_wait3A_166 = tpu.memref_slice %arg5[%add3A_162, %dma_wait3A_165] : memref<81920x256xf32, #tpu.memory_space<hbm>> -> memref<64x256xf32, #tpu.memory_space<hbm>>
      tpu.wait_dma2 semaphore(%arg17 : memref<!tpu.dma_semaphore, #tpu.memory_space<semaphore_mem>>) src(%arg9 : memref<64x256xf32, #tpu.memory_space<vmem>>) dst(%dma_wait3A_166 : memref<64x256xf32, #tpu.memory_space<hbm>>)
      %mul3A_167 = arith.constant 64 : i32
      %mul3A_168 = arith.muli %mul3A_103, %mul3A_167 : i32
      %add3A_169 = arith.addi %mul3A_2, %mul3A_168 : i32
      %dma_wait3A_170 = arith.constant 0 : i32
      %dma_wait3A_171 = tpu.memref_slice %arg6[%add3A_169, %dma_wait3A_170] : memref<81920x256xf32, #tpu.memory_space<hbm>> -> memref<64x256xf32, #tpu.memory_space<hbm>>
      %dma_wait3A_172 = arith.constant 0 : i32
      %dma_wait3A_173 = tpu.memref_slice %arg6[%add3A_169, %dma_wait3A_172] : memref<81920x256xf32, #tpu.memory_space<hbm>> -> memref<64x256xf32, #tpu.memory_space<hbm>>
      tpu.wait_dma2 semaphore(%arg19 : memref<!tpu.dma_semaphore, #tpu.memory_space<semaphore_mem>>) src(%arg11 : memref<64x256xf32, #tpu.memory_space<vmem>>) dst(%dma_wait3A_173 : memref<64x256xf32, #tpu.memory_space<hbm>>)
      %add3A_174 = arith.constant 2 : i32
      %add3A_175 = arith.addi %mul3A_103, %add3A_174 : i32
      %mul3A_176 = arith.constant 64 : i32
      %mul3A_177 = arith.muli %add3A_175, %mul3A_176 : i32
      %dma_start3A_178 = tpu.memref_slice %arg7[%mul3A_177] : memref<2560xi32, #tpu.memory_space<vmem>> -> memref<64xi32, #tpu.memory_space<vmem>>
      %dma_start3A_179 = arith.constant 0 : i32
      %dma_start3A_180 = arith.constant 0 : i32
      %dma_start3A_181 = tpu.memref_slice %arg2[%dma_start3A_179, %dma_start3A_180] : memref<10000x256xf32, #tpu.memory_space<hbm>> -> memref<10000x256xf32, #tpu.memory_space<hbm>>
      tpu.enqueue_indirect_dma source(%dma_start3A_181 : memref<10000x256xf32, #tpu.memory_space<hbm>>) target(%arg9 : memref<64x256xf32, #tpu.memory_space<vmem>>) offsets(%dma_start3A_178 : memref<64xi32, #tpu.memory_space<vmem>>) semaphore(%arg13 : memref<!tpu.dma_semaphore, #tpu.memory_space<semaphore_mem>>)
      %mul3A_182 = arith.constant 64 : i32
      %mul3A_183 = arith.muli %add3A_175, %mul3A_182 : i32
      %dma_start3A_184 = tpu.memref_slice %arg8[%mul3A_183] : memref<2560xi32, #tpu.memory_space<vmem>> -> memref<64xi32, #tpu.memory_space<vmem>>
      %dma_start3A_185 = arith.constant 0 : i32
      %dma_start3A_186 = arith.constant 0 : i32
      %dma_start3A_187 = tpu.memref_slice %arg2[%dma_start3A_185, %dma_start3A_186] : memref<10000x256xf32, #tpu.memory_space<hbm>> -> memref<10000x256xf32, #tpu.memory_space<hbm>>
      tpu.enqueue_indirect_dma source(%dma_start3A_187 : memref<10000x256xf32, #tpu.memory_space<hbm>>) target(%arg11 : memref<64x256xf32, #tpu.memory_space<vmem>>) offsets(%dma_start3A_184 : memref<64xi32, #tpu.memory_space<vmem>>) semaphore(%arg15 : memref<!tpu.dma_semaphore, #tpu.memory_space<semaphore_mem>>)
      %add3A_188 = arith.constant 1 : i32
      %add3A_189 = arith.addi %mul3A_103, %add3A_188 : i32
      %mul3A_190 = arith.constant 64 : i32
      %mul3A_191 = arith.muli %add3A_189, %mul3A_190 : i32
      %add3A_192 = arith.addi %mul3A_2, %mul3A_191 : i32
      %dma_wait3A_193 = arith.constant 0 : i32
      %dma_wait3A_194 = tpu.memref_slice %arg5[%add3A_192, %dma_wait3A_193] : memref<81920x256xf32, #tpu.memory_space<hbm>> -> memref<64x256xf32, #tpu.memory_space<hbm>>
      %dma_wait3A_195 = arith.constant 0 : i32
      %dma_wait3A_196 = tpu.memref_slice %arg5[%add3A_192, %dma_wait3A_195] : memref<81920x256xf32, #tpu.memory_space<hbm>> -> memref<64x256xf32, #tpu.memory_space<hbm>>
      tpu.wait_dma2 semaphore(%arg18 : memref<!tpu.dma_semaphore, #tpu.memory_space<semaphore_mem>>) src(%arg10 : memref<64x256xf32, #tpu.memory_space<vmem>>) dst(%dma_wait3A_196 : memref<64x256xf32, #tpu.memory_space<hbm>>)
      %mul3A_197 = arith.constant 64 : i32
      %mul3A_198 = arith.muli %add3A_189, %mul3A_197 : i32
      %add3A_199 = arith.addi %mul3A_2, %mul3A_198 : i32
      %dma_wait3A_200 = arith.constant 0 : i32
      %dma_wait3A_201 = tpu.memref_slice %arg6[%add3A_199, %dma_wait3A_200] : memref<81920x256xf32, #tpu.memory_space<hbm>> -> memref<64x256xf32, #tpu.memory_space<hbm>>
      %dma_wait3A_202 = arith.constant 0 : i32
      %dma_wait3A_203 = tpu.memref_slice %arg6[%add3A_199, %dma_wait3A_202] : memref<81920x256xf32, #tpu.memory_space<hbm>> -> memref<64x256xf32, #tpu.memory_space<hbm>>
      tpu.wait_dma2 semaphore(%arg20 : memref<!tpu.dma_semaphore, #tpu.memory_space<semaphore_mem>>) src(%arg12 : memref<64x256xf32, #tpu.memory_space<vmem>>) dst(%dma_wait3A_203 : memref<64x256xf32, #tpu.memory_space<hbm>>)
      %add3A_204 = arith.constant 3 : i32
      %add3A_205 = arith.addi %mul3A_103, %add3A_204 : i32
      %mul3A_206 = arith.constant 64 : i32
      %mul3A_207 = arith.muli %add3A_205, %mul3A_206 : i32
      %dma_start3A_208 = tpu.memref_slice %arg7[%mul3A_207] : memref<2560xi32, #tpu.memory_space<vmem>> -> memref<64xi32, #tpu.memory_space<vmem>>
      %dma_start3A_209 = arith.constant 0 : i32
      %dma_start3A_210 = arith.constant 0 : i32
      %dma_start3A_211 = tpu.memref_slice %arg2[%dma_start3A_209, %dma_start3A_210] : memref<10000x256xf32, #tpu.memory_space<hbm>> -> memref<10000x256xf32, #tpu.memory_space<hbm>>
      tpu.enqueue_indirect_dma source(%dma_start3A_211 : memref<10000x256xf32, #tpu.memory_space<hbm>>) target(%arg10 : memref<64x256xf32, #tpu.memory_space<vmem>>) offsets(%dma_start3A_208 : memref<64xi32, #tpu.memory_space<vmem>>) semaphore(%arg14 : memref<!tpu.dma_semaphore, #tpu.memory_space<semaphore_mem>>)
      %mul3A_212 = arith.constant 64 : i32
      %mul3A_213 = arith.muli %add3A_205, %mul3A_212 : i32
      %dma_start3A_214 = tpu.memref_slice %arg8[%mul3A_213] : memref<2560xi32, #tpu.memory_space<vmem>> -> memref<64xi32, #tpu.memory_space<vmem>>
      %dma_start3A_215 = arith.constant 0 : i32
      %dma_start3A_216 = arith.constant 0 : i32
      %dma_start3A_217 = tpu.memref_slice %arg2[%dma_start3A_215, %dma_start3A_216] : memref<10000x256xf32, #tpu.memory_space<hbm>> -> memref<10000x256xf32, #tpu.memory_space<hbm>>
      tpu.enqueue_indirect_dma source(%dma_start3A_217 : memref<10000x256xf32, #tpu.memory_space<hbm>>) target(%arg12 : memref<64x256xf32, #tpu.memory_space<vmem>>) offsets(%dma_start3A_214 : memref<64xi32, #tpu.memory_space<vmem>>) semaphore(%arg16 : memref<!tpu.dma_semaphore, #tpu.memory_space<semaphore_mem>>)
    }
    %scan3A_29 = arith.constant 19 : i32
    %dma_wait3A = arith.constant 2432 : i32
    %dma_wait3A_30 = tpu.memref_slice %arg7[%dma_wait3A] : memref<2560xi32, #tpu.memory_space<vmem>> -> memref<64xi32, #tpu.memory_space<vmem>>
    %dma_wait3A_31 = arith.constant 0 : i32
    %dma_wait3A_32 = arith.constant 0 : i32
    %dma_wait3A_33 = tpu.memref_slice %arg2[%dma_wait3A_31, %dma_wait3A_32] : memref<10000x256xf32, #tpu.memory_space<hbm>> -> memref<10000x256xf32, #tpu.memory_space<hbm>>
    tpu.wait_indirect_dma semaphore(%arg13 : memref<!tpu.dma_semaphore, #tpu.memory_space<semaphore_mem>>) src(%dma_wait3A_33 : memref<10000x256xf32, #tpu.memory_space<hbm>>) dst(%arg9 : memref<64x256xf32, #tpu.memory_space<vmem>>)
    %dma_wait3A_34 = arith.constant 2432 : i32
    %dma_wait3A_35 = tpu.memref_slice %arg8[%dma_wait3A_34] : memref<2560xi32, #tpu.memory_space<vmem>> -> memref<64xi32, #tpu.memory_space<vmem>>
    %dma_wait3A_36 = arith.constant 0 : i32
    %dma_wait3A_37 = arith.constant 0 : i32
    %dma_wait3A_38 = tpu.memref_slice %arg2[%dma_wait3A_36, %dma_wait3A_37] : memref<10000x256xf32, #tpu.memory_space<hbm>> -> memref<10000x256xf32, #tpu.memory_space<hbm>>
    tpu.wait_indirect_dma semaphore(%arg15 : memref<!tpu.dma_semaphore, #tpu.memory_space<semaphore_mem>>) src(%dma_wait3A_38 : memref<10000x256xf32, #tpu.memory_space<hbm>>) dst(%arg11 : memref<64x256xf32, #tpu.memory_space<vmem>>)
    %add3A_39 = arith.constant 2432 : i32
    %add3A_40 = arith.addi %mul3A_2, %add3A_39 : i32
    %dma_start3A_41 = arith.constant 0 : i32
    %dma_start3A_42 = tpu.memref_slice %arg5[%add3A_40, %dma_start3A_41] : memref<81920x256xf32, #tpu.memory_space<hbm>> -> memref<64x256xf32, #tpu.memory_space<hbm>>
    %dma_start3A_43 = arith.constant 0 : i32
    %dma_start3A_44 = tpu.memref_slice %arg5[%add3A_40, %dma_start3A_43] : memref<81920x256xf32, #tpu.memory_space<hbm>> -> memref<64x256xf32, #tpu.memory_space<hbm>>
    tpu.enqueue_dma source(%arg9 : memref<64x256xf32, #tpu.memory_space<vmem>>) target(%dma_start3A_44 : memref<64x256xf32, #tpu.memory_space<hbm>>) target_semaphore(%arg17 : memref<!tpu.dma_semaphore, #tpu.memory_space<semaphore_mem>>)
    %add3A_45 = arith.constant 2432 : i32
    %add3A_46 = arith.addi %mul3A_2, %add3A_45 : i32
    %dma_start3A_47 = arith.constant 0 : i32
    %dma_start3A_48 = tpu.memref_slice %arg6[%add3A_46, %dma_start3A_47] : memref<81920x256xf32, #tpu.memory_space<hbm>> -> memref<64x256xf32, #tpu.memory_space<hbm>>
    %dma_start3A_49 = arith.constant 0 : i32
    %dma_start3A_50 = tpu.memref_slice %arg6[%add3A_46, %dma_start3A_49] : memref<81920x256xf32, #tpu.memory_space<hbm>> -> memref<64x256xf32, #tpu.memory_space<hbm>>
    tpu.enqueue_dma source(%arg11 : memref<64x256xf32, #tpu.memory_space<vmem>>) target(%dma_start3A_50 : memref<64x256xf32, #tpu.memory_space<hbm>>) target_semaphore(%arg19 : memref<!tpu.dma_semaphore, #tpu.memory_space<semaphore_mem>>)
    %dma_wait3A_51 = arith.constant 2496 : i32
    %dma_wait3A_52 = tpu.memref_slice %arg7[%dma_wait3A_51] : memref<2560xi32, #tpu.memory_space<vmem>> -> memref<64xi32, #tpu.memory_space<vmem>>
    %dma_wait3A_53 = arith.constant 0 : i32
    %dma_wait3A_54 = arith.constant 0 : i32
    %dma_wait3A_55 = tpu.memref_slice %arg2[%dma_wait3A_53, %dma_wait3A_54] : memref<10000x256xf32, #tpu.memory_space<hbm>> -> memref<10000x256xf32, #tpu.memory_space<hbm>>
    tpu.wait_indirect_dma semaphore(%arg14 : memref<!tpu.dma_semaphore, #tpu.memory_space<semaphore_mem>>) src(%dma_wait3A_55 : memref<10000x256xf32, #tpu.memory_space<hbm>>) dst(%arg10 : memref<64x256xf32, #tpu.memory_space<vmem>>)
    %dma_wait3A_56 = arith.constant 2496 : i32
    %dma_wait3A_57 = tpu.memref_slice %arg8[%dma_wait3A_56] : memref<2560xi32, #tpu.memory_space<vmem>> -> memref<64xi32, #tpu.memory_space<vmem>>
    %dma_wait3A_58 = arith.constant 0 : i32
    %dma_wait3A_59 = arith.constant 0 : i32
    %dma_wait3A_60 = tpu.memref_slice %arg2[%dma_wait3A_58, %dma_wait3A_59] : memref<10000x256xf32, #tpu.memory_space<hbm>> -> memref<10000x256xf32, #tpu.memory_space<hbm>>
    tpu.wait_indirect_dma semaphore(%arg16 : memref<!tpu.dma_semaphore, #tpu.memory_space<semaphore_mem>>) src(%dma_wait3A_60 : memref<10000x256xf32, #tpu.memory_space<hbm>>) dst(%arg12 : memref<64x256xf32, #tpu.memory_space<vmem>>)
    %add3A_61 = arith.constant 2496 : i32
    %add3A_62 = arith.addi %mul3A_2, %add3A_61 : i32
    %dma_start3A_63 = arith.constant 0 : i32
    %dma_start3A_64 = tpu.memref_slice %arg5[%add3A_62, %dma_start3A_63] : memref<81920x256xf32, #tpu.memory_space<hbm>> -> memref<64x256xf32, #tpu.memory_space<hbm>>
    %dma_start3A_65 = arith.constant 0 : i32
    %dma_start3A_66 = tpu.memref_slice %arg5[%add3A_62, %dma_start3A_65] : memref<81920x256xf32, #tpu.memory_space<hbm>> -> memref<64x256xf32, #tpu.memory_space<hbm>>
    tpu.enqueue_dma source(%arg10 : memref<64x256xf32, #tpu.memory_space<vmem>>) target(%dma_start3A_66 : memref<64x256xf32, #tpu.memory_space<hbm>>) target_semaphore(%arg18 : memref<!tpu.dma_semaphore, #tpu.memory_space<semaphore_mem>>)
    %add3A_67 = arith.constant 2496 : i32
    %add3A_68 = arith.addi %mul3A_2, %add3A_67 : i32
    %dma_start3A_69 = arith.constant 0 : i32
    %dma_start3A_70 = tpu.memref_slice %arg6[%add3A_68, %dma_start3A_69] : memref<81920x256xf32, #tpu.memory_space<hbm>> -> memref<64x256xf32, #tpu.memory_space<hbm>>
    %dma_start3A_71 = arith.constant 0 : i32
    %dma_start3A_72 = tpu.memref_slice %arg6[%add3A_68, %dma_start3A_71] : memref<81920x256xf32, #tpu.memory_space<hbm>> -> memref<64x256xf32, #tpu.memory_space<hbm>>
    tpu.enqueue_dma source(%arg12 : memref<64x256xf32, #tpu.memory_space<vmem>>) target(%dma_start3A_72 : memref<64x256xf32, #tpu.memory_space<hbm>>) target_semaphore(%arg20 : memref<!tpu.dma_semaphore, #tpu.memory_space<semaphore_mem>>)
    %add3A_73 = arith.constant 2432 : i32
    %add3A_74 = arith.addi %mul3A_2, %add3A_73 : i32
    %dma_wait3A_75 = arith.constant 0 : i32
    %dma_wait3A_76 = tpu.memref_slice %arg5[%add3A_74, %dma_wait3A_75] : memref<81920x256xf32, #tpu.memory_space<hbm>> -> memref<64x256xf32, #tpu.memory_space<hbm>>
    %dma_wait3A_77 = arith.constant 0 : i32
    %dma_wait3A_78 = tpu.memref_slice %arg5[%add3A_74, %dma_wait3A_77] : memref<81920x256xf32, #tpu.memory_space<hbm>> -> memref<64x256xf32, #tpu.memory_space<hbm>>
    tpu.wait_dma2 semaphore(%arg17 : memref<!tpu.dma_semaphore, #tpu.memory_space<semaphore_mem>>) src(%arg9 : memref<64x256xf32, #tpu.memory_space<vmem>>) dst(%dma_wait3A_78 : memref<64x256xf32, #tpu.memory_space<hbm>>)
    %add3A_79 = arith.constant 2432 : i32
    %add3A_80 = arith.addi %mul3A_2, %add3A_79 : i32
    %dma_wait3A_81 = arith.constant 0 : i32
    %dma_wait3A_82 = tpu.memref_slice %arg6[%add3A_80, %dma_wait3A_81] : memref<81920x256xf32, #tpu.memory_space<hbm>> -> memref<64x256xf32, #tpu.memory_space<hbm>>
    %dma_wait3A_83 = arith.constant 0 : i32
    %dma_wait3A_84 = tpu.memref_slice %arg6[%add3A_80, %dma_wait3A_83] : memref<81920x256xf32, #tpu.memory_space<hbm>> -> memref<64x256xf32, #tpu.memory_space<hbm>>
    tpu.wait_dma2 semaphore(%arg19 : memref<!tpu.dma_semaphore, #tpu.memory_space<semaphore_mem>>) src(%arg11 : memref<64x256xf32, #tpu.memory_space<vmem>>) dst(%dma_wait3A_84 : memref<64x256xf32, #tpu.memory_space<hbm>>)
    %add3A_85 = arith.constant 2496 : i32
    %add3A_86 = arith.addi %mul3A_2, %add3A_85 : i32
    %dma_wait3A_87 = arith.constant 0 : i32
    %dma_wait3A_88 = tpu.memref_slice %arg5[%add3A_86, %dma_wait3A_87] : memref<81920x256xf32, #tpu.memory_space<hbm>> -> memref<64x256xf32, #tpu.memory_space<hbm>>
    %dma_wait3A_89 = arith.constant 0 : i32
    %dma_wait3A_90 = tpu.memref_slice %arg5[%add3A_86, %dma_wait3A_89] : memref<81920x256xf32, #tpu.memory_space<hbm>> -> memref<64x256xf32, #tpu.memory_space<hbm>>
    tpu.wait_dma2 semaphore(%arg18 : memref<!tpu.dma_semaphore, #tpu.memory_space<semaphore_mem>>) src(%arg10 : memref<64x256xf32, #tpu.memory_space<vmem>>) dst(%dma_wait3A_90 : memref<64x256xf32, #tpu.memory_space<hbm>>)
    %add3A_91 = arith.constant 2496 : i32
    %add3A_92 = arith.addi %mul3A_2, %add3A_91 : i32
    %dma_wait3A_93 = arith.constant 0 : i32
    %dma_wait3A_94 = tpu.memref_slice %arg6[%add3A_92, %dma_wait3A_93] : memref<81920x256xf32, #tpu.memory_space<hbm>> -> memref<64x256xf32, #tpu.memory_space<hbm>>
    %dma_wait3A_95 = arith.constant 0 : i32
    %dma_wait3A_96 = tpu.memref_slice %arg6[%add3A_92, %dma_wait3A_95] : memref<81920x256xf32, #tpu.memory_space<hbm>> -> memref<64x256xf32, #tpu.memory_space<hbm>>
    tpu.wait_dma2 semaphore(%arg20 : memref<!tpu.dma_semaphore, #tpu.memory_space<semaphore_mem>>) src(%arg12 : memref<64x256xf32, #tpu.memory_space<vmem>>) dst(%dma_wait3A_96 : memref<64x256xf32, #tpu.memory_space<hbm>>)
    return
  }
}

#map = affine_map<(d0, d1) -> (0, 0)>
#map1 = affine_map<(d0, d1) -> (0)>
module attributes {stable_mosaic.version = 14 : i64} {
  func.func @k(%arg0: i32, %arg1: i32, %arg2: memref<10000x256xf32, #tpu.memory_space<hbm>>, %arg3: memref<163840xi32, #tpu.memory_space<hbm>>, %arg4: memref<163840xi32, #tpu.memory_space<hbm>>, %arg5: memref<81920x256xf32, #tpu.memory_space<hbm>>, %arg6: memref<81920x256xf32, #tpu.memory_space<hbm>>, %arg7: memref<2560xi32, #tpu.memory_space<vmem>>, %arg8: memref<2560xi32, #tpu.memory_space<vmem>>, %arg9: memref<64x256xf32, #tpu.memory_space<vmem>>, %arg10: memref<64x256xf32, #tpu.memory_space<vmem>>, %arg11: memref<64x256xf32, #tpu.memory_space<vmem>>, %arg12: memref<64x256xf32, #tpu.memory_space<vmem>>, %arg13: memref<!tpu.dma_semaphore, #tpu.memory_space<semaphore_mem>>, %arg14: memref<!tpu.dma_semaphore, #tpu.memory_space<semaphore_mem>>, %arg15: memref<!tpu.dma_semaphore, #tpu.memory_space<semaphore_mem>>, %arg16: memref<!tpu.dma_semaphore, #tpu.memory_space<semaphore_mem>>, %arg17: memref<!tpu.dma_semaphore, #tpu.memory_space<semaphore_mem>>, %arg18: memref<!tpu.dma_semaphore, #tpu.memory_space<semaphore_mem>>, %arg19: memref<!tpu.dma_semaphore, #tpu.memory_space<semaphore_mem>>, %arg20: memref<!tpu.dma_semaphore, #tpu.memory_space<semaphore_mem>>) attributes {dimension_semantics = [#tpu.dimension_semantics<core_parallel>, #tpu.dimension_semantics<subcore_parallel>], iteration_bounds = array<i64: 2, 16>, scalar_prefetch = 0 : i64, scratch_operands = 14 : i64, tpu.core_type = #tpu.core_type<sc_vector_subcore>, window_params = [{transform_indices = #map}, {transform_indices = #map1}, {transform_indices = #map1}, {transform_indices = #map}, {transform_indices = #map}]} {
    %mul3A = arith.constant 2 : i32
    %mul3A_0 = arith.muli %arg1, %mul3A : i32
    %add3A = arith.addi %mul3A_0, %arg0 : i32
    %mul3A_1 = arith.constant 2560 : i32
    %mul3A_2 = arith.muli %add3A, %mul3A_1 : i32
    %add3A_3 = arith.constant 81920 : i32
    %add3A_4 = arith.addi %add3A_3, %mul3A_2 : i32
    "tpu.region"() ({
      %run_scoped3A = tpu.sem_alloc : memref<!tpu.dma_semaphore, #tpu.memory_space<semaphore_mem>>
      %dma_start3A_97 = tpu.memref_slice %arg3[%add3A_4] : memref<163840xi32, #tpu.memory_space<hbm>> -> memref<2560xi32, #tpu.memory_space<hbm>>
      %dma_start3A_98 = tpu.memref_slice %arg3[%add3A_4] : memref<163840xi32, #tpu.memory_space<hbm>> -> memref<2560xi32, #tpu.memory_space<hbm>>
      tpu.enqueue_dma source(%dma_start3A_98 : memref<2560xi32, #tpu.memory_space<hbm>>) target(%arg7 : memref<2560xi32, #tpu.memory_space<vmem>>) target_semaphore(%run_scoped3A : memref<!tpu.dma_semaphore, #tpu.memory_space<semaphore_mem>>)
      %dma_wait3A_99 = tpu.memref_slice %arg3[%add3A_4] : memref<163840xi32, #tpu.memory_space<hbm>> -> memref<2560xi32, #tpu.memory_space<hbm>>
      %dma_wait3A_100 = tpu.memref_slice %arg3[%add3A_4] : memref<163840xi32, #tpu.memory_space<hbm>> -> memref<2560xi32, #tpu.memory_space<hbm>>
      tpu.wait_dma2 semaphore(%run_scoped3A : memref<!tpu.dma_semaphore, #tpu.memory_space<semaphore_mem>>) src(%dma_wait3A_100 : memref<2560xi32, #tpu.memory_space<hbm>>) dst(%arg7 : memref<2560xi32, #tpu.memory_space<vmem>>)
      tpu.yield
    }) : () -> ()
    %add3A_5 = arith.constant 81920 : i32
    %add3A_6 = arith.addi %add3A_5, %mul3A_2 : i32
    "tpu.region"() ({
      %run_scoped3A = tpu.sem_alloc : memref<!tpu.dma_semaphore, #tpu.memory_space<semaphore_mem>>
      %dma_start3A_97 = tpu.memref_slice %arg4[%add3A_6] : memref<163840xi32, #tpu.memory_space<hbm>> -> memref<2560xi32, #tpu.memory_space<hbm>>
      %dma_start3A_98 = tpu.memref_slice %arg4[%add3A_6] : memref<163840xi32, #tpu.memory_space<hbm>> -> memref<2560xi32, #tpu.memory_space<hbm>>
      tpu.enqueue_dma source(%dma_start3A_98 : memref<2560xi32, #tpu.memory_space<hbm>>) target(%arg8 : memref<2560xi32, #tpu.memory_space<vmem>>) target_semaphore(%run_scoped3A : memref<!tpu.dma_semaphore, #tpu.memory_space<semaphore_mem>>)
      %dma_wait3A_99 = tpu.memref_slice %arg4[%add3A_6] : memref<163840xi32, #tpu.memory_space<hbm>> -> memref<2560xi32, #tpu.memory_space<hbm>>
      %dma_wait3A_100 = tpu.memref_slice %arg4[%add3A_6] : memref<163840xi32, #tpu.memory_space<hbm>> -> memref<2560xi32, #tpu.memory_space<hbm>>
      tpu.wait_dma2 semaphore(%run_scoped3A : memref<!tpu.dma_semaphore, #tpu.memory_space<semaphore_mem>>) src(%dma_wait3A_100 : memref<2560xi32, #tpu.memory_space<hbm>>) dst(%arg8 : memref<2560xi32, #tpu.memory_space<vmem>>)
      tpu.yield
    }) : () -> ()
    %dma_start3A = arith.constant 0 : i32
    %dma_start3A_7 = tpu.memref_slice %arg7[%dma_start3A] : memref<2560xi32, #tpu.memory_space<vmem>> -> memref<64xi32, #tpu.memory_space<vmem>>
    %dma_start3A_8 = arith.constant 0 : i32
    %dma_start3A_9 = arith.constant 0 : i32
    %dma_start3A_10 = tpu.memref_slice %arg2[%dma_start3A_8, %dma_start3A_9] : memref<10000x256xf32, #tpu.memory_space<hbm>> -> memref<10000x256xf32, #tpu.memory_space<hbm>>
    tpu.enqueue_indirect_dma source(%dma_start3A_10 : memref<10000x256xf32, #tpu.memory_space<hbm>>) target(%arg9 : memref<64x256xf32, #tpu.memory_space<vmem>>) offsets(%dma_start3A_7 : memref<64xi32, #tpu.memory_space<vmem>>) semaphore(%arg13 : memref<!tpu.dma_semaphore, #tpu.memory_space<semaphore_mem>>)
    %dma_start3A_11 = arith.constant 0 : i32
    %dma_start3A_12 = tpu.memref_slice %arg8[%dma_start3A_11] : memref<2560xi32, #tpu.memory_space<vmem>> -> memref<64xi32, #tpu.memory_space<vmem>>
    %dma_start3A_13 = arith.constant 0 : i32
    %dma_start3A_14 = arith.constant 0 : i32
    %dma_start3A_15 = tpu.memref_slice %arg2[%dma_start3A_13, %dma_start3A_14] : memref<10000x256xf32, #tpu.memory_space<hbm>> -> memref<10000x256xf32, #tpu.memory_space<hbm>>
    tpu.enqueue_indirect_dma source(%dma_start3A_15 : memref<10000x256xf32, #tpu.memory_space<hbm>>) target(%arg11 : memref<64x256xf32, #tpu.memory_space<vmem>>) offsets(%dma_start3A_12 : memref<64xi32, #tpu.memory_space<vmem>>) semaphore(%arg15 : memref<!tpu.dma_semaphore, #tpu.memory_space<semaphore_mem>>)
    %dma_start3A_16 = arith.constant 64 : i32
    %dma_start3A_17 = tpu.memref_slice %arg7[%dma_start3A_16] : memref<2560xi32, #tpu.memory_space<vmem>> -> memref<64xi32, #tpu.memory_space<vmem>>
    %dma_start3A_18 = arith.constant 0 : i32
    %dma_start3A_19 = arith.constant 0 : i32
    %dma_start3A_20 = tpu.memref_slice %arg2[%dma_start3A_18, %dma_start3A_19] : memref<10000x256xf32, #tpu.memory_space<hbm>> -> memref<10000x256xf32, #tpu.memory_space<hbm>>
    tpu.enqueue_indirect_dma source(%dma_start3A_20 : memref<10000x256xf32, #tpu.memory_space<hbm>>) target(%arg10 : memref<64x256xf32, #tpu.memory_space<vmem>>) offsets(%dma_start3A_17 : memref<64xi32, #tpu.memory_space<vmem>>) semaphore(%arg14 : memref<!tpu.dma_semaphore, #tpu.memory_space<semaphore_mem>>)
    %dma_start3A_21 = arith.constant 64 : i32
    %dma_start3A_22 = tpu.memref_slice %arg8[%dma_start3A_21] : memref<2560xi32, #tpu.memory_space<vmem>> -> memref<64xi32, #tpu.memory_space<vmem>>
    %dma_start3A_23 = arith.constant 0 : i32
    %dma_start3A_24 = arith.constant 0 : i32
    %dma_start3A_25 = tpu.memref_slice %arg2[%dma_start3A_23, %dma_start3A_24] : memref<10000x256xf32, #tpu.memory_space<hbm>> -> memref<10000x256xf32, #tpu.memory_space<hbm>>
    tpu.enqueue_indirect_dma source(%dma_start3A_25 : memref<10000x256xf32, #tpu.memory_space<hbm>>) target(%arg12 : memref<64x256xf32, #tpu.memory_space<vmem>>) offsets(%dma_start3A_22 : memref<64xi32, #tpu.memory_space<vmem>>) semaphore(%arg16 : memref<!tpu.dma_semaphore, #tpu.memory_space<semaphore_mem>>)
    %scan3A = arith.constant 0 : i32
    %scan3A_26 = arith.constant 19 : i32
    %scan3A_27 = arith.addi %scan3A, %scan3A_26 : i32
    %scan3A_28 = arith.constant 1 : i32
    scf.for %scan3A_97 = %scan3A to %scan3A_27 step %scan3A_28  : i32 {
      %mul3A_98 = arith.constant 1 : i32
      %mul3A_99 = arith.muli %scan3A_97, %mul3A_98 : i32
      %add3A_100 = arith.constant 0 : i32
      %add3A_101 = arith.addi %add3A_100, %mul3A_99 : i32
      %mul3A_102 = arith.constant 2 : i32
      %mul3A_103 = arith.muli %mul3A_102, %add3A_101 : i32
      %mul3A_104 = arith.constant 64 : i32
      %mul3A_105 = arith.muli %mul3A_103, %mul3A_104 : i32
      %dma_wait3A_106 = tpu.memref_slice %arg7[%mul3A_105] : memref<2560xi32, #tpu.memory_space<vmem>> -> memref<64xi32, #tpu.memory_space<vmem>>
      %dma_wait3A_107 = arith.constant 0 : i32
      %dma_wait3A_108 = arith.constant 0 : i32
      %dma_wait3A_109 = tpu.memref_slice %arg2[%dma_wait3A_107, %dma_wait3A_108] : memref<10000x256xf32, #tpu.memory_space<hbm>> -> memref<10000x256xf32, #tpu.memory_space<hbm>>
      tpu.wait_indirect_dma semaphore(%arg13 : memref<!tpu.dma_semaphore, #tpu.memory_space<semaphore_mem>>) src(%dma_wait3A_109 : memref<10000x256xf32, #tpu.memory_space<hbm>>) dst(%arg9 : memref<64x256xf32, #tpu.memory_space<vmem>>)
      %mul3A_110 = arith.constant 64 : i32
      %mul3A_111 = arith.muli %mul3A_103, %mul3A_110 : i32
      %dma_wait3A_112 = tpu.memref_slice %arg8[%mul3A_111] : memref<2560xi32, #tpu.memory_space<vmem>> -> memref<64xi32, #tpu.memory_space<vmem>>
      %dma_wait3A_113 = arith.constant 0 : i32
      %dma_wait3A_114 = arith.constant 0 : i32
      %dma_wait3A_115 = tpu.memref_slice %arg2[%dma_wait3A_113, %dma_wait3A_114] : memref<10000x256xf32, #tpu.memory_space<hbm>> -> memref<10000x256xf32, #tpu.memory_space<hbm>>
      tpu.wait_indirect_dma semaphore(%arg15 : memref<!tpu.dma_semaphore, #tpu.memory_space<semaphore_mem>>) src(%dma_wait3A_115 : memref<10000x256xf32, #tpu.memory_space<hbm>>) dst(%arg11 : memref<64x256xf32, #tpu.memory_space<vmem>>)
      %mul3A_116 = arith.constant 64 : i32
      %mul3A_117 = arith.muli %mul3A_103, %mul3A_116 : i32
      %add3A_118 = arith.addi %mul3A_2, %mul3A_117 : i32
      %dma_start3A_119 = arith.constant 0 : i32
      %dma_start3A_120 = tpu.memref_slice %arg5[%add3A_118, %dma_start3A_119] : memref<81920x256xf32, #tpu.memory_space<hbm>> -> memref<64x256xf32, #tpu.memory_space<hbm>>
      %dma_start3A_121 = arith.constant 0 : i32
      %dma_start3A_122 = tpu.memref_slice %arg5[%add3A_118, %dma_start3A_121] : memref<81920x256xf32, #tpu.memory_space<hbm>> -> memref<64x256xf32, #tpu.memory_space<hbm>>
      tpu.enqueue_dma source(%arg9 : memref<64x256xf32, #tpu.memory_space<vmem>>) target(%dma_start3A_122 : memref<64x256xf32, #tpu.memory_space<hbm>>) target_semaphore(%arg17 : memref<!tpu.dma_semaphore, #tpu.memory_space<semaphore_mem>>)
      %mul3A_123 = arith.constant 64 : i32
      %mul3A_124 = arith.muli %mul3A_103, %mul3A_123 : i32
      %add3A_125 = arith.addi %mul3A_2, %mul3A_124 : i32
      %dma_start3A_126 = arith.constant 0 : i32
      %dma_start3A_127 = tpu.memref_slice %arg6[%add3A_125, %dma_start3A_126] : memref<81920x256xf32, #tpu.memory_space<hbm>> -> memref<64x256xf32, #tpu.memory_space<hbm>>
      %dma_start3A_128 = arith.constant 0 : i32
      %dma_start3A_129 = tpu.memref_slice %arg6[%add3A_125, %dma_start3A_128] : memref<81920x256xf32, #tpu.memory_space<hbm>> -> memref<64x256xf32, #tpu.memory_space<hbm>>
      tpu.enqueue_dma source(%arg11 : memref<64x256xf32, #tpu.memory_space<vmem>>) target(%dma_start3A_129 : memref<64x256xf32, #tpu.memory_space<hbm>>) target_semaphore(%arg19 : memref<!tpu.dma_semaphore, #tpu.memory_space<semaphore_mem>>)
      %add3A_130 = arith.constant 1 : i32
      %add3A_131 = arith.addi %mul3A_103, %add3A_130 : i32
      %mul3A_132 = arith.constant 64 : i32
      %mul3A_133 = arith.muli %add3A_131, %mul3A_132 : i32
      %dma_wait3A_134 = tpu.memref_slice %arg7[%mul3A_133] : memref<2560xi32, #tpu.memory_space<vmem>> -> memref<64xi32, #tpu.memory_space<vmem>>
      %dma_wait3A_135 = arith.constant 0 : i32
      %dma_wait3A_136 = arith.constant 0 : i32
      %dma_wait3A_137 = tpu.memref_slice %arg2[%dma_wait3A_135, %dma_wait3A_136] : memref<10000x256xf32, #tpu.memory_space<hbm>> -> memref<10000x256xf32, #tpu.memory_space<hbm>>
      tpu.wait_indirect_dma semaphore(%arg14 : memref<!tpu.dma_semaphore, #tpu.memory_space<semaphore_mem>>) src(%dma_wait3A_137 : memref<10000x256xf32, #tpu.memory_space<hbm>>) dst(%arg10 : memref<64x256xf32, #tpu.memory_space<vmem>>)
      %mul3A_138 = arith.constant 64 : i32
      %mul3A_139 = arith.muli %add3A_131, %mul3A_138 : i32
      %dma_wait3A_140 = tpu.memref_slice %arg8[%mul3A_139] : memref<2560xi32, #tpu.memory_space<vmem>> -> memref<64xi32, #tpu.memory_space<vmem>>
      %dma_wait3A_141 = arith.constant 0 : i32
      %dma_wait3A_142 = arith.constant 0 : i32
      %dma_wait3A_143 = tpu.memref_slice %arg2[%dma_wait3A_141, %dma_wait3A_142] : memref<10000x256xf32, #tpu.memory_space<hbm>> -> memref<10000x256xf32, #tpu.memory_space<hbm>>
      tpu.wait_indirect_dma semaphore(%arg16 : memref<!tpu.dma_semaphore, #tpu.memory_space<semaphore_mem>>) src(%dma_wait3A_143 : memref<10000x256xf32, #tpu.memory_space<hbm>>) dst(%arg12 : memref<64x256xf32, #tpu.memory_space<vmem>>)
      %add3A_144 = arith.constant 1 : i32
      %add3A_145 = arith.addi %mul3A_103, %add3A_144 : i32
      %mul3A_146 = arith.constant 64 : i32
      %mul3A_147 = arith.muli %add3A_145, %mul3A_146 : i32
      %add3A_148 = arith.addi %mul3A_2, %mul3A_147 : i32
      %dma_start3A_149 = arith.constant 0 : i32
      %dma_start3A_150 = tpu.memref_slice %arg5[%add3A_148, %dma_start3A_149] : memref<81920x256xf32, #tpu.memory_space<hbm>> -> memref<64x256xf32, #tpu.memory_space<hbm>>
      %dma_start3A_151 = arith.constant 0 : i32
      %dma_start3A_152 = tpu.memref_slice %arg5[%add3A_148, %dma_start3A_151] : memref<81920x256xf32, #tpu.memory_space<hbm>> -> memref<64x256xf32, #tpu.memory_space<hbm>>
      tpu.enqueue_dma source(%arg10 : memref<64x256xf32, #tpu.memory_space<vmem>>) target(%dma_start3A_152 : memref<64x256xf32, #tpu.memory_space<hbm>>) target_semaphore(%arg18 : memref<!tpu.dma_semaphore, #tpu.memory_space<semaphore_mem>>)
      %mul3A_153 = arith.constant 64 : i32
      %mul3A_154 = arith.muli %add3A_145, %mul3A_153 : i32
      %add3A_155 = arith.addi %mul3A_2, %mul3A_154 : i32
      %dma_start3A_156 = arith.constant 0 : i32
      %dma_start3A_157 = tpu.memref_slice %arg6[%add3A_155, %dma_start3A_156] : memref<81920x256xf32, #tpu.memory_space<hbm>> -> memref<64x256xf32, #tpu.memory_space<hbm>>
      %dma_start3A_158 = arith.constant 0 : i32
      %dma_start3A_159 = tpu.memref_slice %arg6[%add3A_155, %dma_start3A_158] : memref<81920x256xf32, #tpu.memory_space<hbm>> -> memref<64x256xf32, #tpu.memory_space<hbm>>
      tpu.enqueue_dma source(%arg12 : memref<64x256xf32, #tpu.memory_space<vmem>>) target(%dma_start3A_159 : memref<64x256xf32, #tpu.memory_space<hbm>>) target_semaphore(%arg20 : memref<!tpu.dma_semaphore, #tpu.memory_space<semaphore_mem>>)
      %mul3A_160 = arith.constant 64 : i32
      %mul3A_161 = arith.muli %mul3A_103, %mul3A_160 : i32
      %add3A_162 = arith.addi %mul3A_2, %mul3A_161 : i32
      %dma_wait3A_163 = arith.constant 0 : i32
      %dma_wait3A_164 = tpu.memref_slice %arg5[%add3A_162, %dma_wait3A_163] : memref<81920x256xf32, #tpu.memory_space<hbm>> -> memref<64x256xf32, #tpu.memory_space<hbm>>
      %dma_wait3A_165 = arith.constant 0 : i32
      %dma_wait3A_166 = tpu.memref_slice %arg5[%add3A_162, %dma_wait3A_165] : memref<81920x256xf32, #tpu.memory_space<hbm>> -> memref<64x256xf32, #tpu.memory_space<hbm>>
      tpu.wait_dma2 semaphore(%arg17 : memref<!tpu.dma_semaphore, #tpu.memory_space<semaphore_mem>>) src(%arg9 : memref<64x256xf32, #tpu.memory_space<vmem>>) dst(%dma_wait3A_166 : memref<64x256xf32, #tpu.memory_space<hbm>>)
      %mul3A_167 = arith.constant 64 : i32
      %mul3A_168 = arith.muli %mul3A_103, %mul3A_167 : i32
      %add3A_169 = arith.addi %mul3A_2, %mul3A_168 : i32
      %dma_wait3A_170 = arith.constant 0 : i32
      %dma_wait3A_171 = tpu.memref_slice %arg6[%add3A_169, %dma_wait3A_170] : memref<81920x256xf32, #tpu.memory_space<hbm>> -> memref<64x256xf32, #tpu.memory_space<hbm>>
      %dma_wait3A_172 = arith.constant 0 : i32
      %dma_wait3A_173 = tpu.memref_slice %arg6[%add3A_169, %dma_wait3A_172] : memref<81920x256xf32, #tpu.memory_space<hbm>> -> memref<64x256xf32, #tpu.memory_space<hbm>>
      tpu.wait_dma2 semaphore(%arg19 : memref<!tpu.dma_semaphore, #tpu.memory_space<semaphore_mem>>) src(%arg11 : memref<64x256xf32, #tpu.memory_space<vmem>>) dst(%dma_wait3A_173 : memref<64x256xf32, #tpu.memory_space<hbm>>)
      %add3A_174 = arith.constant 2 : i32
      %add3A_175 = arith.addi %mul3A_103, %add3A_174 : i32
      %mul3A_176 = arith.constant 64 : i32
      %mul3A_177 = arith.muli %add3A_175, %mul3A_176 : i32
      %dma_start3A_178 = tpu.memref_slice %arg7[%mul3A_177] : memref<2560xi32, #tpu.memory_space<vmem>> -> memref<64xi32, #tpu.memory_space<vmem>>
      %dma_start3A_179 = arith.constant 0 : i32
      %dma_start3A_180 = arith.constant 0 : i32
      %dma_start3A_181 = tpu.memref_slice %arg2[%dma_start3A_179, %dma_start3A_180] : memref<10000x256xf32, #tpu.memory_space<hbm>> -> memref<10000x256xf32, #tpu.memory_space<hbm>>
      tpu.enqueue_indirect_dma source(%dma_start3A_181 : memref<10000x256xf32, #tpu.memory_space<hbm>>) target(%arg9 : memref<64x256xf32, #tpu.memory_space<vmem>>) offsets(%dma_start3A_178 : memref<64xi32, #tpu.memory_space<vmem>>) semaphore(%arg13 : memref<!tpu.dma_semaphore, #tpu.memory_space<semaphore_mem>>)
      %mul3A_182 = arith.constant 64 : i32
      %mul3A_183 = arith.muli %add3A_175, %mul3A_182 : i32
      %dma_start3A_184 = tpu.memref_slice %arg8[%mul3A_183] : memref<2560xi32, #tpu.memory_space<vmem>> -> memref<64xi32, #tpu.memory_space<vmem>>
      %dma_start3A_185 = arith.constant 0 : i32
      %dma_start3A_186 = arith.constant 0 : i32
      %dma_start3A_187 = tpu.memref_slice %arg2[%dma_start3A_185, %dma_start3A_186] : memref<10000x256xf32, #tpu.memory_space<hbm>> -> memref<10000x256xf32, #tpu.memory_space<hbm>>
      tpu.enqueue_indirect_dma source(%dma_start3A_187 : memref<10000x256xf32, #tpu.memory_space<hbm>>) target(%arg11 : memref<64x256xf32, #tpu.memory_space<vmem>>) offsets(%dma_start3A_184 : memref<64xi32, #tpu.memory_space<vmem>>) semaphore(%arg15 : memref<!tpu.dma_semaphore, #tpu.memory_space<semaphore_mem>>)
      %add3A_188 = arith.constant 1 : i32
      %add3A_189 = arith.addi %mul3A_103, %add3A_188 : i32
      %mul3A_190 = arith.constant 64 : i32
      %mul3A_191 = arith.muli %add3A_189, %mul3A_190 : i32
      %add3A_192 = arith.addi %mul3A_2, %mul3A_191 : i32
      %dma_wait3A_193 = arith.constant 0 : i32
      %dma_wait3A_194 = tpu.memref_slice %arg5[%add3A_192, %dma_wait3A_193] : memref<81920x256xf32, #tpu.memory_space<hbm>> -> memref<64x256xf32, #tpu.memory_space<hbm>>
      %dma_wait3A_195 = arith.constant 0 : i32
      %dma_wait3A_196 = tpu.memref_slice %arg5[%add3A_192, %dma_wait3A_195] : memref<81920x256xf32, #tpu.memory_space<hbm>> -> memref<64x256xf32, #tpu.memory_space<hbm>>
      tpu.wait_dma2 semaphore(%arg18 : memref<!tpu.dma_semaphore, #tpu.memory_space<semaphore_mem>>) src(%arg10 : memref<64x256xf32, #tpu.memory_space<vmem>>) dst(%dma_wait3A_196 : memref<64x256xf32, #tpu.memory_space<hbm>>)
      %mul3A_197 = arith.constant 64 : i32
      %mul3A_198 = arith.muli %add3A_189, %mul3A_197 : i32
      %add3A_199 = arith.addi %mul3A_2, %mul3A_198 : i32
      %dma_wait3A_200 = arith.constant 0 : i32
      %dma_wait3A_201 = tpu.memref_slice %arg6[%add3A_199, %dma_wait3A_200] : memref<81920x256xf32, #tpu.memory_space<hbm>> -> memref<64x256xf32, #tpu.memory_space<hbm>>
      %dma_wait3A_202 = arith.constant 0 : i32
      %dma_wait3A_203 = tpu.memref_slice %arg6[%add3A_199, %dma_wait3A_202] : memref<81920x256xf32, #tpu.memory_space<hbm>> -> memref<64x256xf32, #tpu.memory_space<hbm>>
      tpu.wait_dma2 semaphore(%arg20 : memref<!tpu.dma_semaphore, #tpu.memory_space<semaphore_mem>>) src(%arg12 : memref<64x256xf32, #tpu.memory_space<vmem>>) dst(%dma_wait3A_203 : memref<64x256xf32, #tpu.memory_space<hbm>>)
      %add3A_204 = arith.constant 3 : i32
      %add3A_205 = arith.addi %mul3A_103, %add3A_204 : i32
      %mul3A_206 = arith.constant 64 : i32
      %mul3A_207 = arith.muli %add3A_205, %mul3A_206 : i32
      %dma_start3A_208 = tpu.memref_slice %arg7[%mul3A_207] : memref<2560xi32, #tpu.memory_space<vmem>> -> memref<64xi32, #tpu.memory_space<vmem>>
      %dma_start3A_209 = arith.constant 0 : i32
      %dma_start3A_210 = arith.constant 0 : i32
      %dma_start3A_211 = tpu.memref_slice %arg2[%dma_start3A_209, %dma_start3A_210] : memref<10000x256xf32, #tpu.memory_space<hbm>> -> memref<10000x256xf32, #tpu.memory_space<hbm>>
      tpu.enqueue_indirect_dma source(%dma_start3A_211 : memref<10000x256xf32, #tpu.memory_space<hbm>>) target(%arg10 : memref<64x256xf32, #tpu.memory_space<vmem>>) offsets(%dma_start3A_208 : memref<64xi32, #tpu.memory_space<vmem>>) semaphore(%arg14 : memref<!tpu.dma_semaphore, #tpu.memory_space<semaphore_mem>>)
      %mul3A_212 = arith.constant 64 : i32
      %mul3A_213 = arith.muli %add3A_205, %mul3A_212 : i32
      %dma_start3A_214 = tpu.memref_slice %arg8[%mul3A_213] : memref<2560xi32, #tpu.memory_space<vmem>> -> memref<64xi32, #tpu.memory_space<vmem>>
      %dma_start3A_215 = arith.constant 0 : i32
      %dma_start3A_216 = arith.constant 0 : i32
      %dma_start3A_217 = tpu.memref_slice %arg2[%dma_start3A_215, %dma_start3A_216] : memref<10000x256xf32, #tpu.memory_space<hbm>> -> memref<10000x256xf32, #tpu.memory_space<hbm>>
      tpu.enqueue_indirect_dma source(%dma_start3A_217 : memref<10000x256xf32, #tpu.memory_space<hbm>>) target(%arg12 : memref<64x256xf32, #tpu.memory_space<vmem>>) offsets(%dma_start3A_214 : memref<64xi32, #tpu.memory_space<vmem>>) semaphore(%arg16 : memref<!tpu.dma_semaphore, #tpu.memory_space<semaphore_mem>>)
    }
    %scan3A_29 = arith.constant 19 : i32
    %dma_wait3A = arith.constant 2432 : i32
    %dma_wait3A_30 = tpu.memref_slice %arg7[%dma_wait3A] : memref<2560xi32, #tpu.memory_space<vmem>> -> memref<64xi32, #tpu.memory_space<vmem>>
    %dma_wait3A_31 = arith.constant 0 : i32
    %dma_wait3A_32 = arith.constant 0 : i32
    %dma_wait3A_33 = tpu.memref_slice %arg2[%dma_wait3A_31, %dma_wait3A_32] : memref<10000x256xf32, #tpu.memory_space<hbm>> -> memref<10000x256xf32, #tpu.memory_space<hbm>>
    tpu.wait_indirect_dma semaphore(%arg13 : memref<!tpu.dma_semaphore, #tpu.memory_space<semaphore_mem>>) src(%dma_wait3A_33 : memref<10000x256xf32, #tpu.memory_space<hbm>>) dst(%arg9 : memref<64x256xf32, #tpu.memory_space<vmem>>)
    %dma_wait3A_34 = arith.constant 2432 : i32
    %dma_wait3A_35 = tpu.memref_slice %arg8[%dma_wait3A_34] : memref<2560xi32, #tpu.memory_space<vmem>> -> memref<64xi32, #tpu.memory_space<vmem>>
    %dma_wait3A_36 = arith.constant 0 : i32
    %dma_wait3A_37 = arith.constant 0 : i32
    %dma_wait3A_38 = tpu.memref_slice %arg2[%dma_wait3A_36, %dma_wait3A_37] : memref<10000x256xf32, #tpu.memory_space<hbm>> -> memref<10000x256xf32, #tpu.memory_space<hbm>>
    tpu.wait_indirect_dma semaphore(%arg15 : memref<!tpu.dma_semaphore, #tpu.memory_space<semaphore_mem>>) src(%dma_wait3A_38 : memref<10000x256xf32, #tpu.memory_space<hbm>>) dst(%arg11 : memref<64x256xf32, #tpu.memory_space<vmem>>)
    %add3A_39 = arith.constant 2432 : i32
    %add3A_40 = arith.addi %mul3A_2, %add3A_39 : i32
    %dma_start3A_41 = arith.constant 0 : i32
    %dma_start3A_42 = tpu.memref_slice %arg5[%add3A_40, %dma_start3A_41] : memref<81920x256xf32, #tpu.memory_space<hbm>> -> memref<64x256xf32, #tpu.memory_space<hbm>>
    %dma_start3A_43 = arith.constant 0 : i32
    %dma_start3A_44 = tpu.memref_slice %arg5[%add3A_40, %dma_start3A_43] : memref<81920x256xf32, #tpu.memory_space<hbm>> -> memref<64x256xf32, #tpu.memory_space<hbm>>
    tpu.enqueue_dma source(%arg9 : memref<64x256xf32, #tpu.memory_space<vmem>>) target(%dma_start3A_44 : memref<64x256xf32, #tpu.memory_space<hbm>>) target_semaphore(%arg17 : memref<!tpu.dma_semaphore, #tpu.memory_space<semaphore_mem>>)
    %add3A_45 = arith.constant 2432 : i32
    %add3A_46 = arith.addi %mul3A_2, %add3A_45 : i32
    %dma_start3A_47 = arith.constant 0 : i32
    %dma_start3A_48 = tpu.memref_slice %arg6[%add3A_46, %dma_start3A_47] : memref<81920x256xf32, #tpu.memory_space<hbm>> -> memref<64x256xf32, #tpu.memory_space<hbm>>
    %dma_start3A_49 = arith.constant 0 : i32
    %dma_start3A_50 = tpu.memref_slice %arg6[%add3A_46, %dma_start3A_49] : memref<81920x256xf32, #tpu.memory_space<hbm>> -> memref<64x256xf32, #tpu.memory_space<hbm>>
    tpu.enqueue_dma source(%arg11 : memref<64x256xf32, #tpu.memory_space<vmem>>) target(%dma_start3A_50 : memref<64x256xf32, #tpu.memory_space<hbm>>) target_semaphore(%arg19 : memref<!tpu.dma_semaphore, #tpu.memory_space<semaphore_mem>>)
    %dma_wait3A_51 = arith.constant 2496 : i32
    %dma_wait3A_52 = tpu.memref_slice %arg7[%dma_wait3A_51] : memref<2560xi32, #tpu.memory_space<vmem>> -> memref<64xi32, #tpu.memory_space<vmem>>
    %dma_wait3A_53 = arith.constant 0 : i32
    %dma_wait3A_54 = arith.constant 0 : i32
    %dma_wait3A_55 = tpu.memref_slice %arg2[%dma_wait3A_53, %dma_wait3A_54] : memref<10000x256xf32, #tpu.memory_space<hbm>> -> memref<10000x256xf32, #tpu.memory_space<hbm>>
    tpu.wait_indirect_dma semaphore(%arg14 : memref<!tpu.dma_semaphore, #tpu.memory_space<semaphore_mem>>) src(%dma_wait3A_55 : memref<10000x256xf32, #tpu.memory_space<hbm>>) dst(%arg10 : memref<64x256xf32, #tpu.memory_space<vmem>>)
    %dma_wait3A_56 = arith.constant 2496 : i32
    %dma_wait3A_57 = tpu.memref_slice %arg8[%dma_wait3A_56] : memref<2560xi32, #tpu.memory_space<vmem>> -> memref<64xi32, #tpu.memory_space<vmem>>
    %dma_wait3A_58 = arith.constant 0 : i32
    %dma_wait3A_59 = arith.constant 0 : i32
    %dma_wait3A_60 = tpu.memref_slice %arg2[%dma_wait3A_58, %dma_wait3A_59] : memref<10000x256xf32, #tpu.memory_space<hbm>> -> memref<10000x256xf32, #tpu.memory_space<hbm>>
    tpu.wait_indirect_dma semaphore(%arg16 : memref<!tpu.dma_semaphore, #tpu.memory_space<semaphore_mem>>) src(%dma_wait3A_60 : memref<10000x256xf32, #tpu.memory_space<hbm>>) dst(%arg12 : memref<64x256xf32, #tpu.memory_space<vmem>>)
    %add3A_61 = arith.constant 2496 : i32
    %add3A_62 = arith.addi %mul3A_2, %add3A_61 : i32
    %dma_start3A_63 = arith.constant 0 : i32
    %dma_start3A_64 = tpu.memref_slice %arg5[%add3A_62, %dma_start3A_63] : memref<81920x256xf32, #tpu.memory_space<hbm>> -> memref<64x256xf32, #tpu.memory_space<hbm>>
    %dma_start3A_65 = arith.constant 0 : i32
    %dma_start3A_66 = tpu.memref_slice %arg5[%add3A_62, %dma_start3A_65] : memref<81920x256xf32, #tpu.memory_space<hbm>> -> memref<64x256xf32, #tpu.memory_space<hbm>>
    tpu.enqueue_dma source(%arg10 : memref<64x256xf32, #tpu.memory_space<vmem>>) target(%dma_start3A_66 : memref<64x256xf32, #tpu.memory_space<hbm>>) target_semaphore(%arg18 : memref<!tpu.dma_semaphore, #tpu.memory_space<semaphore_mem>>)
    %add3A_67 = arith.constant 2496 : i32
    %add3A_68 = arith.addi %mul3A_2, %add3A_67 : i32
    %dma_start3A_69 = arith.constant 0 : i32
    %dma_start3A_70 = tpu.memref_slice %arg6[%add3A_68, %dma_start3A_69] : memref<81920x256xf32, #tpu.memory_space<hbm>> -> memref<64x256xf32, #tpu.memory_space<hbm>>
    %dma_start3A_71 = arith.constant 0 : i32
    %dma_start3A_72 = tpu.memref_slice %arg6[%add3A_68, %dma_start3A_71] : memref<81920x256xf32, #tpu.memory_space<hbm>> -> memref<64x256xf32, #tpu.memory_space<hbm>>
    tpu.enqueue_dma source(%arg12 : memref<64x256xf32, #tpu.memory_space<vmem>>) target(%dma_start3A_72 : memref<64x256xf32, #tpu.memory_space<hbm>>) target_semaphore(%arg20 : memref<!tpu.dma_semaphore, #tpu.memory_space<semaphore_mem>>)
    %add3A_73 = arith.constant 2432 : i32
    %add3A_74 = arith.addi %mul3A_2, %add3A_73 : i32
    %dma_wait3A_75 = arith.constant 0 : i32
    %dma_wait3A_76 = tpu.memref_slice %arg5[%add3A_74, %dma_wait3A_75] : memref<81920x256xf32, #tpu.memory_space<hbm>> -> memref<64x256xf32, #tpu.memory_space<hbm>>
    %dma_wait3A_77 = arith.constant 0 : i32
    %dma_wait3A_78 = tpu.memref_slice %arg5[%add3A_74, %dma_wait3A_77] : memref<81920x256xf32, #tpu.memory_space<hbm>> -> memref<64x256xf32, #tpu.memory_space<hbm>>
    tpu.wait_dma2 semaphore(%arg17 : memref<!tpu.dma_semaphore, #tpu.memory_space<semaphore_mem>>) src(%arg9 : memref<64x256xf32, #tpu.memory_space<vmem>>) dst(%dma_wait3A_78 : memref<64x256xf32, #tpu.memory_space<hbm>>)
    %add3A_79 = arith.constant 2432 : i32
    %add3A_80 = arith.addi %mul3A_2, %add3A_79 : i32
    %dma_wait3A_81 = arith.constant 0 : i32
    %dma_wait3A_82 = tpu.memref_slice %arg6[%add3A_80, %dma_wait3A_81] : memref<81920x256xf32, #tpu.memory_space<hbm>> -> memref<64x256xf32, #tpu.memory_space<hbm>>
    %dma_wait3A_83 = arith.constant 0 : i32
    %dma_wait3A_84 = tpu.memref_slice %arg6[%add3A_80, %dma_wait3A_83] : memref<81920x256xf32, #tpu.memory_space<hbm>> -> memref<64x256xf32, #tpu.memory_space<hbm>>
    tpu.wait_dma2 semaphore(%arg19 : memref<!tpu.dma_semaphore, #tpu.memory_space<semaphore_mem>>) src(%arg11 : memref<64x256xf32, #tpu.memory_space<vmem>>) dst(%dma_wait3A_84 : memref<64x256xf32, #tpu.memory_space<hbm>>)
    %add3A_85 = arith.constant 2496 : i32
    %add3A_86 = arith.addi %mul3A_2, %add3A_85 : i32
    %dma_wait3A_87 = arith.constant 0 : i32
    %dma_wait3A_88 = tpu.memref_slice %arg5[%add3A_86, %dma_wait3A_87] : memref<81920x256xf32, #tpu.memory_space<hbm>> -> memref<64x256xf32, #tpu.memory_space<hbm>>
    %dma_wait3A_89 = arith.constant 0 : i32
    %dma_wait3A_90 = tpu.memref_slice %arg5[%add3A_86, %dma_wait3A_89] : memref<81920x256xf32, #tpu.memory_space<hbm>> -> memref<64x256xf32, #tpu.memory_space<hbm>>
    tpu.wait_dma2 semaphore(%arg18 : memref<!tpu.dma_semaphore, #tpu.memory_space<semaphore_mem>>) src(%arg10 : memref<64x256xf32, #tpu.memory_space<vmem>>) dst(%dma_wait3A_90 : memref<64x256xf32, #tpu.memory_space<hbm>>)
    %add3A_91 = arith.constant 2496 : i32
    %add3A_92 = arith.addi %mul3A_2, %add3A_91 : i32
    %dma_wait3A_93 = arith.constant 0 : i32
    %dma_wait3A_94 = tpu.memref_slice %arg6[%add3A_92, %dma_wait3A_93] : memref<81920x256xf32, #tpu.memory_space<hbm>> -> memref<64x256xf32, #tpu.memory_space<hbm>>
    %dma_wait3A_95 = arith.constant 0 : i32
    %dma_wait3A_96 = tpu.memref_slice %arg6[%add3A_92, %dma_wait3A_95] : memref<81920x256xf32, #tpu.memory_space<hbm>> -> memref<64x256xf32, #tpu.memory_space<hbm>>
    tpu.wait_dma2 semaphore(%arg20 : memref<!tpu.dma_semaphore, #tpu.memory_space<semaphore_mem>>) src(%arg12 : memref<64x256xf32, #tpu.memory_space<vmem>>) dst(%dma_wait3A_96 : memref<64x256xf32, #tpu.memory_space<hbm>>)
    return
  }
}

#map = affine_map<(d0, d1) -> (0, 0, 0)>
module attributes {stable_mosaic.version = 14 : i64} {
  func.func @k(%arg0: i32, %arg1: i32, %arg2: memref<2x81920x128xf32, #tpu.memory_space<hbm>>, %arg3: memref<16x40x128xi32, #tpu.memory_space<hbm>>, %arg4: memref<2x10240x128xf32, #tpu.memory_space<hbm>>, %arg5: memref<2x10240x128xf32, #tpu.memory_space<hbm>>, %arg6: memref<40x128xi32, #tpu.memory_space<vmem>>, %arg7: memref<128x128xf32, #tpu.memory_space<vmem>>, %arg8: memref<128x128xf32, #tpu.memory_space<vmem>>, %arg9: memref<10240x128xf32, #tpu.memory_space<vmem_shared>>, %arg10: memref<!tpu.dma_semaphore, #tpu.memory_space<semaphore_mem>>, %arg11: memref<!tpu.dma_semaphore, #tpu.memory_space<semaphore_mem>>) attributes {dimension_semantics = [#tpu.dimension_semantics<core_parallel>, #tpu.dimension_semantics<subcore_parallel>], iteration_bounds = array<i64: 2, 16>, scalar_prefetch = 0 : i64, scratch_operands = 6 : i64, tpu.core_type = #tpu.core_type<sc_vector_subcore>, window_params = [{transform_indices = #map}, {transform_indices = #map}, {transform_indices = #map}, {transform_indices = #map}]} {
    %eq3A = arith.constant 0 : i32
    %eq3A_0 = arith.cmpi eq, %arg1, %eq3A : i32
    %convert_element_type3A = arith.extui %eq3A_0 : i1 to i32
    %cond3A = arith.constant 0 : i32
    %cond3A_1 = arith.cmpi ne, %convert_element_type3A, %cond3A : i32
    scf.if %cond3A_1 {
      "tpu.region"() ({
        %run_scoped3A_66 = tpu.sem_alloc : memref<!tpu.dma_semaphore, #tpu.memory_space<semaphore_mem>>
        %dma_start3A_67 = arith.constant 0 : i32
        %dma_start3A_68 = arith.constant 0 : i32
        %dma_start3A_69 = tpu.memref_slice %arg4[%arg0, %dma_start3A_67, %dma_start3A_68] : memref<2x10240x128xf32, #tpu.memory_space<hbm>> -> memref<1x10240x128xf32, #tpu.memory_space<hbm>>
        %dma_start3A_70 = tpu.memref_squeeze %dma_start3A_69 : memref<1x10240x128xf32, #tpu.memory_space<hbm>> -> memref<10240x128xf32, #tpu.memory_space<hbm>>
        tpu.enqueue_dma source(%dma_start3A_70 : memref<10240x128xf32, #tpu.memory_space<hbm>>) target(%arg9 : memref<10240x128xf32, #tpu.memory_space<vmem_shared>>) target_semaphore(%run_scoped3A_66 : memref<!tpu.dma_semaphore, #tpu.memory_space<semaphore_mem>>)
        %dma_wait3A_71 = arith.constant 0 : i32
        %dma_wait3A_72 = arith.constant 0 : i32
        %dma_wait3A_73 = tpu.memref_slice %arg4[%arg0, %dma_wait3A_71, %dma_wait3A_72] : memref<2x10240x128xf32, #tpu.memory_space<hbm>> -> memref<1x10240x128xf32, #tpu.memory_space<hbm>>
        %dma_wait3A_74 = tpu.memref_squeeze %dma_wait3A_73 : memref<1x10240x128xf32, #tpu.memory_space<hbm>> -> memref<10240x128xf32, #tpu.memory_space<hbm>>
        tpu.wait_dma2 semaphore(%run_scoped3A_66 : memref<!tpu.dma_semaphore, #tpu.memory_space<semaphore_mem>>) src(%dma_wait3A_74 : memref<10240x128xf32, #tpu.memory_space<hbm>>) dst(%arg9 : memref<10240x128xf32, #tpu.memory_space<vmem_shared>>)
        tpu.yield
      }) : () -> ()
    } else {
    }
    "tpu.region"() ({
      %run_scoped3A_66 = tpu.sem_alloc : memref<!tpu.dma_semaphore, #tpu.memory_space<semaphore_mem>>
      %dma_start3A_67 = arith.constant 0 : i32
      %dma_start3A_68 = arith.constant 0 : i32
      %dma_start3A_69 = tpu.memref_slice %arg3[%arg1, %dma_start3A_67, %dma_start3A_68] : memref<16x40x128xi32, #tpu.memory_space<hbm>> -> memref<1x40x128xi32, #tpu.memory_space<hbm>>
      %dma_start3A_70 = tpu.memref_squeeze %dma_start3A_69 : memref<1x40x128xi32, #tpu.memory_space<hbm>> -> memref<40x128xi32, #tpu.memory_space<hbm>>
      %dma_start3A_71 = arith.constant 0 : i32
      %dma_start3A_72 = arith.constant 0 : i32
      %dma_start3A_73 = tpu.memref_slice %arg3[%arg1, %dma_start3A_71, %dma_start3A_72] : memref<16x40x128xi32, #tpu.memory_space<hbm>> -> memref<1x40x128xi32, #tpu.memory_space<hbm>>
      %dma_start3A_74 = tpu.memref_squeeze %dma_start3A_73 : memref<1x40x128xi32, #tpu.memory_space<hbm>> -> memref<40x128xi32, #tpu.memory_space<hbm>>
      tpu.enqueue_dma source(%dma_start3A_74 : memref<40x128xi32, #tpu.memory_space<hbm>>) target(%arg6 : memref<40x128xi32, #tpu.memory_space<vmem>>) target_semaphore(%run_scoped3A_66 : memref<!tpu.dma_semaphore, #tpu.memory_space<semaphore_mem>>)
      %dma_wait3A_75 = arith.constant 0 : i32
      %dma_wait3A_76 = arith.constant 0 : i32
      %dma_wait3A_77 = tpu.memref_slice %arg3[%arg1, %dma_wait3A_75, %dma_wait3A_76] : memref<16x40x128xi32, #tpu.memory_space<hbm>> -> memref<1x40x128xi32, #tpu.memory_space<hbm>>
      %dma_wait3A_78 = tpu.memref_squeeze %dma_wait3A_77 : memref<1x40x128xi32, #tpu.memory_space<hbm>> -> memref<40x128xi32, #tpu.memory_space<hbm>>
      %dma_wait3A_79 = arith.constant 0 : i32
      %dma_wait3A_80 = arith.constant 0 : i32
      %dma_wait3A_81 = tpu.memref_slice %arg3[%arg1, %dma_wait3A_79, %dma_wait3A_80] : memref<16x40x128xi32, #tpu.memory_space<hbm>> -> memref<1x40x128xi32, #tpu.memory_space<hbm>>
      %dma_wait3A_82 = tpu.memref_squeeze %dma_wait3A_81 : memref<1x40x128xi32, #tpu.memory_space<hbm>> -> memref<40x128xi32, #tpu.memory_space<hbm>>
      tpu.wait_dma2 semaphore(%run_scoped3A_66 : memref<!tpu.dma_semaphore, #tpu.memory_space<semaphore_mem>>) src(%dma_wait3A_82 : memref<40x128xi32, #tpu.memory_space<hbm>>) dst(%arg6 : memref<40x128xi32, #tpu.memory_space<vmem>>)
      tpu.yield
    }) : () -> ()
    %barrier3A = arith.constant 0 : index
    tpu.barrier barrier_id(%barrier3A)
    %mul3A = arith.constant 5120 : i32
    %mul3A_2 = arith.muli %arg1, %mul3A : i32
    %add3A = arith.constant 0 : i32
    %add3A_3 = arith.addi %mul3A_2, %add3A : i32
    %dma_start3A = arith.constant 0 : i32
    %dma_start3A_4 = arith.constant 0 : i32
    %dma_start3A_5 = tpu.memref_slice %arg2[%arg0, %dma_start3A, %dma_start3A_4] : memref<2x81920x128xf32, #tpu.memory_space<hbm>> -> memref<1x81920x128xf32, #tpu.memory_space<hbm>>
    %dma_start3A_6 = tpu.memref_squeeze %dma_start3A_5 : memref<1x81920x128xf32, #tpu.memory_space<hbm>> -> memref<81920x128xf32, #tpu.memory_space<hbm>>
    %dma_start3A_7 = arith.constant 0 : i32
    %dma_start3A_8 = tpu.memref_slice %dma_start3A_6[%add3A_3, %dma_start3A_7] : memref<81920x128xf32, #tpu.memory_space<hbm>> -> memref<128x128xf32, #tpu.memory_space<hbm>>
    %dma_start3A_9 = arith.constant 0 : i32
    %dma_start3A_10 = arith.constant 0 : i32
    %dma_start3A_11 = tpu.memref_slice %arg2[%arg0, %dma_start3A_9, %dma_start3A_10] : memref<2x81920x128xf32, #tpu.memory_space<hbm>> -> memref<1x81920x128xf32, #tpu.memory_space<hbm>>
    %dma_start3A_12 = tpu.memref_squeeze %dma_start3A_11 : memref<1x81920x128xf32, #tpu.memory_space<hbm>> -> memref<81920x128xf32, #tpu.memory_space<hbm>>
    %dma_start3A_13 = arith.constant 0 : i32
    %dma_start3A_14 = tpu.memref_slice %dma_start3A_12[%add3A_3, %dma_start3A_13] : memref<81920x128xf32, #tpu.memory_space<hbm>> -> memref<128x128xf32, #tpu.memory_space<hbm>>
    tpu.enqueue_dma source(%dma_start3A_14 : memref<128x128xf32, #tpu.memory_space<hbm>>) target(%arg7 : memref<128x128xf32, #tpu.memory_space<vmem>>) target_semaphore(%arg10 : memref<!tpu.dma_semaphore, #tpu.memory_space<semaphore_mem>>)
    %add3A_15 = arith.constant 128 : i32
    %add3A_16 = arith.addi %mul3A_2, %add3A_15 : i32
    %dma_start3A_17 = arith.constant 0 : i32
    %dma_start3A_18 = arith.constant 0 : i32
    %dma_start3A_19 = tpu.memref_slice %arg2[%arg0, %dma_start3A_17, %dma_start3A_18] : memref<2x81920x128xf32, #tpu.memory_space<hbm>> -> memref<1x81920x128xf32, #tpu.memory_space<hbm>>
    %dma_start3A_20 = tpu.memref_squeeze %dma_start3A_19 : memref<1x81920x128xf32, #tpu.memory_space<hbm>> -> memref<81920x128xf32, #tpu.memory_space<hbm>>
    %dma_start3A_21 = arith.constant 0 : i32
    %dma_start3A_22 = tpu.memref_slice %dma_start3A_20[%add3A_16, %dma_start3A_21] : memref<81920x128xf32, #tpu.memory_space<hbm>> -> memref<128x128xf32, #tpu.memory_space<hbm>>
    %dma_start3A_23 = arith.constant 0 : i32
    %dma_start3A_24 = arith.constant 0 : i32
    %dma_start3A_25 = tpu.memref_slice %arg2[%arg0, %dma_start3A_23, %dma_start3A_24] : memref<2x81920x128xf32, #tpu.memory_space<hbm>> -> memref<1x81920x128xf32, #tpu.memory_space<hbm>>
    %dma_start3A_26 = tpu.memref_squeeze %dma_start3A_25 : memref<1x81920x128xf32, #tpu.memory_space<hbm>> -> memref<81920x128xf32, #tpu.memory_space<hbm>>
    %dma_start3A_27 = arith.constant 0 : i32
    %dma_start3A_28 = tpu.memref_slice %dma_start3A_26[%add3A_16, %dma_start3A_27] : memref<81920x128xf32, #tpu.memory_space<hbm>> -> memref<128x128xf32, #tpu.memory_space<hbm>>
    tpu.enqueue_dma source(%dma_start3A_28 : memref<128x128xf32, #tpu.memory_space<hbm>>) target(%arg8 : memref<128x128xf32, #tpu.memory_space<vmem>>) target_semaphore(%arg11 : memref<!tpu.dma_semaphore, #tpu.memory_space<semaphore_mem>>)
    %scan3A = arith.constant 0 : i32
    %scan3A_29 = arith.constant 19 : i32
    %scan3A_30 = arith.addi %scan3A, %scan3A_29 : i32
    %scan3A_31 = arith.constant 1 : i32
    scf.for %scan3A_66 = %scan3A to %scan3A_30 step %scan3A_31  : i32 {
      %mul3A_67 = arith.constant 1 : i32
      %mul3A_68 = arith.muli %scan3A_66, %mul3A_67 : i32
      %add3A_69 = arith.constant 0 : i32
      %add3A_70 = arith.addi %add3A_69, %mul3A_68 : i32
      %mul3A_71 = arith.constant 2 : i32
      %mul3A_72 = arith.muli %mul3A_71, %add3A_70 : i32
      %mul3A_73 = arith.constant 128 : i32
      %mul3A_74 = arith.muli %mul3A_72, %mul3A_73 : i32
      %add3A_75 = arith.addi %mul3A_2, %mul3A_74 : i32
      %dma_wait3A_76 = arith.constant 0 : i32
      %dma_wait3A_77 = arith.constant 0 : i32
      %dma_wait3A_78 = tpu.memref_slice %arg2[%arg0, %dma_wait3A_76, %dma_wait3A_77] : memref<2x81920x128xf32, #tpu.memory_space<hbm>> -> memref<1x81920x128xf32, #tpu.memory_space<hbm>>
      %dma_wait3A_79 = tpu.memref_squeeze %dma_wait3A_78 : memref<1x81920x128xf32, #tpu.memory_space<hbm>> -> memref<81920x128xf32, #tpu.memory_space<hbm>>
      %dma_wait3A_80 = arith.constant 0 : i32
      %dma_wait3A_81 = tpu.memref_slice %dma_wait3A_79[%add3A_75, %dma_wait3A_80] : memref<81920x128xf32, #tpu.memory_space<hbm>> -> memref<128x128xf32, #tpu.memory_space<hbm>>
      %dma_wait3A_82 = arith.constant 0 : i32
      %dma_wait3A_83 = arith.constant 0 : i32
      %dma_wait3A_84 = tpu.memref_slice %arg2[%arg0, %dma_wait3A_82, %dma_wait3A_83] : memref<2x81920x128xf32, #tpu.memory_space<hbm>> -> memref<1x81920x128xf32, #tpu.memory_space<hbm>>
      %dma_wait3A_85 = tpu.memref_squeeze %dma_wait3A_84 : memref<1x81920x128xf32, #tpu.memory_space<hbm>> -> memref<81920x128xf32, #tpu.memory_space<hbm>>
      %dma_wait3A_86 = arith.constant 0 : i32
      %dma_wait3A_87 = tpu.memref_slice %dma_wait3A_85[%add3A_75, %dma_wait3A_86] : memref<81920x128xf32, #tpu.memory_space<hbm>> -> memref<128x128xf32, #tpu.memory_space<hbm>>
      tpu.wait_dma2 semaphore(%arg10 : memref<!tpu.dma_semaphore, #tpu.memory_space<semaphore_mem>>) src(%dma_wait3A_87 : memref<128x128xf32, #tpu.memory_space<hbm>>) dst(%arg7 : memref<128x128xf32, #tpu.memory_space<vmem>>)
      "tpu.region"() ({
        %run_scoped3A_141 = tpu.sem_alloc : memref<!tpu.dma_semaphore, #tpu.memory_space<semaphore_mem>>
        %dma_start3A_142 = arith.constant 0 : i32
        %dma_start3A_143 = tpu.memref_slice %arg6[%mul3A_72, %dma_start3A_142] : memref<40x128xi32, #tpu.memory_space<vmem>> -> memref<1x128xi32, #tpu.memory_space<vmem>>
        %dma_start3A_144 = tpu.memref_squeeze %dma_start3A_143 : memref<1x128xi32, #tpu.memory_space<vmem>> -> memref<128xi32, #tpu.memory_space<vmem>>
        %dma_start3A_145 = arith.constant 0 : i32
        %dma_start3A_146 = arith.constant 0 : i32
        %dma_start3A_147 = tpu.memref_slice %arg9[%dma_start3A_145, %dma_start3A_146] : memref<10240x128xf32, #tpu.memory_space<vmem_shared>> -> memref<10240x128xf32, #tpu.memory_space<vmem_shared>>
        tpu.enqueue_indirect_dma source(%arg7 : memref<128x128xf32, #tpu.memory_space<vmem>>) target(%dma_start3A_147 : memref<10240x128xf32, #tpu.memory_space<vmem_shared>>) offsets(%dma_start3A_144 : memref<128xi32, #tpu.memory_space<vmem>>) semaphore(%run_scoped3A_141 : memref<!tpu.dma_semaphore, #tpu.memory_space<semaphore_mem>>) {add = true}
        %dma_wait3A_148 = arith.constant 0 : i32
        %dma_wait3A_149 = tpu.memref_slice %arg6[%mul3A_72, %dma_wait3A_148] : memref<40x128xi32, #tpu.memory_space<vmem>> -> memref<1x128xi32, #tpu.memory_space<vmem>>
        %dma_wait3A_150 = tpu.memref_squeeze %dma_wait3A_149 : memref<1x128xi32, #tpu.memory_space<vmem>> -> memref<128xi32, #tpu.memory_space<vmem>>
        %dma_wait3A_151 = arith.constant 0 : i32
        %dma_wait3A_152 = arith.constant 0 : i32
        %dma_wait3A_153 = tpu.memref_slice %arg9[%dma_wait3A_151, %dma_wait3A_152] : memref<10240x128xf32, #tpu.memory_space<vmem_shared>> -> memref<10240x128xf32, #tpu.memory_space<vmem_shared>>
        tpu.wait_indirect_dma semaphore(%run_scoped3A_141 : memref<!tpu.dma_semaphore, #tpu.memory_space<semaphore_mem>>) src(%arg7 : memref<128x128xf32, #tpu.memory_space<vmem>>) dst(%dma_wait3A_153 : memref<10240x128xf32, #tpu.memory_space<vmem_shared>>)
        tpu.yield
      }) : () -> ()
      %add3A_88 = arith.constant 2 : i32
      %add3A_89 = arith.addi %mul3A_72, %add3A_88 : i32
      %mul3A_90 = arith.constant 128 : i32
      %mul3A_91 = arith.muli %add3A_89, %mul3A_90 : i32
      %add3A_92 = arith.addi %mul3A_2, %mul3A_91 : i32
      %dma_start3A_93 = arith.constant 0 : i32
      %dma_start3A_94 = arith.constant 0 : i32
      %dma_start3A_95 = tpu.memref_slice %arg2[%arg0, %dma_start3A_93, %dma_start3A_94] : memref<2x81920x128xf32, #tpu.memory_space<hbm>> -> memref<1x81920x128xf32, #tpu.memory_space<hbm>>
      %dma_start3A_96 = tpu.memref_squeeze %dma_start3A_95 : memref<1x81920x128xf32, #tpu.memory_space<hbm>> -> memref<81920x128xf32, #tpu.memory_space<hbm>>
      %dma_start3A_97 = arith.constant 0 : i32
      %dma_start3A_98 = tpu.memref_slice %dma_start3A_96[%add3A_92, %dma_start3A_97] : memref<81920x128xf32, #tpu.memory_space<hbm>> -> memref<128x128xf32, #tpu.memory_space<hbm>>
      %dma_start3A_99 = arith.constant 0 : i32
      %dma_start3A_100 = arith.constant 0 : i32
      %dma_start3A_101 = tpu.memref_slice %arg2[%arg0, %dma_start3A_99, %dma_start3A_100] : memref<2x81920x128xf32, #tpu.memory_space<hbm>> -> memref<1x81920x128xf32, #tpu.memory_space<hbm>>
      %dma_start3A_102 = tpu.memref_squeeze %dma_start3A_101 : memref<1x81920x128xf32, #tpu.memory_space<hbm>> -> memref<81920x128xf32, #tpu.memory_space<hbm>>
      %dma_start3A_103 = arith.constant 0 : i32
      %dma_start3A_104 = tpu.memref_slice %dma_start3A_102[%add3A_92, %dma_start3A_103] : memref<81920x128xf32, #tpu.memory_space<hbm>> -> memref<128x128xf32, #tpu.memory_space<hbm>>
      tpu.enqueue_dma source(%dma_start3A_104 : memref<128x128xf32, #tpu.memory_space<hbm>>) target(%arg7 : memref<128x128xf32, #tpu.memory_space<vmem>>) target_semaphore(%arg10 : memref<!tpu.dma_semaphore, #tpu.memory_space<semaphore_mem>>)
      %add3A_105 = arith.constant 1 : i32
      %add3A_106 = arith.addi %mul3A_72, %add3A_105 : i32
      %mul3A_107 = arith.constant 128 : i32
      %mul3A_108 = arith.muli %add3A_106, %mul3A_107 : i32
      %add3A_109 = arith.addi %mul3A_2, %mul3A_108 : i32
      %dma_wait3A_110 = arith.constant 0 : i32
      %dma_wait3A_111 = arith.constant 0 : i32
      %dma_wait3A_112 = tpu.memref_slice %arg2[%arg0, %dma_wait3A_110, %dma_wait3A_111] : memref<2x81920x128xf32, #tpu.memory_space<hbm>> -> memref<1x81920x128xf32, #tpu.memory_space<hbm>>
      %dma_wait3A_113 = tpu.memref_squeeze %dma_wait3A_112 : memref<1x81920x128xf32, #tpu.memory_space<hbm>> -> memref<81920x128xf32, #tpu.memory_space<hbm>>
      %dma_wait3A_114 = arith.constant 0 : i32
      %dma_wait3A_115 = tpu.memref_slice %dma_wait3A_113[%add3A_109, %dma_wait3A_114] : memref<81920x128xf32, #tpu.memory_space<hbm>> -> memref<128x128xf32, #tpu.memory_space<hbm>>
      %dma_wait3A_116 = arith.constant 0 : i32
      %dma_wait3A_117 = arith.constant 0 : i32
      %dma_wait3A_118 = tpu.memref_slice %arg2[%arg0, %dma_wait3A_116, %dma_wait3A_117] : memref<2x81920x128xf32, #tpu.memory_space<hbm>> -> memref<1x81920x128xf32, #tpu.memory_space<hbm>>
      %dma_wait3A_119 = tpu.memref_squeeze %dma_wait3A_118 : memref<1x81920x128xf32, #tpu.memory_space<hbm>> -> memref<81920x128xf32, #tpu.memory_space<hbm>>
      %dma_wait3A_120 = arith.constant 0 : i32
      %dma_wait3A_121 = tpu.memref_slice %dma_wait3A_119[%add3A_109, %dma_wait3A_120] : memref<81920x128xf32, #tpu.memory_space<hbm>> -> memref<128x128xf32, #tpu.memory_space<hbm>>
      tpu.wait_dma2 semaphore(%arg11 : memref<!tpu.dma_semaphore, #tpu.memory_space<semaphore_mem>>) src(%dma_wait3A_121 : memref<128x128xf32, #tpu.memory_space<hbm>>) dst(%arg8 : memref<128x128xf32, #tpu.memory_space<vmem>>)
      %add3A_122 = arith.constant 1 : i32
      %add3A_123 = arith.addi %mul3A_72, %add3A_122 : i32
      "tpu.region"() ({
        %run_scoped3A_141 = tpu.sem_alloc : memref<!tpu.dma_semaphore, #tpu.memory_space<semaphore_mem>>
        %dma_start3A_142 = arith.constant 0 : i32
        %dma_start3A_143 = tpu.memref_slice %arg6[%add3A_123, %dma_start3A_142] : memref<40x128xi32, #tpu.memory_space<vmem>> -> memref<1x128xi32, #tpu.memory_space<vmem>>
        %dma_start3A_144 = tpu.memref_squeeze %dma_start3A_143 : memref<1x128xi32, #tpu.memory_space<vmem>> -> memref<128xi32, #tpu.memory_space<vmem>>
        %dma_start3A_145 = arith.constant 0 : i32
        %dma_start3A_146 = arith.constant 0 : i32
        %dma_start3A_147 = tpu.memref_slice %arg9[%dma_start3A_145, %dma_start3A_146] : memref<10240x128xf32, #tpu.memory_space<vmem_shared>> -> memref<10240x128xf32, #tpu.memory_space<vmem_shared>>
        tpu.enqueue_indirect_dma source(%arg8 : memref<128x128xf32, #tpu.memory_space<vmem>>) target(%dma_start3A_147 : memref<10240x128xf32, #tpu.memory_space<vmem_shared>>) offsets(%dma_start3A_144 : memref<128xi32, #tpu.memory_space<vmem>>) semaphore(%run_scoped3A_141 : memref<!tpu.dma_semaphore, #tpu.memory_space<semaphore_mem>>) {add = true}
        %dma_wait3A_148 = arith.constant 0 : i32
        %dma_wait3A_149 = tpu.memref_slice %arg6[%add3A_123, %dma_wait3A_148] : memref<40x128xi32, #tpu.memory_space<vmem>> -> memref<1x128xi32, #tpu.memory_space<vmem>>
        %dma_wait3A_150 = tpu.memref_squeeze %dma_wait3A_149 : memref<1x128xi32, #tpu.memory_space<vmem>> -> memref<128xi32, #tpu.memory_space<vmem>>
        %dma_wait3A_151 = arith.constant 0 : i32
        %dma_wait3A_152 = arith.constant 0 : i32
        %dma_wait3A_153 = tpu.memref_slice %arg9[%dma_wait3A_151, %dma_wait3A_152] : memref<10240x128xf32, #tpu.memory_space<vmem_shared>> -> memref<10240x128xf32, #tpu.memory_space<vmem_shared>>
        tpu.wait_indirect_dma semaphore(%run_scoped3A_141 : memref<!tpu.dma_semaphore, #tpu.memory_space<semaphore_mem>>) src(%arg8 : memref<128x128xf32, #tpu.memory_space<vmem>>) dst(%dma_wait3A_153 : memref<10240x128xf32, #tpu.memory_space<vmem_shared>>)
        tpu.yield
      }) : () -> ()
      %add3A_124 = arith.constant 3 : i32
      %add3A_125 = arith.addi %mul3A_72, %add3A_124 : i32
      %mul3A_126 = arith.constant 128 : i32
      %mul3A_127 = arith.muli %add3A_125, %mul3A_126 : i32
      %add3A_128 = arith.addi %mul3A_2, %mul3A_127 : i32
      %dma_start3A_129 = arith.constant 0 : i32
      %dma_start3A_130 = arith.constant 0 : i32
      %dma_start3A_131 = tpu.memref_slice %arg2[%arg0, %dma_start3A_129, %dma_start3A_130] : memref<2x81920x128xf32, #tpu.memory_space<hbm>> -> memref<1x81920x128xf32, #tpu.memory_space<hbm>>
      %dma_start3A_132 = tpu.memref_squeeze %dma_start3A_131 : memref<1x81920x128xf32, #tpu.memory_space<hbm>> -> memref<81920x128xf32, #tpu.memory_space<hbm>>
      %dma_start3A_133 = arith.constant 0 : i32
      %dma_start3A_134 = tpu.memref_slice %dma_start3A_132[%add3A_128, %dma_start3A_133] : memref<81920x128xf32, #tpu.memory_space<hbm>> -> memref<128x128xf32, #tpu.memory_space<hbm>>
      %dma_start3A_135 = arith.constant 0 : i32
      %dma_start3A_136 = arith.constant 0 : i32
      %dma_start3A_137 = tpu.memref_slice %arg2[%arg0, %dma_start3A_135, %dma_start3A_136] : memref<2x81920x128xf32, #tpu.memory_space<hbm>> -> memref<1x81920x128xf32, #tpu.memory_space<hbm>>
      %dma_start3A_138 = tpu.memref_squeeze %dma_start3A_137 : memref<1x81920x128xf32, #tpu.memory_space<hbm>> -> memref<81920x128xf32, #tpu.memory_space<hbm>>
      %dma_start3A_139 = arith.constant 0 : i32
      %dma_start3A_140 = tpu.memref_slice %dma_start3A_138[%add3A_128, %dma_start3A_139] : memref<81920x128xf32, #tpu.memory_space<hbm>> -> memref<128x128xf32, #tpu.memory_space<hbm>>
      tpu.enqueue_dma source(%dma_start3A_140 : memref<128x128xf32, #tpu.memory_space<hbm>>) target(%arg8 : memref<128x128xf32, #tpu.memory_space<vmem>>) target_semaphore(%arg11 : memref<!tpu.dma_semaphore, #tpu.memory_space<semaphore_mem>>)
    }
    %scan3A_32 = arith.constant 19 : i32
    %add3A_33 = arith.constant 4864 : i32
    %add3A_34 = arith.addi %mul3A_2, %add3A_33 : i32
    %dma_wait3A = arith.constant 0 : i32
    %dma_wait3A_35 = arith.constant 0 : i32
    %dma_wait3A_36 = tpu.memref_slice %arg2[%arg0, %dma_wait3A, %dma_wait3A_35] : memref<2x81920x128xf32, #tpu.memory_space<hbm>> -> memref<1x81920x128xf32, #tpu.memory_space<hbm>>
    %dma_wait3A_37 = tpu.memref_squeeze %dma_wait3A_36 : memref<1x81920x128xf32, #tpu.memory_space<hbm>> -> memref<81920x128xf32, #tpu.memory_space<hbm>>
    %dma_wait3A_38 = arith.constant 0 : i32
    %dma_wait3A_39 = tpu.memref_slice %dma_wait3A_37[%add3A_34, %dma_wait3A_38] : memref<81920x128xf32, #tpu.memory_space<hbm>> -> memref<128x128xf32, #tpu.memory_space<hbm>>
    %dma_wait3A_40 = arith.constant 0 : i32
    %dma_wait3A_41 = arith.constant 0 : i32
    %dma_wait3A_42 = tpu.memref_slice %arg2[%arg0, %dma_wait3A_40, %dma_wait3A_41] : memref<2x81920x128xf32, #tpu.memory_space<hbm>> -> memref<1x81920x128xf32, #tpu.memory_space<hbm>>
    %dma_wait3A_43 = tpu.memref_squeeze %dma_wait3A_42 : memref<1x81920x128xf32, #tpu.memory_space<hbm>> -> memref<81920x128xf32, #tpu.memory_space<hbm>>
    %dma_wait3A_44 = arith.constant 0 : i32
    %dma_wait3A_45 = tpu.memref_slice %dma_wait3A_43[%add3A_34, %dma_wait3A_44] : memref<81920x128xf32, #tpu.memory_space<hbm>> -> memref<128x128xf32, #tpu.memory_space<hbm>>
    tpu.wait_dma2 semaphore(%arg10 : memref<!tpu.dma_semaphore, #tpu.memory_space<semaphore_mem>>) src(%dma_wait3A_45 : memref<128x128xf32, #tpu.memory_space<hbm>>) dst(%arg7 : memref<128x128xf32, #tpu.memory_space<vmem>>)
    %run_scoped3A = arith.constant 38 : i32
    "tpu.region"() ({
      %run_scoped3A_66 = tpu.sem_alloc : memref<!tpu.dma_semaphore, #tpu.memory_space<semaphore_mem>>
      %dma_start3A_67 = arith.constant 0 : i32
      %dma_start3A_68 = tpu.memref_slice %arg6[%run_scoped3A, %dma_start3A_67] : memref<40x128xi32, #tpu.memory_space<vmem>> -> memref<1x128xi32, #tpu.memory_space<vmem>>
      %dma_start3A_69 = tpu.memref_squeeze %dma_start3A_68 : memref<1x128xi32, #tpu.memory_space<vmem>> -> memref<128xi32, #tpu.memory_space<vmem>>
      %dma_start3A_70 = arith.constant 0 : i32
      %dma_start3A_71 = arith.constant 0 : i32
      %dma_start3A_72 = tpu.memref_slice %arg9[%dma_start3A_70, %dma_start3A_71] : memref<10240x128xf32, #tpu.memory_space<vmem_shared>> -> memref<10240x128xf32, #tpu.memory_space<vmem_shared>>
      tpu.enqueue_indirect_dma source(%arg7 : memref<128x128xf32, #tpu.memory_space<vmem>>) target(%dma_start3A_72 : memref<10240x128xf32, #tpu.memory_space<vmem_shared>>) offsets(%dma_start3A_69 : memref<128xi32, #tpu.memory_space<vmem>>) semaphore(%run_scoped3A_66 : memref<!tpu.dma_semaphore, #tpu.memory_space<semaphore_mem>>) {add = true}
      %dma_wait3A_73 = arith.constant 0 : i32
      %dma_wait3A_74 = tpu.memref_slice %arg6[%run_scoped3A, %dma_wait3A_73] : memref<40x128xi32, #tpu.memory_space<vmem>> -> memref<1x128xi32, #tpu.memory_space<vmem>>
      %dma_wait3A_75 = tpu.memref_squeeze %dma_wait3A_74 : memref<1x128xi32, #tpu.memory_space<vmem>> -> memref<128xi32, #tpu.memory_space<vmem>>
      %dma_wait3A_76 = arith.constant 0 : i32
      %dma_wait3A_77 = arith.constant 0 : i32
      %dma_wait3A_78 = tpu.memref_slice %arg9[%dma_wait3A_76, %dma_wait3A_77] : memref<10240x128xf32, #tpu.memory_space<vmem_shared>> -> memref<10240x128xf32, #tpu.memory_space<vmem_shared>>
      tpu.wait_indirect_dma semaphore(%run_scoped3A_66 : memref<!tpu.dma_semaphore, #tpu.memory_space<semaphore_mem>>) src(%arg7 : memref<128x128xf32, #tpu.memory_space<vmem>>) dst(%dma_wait3A_78 : memref<10240x128xf32, #tpu.memory_space<vmem_shared>>)
      tpu.yield
    }) : () -> ()
    %add3A_46 = arith.constant 4992 : i32
    %add3A_47 = arith.addi %mul3A_2, %add3A_46 : i32
    %dma_wait3A_48 = arith.constant 0 : i32
    %dma_wait3A_49 = arith.constant 0 : i32
    %dma_wait3A_50 = tpu.memref_slice %arg2[%arg0, %dma_wait3A_48, %dma_wait3A_49] : memref<2x81920x128xf32, #tpu.memory_space<hbm>> -> memref<1x81920x128xf32, #tpu.memory_space<hbm>>
    %dma_wait3A_51 = tpu.memref_squeeze %dma_wait3A_50 : memref<1x81920x128xf32, #tpu.memory_space<hbm>> -> memref<81920x128xf32, #tpu.memory_space<hbm>>
    %dma_wait3A_52 = arith.constant 0 : i32
    %dma_wait3A_53 = tpu.memref_slice %dma_wait3A_51[%add3A_47, %dma_wait3A_52] : memref<81920x128xf32, #tpu.memory_space<hbm>> -> memref<128x128xf32, #tpu.memory_space<hbm>>
    %dma_wait3A_54 = arith.constant 0 : i32
    %dma_wait3A_55 = arith.constant 0 : i32
    %dma_wait3A_56 = tpu.memref_slice %arg2[%arg0, %dma_wait3A_54, %dma_wait3A_55] : memref<2x81920x128xf32, #tpu.memory_space<hbm>> -> memref<1x81920x128xf32, #tpu.memory_space<hbm>>
    %dma_wait3A_57 = tpu.memref_squeeze %dma_wait3A_56 : memref<1x81920x128xf32, #tpu.memory_space<hbm>> -> memref<81920x128xf32, #tpu.memory_space<hbm>>
    %dma_wait3A_58 = arith.constant 0 : i32
    %dma_wait3A_59 = tpu.memref_slice %dma_wait3A_57[%add3A_47, %dma_wait3A_58] : memref<81920x128xf32, #tpu.memory_space<hbm>> -> memref<128x128xf32, #tpu.memory_space<hbm>>
    tpu.wait_dma2 semaphore(%arg11 : memref<!tpu.dma_semaphore, #tpu.memory_space<semaphore_mem>>) src(%dma_wait3A_59 : memref<128x128xf32, #tpu.memory_space<hbm>>) dst(%arg8 : memref<128x128xf32, #tpu.memory_space<vmem>>)
    %run_scoped3A_60 = arith.constant 39 : i32
    "tpu.region"() ({
      %run_scoped3A_66 = tpu.sem_alloc : memref<!tpu.dma_semaphore, #tpu.memory_space<semaphore_mem>>
      %dma_start3A_67 = arith.constant 0 : i32
      %dma_start3A_68 = tpu.memref_slice %arg6[%run_scoped3A_60, %dma_start3A_67] : memref<40x128xi32, #tpu.memory_space<vmem>> -> memref<1x128xi32, #tpu.memory_space<vmem>>
      %dma_start3A_69 = tpu.memref_squeeze %dma_start3A_68 : memref<1x128xi32, #tpu.memory_space<vmem>> -> memref<128xi32, #tpu.memory_space<vmem>>
      %dma_start3A_70 = arith.constant 0 : i32
      %dma_start3A_71 = arith.constant 0 : i32
      %dma_start3A_72 = tpu.memref_slice %arg9[%dma_start3A_70, %dma_start3A_71] : memref<10240x128xf32, #tpu.memory_space<vmem_shared>> -> memref<10240x128xf32, #tpu.memory_space<vmem_shared>>
      tpu.enqueue_indirect_dma source(%arg8 : memref<128x128xf32, #tpu.memory_space<vmem>>) target(%dma_start3A_72 : memref<10240x128xf32, #tpu.memory_space<vmem_shared>>) offsets(%dma_start3A_69 : memref<128xi32, #tpu.memory_space<vmem>>) semaphore(%run_scoped3A_66 : memref<!tpu.dma_semaphore, #tpu.memory_space<semaphore_mem>>) {add = true}
      %dma_wait3A_73 = arith.constant 0 : i32
      %dma_wait3A_74 = tpu.memref_slice %arg6[%run_scoped3A_60, %dma_wait3A_73] : memref<40x128xi32, #tpu.memory_space<vmem>> -> memref<1x128xi32, #tpu.memory_space<vmem>>
      %dma_wait3A_75 = tpu.memref_squeeze %dma_wait3A_74 : memref<1x128xi32, #tpu.memory_space<vmem>> -> memref<128xi32, #tpu.memory_space<vmem>>
      %dma_wait3A_76 = arith.constant 0 : i32
      %dma_wait3A_77 = arith.constant 0 : i32
      %dma_wait3A_78 = tpu.memref_slice %arg9[%dma_wait3A_76, %dma_wait3A_77] : memref<10240x128xf32, #tpu.memory_space<vmem_shared>> -> memref<10240x128xf32, #tpu.memory_space<vmem_shared>>
      tpu.wait_indirect_dma semaphore(%run_scoped3A_66 : memref<!tpu.dma_semaphore, #tpu.memory_space<semaphore_mem>>) src(%arg8 : memref<128x128xf32, #tpu.memory_space<vmem>>) dst(%dma_wait3A_78 : memref<10240x128xf32, #tpu.memory_space<vmem_shared>>)
      tpu.yield
    }) : () -> ()
    %barrier3A_61 = arith.constant 0 : index
    tpu.barrier barrier_id(%barrier3A_61)
    %mul3A_62 = arith.constant 640 : i32
    %mul3A_63 = arith.muli %arg1, %mul3A_62 : i32
    %mul3A_64 = arith.constant 640 : i32
    %mul3A_65 = arith.muli %arg1, %mul3A_64 : i32
    "tpu.region"() ({
      %run_scoped3A_66 = tpu.sem_alloc : memref<!tpu.dma_semaphore, #tpu.memory_space<semaphore_mem>>
      %dma_start3A_67 = arith.constant 0 : i32
      %dma_start3A_68 = arith.constant 0 : i32
      %dma_start3A_69 = tpu.memref_slice %arg5[%arg0, %dma_start3A_67, %dma_start3A_68] : memref<2x10240x128xf32, #tpu.memory_space<hbm>> -> memref<1x10240x128xf32, #tpu.memory_space<hbm>>
      %dma_start3A_70 = tpu.memref_squeeze %dma_start3A_69 : memref<1x10240x128xf32, #tpu.memory_space<hbm>> -> memref<10240x128xf32, #tpu.memory_space<hbm>>
      %dma_start3A_71 = arith.constant 0 : i32
      %dma_start3A_72 = tpu.memref_slice %dma_start3A_70[%mul3A_65, %dma_start3A_71] : memref<10240x128xf32, #tpu.memory_space<hbm>> -> memref<640x128xf32, #tpu.memory_space<hbm>>
      %dma_start3A_73 = arith.constant 0 : i32
      %dma_start3A_74 = tpu.memref_slice %arg9[%mul3A_63, %dma_start3A_73] : memref<10240x128xf32, #tpu.memory_space<vmem_shared>> -> memref<640x128xf32, #tpu.memory_space<vmem_shared>>
      tpu.enqueue_dma source(%dma_start3A_74 : memref<640x128xf32, #tpu.memory_space<vmem_shared>>) target(%dma_start3A_72 : memref<640x128xf32, #tpu.memory_space<hbm>>) target_semaphore(%run_scoped3A_66 : memref<!tpu.dma_semaphore, #tpu.memory_space<semaphore_mem>>)
      %dma_wait3A_75 = arith.constant 0 : i32
      %dma_wait3A_76 = arith.constant 0 : i32
      %dma_wait3A_77 = tpu.memref_slice %arg5[%arg0, %dma_wait3A_75, %dma_wait3A_76] : memref<2x10240x128xf32, #tpu.memory_space<hbm>> -> memref<1x10240x128xf32, #tpu.memory_space<hbm>>
      %dma_wait3A_78 = tpu.memref_squeeze %dma_wait3A_77 : memref<1x10240x128xf32, #tpu.memory_space<hbm>> -> memref<10240x128xf32, #tpu.memory_space<hbm>>
      %dma_wait3A_79 = arith.constant 0 : i32
      %dma_wait3A_80 = tpu.memref_slice %dma_wait3A_78[%mul3A_65, %dma_wait3A_79] : memref<10240x128xf32, #tpu.memory_space<hbm>> -> memref<640x128xf32, #tpu.memory_space<hbm>>
      %dma_wait3A_81 = arith.constant 0 : i32
      %dma_wait3A_82 = tpu.memref_slice %arg9[%mul3A_63, %dma_wait3A_81] : memref<10240x128xf32, #tpu.memory_space<vmem_shared>> -> memref<640x128xf32, #tpu.memory_space<vmem_shared>>
      tpu.wait_dma2 semaphore(%run_scoped3A_66 : memref<!tpu.dma_semaphore, #tpu.memory_space<semaphore_mem>>) src(%dma_wait3A_82 : memref<640x128xf32, #tpu.memory_space<vmem_shared>>) dst(%dma_wait3A_80 : memref<640x128xf32, #tpu.memory_space<hbm>>)
      tpu.yield
    }) : () -> ()
    return
  }
}

#map = affine_map<(d0, d1) -> (0, 0, 0)>
module attributes {stable_mosaic.version = 14 : i64} {
  func.func @k(%arg0: i32, %arg1: i32, %arg2: memref<2x81920x128xf32, #tpu.memory_space<hbm>>, %arg3: memref<16x40x128xi32, #tpu.memory_space<hbm>>, %arg4: memref<2x10240x128xf32, #tpu.memory_space<hbm>>, %arg5: memref<2x10240x128xf32, #tpu.memory_space<hbm>>, %arg6: memref<40x128xi32, #tpu.memory_space<vmem>>, %arg7: memref<128x128xf32, #tpu.memory_space<vmem>>, %arg8: memref<128x128xf32, #tpu.memory_space<vmem>>, %arg9: memref<10240x128xf32, #tpu.memory_space<vmem_shared>>, %arg10: memref<!tpu.dma_semaphore, #tpu.memory_space<semaphore_mem>>, %arg11: memref<!tpu.dma_semaphore, #tpu.memory_space<semaphore_mem>>) attributes {dimension_semantics = [#tpu.dimension_semantics<core_parallel>, #tpu.dimension_semantics<subcore_parallel>], iteration_bounds = array<i64: 2, 16>, scalar_prefetch = 0 : i64, scratch_operands = 6 : i64, tpu.core_type = #tpu.core_type<sc_vector_subcore>, window_params = [{transform_indices = #map}, {transform_indices = #map}, {transform_indices = #map}, {transform_indices = #map}]} {
    %eq3A = arith.constant 0 : i32
    %eq3A_0 = arith.cmpi eq, %arg1, %eq3A : i32
    %convert_element_type3A = arith.extui %eq3A_0 : i1 to i32
    %cond3A = arith.constant 0 : i32
    %cond3A_1 = arith.cmpi ne, %convert_element_type3A, %cond3A : i32
    scf.if %cond3A_1 {
      "tpu.region"() ({
        %run_scoped3A_66 = tpu.sem_alloc : memref<!tpu.dma_semaphore, #tpu.memory_space<semaphore_mem>>
        %dma_start3A_67 = arith.constant 0 : i32
        %dma_start3A_68 = arith.constant 0 : i32
        %dma_start3A_69 = tpu.memref_slice %arg4[%arg0, %dma_start3A_67, %dma_start3A_68] : memref<2x10240x128xf32, #tpu.memory_space<hbm>> -> memref<1x10240x128xf32, #tpu.memory_space<hbm>>
        %dma_start3A_70 = tpu.memref_squeeze %dma_start3A_69 : memref<1x10240x128xf32, #tpu.memory_space<hbm>> -> memref<10240x128xf32, #tpu.memory_space<hbm>>
        tpu.enqueue_dma source(%dma_start3A_70 : memref<10240x128xf32, #tpu.memory_space<hbm>>) target(%arg9 : memref<10240x128xf32, #tpu.memory_space<vmem_shared>>) target_semaphore(%run_scoped3A_66 : memref<!tpu.dma_semaphore, #tpu.memory_space<semaphore_mem>>)
        %dma_wait3A_71 = arith.constant 0 : i32
        %dma_wait3A_72 = arith.constant 0 : i32
        %dma_wait3A_73 = tpu.memref_slice %arg4[%arg0, %dma_wait3A_71, %dma_wait3A_72] : memref<2x10240x128xf32, #tpu.memory_space<hbm>> -> memref<1x10240x128xf32, #tpu.memory_space<hbm>>
        %dma_wait3A_74 = tpu.memref_squeeze %dma_wait3A_73 : memref<1x10240x128xf32, #tpu.memory_space<hbm>> -> memref<10240x128xf32, #tpu.memory_space<hbm>>
        tpu.wait_dma2 semaphore(%run_scoped3A_66 : memref<!tpu.dma_semaphore, #tpu.memory_space<semaphore_mem>>) src(%dma_wait3A_74 : memref<10240x128xf32, #tpu.memory_space<hbm>>) dst(%arg9 : memref<10240x128xf32, #tpu.memory_space<vmem_shared>>)
        tpu.yield
      }) : () -> ()
    } else {
    }
    "tpu.region"() ({
      %run_scoped3A_66 = tpu.sem_alloc : memref<!tpu.dma_semaphore, #tpu.memory_space<semaphore_mem>>
      %dma_start3A_67 = arith.constant 0 : i32
      %dma_start3A_68 = arith.constant 0 : i32
      %dma_start3A_69 = tpu.memref_slice %arg3[%arg1, %dma_start3A_67, %dma_start3A_68] : memref<16x40x128xi32, #tpu.memory_space<hbm>> -> memref<1x40x128xi32, #tpu.memory_space<hbm>>
      %dma_start3A_70 = tpu.memref_squeeze %dma_start3A_69 : memref<1x40x128xi32, #tpu.memory_space<hbm>> -> memref<40x128xi32, #tpu.memory_space<hbm>>
      %dma_start3A_71 = arith.constant 0 : i32
      %dma_start3A_72 = arith.constant 0 : i32
      %dma_start3A_73 = tpu.memref_slice %arg3[%arg1, %dma_start3A_71, %dma_start3A_72] : memref<16x40x128xi32, #tpu.memory_space<hbm>> -> memref<1x40x128xi32, #tpu.memory_space<hbm>>
      %dma_start3A_74 = tpu.memref_squeeze %dma_start3A_73 : memref<1x40x128xi32, #tpu.memory_space<hbm>> -> memref<40x128xi32, #tpu.memory_space<hbm>>
      tpu.enqueue_dma source(%dma_start3A_74 : memref<40x128xi32, #tpu.memory_space<hbm>>) target(%arg6 : memref<40x128xi32, #tpu.memory_space<vmem>>) target_semaphore(%run_scoped3A_66 : memref<!tpu.dma_semaphore, #tpu.memory_space<semaphore_mem>>)
      %dma_wait3A_75 = arith.constant 0 : i32
      %dma_wait3A_76 = arith.constant 0 : i32
      %dma_wait3A_77 = tpu.memref_slice %arg3[%arg1, %dma_wait3A_75, %dma_wait3A_76] : memref<16x40x128xi32, #tpu.memory_space<hbm>> -> memref<1x40x128xi32, #tpu.memory_space<hbm>>
      %dma_wait3A_78 = tpu.memref_squeeze %dma_wait3A_77 : memref<1x40x128xi32, #tpu.memory_space<hbm>> -> memref<40x128xi32, #tpu.memory_space<hbm>>
      %dma_wait3A_79 = arith.constant 0 : i32
      %dma_wait3A_80 = arith.constant 0 : i32
      %dma_wait3A_81 = tpu.memref_slice %arg3[%arg1, %dma_wait3A_79, %dma_wait3A_80] : memref<16x40x128xi32, #tpu.memory_space<hbm>> -> memref<1x40x128xi32, #tpu.memory_space<hbm>>
      %dma_wait3A_82 = tpu.memref_squeeze %dma_wait3A_81 : memref<1x40x128xi32, #tpu.memory_space<hbm>> -> memref<40x128xi32, #tpu.memory_space<hbm>>
      tpu.wait_dma2 semaphore(%run_scoped3A_66 : memref<!tpu.dma_semaphore, #tpu.memory_space<semaphore_mem>>) src(%dma_wait3A_82 : memref<40x128xi32, #tpu.memory_space<hbm>>) dst(%arg6 : memref<40x128xi32, #tpu.memory_space<vmem>>)
      tpu.yield
    }) : () -> ()
    %barrier3A = arith.constant 0 : index
    tpu.barrier barrier_id(%barrier3A)
    %mul3A = arith.constant 5120 : i32
    %mul3A_2 = arith.muli %arg1, %mul3A : i32
    %add3A = arith.constant 0 : i32
    %add3A_3 = arith.addi %mul3A_2, %add3A : i32
    %dma_start3A = arith.constant 0 : i32
    %dma_start3A_4 = arith.constant 0 : i32
    %dma_start3A_5 = tpu.memref_slice %arg2[%arg0, %dma_start3A, %dma_start3A_4] : memref<2x81920x128xf32, #tpu.memory_space<hbm>> -> memref<1x81920x128xf32, #tpu.memory_space<hbm>>
    %dma_start3A_6 = tpu.memref_squeeze %dma_start3A_5 : memref<1x81920x128xf32, #tpu.memory_space<hbm>> -> memref<81920x128xf32, #tpu.memory_space<hbm>>
    %dma_start3A_7 = arith.constant 0 : i32
    %dma_start3A_8 = tpu.memref_slice %dma_start3A_6[%add3A_3, %dma_start3A_7] : memref<81920x128xf32, #tpu.memory_space<hbm>> -> memref<128x128xf32, #tpu.memory_space<hbm>>
    %dma_start3A_9 = arith.constant 0 : i32
    %dma_start3A_10 = arith.constant 0 : i32
    %dma_start3A_11 = tpu.memref_slice %arg2[%arg0, %dma_start3A_9, %dma_start3A_10] : memref<2x81920x128xf32, #tpu.memory_space<hbm>> -> memref<1x81920x128xf32, #tpu.memory_space<hbm>>
    %dma_start3A_12 = tpu.memref_squeeze %dma_start3A_11 : memref<1x81920x128xf32, #tpu.memory_space<hbm>> -> memref<81920x128xf32, #tpu.memory_space<hbm>>
    %dma_start3A_13 = arith.constant 0 : i32
    %dma_start3A_14 = tpu.memref_slice %dma_start3A_12[%add3A_3, %dma_start3A_13] : memref<81920x128xf32, #tpu.memory_space<hbm>> -> memref<128x128xf32, #tpu.memory_space<hbm>>
    tpu.enqueue_dma source(%dma_start3A_14 : memref<128x128xf32, #tpu.memory_space<hbm>>) target(%arg7 : memref<128x128xf32, #tpu.memory_space<vmem>>) target_semaphore(%arg10 : memref<!tpu.dma_semaphore, #tpu.memory_space<semaphore_mem>>)
    %add3A_15 = arith.constant 128 : i32
    %add3A_16 = arith.addi %mul3A_2, %add3A_15 : i32
    %dma_start3A_17 = arith.constant 0 : i32
    %dma_start3A_18 = arith.constant 0 : i32
    %dma_start3A_19 = tpu.memref_slice %arg2[%arg0, %dma_start3A_17, %dma_start3A_18] : memref<2x81920x128xf32, #tpu.memory_space<hbm>> -> memref<1x81920x128xf32, #tpu.memory_space<hbm>>
    %dma_start3A_20 = tpu.memref_squeeze %dma_start3A_19 : memref<1x81920x128xf32, #tpu.memory_space<hbm>> -> memref<81920x128xf32, #tpu.memory_space<hbm>>
    %dma_start3A_21 = arith.constant 0 : i32
    %dma_start3A_22 = tpu.memref_slice %dma_start3A_20[%add3A_16, %dma_start3A_21] : memref<81920x128xf32, #tpu.memory_space<hbm>> -> memref<128x128xf32, #tpu.memory_space<hbm>>
    %dma_start3A_23 = arith.constant 0 : i32
    %dma_start3A_24 = arith.constant 0 : i32
    %dma_start3A_25 = tpu.memref_slice %arg2[%arg0, %dma_start3A_23, %dma_start3A_24] : memref<2x81920x128xf32, #tpu.memory_space<hbm>> -> memref<1x81920x128xf32, #tpu.memory_space<hbm>>
    %dma_start3A_26 = tpu.memref_squeeze %dma_start3A_25 : memref<1x81920x128xf32, #tpu.memory_space<hbm>> -> memref<81920x128xf32, #tpu.memory_space<hbm>>
    %dma_start3A_27 = arith.constant 0 : i32
    %dma_start3A_28 = tpu.memref_slice %dma_start3A_26[%add3A_16, %dma_start3A_27] : memref<81920x128xf32, #tpu.memory_space<hbm>> -> memref<128x128xf32, #tpu.memory_space<hbm>>
    tpu.enqueue_dma source(%dma_start3A_28 : memref<128x128xf32, #tpu.memory_space<hbm>>) target(%arg8 : memref<128x128xf32, #tpu.memory_space<vmem>>) target_semaphore(%arg11 : memref<!tpu.dma_semaphore, #tpu.memory_space<semaphore_mem>>)
    %scan3A = arith.constant 0 : i32
    %scan3A_29 = arith.constant 19 : i32
    %scan3A_30 = arith.addi %scan3A, %scan3A_29 : i32
    %scan3A_31 = arith.constant 1 : i32
    scf.for %scan3A_66 = %scan3A to %scan3A_30 step %scan3A_31  : i32 {
      %mul3A_67 = arith.constant 1 : i32
      %mul3A_68 = arith.muli %scan3A_66, %mul3A_67 : i32
      %add3A_69 = arith.constant 0 : i32
      %add3A_70 = arith.addi %add3A_69, %mul3A_68 : i32
      %mul3A_71 = arith.constant 2 : i32
      %mul3A_72 = arith.muli %mul3A_71, %add3A_70 : i32
      %mul3A_73 = arith.constant 128 : i32
      %mul3A_74 = arith.muli %mul3A_72, %mul3A_73 : i32
      %add3A_75 = arith.addi %mul3A_2, %mul3A_74 : i32
      %dma_wait3A_76 = arith.constant 0 : i32
      %dma_wait3A_77 = arith.constant 0 : i32
      %dma_wait3A_78 = tpu.memref_slice %arg2[%arg0, %dma_wait3A_76, %dma_wait3A_77] : memref<2x81920x128xf32, #tpu.memory_space<hbm>> -> memref<1x81920x128xf32, #tpu.memory_space<hbm>>
      %dma_wait3A_79 = tpu.memref_squeeze %dma_wait3A_78 : memref<1x81920x128xf32, #tpu.memory_space<hbm>> -> memref<81920x128xf32, #tpu.memory_space<hbm>>
      %dma_wait3A_80 = arith.constant 0 : i32
      %dma_wait3A_81 = tpu.memref_slice %dma_wait3A_79[%add3A_75, %dma_wait3A_80] : memref<81920x128xf32, #tpu.memory_space<hbm>> -> memref<128x128xf32, #tpu.memory_space<hbm>>
      %dma_wait3A_82 = arith.constant 0 : i32
      %dma_wait3A_83 = arith.constant 0 : i32
      %dma_wait3A_84 = tpu.memref_slice %arg2[%arg0, %dma_wait3A_82, %dma_wait3A_83] : memref<2x81920x128xf32, #tpu.memory_space<hbm>> -> memref<1x81920x128xf32, #tpu.memory_space<hbm>>
      %dma_wait3A_85 = tpu.memref_squeeze %dma_wait3A_84 : memref<1x81920x128xf32, #tpu.memory_space<hbm>> -> memref<81920x128xf32, #tpu.memory_space<hbm>>
      %dma_wait3A_86 = arith.constant 0 : i32
      %dma_wait3A_87 = tpu.memref_slice %dma_wait3A_85[%add3A_75, %dma_wait3A_86] : memref<81920x128xf32, #tpu.memory_space<hbm>> -> memref<128x128xf32, #tpu.memory_space<hbm>>
      tpu.wait_dma2 semaphore(%arg10 : memref<!tpu.dma_semaphore, #tpu.memory_space<semaphore_mem>>) src(%dma_wait3A_87 : memref<128x128xf32, #tpu.memory_space<hbm>>) dst(%arg7 : memref<128x128xf32, #tpu.memory_space<vmem>>)
      "tpu.region"() ({
        %run_scoped3A_141 = tpu.sem_alloc : memref<!tpu.dma_semaphore, #tpu.memory_space<semaphore_mem>>
        %dma_start3A_142 = arith.constant 0 : i32
        %dma_start3A_143 = tpu.memref_slice %arg6[%mul3A_72, %dma_start3A_142] : memref<40x128xi32, #tpu.memory_space<vmem>> -> memref<1x128xi32, #tpu.memory_space<vmem>>
        %dma_start3A_144 = tpu.memref_squeeze %dma_start3A_143 : memref<1x128xi32, #tpu.memory_space<vmem>> -> memref<128xi32, #tpu.memory_space<vmem>>
        %dma_start3A_145 = arith.constant 0 : i32
        %dma_start3A_146 = arith.constant 0 : i32
        %dma_start3A_147 = tpu.memref_slice %arg9[%dma_start3A_145, %dma_start3A_146] : memref<10240x128xf32, #tpu.memory_space<vmem_shared>> -> memref<10240x128xf32, #tpu.memory_space<vmem_shared>>
        tpu.enqueue_indirect_dma source(%arg7 : memref<128x128xf32, #tpu.memory_space<vmem>>) target(%dma_start3A_147 : memref<10240x128xf32, #tpu.memory_space<vmem_shared>>) offsets(%dma_start3A_144 : memref<128xi32, #tpu.memory_space<vmem>>) semaphore(%run_scoped3A_141 : memref<!tpu.dma_semaphore, #tpu.memory_space<semaphore_mem>>) {add = true}
        %dma_wait3A_148 = arith.constant 0 : i32
        %dma_wait3A_149 = tpu.memref_slice %arg6[%mul3A_72, %dma_wait3A_148] : memref<40x128xi32, #tpu.memory_space<vmem>> -> memref<1x128xi32, #tpu.memory_space<vmem>>
        %dma_wait3A_150 = tpu.memref_squeeze %dma_wait3A_149 : memref<1x128xi32, #tpu.memory_space<vmem>> -> memref<128xi32, #tpu.memory_space<vmem>>
        %dma_wait3A_151 = arith.constant 0 : i32
        %dma_wait3A_152 = arith.constant 0 : i32
        %dma_wait3A_153 = tpu.memref_slice %arg9[%dma_wait3A_151, %dma_wait3A_152] : memref<10240x128xf32, #tpu.memory_space<vmem_shared>> -> memref<10240x128xf32, #tpu.memory_space<vmem_shared>>
        tpu.wait_indirect_dma semaphore(%run_scoped3A_141 : memref<!tpu.dma_semaphore, #tpu.memory_space<semaphore_mem>>) src(%arg7 : memref<128x128xf32, #tpu.memory_space<vmem>>) dst(%dma_wait3A_153 : memref<10240x128xf32, #tpu.memory_space<vmem_shared>>)
        tpu.yield
      }) : () -> ()
      %add3A_88 = arith.constant 2 : i32
      %add3A_89 = arith.addi %mul3A_72, %add3A_88 : i32
      %mul3A_90 = arith.constant 128 : i32
      %mul3A_91 = arith.muli %add3A_89, %mul3A_90 : i32
      %add3A_92 = arith.addi %mul3A_2, %mul3A_91 : i32
      %dma_start3A_93 = arith.constant 0 : i32
      %dma_start3A_94 = arith.constant 0 : i32
      %dma_start3A_95 = tpu.memref_slice %arg2[%arg0, %dma_start3A_93, %dma_start3A_94] : memref<2x81920x128xf32, #tpu.memory_space<hbm>> -> memref<1x81920x128xf32, #tpu.memory_space<hbm>>
      %dma_start3A_96 = tpu.memref_squeeze %dma_start3A_95 : memref<1x81920x128xf32, #tpu.memory_space<hbm>> -> memref<81920x128xf32, #tpu.memory_space<hbm>>
      %dma_start3A_97 = arith.constant 0 : i32
      %dma_start3A_98 = tpu.memref_slice %dma_start3A_96[%add3A_92, %dma_start3A_97] : memref<81920x128xf32, #tpu.memory_space<hbm>> -> memref<128x128xf32, #tpu.memory_space<hbm>>
      %dma_start3A_99 = arith.constant 0 : i32
      %dma_start3A_100 = arith.constant 0 : i32
      %dma_start3A_101 = tpu.memref_slice %arg2[%arg0, %dma_start3A_99, %dma_start3A_100] : memref<2x81920x128xf32, #tpu.memory_space<hbm>> -> memref<1x81920x128xf32, #tpu.memory_space<hbm>>
      %dma_start3A_102 = tpu.memref_squeeze %dma_start3A_101 : memref<1x81920x128xf32, #tpu.memory_space<hbm>> -> memref<81920x128xf32, #tpu.memory_space<hbm>>
      %dma_start3A_103 = arith.constant 0 : i32
      %dma_start3A_104 = tpu.memref_slice %dma_start3A_102[%add3A_92, %dma_start3A_103] : memref<81920x128xf32, #tpu.memory_space<hbm>> -> memref<128x128xf32, #tpu.memory_space<hbm>>
      tpu.enqueue_dma source(%dma_start3A_104 : memref<128x128xf32, #tpu.memory_space<hbm>>) target(%arg7 : memref<128x128xf32, #tpu.memory_space<vmem>>) target_semaphore(%arg10 : memref<!tpu.dma_semaphore, #tpu.memory_space<semaphore_mem>>)
      %add3A_105 = arith.constant 1 : i32
      %add3A_106 = arith.addi %mul3A_72, %add3A_105 : i32
      %mul3A_107 = arith.constant 128 : i32
      %mul3A_108 = arith.muli %add3A_106, %mul3A_107 : i32
      %add3A_109 = arith.addi %mul3A_2, %mul3A_108 : i32
      %dma_wait3A_110 = arith.constant 0 : i32
      %dma_wait3A_111 = arith.constant 0 : i32
      %dma_wait3A_112 = tpu.memref_slice %arg2[%arg0, %dma_wait3A_110, %dma_wait3A_111] : memref<2x81920x128xf32, #tpu.memory_space<hbm>> -> memref<1x81920x128xf32, #tpu.memory_space<hbm>>
      %dma_wait3A_113 = tpu.memref_squeeze %dma_wait3A_112 : memref<1x81920x128xf32, #tpu.memory_space<hbm>> -> memref<81920x128xf32, #tpu.memory_space<hbm>>
      %dma_wait3A_114 = arith.constant 0 : i32
      %dma_wait3A_115 = tpu.memref_slice %dma_wait3A_113[%add3A_109, %dma_wait3A_114] : memref<81920x128xf32, #tpu.memory_space<hbm>> -> memref<128x128xf32, #tpu.memory_space<hbm>>
      %dma_wait3A_116 = arith.constant 0 : i32
      %dma_wait3A_117 = arith.constant 0 : i32
      %dma_wait3A_118 = tpu.memref_slice %arg2[%arg0, %dma_wait3A_116, %dma_wait3A_117] : memref<2x81920x128xf32, #tpu.memory_space<hbm>> -> memref<1x81920x128xf32, #tpu.memory_space<hbm>>
      %dma_wait3A_119 = tpu.memref_squeeze %dma_wait3A_118 : memref<1x81920x128xf32, #tpu.memory_space<hbm>> -> memref<81920x128xf32, #tpu.memory_space<hbm>>
      %dma_wait3A_120 = arith.constant 0 : i32
      %dma_wait3A_121 = tpu.memref_slice %dma_wait3A_119[%add3A_109, %dma_wait3A_120] : memref<81920x128xf32, #tpu.memory_space<hbm>> -> memref<128x128xf32, #tpu.memory_space<hbm>>
      tpu.wait_dma2 semaphore(%arg11 : memref<!tpu.dma_semaphore, #tpu.memory_space<semaphore_mem>>) src(%dma_wait3A_121 : memref<128x128xf32, #tpu.memory_space<hbm>>) dst(%arg8 : memref<128x128xf32, #tpu.memory_space<vmem>>)
      %add3A_122 = arith.constant 1 : i32
      %add3A_123 = arith.addi %mul3A_72, %add3A_122 : i32
      "tpu.region"() ({
        %run_scoped3A_141 = tpu.sem_alloc : memref<!tpu.dma_semaphore, #tpu.memory_space<semaphore_mem>>
        %dma_start3A_142 = arith.constant 0 : i32
        %dma_start3A_143 = tpu.memref_slice %arg6[%add3A_123, %dma_start3A_142] : memref<40x128xi32, #tpu.memory_space<vmem>> -> memref<1x128xi32, #tpu.memory_space<vmem>>
        %dma_start3A_144 = tpu.memref_squeeze %dma_start3A_143 : memref<1x128xi32, #tpu.memory_space<vmem>> -> memref<128xi32, #tpu.memory_space<vmem>>
        %dma_start3A_145 = arith.constant 0 : i32
        %dma_start3A_146 = arith.constant 0 : i32
        %dma_start3A_147 = tpu.memref_slice %arg9[%dma_start3A_145, %dma_start3A_146] : memref<10240x128xf32, #tpu.memory_space<vmem_shared>> -> memref<10240x128xf32, #tpu.memory_space<vmem_shared>>
        tpu.enqueue_indirect_dma source(%arg8 : memref<128x128xf32, #tpu.memory_space<vmem>>) target(%dma_start3A_147 : memref<10240x128xf32, #tpu.memory_space<vmem_shared>>) offsets(%dma_start3A_144 : memref<128xi32, #tpu.memory_space<vmem>>) semaphore(%run_scoped3A_141 : memref<!tpu.dma_semaphore, #tpu.memory_space<semaphore_mem>>) {add = true}
        %dma_wait3A_148 = arith.constant 0 : i32
        %dma_wait3A_149 = tpu.memref_slice %arg6[%add3A_123, %dma_wait3A_148] : memref<40x128xi32, #tpu.memory_space<vmem>> -> memref<1x128xi32, #tpu.memory_space<vmem>>
        %dma_wait3A_150 = tpu.memref_squeeze %dma_wait3A_149 : memref<1x128xi32, #tpu.memory_space<vmem>> -> memref<128xi32, #tpu.memory_space<vmem>>
        %dma_wait3A_151 = arith.constant 0 : i32
        %dma_wait3A_152 = arith.constant 0 : i32
        %dma_wait3A_153 = tpu.memref_slice %arg9[%dma_wait3A_151, %dma_wait3A_152] : memref<10240x128xf32, #tpu.memory_space<vmem_shared>> -> memref<10240x128xf32, #tpu.memory_space<vmem_shared>>
        tpu.wait_indirect_dma semaphore(%run_scoped3A_141 : memref<!tpu.dma_semaphore, #tpu.memory_space<semaphore_mem>>) src(%arg8 : memref<128x128xf32, #tpu.memory_space<vmem>>) dst(%dma_wait3A_153 : memref<10240x128xf32, #tpu.memory_space<vmem_shared>>)
        tpu.yield
      }) : () -> ()
      %add3A_124 = arith.constant 3 : i32
      %add3A_125 = arith.addi %mul3A_72, %add3A_124 : i32
      %mul3A_126 = arith.constant 128 : i32
      %mul3A_127 = arith.muli %add3A_125, %mul3A_126 : i32
      %add3A_128 = arith.addi %mul3A_2, %mul3A_127 : i32
      %dma_start3A_129 = arith.constant 0 : i32
      %dma_start3A_130 = arith.constant 0 : i32
      %dma_start3A_131 = tpu.memref_slice %arg2[%arg0, %dma_start3A_129, %dma_start3A_130] : memref<2x81920x128xf32, #tpu.memory_space<hbm>> -> memref<1x81920x128xf32, #tpu.memory_space<hbm>>
      %dma_start3A_132 = tpu.memref_squeeze %dma_start3A_131 : memref<1x81920x128xf32, #tpu.memory_space<hbm>> -> memref<81920x128xf32, #tpu.memory_space<hbm>>
      %dma_start3A_133 = arith.constant 0 : i32
      %dma_start3A_134 = tpu.memref_slice %dma_start3A_132[%add3A_128, %dma_start3A_133] : memref<81920x128xf32, #tpu.memory_space<hbm>> -> memref<128x128xf32, #tpu.memory_space<hbm>>
      %dma_start3A_135 = arith.constant 0 : i32
      %dma_start3A_136 = arith.constant 0 : i32
      %dma_start3A_137 = tpu.memref_slice %arg2[%arg0, %dma_start3A_135, %dma_start3A_136] : memref<2x81920x128xf32, #tpu.memory_space<hbm>> -> memref<1x81920x128xf32, #tpu.memory_space<hbm>>
      %dma_start3A_138 = tpu.memref_squeeze %dma_start3A_137 : memref<1x81920x128xf32, #tpu.memory_space<hbm>> -> memref<81920x128xf32, #tpu.memory_space<hbm>>
      %dma_start3A_139 = arith.constant 0 : i32
      %dma_start3A_140 = tpu.memref_slice %dma_start3A_138[%add3A_128, %dma_start3A_139] : memref<81920x128xf32, #tpu.memory_space<hbm>> -> memref<128x128xf32, #tpu.memory_space<hbm>>
      tpu.enqueue_dma source(%dma_start3A_140 : memref<128x128xf32, #tpu.memory_space<hbm>>) target(%arg8 : memref<128x128xf32, #tpu.memory_space<vmem>>) target_semaphore(%arg11 : memref<!tpu.dma_semaphore, #tpu.memory_space<semaphore_mem>>)
    }
    %scan3A_32 = arith.constant 19 : i32
    %add3A_33 = arith.constant 4864 : i32
    %add3A_34 = arith.addi %mul3A_2, %add3A_33 : i32
    %dma_wait3A = arith.constant 0 : i32
    %dma_wait3A_35 = arith.constant 0 : i32
    %dma_wait3A_36 = tpu.memref_slice %arg2[%arg0, %dma_wait3A, %dma_wait3A_35] : memref<2x81920x128xf32, #tpu.memory_space<hbm>> -> memref<1x81920x128xf32, #tpu.memory_space<hbm>>
    %dma_wait3A_37 = tpu.memref_squeeze %dma_wait3A_36 : memref<1x81920x128xf32, #tpu.memory_space<hbm>> -> memref<81920x128xf32, #tpu.memory_space<hbm>>
    %dma_wait3A_38 = arith.constant 0 : i32
    %dma_wait3A_39 = tpu.memref_slice %dma_wait3A_37[%add3A_34, %dma_wait3A_38] : memref<81920x128xf32, #tpu.memory_space<hbm>> -> memref<128x128xf32, #tpu.memory_space<hbm>>
    %dma_wait3A_40 = arith.constant 0 : i32
    %dma_wait3A_41 = arith.constant 0 : i32
    %dma_wait3A_42 = tpu.memref_slice %arg2[%arg0, %dma_wait3A_40, %dma_wait3A_41] : memref<2x81920x128xf32, #tpu.memory_space<hbm>> -> memref<1x81920x128xf32, #tpu.memory_space<hbm>>
    %dma_wait3A_43 = tpu.memref_squeeze %dma_wait3A_42 : memref<1x81920x128xf32, #tpu.memory_space<hbm>> -> memref<81920x128xf32, #tpu.memory_space<hbm>>
    %dma_wait3A_44 = arith.constant 0 : i32
    %dma_wait3A_45 = tpu.memref_slice %dma_wait3A_43[%add3A_34, %dma_wait3A_44] : memref<81920x128xf32, #tpu.memory_space<hbm>> -> memref<128x128xf32, #tpu.memory_space<hbm>>
    tpu.wait_dma2 semaphore(%arg10 : memref<!tpu.dma_semaphore, #tpu.memory_space<semaphore_mem>>) src(%dma_wait3A_45 : memref<128x128xf32, #tpu.memory_space<hbm>>) dst(%arg7 : memref<128x128xf32, #tpu.memory_space<vmem>>)
    %run_scoped3A = arith.constant 38 : i32
    "tpu.region"() ({
      %run_scoped3A_66 = tpu.sem_alloc : memref<!tpu.dma_semaphore, #tpu.memory_space<semaphore_mem>>
      %dma_start3A_67 = arith.constant 0 : i32
      %dma_start3A_68 = tpu.memref_slice %arg6[%run_scoped3A, %dma_start3A_67] : memref<40x128xi32, #tpu.memory_space<vmem>> -> memref<1x128xi32, #tpu.memory_space<vmem>>
      %dma_start3A_69 = tpu.memref_squeeze %dma_start3A_68 : memref<1x128xi32, #tpu.memory_space<vmem>> -> memref<128xi32, #tpu.memory_space<vmem>>
      %dma_start3A_70 = arith.constant 0 : i32
      %dma_start3A_71 = arith.constant 0 : i32
      %dma_start3A_72 = tpu.memref_slice %arg9[%dma_start3A_70, %dma_start3A_71] : memref<10240x128xf32, #tpu.memory_space<vmem_shared>> -> memref<10240x128xf32, #tpu.memory_space<vmem_shared>>
      tpu.enqueue_indirect_dma source(%arg7 : memref<128x128xf32, #tpu.memory_space<vmem>>) target(%dma_start3A_72 : memref<10240x128xf32, #tpu.memory_space<vmem_shared>>) offsets(%dma_start3A_69 : memref<128xi32, #tpu.memory_space<vmem>>) semaphore(%run_scoped3A_66 : memref<!tpu.dma_semaphore, #tpu.memory_space<semaphore_mem>>) {add = true}
      %dma_wait3A_73 = arith.constant 0 : i32
      %dma_wait3A_74 = tpu.memref_slice %arg6[%run_scoped3A, %dma_wait3A_73] : memref<40x128xi32, #tpu.memory_space<vmem>> -> memref<1x128xi32, #tpu.memory_space<vmem>>
      %dma_wait3A_75 = tpu.memref_squeeze %dma_wait3A_74 : memref<1x128xi32, #tpu.memory_space<vmem>> -> memref<128xi32, #tpu.memory_space<vmem>>
      %dma_wait3A_76 = arith.constant 0 : i32
      %dma_wait3A_77 = arith.constant 0 : i32
      %dma_wait3A_78 = tpu.memref_slice %arg9[%dma_wait3A_76, %dma_wait3A_77] : memref<10240x128xf32, #tpu.memory_space<vmem_shared>> -> memref<10240x128xf32, #tpu.memory_space<vmem_shared>>
      tpu.wait_indirect_dma semaphore(%run_scoped3A_66 : memref<!tpu.dma_semaphore, #tpu.memory_space<semaphore_mem>>) src(%arg7 : memref<128x128xf32, #tpu.memory_space<vmem>>) dst(%dma_wait3A_78 : memref<10240x128xf32, #tpu.memory_space<vmem_shared>>)
      tpu.yield
    }) : () -> ()
    %add3A_46 = arith.constant 4992 : i32
    %add3A_47 = arith.addi %mul3A_2, %add3A_46 : i32
    %dma_wait3A_48 = arith.constant 0 : i32
    %dma_wait3A_49 = arith.constant 0 : i32
    %dma_wait3A_50 = tpu.memref_slice %arg2[%arg0, %dma_wait3A_48, %dma_wait3A_49] : memref<2x81920x128xf32, #tpu.memory_space<hbm>> -> memref<1x81920x128xf32, #tpu.memory_space<hbm>>
    %dma_wait3A_51 = tpu.memref_squeeze %dma_wait3A_50 : memref<1x81920x128xf32, #tpu.memory_space<hbm>> -> memref<81920x128xf32, #tpu.memory_space<hbm>>
    %dma_wait3A_52 = arith.constant 0 : i32
    %dma_wait3A_53 = tpu.memref_slice %dma_wait3A_51[%add3A_47, %dma_wait3A_52] : memref<81920x128xf32, #tpu.memory_space<hbm>> -> memref<128x128xf32, #tpu.memory_space<hbm>>
    %dma_wait3A_54 = arith.constant 0 : i32
    %dma_wait3A_55 = arith.constant 0 : i32
    %dma_wait3A_56 = tpu.memref_slice %arg2[%arg0, %dma_wait3A_54, %dma_wait3A_55] : memref<2x81920x128xf32, #tpu.memory_space<hbm>> -> memref<1x81920x128xf32, #tpu.memory_space<hbm>>
    %dma_wait3A_57 = tpu.memref_squeeze %dma_wait3A_56 : memref<1x81920x128xf32, #tpu.memory_space<hbm>> -> memref<81920x128xf32, #tpu.memory_space<hbm>>
    %dma_wait3A_58 = arith.constant 0 : i32
    %dma_wait3A_59 = tpu.memref_slice %dma_wait3A_57[%add3A_47, %dma_wait3A_58] : memref<81920x128xf32, #tpu.memory_space<hbm>> -> memref<128x128xf32, #tpu.memory_space<hbm>>
    tpu.wait_dma2 semaphore(%arg11 : memref<!tpu.dma_semaphore, #tpu.memory_space<semaphore_mem>>) src(%dma_wait3A_59 : memref<128x128xf32, #tpu.memory_space<hbm>>) dst(%arg8 : memref<128x128xf32, #tpu.memory_space<vmem>>)
    %run_scoped3A_60 = arith.constant 39 : i32
    "tpu.region"() ({
      %run_scoped3A_66 = tpu.sem_alloc : memref<!tpu.dma_semaphore, #tpu.memory_space<semaphore_mem>>
      %dma_start3A_67 = arith.constant 0 : i32
      %dma_start3A_68 = tpu.memref_slice %arg6[%run_scoped3A_60, %dma_start3A_67] : memref<40x128xi32, #tpu.memory_space<vmem>> -> memref<1x128xi32, #tpu.memory_space<vmem>>
      %dma_start3A_69 = tpu.memref_squeeze %dma_start3A_68 : memref<1x128xi32, #tpu.memory_space<vmem>> -> memref<128xi32, #tpu.memory_space<vmem>>
      %dma_start3A_70 = arith.constant 0 : i32
      %dma_start3A_71 = arith.constant 0 : i32
      %dma_start3A_72 = tpu.memref_slice %arg9[%dma_start3A_70, %dma_start3A_71] : memref<10240x128xf32, #tpu.memory_space<vmem_shared>> -> memref<10240x128xf32, #tpu.memory_space<vmem_shared>>
      tpu.enqueue_indirect_dma source(%arg8 : memref<128x128xf32, #tpu.memory_space<vmem>>) target(%dma_start3A_72 : memref<10240x128xf32, #tpu.memory_space<vmem_shared>>) offsets(%dma_start3A_69 : memref<128xi32, #tpu.memory_space<vmem>>) semaphore(%run_scoped3A_66 : memref<!tpu.dma_semaphore, #tpu.memory_space<semaphore_mem>>) {add = true}
      %dma_wait3A_73 = arith.constant 0 : i32
      %dma_wait3A_74 = tpu.memref_slice %arg6[%run_scoped3A_60, %dma_wait3A_73] : memref<40x128xi32, #tpu.memory_space<vmem>> -> memref<1x128xi32, #tpu.memory_space<vmem>>
      %dma_wait3A_75 = tpu.memref_squeeze %dma_wait3A_74 : memref<1x128xi32, #tpu.memory_space<vmem>> -> memref<128xi32, #tpu.memory_space<vmem>>
      %dma_wait3A_76 = arith.constant 0 : i32
      %dma_wait3A_77 = arith.constant 0 : i32
      %dma_wait3A_78 = tpu.memref_slice %arg9[%dma_wait3A_76, %dma_wait3A_77] : memref<10240x128xf32, #tpu.memory_space<vmem_shared>> -> memref<10240x128xf32, #tpu.memory_space<vmem_shared>>
      tpu.wait_indirect_dma semaphore(%run_scoped3A_66 : memref<!tpu.dma_semaphore, #tpu.memory_space<semaphore_mem>>) src(%arg8 : memref<128x128xf32, #tpu.memory_space<vmem>>) dst(%dma_wait3A_78 : memref<10240x128xf32, #tpu.memory_space<vmem_shared>>)
      tpu.yield
    }) : () -> ()
    %barrier3A_61 = arith.constant 0 : index
    tpu.barrier barrier_id(%barrier3A_61)
    %mul3A_62 = arith.constant 640 : i32
    %mul3A_63 = arith.muli %arg1, %mul3A_62 : i32
    %mul3A_64 = arith.constant 640 : i32
    %mul3A_65 = arith.muli %arg1, %mul3A_64 : i32
    "tpu.region"() ({
      %run_scoped3A_66 = tpu.sem_alloc : memref<!tpu.dma_semaphore, #tpu.memory_space<semaphore_mem>>
      %dma_start3A_67 = arith.constant 0 : i32
      %dma_start3A_68 = arith.constant 0 : i32
      %dma_start3A_69 = tpu.memref_slice %arg5[%arg0, %dma_start3A_67, %dma_start3A_68] : memref<2x10240x128xf32, #tpu.memory_space<hbm>> -> memref<1x10240x128xf32, #tpu.memory_space<hbm>>
      %dma_start3A_70 = tpu.memref_squeeze %dma_start3A_69 : memref<1x10240x128xf32, #tpu.memory_space<hbm>> -> memref<10240x128xf32, #tpu.memory_space<hbm>>
      %dma_start3A_71 = arith.constant 0 : i32
      %dma_start3A_72 = tpu.memref_slice %dma_start3A_70[%mul3A_65, %dma_start3A_71] : memref<10240x128xf32, #tpu.memory_space<hbm>> -> memref<640x128xf32, #tpu.memory_space<hbm>>
      %dma_start3A_73 = arith.constant 0 : i32
      %dma_start3A_74 = tpu.memref_slice %arg9[%mul3A_63, %dma_start3A_73] : memref<10240x128xf32, #tpu.memory_space<vmem_shared>> -> memref<640x128xf32, #tpu.memory_space<vmem_shared>>
      tpu.enqueue_dma source(%dma_start3A_74 : memref<640x128xf32, #tpu.memory_space<vmem_shared>>) target(%dma_start3A_72 : memref<640x128xf32, #tpu.memory_space<hbm>>) target_semaphore(%run_scoped3A_66 : memref<!tpu.dma_semaphore, #tpu.memory_space<semaphore_mem>>)
      %dma_wait3A_75 = arith.constant 0 : i32
      %dma_wait3A_76 = arith.constant 0 : i32
      %dma_wait3A_77 = tpu.memref_slice %arg5[%arg0, %dma_wait3A_75, %dma_wait3A_76] : memref<2x10240x128xf32, #tpu.memory_space<hbm>> -> memref<1x10240x128xf32, #tpu.memory_space<hbm>>
      %dma_wait3A_78 = tpu.memref_squeeze %dma_wait3A_77 : memref<1x10240x128xf32, #tpu.memory_space<hbm>> -> memref<10240x128xf32, #tpu.memory_space<hbm>>
      %dma_wait3A_79 = arith.constant 0 : i32
      %dma_wait3A_80 = tpu.memref_slice %dma_wait3A_78[%mul3A_65, %dma_wait3A_79] : memref<10240x128xf32, #tpu.memory_space<hbm>> -> memref<640x128xf32, #tpu.memory_space<hbm>>
      %dma_wait3A_81 = arith.constant 0 : i32
      %dma_wait3A_82 = tpu.memref_slice %arg9[%mul3A_63, %dma_wait3A_81] : memref<10240x128xf32, #tpu.memory_space<vmem_shared>> -> memref<640x128xf32, #tpu.memory_space<vmem_shared>>
      tpu.wait_dma2 semaphore(%run_scoped3A_66 : memref<!tpu.dma_semaphore, #tpu.memory_space<semaphore_mem>>) src(%dma_wait3A_82 : memref<640x128xf32, #tpu.memory_space<vmem_shared>>) dst(%dma_wait3A_80 : memref<640x128xf32, #tpu.memory_space<hbm>>)
      tpu.yield
    }) : () -> ()
    return
  }
}

module attributes {stable_mosaic.version = 14 : i64} {
  func.func @_embed_body(%arg0: i32, %arg1: memref<2048x1xf32, #tpu.memory_space<vmem>>, %arg2: memref<2048x16xf32, #tpu.memory_space<vmem>>, %arg3: memref<16x256xf32, #tpu.memory_space<vmem>>, %arg4: memref<1x256xf32, #tpu.memory_space<vmem>>, %arg5: memref<1x256xf32, #tpu.memory_space<vmem>>, %arg6: memref<1x256xf32, #tpu.memory_space<vmem>>, %arg7: memref<2048x256xf32, #tpu.memory_space<vmem>>, %arg8: memref<2x2048x128xf32, #tpu.memory_space<vmem>>) attributes {dimension_semantics = [#tpu.dimension_semantics<arbitrary>], iteration_bounds = array<i64: 80>, scalar_prefetch = 0 : i64, scratch_operands = 0 : i64, tpu.core_type = #tpu.core_type<tc>, window_params = [{transform_indices = @transform_0, window_bounds = array<i64: 2048, 1>}, {transform_indices = @transform_1, window_bounds = array<i64: 2048, 16>}, {pipeline_mode = #tpu.pipeline_mode<synchronous>, transform_indices = @transform_2, window_bounds = array<i64: 16, 256>}, {pipeline_mode = #tpu.pipeline_mode<synchronous>, transform_indices = @transform_3, window_bounds = array<i64: 1, 256>}, {pipeline_mode = #tpu.pipeline_mode<synchronous>, transform_indices = @transform_4, window_bounds = array<i64: 1, 256>}, {pipeline_mode = #tpu.pipeline_mode<synchronous>, transform_indices = @transform_5, window_bounds = array<i64: 1, 256>}, {transform_indices = @transform_6, window_bounds = array<i64: 2048, 256>}, {transform_indices = @transform_7, window_bounds = array<i64: 2, 2048, 128>}]} {
    %get3A = arith.constant 0 : index
    %get3A_0 = arith.constant 0 : index
    %get3A_1 = vector.load %arg2[%get3A, %get3A_0] : memref<2048x16xf32, #tpu.memory_space<vmem>>, vector<2048x16xf32>
    %get3A_2 = arith.constant 0 : index
    %get3A_3 = arith.constant 0 : index
    %get3A_4 = vector.load %arg3[%get3A_2, %get3A_3] : memref<16x256xf32, #tpu.memory_space<vmem>>, vector<16x256xf32>
    %dot_general3A = arith.constant dense<0.000000e+00> : vector<2048x256xf32>
    %dot_general3A_5 = tpu.matmul %get3A_1, %get3A_4, %dot_general3A {dimension_numbers = #tpu.dot_dimension_numbers<[1], [0], [0], [1], [0, 0, 1, 1], [], []>, transpose_lhs_hint = false} : vector<2048x16xf32>, vector<16x256xf32>, vector<2048x256xf32> -> vector<2048x256xf32>
    %get3A_6 = arith.constant 0 : index
    %get3A_7 = arith.constant 0 : index
    %get3A_8 = vector.load %arg4[%get3A_6, %get3A_7] : memref<1x256xf32, #tpu.memory_space<vmem>>, vector<1x256xf32>
    %add3A = vector.broadcast %get3A_8 : vector<1x256xf32> to vector<2048x256xf32>
    %add3A_9 = arith.addf %dot_general3A_5, %add3A : vector<2048x256xf32>
    %swap3A = arith.constant 0 : index
    %swap3A_10 = arith.constant 0 : index
    %swap3A_11 = vector.load %arg7[%swap3A, %swap3A_10] : memref<2048x256xf32, #tpu.memory_space<vmem>>, vector<2048x256xf32>
    tpu.vector_store %arg7[%swap3A, %swap3A_10], %add3A_9 {strides = array<i32>} : memref<2048x256xf32, #tpu.memory_space<vmem>>, vector<2048x256xf32>,
    %get3A_12 = arith.constant 0 : index
    %get3A_13 = arith.constant 0 : index
    %get3A_14 = vector.load %arg1[%get3A_12, %get3A_13] : memref<2048x1xf32, #tpu.memory_space<vmem>>, vector<2048x1xf32>
    %get3A_15 = arith.constant 0 : index
    %get3A_16 = arith.constant 0 : index
    %get3A_17 = vector.load %arg5[%get3A_15, %get3A_16] : memref<1x256xf32, #tpu.memory_space<vmem>>, vector<1x256xf32>
    %mul3A = vector.broadcast %get3A_14 : vector<2048x1xf32> to vector<2048x256xf32>
    %mul3A_18 = vector.broadcast %get3A_17 : vector<1x256xf32> to vector<2048x256xf32>
    %mul3A_19 = arith.mulf %mul3A, %mul3A_18 : vector<2048x256xf32>
    %get3A_20 = arith.constant 0 : index
    %get3A_21 = arith.constant 0 : index
    %get3A_22 = vector.load %arg6[%get3A_20, %get3A_21] : memref<1x256xf32, #tpu.memory_space<vmem>>, vector<1x256xf32>
    %add3A_23 = vector.broadcast %get3A_22 : vector<1x256xf32> to vector<2048x256xf32>
    %add3A_24 = arith.addf %mul3A_19, %add3A_23 : vector<2048x256xf32>
    %add3A_25 = arith.addf %add3A_24, %add3A_9 : vector<2048x256xf32>
    %max3A = arith.constant 0.000000e+00 : f32
    %max3A_26 = vector.broadcast %max3A : f32 to vector<2048x256xf32>
    %max3A_27 = arith.maximumf %add3A_25, %max3A_26 : vector<2048x256xf32>
    %iota3A = tpu.iota {dimensions = array<i32: 0>} : vector<2048x1xi32>
    %mul3A_28 = arith.constant 2048 : i32
    %mul3A_29 = arith.muli %arg0, %mul3A_28 : i32
    %add3A_30 = vector.broadcast %mul3A_29 : i32 to vector<2048x1xi32>
    %add3A_31 = arith.addi %iota3A, %add3A_30 : vector<2048x1xi32>
    %lt3A = arith.constant 160000 : i32
    %lt3A_32 = vector.broadcast %lt3A : i32 to vector<2048x1xi32>
    %lt3A_33 = arith.cmpi slt, %add3A_31, %lt3A_32 : vector<2048x1xi32>
    %jit3A = arith.constant 0.000000e+00 : f32
    %broadcast_in_dim3A = vector.shape_cast %lt3A_33 : vector<2048x1xi1> to vector<2048x1xi1>
    %broadcast_in_dim3A_34 = vector.broadcast %broadcast_in_dim3A : vector<2048x1xi1> to vector<2048x256xi1>
    %broadcast_in_dim3A_35 = vector.broadcast %jit3A : f32 to vector<2048x256xf32>
    %select_n3A = arith.select %broadcast_in_dim3A_34, %max3A_27, %broadcast_in_dim3A_35 : vector<2048x256xi1>, vector<2048x256xf32>
    %slice3A = vector.extract_strided_slice %select_n3A {offsets = [0, 0], sizes = [2048, 128], strides = [1, 1]} : vector<2048x256xf32> to vector<2048x128xf32>
    %swap3A_36 = arith.constant 0 : index
    %swap3A_37 = arith.constant 0 : index
    %swap3A_38 = arith.constant 0 : index
    %swap3A_39 = vector.load %arg8[%swap3A_36, %swap3A_37, %swap3A_38] : memref<2x2048x128xf32, #tpu.memory_space<vmem>>, vector<1x2048x128xf32>
    %swap3A_40 = vector.shape_cast %swap3A_39 : vector<1x2048x128xf32> to vector<2048x128xf32>
    %swap3A_41 = vector.shape_cast %slice3A : vector<2048x128xf32> to vector<1x2048x128xf32>
    tpu.vector_store %arg8[%swap3A_36, %swap3A_37, %swap3A_38], %swap3A_41 {strides = array<i32>} : memref<2x2048x128xf32, #tpu.memory_space<vmem>>, vector<1x2048x128xf32>,
    %slice3A_42 = vector.extract_strided_slice %select_n3A {offsets = [0, 128], sizes = [2048, 128], strides = [1, 1]} : vector<2048x256xf32> to vector<2048x128xf32>
    %swap3A_43 = arith.constant 1 : index
    %swap3A_44 = arith.constant 0 : index
    %swap3A_45 = arith.constant 0 : index
    %swap3A_46 = vector.load %arg8[%swap3A_43, %swap3A_44, %swap3A_45] : memref<2x2048x128xf32, #tpu.memory_space<vmem>>, vector<1x2048x128xf32>
    %swap3A_47 = vector.shape_cast %swap3A_46 : vector<1x2048x128xf32> to vector<2048x128xf32>
    %swap3A_48 = vector.shape_cast %slice3A_42 : vector<2048x128xf32> to vector<1x2048x128xf32>
    tpu.vector_store %arg8[%swap3A_43, %swap3A_44, %swap3A_45], %swap3A_48 {strides = array<i32>} : memref<2x2048x128xf32, #tpu.memory_space<vmem>>, vector<1x2048x128xf32>,
    return
  }
  func.func @transform_0(%arg0: i32) -> (i32, i32) {
    %c0_i32 = arith.constant 0 : i32
    %c0_i32_0 = arith.constant 0 : i32
    return %arg0, %c0_i32 : i32, i32
  }
  func.func @transform_1(%arg0: i32) -> (i32, i32) {
    %c0_i32 = arith.constant 0 : i32
    %c0_i32_0 = arith.constant 0 : i32
    return %arg0, %c0_i32 : i32, i32
  }
  func.func @transform_2(%arg0: i32) -> (i32, i32) {
    %c0_i32 = arith.constant 0 : i32
    %c0_i32_0 = arith.constant 0 : i32
    %c0_i32_1 = arith.constant 0 : i32
    return %c0_i32, %c0_i32_0 : i32, i32
  }
  func.func @transform_3(%arg0: i32) -> (i32, i32) {
    %c0_i32 = arith.constant 0 : i32
    %c0_i32_0 = arith.constant 0 : i32
    %c0_i32_1 = arith.constant 0 : i32
    return %c0_i32, %c0_i32_0 : i32, i32
  }
  func.func @transform_4(%arg0: i32) -> (i32, i32) {
    %c0_i32 = arith.constant 0 : i32
    %c0_i32_0 = arith.constant 0 : i32
    %c0_i32_1 = arith.constant 0 : i32
    return %c0_i32, %c0_i32_0 : i32, i32
  }
  func.func @transform_5(%arg0: i32) -> (i32, i32) {
    %c0_i32 = arith.constant 0 : i32
    %c0_i32_0 = arith.constant 0 : i32
    %c0_i32_1 = arith.constant 0 : i32
    return %c0_i32, %c0_i32_0 : i32, i32
  }
  func.func @transform_6(%arg0: i32) -> (i32, i32) {
    %c0_i32 = arith.constant 0 : i32
    %c0_i32_0 = arith.constant 0 : i32
    return %arg0, %c0_i32 : i32, i32
  }
  func.func @transform_7(%arg0: i32) -> (i32, i32, i32) {
    %c0_i32 = arith.constant 0 : i32
    %c0_i32_0 = arith.constant 0 : i32
    %c0_i32_1 = arith.constant 0 : i32
    return %c0_i32, %arg0, %c0_i32_0 : i32, i32, i32
  }
}

module attributes {stable_mosaic.version = 14 : i64} {
  func.func @_z_from_x_body(%arg0: i32, %arg1: memref<1000x1xf32, #tpu.memory_space<vmem>>, %arg2: memref<2x1000x128xf32, #tpu.memory_space<vmem>>, %arg3: memref<1x256xf32, #tpu.memory_space<vmem>>, %arg4: memref<1x256xf32, #tpu.memory_space<vmem>>, %arg5: memref<256x256xf32, #tpu.memory_space<vmem>>, %arg6: memref<1x256xf32, #tpu.memory_space<vmem>>, %arg7: memref<256x256xf32, #tpu.memory_space<vmem>>, %arg8: memref<1x256xf32, #tpu.memory_space<vmem>>, %arg9: memref<1000x256xf32, #tpu.memory_space<vmem>>, %arg10: memref<8x256xf32, #tpu.memory_space<vmem>>) attributes {dimension_semantics = [#tpu.dimension_semantics<arbitrary>], iteration_bounds = array<i64: 10>, scalar_prefetch = 0 : i64, scratch_operands = 0 : i64, tpu.core_type = #tpu.core_type<tc>, window_params = [{transform_indices = @transform_0, window_bounds = array<i64: 1000, 1>}, {transform_indices = @transform_1, window_bounds = array<i64: 2, 1000, 128>}, {pipeline_mode = #tpu.pipeline_mode<synchronous>, transform_indices = @transform_2, window_bounds = array<i64: 1, 256>}, {pipeline_mode = #tpu.pipeline_mode<synchronous>, transform_indices = @transform_3, window_bounds = array<i64: 1, 256>}, {pipeline_mode = #tpu.pipeline_mode<synchronous>, transform_indices = @transform_4, window_bounds = array<i64: 256, 256>}, {pipeline_mode = #tpu.pipeline_mode<synchronous>, transform_indices = @transform_5, window_bounds = array<i64: 1, 256>}, {pipeline_mode = #tpu.pipeline_mode<synchronous>, transform_indices = @transform_6, window_bounds = array<i64: 256, 256>}, {pipeline_mode = #tpu.pipeline_mode<synchronous>, transform_indices = @transform_7, window_bounds = array<i64: 1, 256>}, {transform_indices = @transform_8, window_bounds = array<i64: 1000, 256>}, {pipeline_mode = #tpu.pipeline_mode<synchronous>, transform_indices = @transform_9, window_bounds = array<i64: 8, 256>}]} {
    %get3A = arith.constant 0 : index
    %get3A_0 = arith.constant 0 : index
    %get3A_1 = vector.load %arg1[%get3A, %get3A_0] : memref<1000x1xf32, #tpu.memory_space<vmem>>, vector<1000x1xf32>
    %get3A_2 = arith.constant 0 : index
    %get3A_3 = arith.constant 0 : index
    %get3A_4 = vector.load %arg3[%get3A_2, %get3A_3] : memref<1x256xf32, #tpu.memory_space<vmem>>, vector<1x256xf32>
    %mul3A = vector.broadcast %get3A_1 : vector<1000x1xf32> to vector<1000x256xf32>
    %mul3A_5 = vector.broadcast %get3A_4 : vector<1x256xf32> to vector<1000x256xf32>
    %mul3A_6 = arith.mulf %mul3A, %mul3A_5 : vector<1000x256xf32>
    %get3A_7 = arith.constant 0 : index
    %get3A_8 = arith.constant 0 : index
    %get3A_9 = vector.load %arg4[%get3A_7, %get3A_8] : memref<1x256xf32, #tpu.memory_space<vmem>>, vector<1x256xf32>
    %add3A = vector.broadcast %get3A_9 : vector<1x256xf32> to vector<1000x256xf32>
    %add3A_10 = arith.addf %mul3A_6, %add3A : vector<1000x256xf32>
    %get3A_11 = arith.constant 0 : index
    %get3A_12 = arith.constant 0 : index
    %get3A_13 = arith.constant 0 : index
    %get3A_14 = vector.load %arg2[%get3A_11, %get3A_12, %get3A_13] : memref<2x1000x128xf32, #tpu.memory_space<vmem>>, vector<1x1000x128xf32>
    %get3A_15 = vector.shape_cast %get3A_14 : vector<1x1000x128xf32> to vector<1000x128xf32>
    %get3A_16 = arith.constant 1 : index
    %get3A_17 = arith.constant 0 : index
    %get3A_18 = arith.constant 0 : index
    %get3A_19 = vector.load %arg2[%get3A_16, %get3A_17, %get3A_18] : memref<2x1000x128xf32, #tpu.memory_space<vmem>>, vector<1x1000x128xf32>
    %get3A_20 = vector.shape_cast %get3A_19 : vector<1x1000x128xf32> to vector<1000x128xf32>
    %concatenate3A = tpu.concatenate %get3A_15, %get3A_20 in 1 : vector<1000x128xf32>, vector<1000x128xf32> -> vector<1000x256xf32>
    %add3A_21 = arith.addf %add3A_10, %concatenate3A : vector<1000x256xf32>
    %get3A_22 = arith.constant 0 : index
    %get3A_23 = arith.constant 0 : index
    %get3A_24 = vector.load %arg5[%get3A_22, %get3A_23] : memref<256x256xf32, #tpu.memory_space<vmem>>, vector<256x256xf32>
    %dot_general3A = arith.constant dense<0.000000e+00> : vector<1000x256xf32>
    %dot_general3A_25 = tpu.matmul %add3A_21, %get3A_24, %dot_general3A {dimension_numbers = #tpu.dot_dimension_numbers<[1], [0], [0], [1], [0, 0, 1, 1], [], []>, transpose_lhs_hint = false} : vector<1000x256xf32>, vector<256x256xf32>, vector<1000x256xf32> -> vector<1000x256xf32>
    %get3A_26 = arith.constant 0 : index
    %get3A_27 = arith.constant 0 : index
    %get3A_28 = vector.load %arg6[%get3A_26, %get3A_27] : memref<1x256xf32, #tpu.memory_space<vmem>>, vector<1x256xf32>
    %add3A_29 = vector.broadcast %get3A_28 : vector<1x256xf32> to vector<1000x256xf32>
    %add3A_30 = arith.addf %dot_general3A_25, %add3A_29 : vector<1000x256xf32>
    %max3A = arith.constant 0.000000e+00 : f32
    %max3A_31 = vector.broadcast %max3A : f32 to vector<1000x256xf32>
    %max3A_32 = arith.maximumf %add3A_30, %max3A_31 : vector<1000x256xf32>
    %get3A_33 = arith.constant 0 : index
    %get3A_34 = arith.constant 0 : index
    %get3A_35 = vector.load %arg7[%get3A_33, %get3A_34] : memref<256x256xf32, #tpu.memory_space<vmem>>, vector<256x256xf32>
    %dot_general3A_36 = arith.constant dense<0.000000e+00> : vector<1000x256xf32>
    %dot_general3A_37 = tpu.matmul %max3A_32, %get3A_35, %dot_general3A_36 {dimension_numbers = #tpu.dot_dimension_numbers<[1], [0], [0], [1], [0, 0, 1, 1], [], []>, transpose_lhs_hint = false} : vector<1000x256xf32>, vector<256x256xf32>, vector<1000x256xf32> -> vector<1000x256xf32>
    %get3A_38 = arith.constant 0 : index
    %get3A_39 = arith.constant 0 : index
    %get3A_40 = vector.load %arg8[%get3A_38, %get3A_39] : memref<1x256xf32, #tpu.memory_space<vmem>>, vector<1x256xf32>
    %add3A_41 = vector.broadcast %get3A_40 : vector<1x256xf32> to vector<1000x256xf32>
    %add3A_42 = arith.addf %dot_general3A_37, %add3A_41 : vector<1000x256xf32>
    %swap3A = arith.constant 0 : index
    %swap3A_43 = arith.constant 0 : index
    %swap3A_44 = vector.load %arg9[%swap3A, %swap3A_43] : memref<1000x256xf32, #tpu.memory_space<vmem>>, vector<1000x256xf32>
    tpu.vector_store %arg9[%swap3A, %swap3A_43], %add3A_42 {strides = array<i32>} : memref<1000x256xf32, #tpu.memory_space<vmem>>, vector<1000x256xf32>,
    %eq3A = arith.constant 0 : i32
    %eq3A_45 = arith.cmpi eq, %arg0, %eq3A : i32
    %convert_element_type3A = arith.extui %eq3A_45 : i1 to i32
    %cond3A = arith.constant 0 : i32
    %cond3A_46 = arith.cmpi ne, %convert_element_type3A, %cond3A : i32
    scf.if %cond3A_46 {
      %broadcast_in_dim3A_66 = arith.constant 0.000000e+00 : f32
      %broadcast_in_dim3A_67 = vector.broadcast %broadcast_in_dim3A_66 : f32 to vector<8x256xf32>
      %swap3A_68 = arith.constant 0 : index
      %swap3A_69 = arith.constant 0 : index
      %swap3A_70 = vector.load %arg10[%swap3A_68, %swap3A_69] : memref<8x256xf32, #tpu.memory_space<vmem>>, vector<8x256xf32>
      tpu.vector_store %arg10[%swap3A_68, %swap3A_69], %broadcast_in_dim3A_67 {strides = array<i32>} : memref<8x256xf32, #tpu.memory_space<vmem>>, vector<8x256xf32>,
    } else {
    }
    %get3A_47 = arith.constant 0 : index
    %get3A_48 = arith.constant 0 : index
    %get3A_49 = vector.load %arg10[%get3A_47, %get3A_48] : memref<8x256xf32, #tpu.memory_space<vmem>>, vector<1x256xf32>
    %reduce_sum3A = arith.constant dense<0.000000e+00> : vector<256xf32>
    %reduce_sum3A_50 = vector.multi_reduction <add>, %add3A_42, %reduce_sum3A [0] : vector<1000x256xf32> to vector<256xf32>
    %broadcast_in_dim3A = vector.shape_cast %reduce_sum3A_50 : vector<256xf32> to vector<1x256xf32>
    %add3A_51 = arith.addf %get3A_49, %broadcast_in_dim3A : vector<1x256xf32>
    %swap3A_52 = arith.constant 0 : index
    %swap3A_53 = arith.constant 0 : index
    %swap3A_54 = vector.load %arg10[%swap3A_52, %swap3A_53] : memref<8x256xf32, #tpu.memory_space<vmem>>, vector<1x256xf32>
    tpu.vector_store %arg10[%swap3A_52, %swap3A_53], %add3A_51 {strides = array<i32>} : memref<8x256xf32, #tpu.memory_space<vmem>>, vector<1x256xf32>,
    %get3A_55 = arith.constant 1 : index
    %get3A_56 = arith.constant 0 : index
    %get3A_57 = vector.load %arg10[%get3A_55, %get3A_56] : memref<8x256xf32, #tpu.memory_space<vmem>>, vector<1x256xf32>
    %mul3A_58 = arith.mulf %add3A_42, %add3A_42 : vector<1000x256xf32>
    %reduce_sum3A_59 = arith.constant dense<0.000000e+00> : vector<256xf32>
    %reduce_sum3A_60 = vector.multi_reduction <add>, %mul3A_58, %reduce_sum3A_59 [0] : vector<1000x256xf32> to vector<256xf32>
    %broadcast_in_dim3A_61 = vector.shape_cast %reduce_sum3A_60 : vector<256xf32> to vector<1x256xf32>
    %add3A_62 = arith.addf %get3A_57, %broadcast_in_dim3A_61 : vector<1x256xf32>
    %swap3A_63 = arith.constant 1 : index
    %swap3A_64 = arith.constant 0 : index
    %swap3A_65 = vector.load %arg10[%swap3A_63, %swap3A_64] : memref<8x256xf32, #tpu.memory_space<vmem>>, vector<1x256xf32>
    tpu.vector_store %arg10[%swap3A_63, %swap3A_64], %add3A_62 {strides = array<i32>} : memref<8x256xf32, #tpu.memory_space<vmem>>, vector<1x256xf32>,
    return
  }
  func.func @transform_0(%arg0: i32) -> (i32, i32) {
    %c0_i32 = arith.constant 0 : i32
    %c0_i32_0 = arith.constant 0 : i32
    return %arg0, %c0_i32 : i32, i32
  }
  func.func @transform_1(%arg0: i32) -> (i32, i32, i32) {
    %c0_i32 = arith.constant 0 : i32
    %c0_i32_0 = arith.constant 0 : i32
    %c0_i32_1 = arith.constant 0 : i32
    return %c0_i32, %arg0, %c0_i32_0 : i32, i32, i32
  }
  func.func @transform_2(%arg0: i32) -> (i32, i32) {
    %c0_i32 = arith.constant 0 : i32
    %c0_i32_0 = arith.constant 0 : i32
    %c0_i32_1 = arith.constant 0 : i32
    return %c0_i32, %c0_i32_0 : i32, i32
  }
  func.func @transform_3(%arg0: i32) -> (i32, i32) {
    %c0_i32 = arith.constant 0 : i32
    %c0_i32_0 = arith.constant 0 : i32
    %c0_i32_1 = arith.constant 0 : i32
    return %c0_i32, %c0_i32_0 : i32, i32
  }
  func.func @transform_4(%arg0: i32) -> (i32, i32) {
    %c0_i32 = arith.constant 0 : i32
    %c0_i32_0 = arith.constant 0 : i32
    %c0_i32_1 = arith.constant 0 : i32
    return %c0_i32, %c0_i32_0 : i32, i32
  }
  func.func @transform_5(%arg0: i32) -> (i32, i32) {
    %c0_i32 = arith.constant 0 : i32
    %c0_i32_0 = arith.constant 0 : i32
    %c0_i32_1 = arith.constant 0 : i32
    return %c0_i32, %c0_i32_0 : i32, i32
  }
  func.func @transform_6(%arg0: i32) -> (i32, i32) {
    %c0_i32 = arith.constant 0 : i32
    %c0_i32_0 = arith.constant 0 : i32
    %c0_i32_1 = arith.constant 0 : i32
    return %c0_i32, %c0_i32_0 : i32, i32
  }
  func.func @transform_7(%arg0: i32) -> (i32, i32) {
    %c0_i32 = arith.constant 0 : i32
    %c0_i32_0 = arith.constant 0 : i32
    %c0_i32_1 = arith.constant 0 : i32
    return %c0_i32, %c0_i32_0 : i32, i32
  }
  func.func @transform_8(%arg0: i32) -> (i32, i32) {
    %c0_i32 = arith.constant 0 : i32
    %c0_i32_0 = arith.constant 0 : i32
    return %arg0, %c0_i32 : i32, i32
  }
  func.func @transform_9(%arg0: i32) -> (i32, i32) {
    %c0_i32 = arith.constant 0 : i32
    %c0_i32_0 = arith.constant 0 : i32
    %c0_i32_1 = arith.constant 0 : i32
    return %c0_i32, %c0_i32_0 : i32, i32
  }
}

module attributes {stable_mosaic.version = 14 : i64} {
  func.func @_ht_body(%arg0: i32, %arg1: memref<1000x1xf32, #tpu.memory_space<vmem>>, %arg2: memref<1000x256xf32, #tpu.memory_space<vmem>>, %arg3: memref<8x256xf32, #tpu.memory_space<vmem>>, %arg4: memref<1x256xf32, #tpu.memory_space<vmem>>, %arg5: memref<1x256xf32, #tpu.memory_space<vmem>>, %arg6: memref<1000x256xf32, #tpu.memory_space<vmem>>) attributes {dimension_semantics = [#tpu.dimension_semantics<arbitrary>], iteration_bounds = array<i64: 10>, scalar_prefetch = 0 : i64, scratch_operands = 0 : i64, tpu.core_type = #tpu.core_type<tc>, window_params = [{transform_indices = @transform_0, window_bounds = array<i64: 1000, 1>}, {transform_indices = @transform_1, window_bounds = array<i64: 1000, 256>}, {pipeline_mode = #tpu.pipeline_mode<synchronous>, transform_indices = @transform_2, window_bounds = array<i64: 8, 256>}, {pipeline_mode = #tpu.pipeline_mode<synchronous>, transform_indices = @transform_3, window_bounds = array<i64: 1, 256>}, {pipeline_mode = #tpu.pipeline_mode<synchronous>, transform_indices = @transform_4, window_bounds = array<i64: 1, 256>}, {transform_indices = @transform_5, window_bounds = array<i64: 1000, 256>}]} {
    %get3A = arith.constant 0 : index
    %get3A_0 = arith.constant 0 : index
    %get3A_1 = vector.load %arg1[%get3A, %get3A_0] : memref<1000x1xf32, #tpu.memory_space<vmem>>, vector<1000x1xf32>
    %get3A_2 = arith.constant 0 : index
    %get3A_3 = arith.constant 0 : index
    %get3A_4 = vector.load %arg4[%get3A_2, %get3A_3] : memref<1x256xf32, #tpu.memory_space<vmem>>, vector<1x256xf32>
    %mul3A = vector.broadcast %get3A_1 : vector<1000x1xf32> to vector<1000x256xf32>
    %mul3A_5 = vector.broadcast %get3A_4 : vector<1x256xf32> to vector<1000x256xf32>
    %mul3A_6 = arith.mulf %mul3A, %mul3A_5 : vector<1000x256xf32>
    %get3A_7 = arith.constant 0 : index
    %get3A_8 = arith.constant 0 : index
    %get3A_9 = vector.load %arg5[%get3A_7, %get3A_8] : memref<1x256xf32, #tpu.memory_space<vmem>>, vector<1x256xf32>
    %add3A = vector.broadcast %get3A_9 : vector<1x256xf32> to vector<1000x256xf32>
    %add3A_10 = arith.addf %mul3A_6, %add3A : vector<1000x256xf32>
    %get3A_11 = arith.constant 0 : index
    %get3A_12 = arith.constant 0 : index
    %get3A_13 = vector.load %arg3[%get3A_11, %get3A_12] : memref<8x256xf32, #tpu.memory_space<vmem>>, vector<1x256xf32>
    %div3A = arith.constant 1.000000e+04 : f32
    %div3A_14 = vector.broadcast %div3A : f32 to vector<1x256xf32>
    %div3A_15 = arith.divf %get3A_13, %div3A_14 : vector<1x256xf32>
    %get3A_16 = arith.constant 1 : index
    %get3A_17 = arith.constant 0 : index
    %get3A_18 = vector.load %arg3[%get3A_16, %get3A_17] : memref<8x256xf32, #tpu.memory_space<vmem>>, vector<1x256xf32>
    %div3A_19 = arith.constant 1.000000e+04 : f32
    %div3A_20 = vector.broadcast %div3A_19 : f32 to vector<1x256xf32>
    %div3A_21 = arith.divf %get3A_18, %div3A_20 : vector<1x256xf32>
    %mul3A_22 = arith.mulf %div3A_15, %div3A_15 : vector<1x256xf32>
    %sub3A = arith.subf %div3A_21, %mul3A_22 : vector<1x256xf32>
    %get3A_23 = arith.constant 0 : index
    %get3A_24 = arith.constant 0 : index
    %get3A_25 = vector.load %arg2[%get3A_23, %get3A_24] : memref<1000x256xf32, #tpu.memory_space<vmem>>, vector<1000x256xf32>
    %sub3A_26 = vector.broadcast %div3A_15 : vector<1x256xf32> to vector<1000x256xf32>
    %sub3A_27 = arith.subf %get3A_25, %sub3A_26 : vector<1000x256xf32>
    %add3A_28 = arith.constant 9.99999974E-6 : f32
    %add3A_29 = vector.broadcast %add3A_28 : f32 to vector<1x256xf32>
    %add3A_30 = arith.addf %sub3A, %add3A_29 : vector<1x256xf32>
    %sqrt3A = math.sqrt %add3A_30 : vector<1x256xf32>
    %div3A_31 = vector.broadcast %sqrt3A : vector<1x256xf32> to vector<1000x256xf32>
    %div3A_32 = arith.divf %sub3A_27, %div3A_31 : vector<1000x256xf32>
    %max3A = arith.constant 0.000000e+00 : f32
    %max3A_33 = vector.broadcast %max3A : f32 to vector<1000x256xf32>
    %max3A_34 = arith.maximumf %div3A_32, %max3A_33 : vector<1000x256xf32>
    %add3A_35 = arith.addf %add3A_10, %max3A_34 : vector<1000x256xf32>
    %mul3A_36 = arith.constant 5.000000e-01 : f32
    %mul3A_37 = vector.broadcast %mul3A_36 : f32 to vector<1000x256xf32>
    %mul3A_38 = arith.mulf %add3A_35, %mul3A_37 : vector<1000x256xf32>
    %swap3A = arith.constant 0 : index
    %swap3A_39 = arith.constant 0 : index
    %swap3A_40 = vector.load %arg6[%swap3A, %swap3A_39] : memref<1000x256xf32, #tpu.memory_space<vmem>>, vector<1000x256xf32>
    tpu.vector_store %arg6[%swap3A, %swap3A_39], %mul3A_38 {strides = array<i32>} : memref<1000x256xf32, #tpu.memory_space<vmem>>, vector<1000x256xf32>,
    return
  }
  func.func @transform_0(%arg0: i32) -> (i32, i32) {
    %c0_i32 = arith.constant 0 : i32
    %c0_i32_0 = arith.constant 0 : i32
    return %arg0, %c0_i32 : i32, i32
  }
  func.func @transform_1(%arg0: i32) -> (i32, i32) {
    %c0_i32 = arith.constant 0 : i32
    %c0_i32_0 = arith.constant 0 : i32
    return %arg0, %c0_i32 : i32, i32
  }
  func.func @transform_2(%arg0: i32) -> (i32, i32) {
    %c0_i32 = arith.constant 0 : i32
    %c0_i32_0 = arith.constant 0 : i32
    %c0_i32_1 = arith.constant 0 : i32
    return %c0_i32, %c0_i32_0 : i32, i32
  }
  func.func @transform_3(%arg0: i32) -> (i32, i32) {
    %c0_i32 = arith.constant 0 : i32
    %c0_i32_0 = arith.constant 0 : i32
    %c0_i32_1 = arith.constant 0 : i32
    return %c0_i32, %c0_i32_0 : i32, i32
  }
  func.func @transform_4(%arg0: i32) -> (i32, i32) {
    %c0_i32 = arith.constant 0 : i32
    %c0_i32_0 = arith.constant 0 : i32
    %c0_i32_1 = arith.constant 0 : i32
    return %c0_i32, %c0_i32_0 : i32, i32
  }
  func.func @transform_5(%arg0: i32) -> (i32, i32) {
    %c0_i32 = arith.constant 0 : i32
    %c0_i32_0 = arith.constant 0 : i32
    return %arg0, %c0_i32 : i32, i32
  }
}

module attributes {stable_mosaic.version = 14 : i64} {
  func.func @_edge_mlp_body(%arg0: i32, %arg1: memref<1024x256xf32, #tpu.memory_space<vmem>>, %arg2: memref<1024x256xf32, #tpu.memory_space<vmem>>, %arg3: memref<1024x256xf32, #tpu.memory_space<vmem>>, %arg4: memref<256x256xf32, #tpu.memory_space<vmem>>, %arg5: memref<256x256xf32, #tpu.memory_space<vmem>>, %arg6: memref<256x256xf32, #tpu.memory_space<vmem>>, %arg7: memref<256x256xf32, #tpu.memory_space<vmem>>, %arg8: memref<1x256xf32, #tpu.memory_space<vmem>>, %arg9: memref<1x256xf32, #tpu.memory_space<vmem>>, %arg10: memref<2x1024x128xf32, #tpu.memory_space<vmem>>) attributes {dimension_semantics = [#tpu.dimension_semantics<arbitrary>], iteration_bounds = array<i64: 80>, scalar_prefetch = 0 : i64, scratch_operands = 0 : i64, tpu.core_type = #tpu.core_type<tc>, window_params = [{transform_indices = @transform_0, window_bounds = array<i64: 1024, 256>}, {transform_indices = @transform_1, window_bounds = array<i64: 1024, 256>}, {transform_indices = @transform_2, window_bounds = array<i64: 1024, 256>}, {pipeline_mode = #tpu.pipeline_mode<synchronous>, transform_indices = @transform_3, window_bounds = array<i64: 256, 256>}, {pipeline_mode = #tpu.pipeline_mode<synchronous>, transform_indices = @transform_4, window_bounds = array<i64: 256, 256>}, {pipeline_mode = #tpu.pipeline_mode<synchronous>, transform_indices = @transform_5, window_bounds = array<i64: 256, 256>}, {pipeline_mode = #tpu.pipeline_mode<synchronous>, transform_indices = @transform_6, window_bounds = array<i64: 256, 256>}, {pipeline_mode = #tpu.pipeline_mode<synchronous>, transform_indices = @transform_7, window_bounds = array<i64: 1, 256>}, {pipeline_mode = #tpu.pipeline_mode<synchronous>, transform_indices = @transform_8, window_bounds = array<i64: 1, 256>}, {transform_indices = @transform_9, window_bounds = array<i64: 2, 1024, 128>}]} {
    %get3A = arith.constant 0 : index
    %get3A_0 = arith.constant 0 : index
    %get3A_1 = vector.load %arg1[%get3A, %get3A_0] : memref<1024x256xf32, #tpu.memory_space<vmem>>, vector<1024x256xf32>
    %get3A_2 = arith.constant 0 : index
    %get3A_3 = arith.constant 0 : index
    %get3A_4 = vector.load %arg3[%get3A_2, %get3A_3] : memref<1024x256xf32, #tpu.memory_space<vmem>>, vector<1024x256xf32>
    %get3A_5 = arith.constant 0 : index
    %get3A_6 = arith.constant 0 : index
    %get3A_7 = vector.load %arg4[%get3A_5, %get3A_6] : memref<256x256xf32, #tpu.memory_space<vmem>>, vector<256x256xf32>
    %dot_general3A = arith.constant dense<0.000000e+00> : vector<1024x256xf32>
    %dot_general3A_8 = tpu.matmul %get3A_1, %get3A_7, %dot_general3A {dimension_numbers = #tpu.dot_dimension_numbers<[1], [0], [0], [1], [0, 0, 1, 1], [], []>, transpose_lhs_hint = false} : vector<1024x256xf32>, vector<256x256xf32>, vector<1024x256xf32> -> vector<1024x256xf32>
    %get3A_9 = arith.constant 0 : index
    %get3A_10 = arith.constant 0 : index
    %get3A_11 = vector.load %arg2[%get3A_9, %get3A_10] : memref<1024x256xf32, #tpu.memory_space<vmem>>, vector<1024x256xf32>
    %get3A_12 = arith.constant 0 : index
    %get3A_13 = arith.constant 0 : index
    %get3A_14 = vector.load %arg5[%get3A_12, %get3A_13] : memref<256x256xf32, #tpu.memory_space<vmem>>, vector<256x256xf32>
    %dot_general3A_15 = arith.constant dense<0.000000e+00> : vector<1024x256xf32>
    %dot_general3A_16 = tpu.matmul %get3A_11, %get3A_14, %dot_general3A_15 {dimension_numbers = #tpu.dot_dimension_numbers<[1], [0], [0], [1], [0, 0, 1, 1], [], []>, transpose_lhs_hint = false} : vector<1024x256xf32>, vector<256x256xf32>, vector<1024x256xf32> -> vector<1024x256xf32>
    %add3A = arith.addf %dot_general3A_8, %dot_general3A_16 : vector<1024x256xf32>
    %get3A_17 = arith.constant 0 : index
    %get3A_18 = arith.constant 0 : index
    %get3A_19 = vector.load %arg6[%get3A_17, %get3A_18] : memref<256x256xf32, #tpu.memory_space<vmem>>, vector<256x256xf32>
    %dot_general3A_20 = arith.constant dense<0.000000e+00> : vector<1024x256xf32>
    %dot_general3A_21 = tpu.matmul %get3A_4, %get3A_19, %dot_general3A_20 {dimension_numbers = #tpu.dot_dimension_numbers<[1], [0], [0], [1], [0, 0, 1, 1], [], []>, transpose_lhs_hint = false} : vector<1024x256xf32>, vector<256x256xf32>, vector<1024x256xf32> -> vector<1024x256xf32>
    %add3A_22 = arith.addf %add3A, %dot_general3A_21 : vector<1024x256xf32>
    %get3A_23 = arith.constant 0 : index
    %get3A_24 = arith.constant 0 : index
    %get3A_25 = vector.load %arg8[%get3A_23, %get3A_24] : memref<1x256xf32, #tpu.memory_space<vmem>>, vector<1x256xf32>
    %add3A_26 = vector.broadcast %get3A_25 : vector<1x256xf32> to vector<1024x256xf32>
    %add3A_27 = arith.addf %add3A_22, %add3A_26 : vector<1024x256xf32>
    %max3A = arith.constant 0.000000e+00 : f32
    %max3A_28 = vector.broadcast %max3A : f32 to vector<1024x256xf32>
    %max3A_29 = arith.maximumf %add3A_27, %max3A_28 : vector<1024x256xf32>
    %get3A_30 = arith.constant 0 : index
    %get3A_31 = arith.constant 0 : index
    %get3A_32 = vector.load %arg7[%get3A_30, %get3A_31] : memref<256x256xf32, #tpu.memory_space<vmem>>, vector<256x256xf32>
    %dot_general3A_33 = arith.constant dense<0.000000e+00> : vector<1024x256xf32>
    %dot_general3A_34 = tpu.matmul %max3A_29, %get3A_32, %dot_general3A_33 {dimension_numbers = #tpu.dot_dimension_numbers<[1], [0], [0], [1], [0, 0, 1, 1], [], []>, transpose_lhs_hint = false} : vector<1024x256xf32>, vector<256x256xf32>, vector<1024x256xf32> -> vector<1024x256xf32>
    %get3A_35 = arith.constant 0 : index
    %get3A_36 = arith.constant 0 : index
    %get3A_37 = vector.load %arg9[%get3A_35, %get3A_36] : memref<1x256xf32, #tpu.memory_space<vmem>>, vector<1x256xf32>
    %add3A_38 = vector.broadcast %get3A_37 : vector<1x256xf32> to vector<1024x256xf32>
    %add3A_39 = arith.addf %dot_general3A_34, %add3A_38 : vector<1024x256xf32>
    %add3A_40 = arith.addf %get3A_4, %add3A_39 : vector<1024x256xf32>
    %mul3A = arith.constant 5.000000e-01 : f32
    %mul3A_41 = vector.broadcast %mul3A : f32 to vector<1024x256xf32>
    %mul3A_42 = arith.mulf %add3A_40, %mul3A_41 : vector<1024x256xf32>
    %add3A_43 = arith.addf %get3A_1, %mul3A_42 : vector<1024x256xf32>
    %max3A_44 = arith.constant 0.000000e+00 : f32
    %max3A_45 = vector.broadcast %max3A_44 : f32 to vector<1024x256xf32>
    %max3A_46 = arith.maximumf %add3A_43, %max3A_45 : vector<1024x256xf32>
    %iota3A = tpu.iota {dimensions = array<i32: 0>} : vector<1024x1xi32>
    %add3A_47 = arith.constant 0 : i32
    %add3A_48 = vector.broadcast %add3A_47 : i32 to vector<1024x1xi32>
    %add3A_49 = arith.addi %iota3A, %add3A_48 : vector<1024x1xi32>
    %mul3A_50 = arith.constant 1024 : i32
    %mul3A_51 = arith.muli %arg0, %mul3A_50 : i32
    %add3A_52 = vector.broadcast %mul3A_51 : i32 to vector<1024x1xi32>
    %add3A_53 = arith.addi %add3A_49, %add3A_52 : vector<1024x1xi32>
    %lt3A = arith.constant 160000 : i32
    %lt3A_54 = vector.broadcast %lt3A : i32 to vector<1024x1xi32>
    %lt3A_55 = arith.cmpi slt, %add3A_53, %lt3A_54 : vector<1024x1xi32>
    %jit3A = arith.constant 0.000000e+00 : f32
    %broadcast_in_dim3A = vector.shape_cast %lt3A_55 : vector<1024x1xi1> to vector<1024x1xi1>
    %broadcast_in_dim3A_56 = vector.broadcast %broadcast_in_dim3A : vector<1024x1xi1> to vector<1024x256xi1>
    %broadcast_in_dim3A_57 = vector.broadcast %jit3A : f32 to vector<1024x256xf32>
    %select_n3A = arith.select %broadcast_in_dim3A_56, %max3A_46, %broadcast_in_dim3A_57 : vector<1024x256xi1>, vector<1024x256xf32>
    %slice3A = vector.extract_strided_slice %select_n3A {offsets = [0, 0], sizes = [1024, 128], strides = [1, 1]} : vector<1024x256xf32> to vector<1024x128xf32>
    %swap3A = arith.constant 0 : index
    %swap3A_58 = arith.constant 0 : index
    %swap3A_59 = arith.constant 0 : index
    %swap3A_60 = vector.load %arg10[%swap3A, %swap3A_58, %swap3A_59] : memref<2x1024x128xf32, #tpu.memory_space<vmem>>, vector<1x1024x128xf32>
    %swap3A_61 = vector.shape_cast %swap3A_60 : vector<1x1024x128xf32> to vector<1024x128xf32>
    %swap3A_62 = vector.shape_cast %slice3A : vector<1024x128xf32> to vector<1x1024x128xf32>
    tpu.vector_store %arg10[%swap3A, %swap3A_58, %swap3A_59], %swap3A_62 {strides = array<i32>} : memref<2x1024x128xf32, #tpu.memory_space<vmem>>, vector<1x1024x128xf32>,
    %slice3A_63 = vector.extract_strided_slice %select_n3A {offsets = [0, 128], sizes = [1024, 128], strides = [1, 1]} : vector<1024x256xf32> to vector<1024x128xf32>
    %swap3A_64 = arith.constant 1 : index
    %swap3A_65 = arith.constant 0 : index
    %swap3A_66 = arith.constant 0 : index
    %swap3A_67 = vector.load %arg10[%swap3A_64, %swap3A_65, %swap3A_66] : memref<2x1024x128xf32, #tpu.memory_space<vmem>>, vector<1x1024x128xf32>
    %swap3A_68 = vector.shape_cast %swap3A_67 : vector<1x1024x128xf32> to vector<1024x128xf32>
    %swap3A_69 = vector.shape_cast %slice3A_63 : vector<1024x128xf32> to vector<1x1024x128xf32>
    tpu.vector_store %arg10[%swap3A_64, %swap3A_65, %swap3A_66], %swap3A_69 {strides = array<i32>} : memref<2x1024x128xf32, #tpu.memory_space<vmem>>, vector<1x1024x128xf32>,
    return
  }
  func.func @transform_0(%arg0: i32) -> (i32, i32) {
    %c0_i32 = arith.constant 0 : i32
    %c0_i32_0 = arith.constant 0 : i32
    return %arg0, %c0_i32 : i32, i32
  }
  func.func @transform_1(%arg0: i32) -> (i32, i32) {
    %c0_i32 = arith.constant 0 : i32
    %c0_i32_0 = arith.constant 0 : i32
    return %arg0, %c0_i32 : i32, i32
  }
  func.func @transform_2(%arg0: i32) -> (i32, i32) {
    %add3A = arith.constant 0 : i32
    %add3A_0 = arith.addi %arg0, %add3A : i32
    %c0_i32 = arith.constant 0 : i32
    %c0_i32_1 = arith.constant 0 : i32
    return %add3A_0, %c0_i32 : i32, i32
  }
  func.func @transform_3(%arg0: i32) -> (i32, i32) {
    %c0_i32 = arith.constant 0 : i32
    %c0_i32_0 = arith.constant 0 : i32
    %c0_i32_1 = arith.constant 0 : i32
    return %c0_i32, %c0_i32_0 : i32, i32
  }
  func.func @transform_4(%arg0: i32) -> (i32, i32) {
    %c0_i32 = arith.constant 0 : i32
    %c0_i32_0 = arith.constant 0 : i32
    %c0_i32_1 = arith.constant 0 : i32
    return %c0_i32, %c0_i32_0 : i32, i32
  }
  func.func @transform_5(%arg0: i32) -> (i32, i32) {
    %c0_i32 = arith.constant 0 : i32
    %c0_i32_0 = arith.constant 0 : i32
    %c0_i32_1 = arith.constant 0 : i32
    return %c0_i32, %c0_i32_0 : i32, i32
  }
  func.func @transform_6(%arg0: i32) -> (i32, i32) {
    %c0_i32 = arith.constant 0 : i32
    %c0_i32_0 = arith.constant 0 : i32
    %c0_i32_1 = arith.constant 0 : i32
    return %c0_i32, %c0_i32_0 : i32, i32
  }
  func.func @transform_7(%arg0: i32) -> (i32, i32) {
    %c0_i32 = arith.constant 0 : i32
    %c0_i32_0 = arith.constant 0 : i32
    %c0_i32_1 = arith.constant 0 : i32
    return %c0_i32, %c0_i32_0 : i32, i32
  }
  func.func @transform_8(%arg0: i32) -> (i32, i32) {
    %c0_i32 = arith.constant 0 : i32
    %c0_i32_0 = arith.constant 0 : i32
    %c0_i32_1 = arith.constant 0 : i32
    return %c0_i32, %c0_i32_0 : i32, i32
  }
  func.func @transform_9(%arg0: i32) -> (i32, i32, i32) {
    %c0_i32 = arith.constant 0 : i32
    %c0_i32_0 = arith.constant 0 : i32
    %c0_i32_1 = arith.constant 0 : i32
    return %c0_i32, %arg0, %c0_i32_0 : i32, i32, i32
  }
}

module attributes {stable_mosaic.version = 14 : i64} {
  func.func @_edge_mlp_body(%arg0: i32, %arg1: memref<1024x256xf32, #tpu.memory_space<vmem>>, %arg2: memref<1024x256xf32, #tpu.memory_space<vmem>>, %arg3: memref<1024x256xf32, #tpu.memory_space<vmem>>, %arg4: memref<256x256xf32, #tpu.memory_space<vmem>>, %arg5: memref<256x256xf32, #tpu.memory_space<vmem>>, %arg6: memref<256x256xf32, #tpu.memory_space<vmem>>, %arg7: memref<256x256xf32, #tpu.memory_space<vmem>>, %arg8: memref<1x256xf32, #tpu.memory_space<vmem>>, %arg9: memref<1x256xf32, #tpu.memory_space<vmem>>, %arg10: memref<2x1024x128xf32, #tpu.memory_space<vmem>>) attributes {dimension_semantics = [#tpu.dimension_semantics<arbitrary>], iteration_bounds = array<i64: 80>, scalar_prefetch = 0 : i64, scratch_operands = 0 : i64, tpu.core_type = #tpu.core_type<tc>, window_params = [{transform_indices = @transform_0, window_bounds = array<i64: 1024, 256>}, {transform_indices = @transform_1, window_bounds = array<i64: 1024, 256>}, {transform_indices = @transform_2, window_bounds = array<i64: 1024, 256>}, {pipeline_mode = #tpu.pipeline_mode<synchronous>, transform_indices = @transform_3, window_bounds = array<i64: 256, 256>}, {pipeline_mode = #tpu.pipeline_mode<synchronous>, transform_indices = @transform_4, window_bounds = array<i64: 256, 256>}, {pipeline_mode = #tpu.pipeline_mode<synchronous>, transform_indices = @transform_5, window_bounds = array<i64: 256, 256>}, {pipeline_mode = #tpu.pipeline_mode<synchronous>, transform_indices = @transform_6, window_bounds = array<i64: 256, 256>}, {pipeline_mode = #tpu.pipeline_mode<synchronous>, transform_indices = @transform_7, window_bounds = array<i64: 1, 256>}, {pipeline_mode = #tpu.pipeline_mode<synchronous>, transform_indices = @transform_8, window_bounds = array<i64: 1, 256>}, {transform_indices = @transform_9, window_bounds = array<i64: 2, 1024, 128>}]} {
    %get3A = arith.constant 0 : index
    %get3A_0 = arith.constant 0 : index
    %get3A_1 = vector.load %arg1[%get3A, %get3A_0] : memref<1024x256xf32, #tpu.memory_space<vmem>>, vector<1024x256xf32>
    %get3A_2 = arith.constant 0 : index
    %get3A_3 = arith.constant 0 : index
    %get3A_4 = vector.load %arg3[%get3A_2, %get3A_3] : memref<1024x256xf32, #tpu.memory_space<vmem>>, vector<1024x256xf32>
    %get3A_5 = arith.constant 0 : index
    %get3A_6 = arith.constant 0 : index
    %get3A_7 = vector.load %arg4[%get3A_5, %get3A_6] : memref<256x256xf32, #tpu.memory_space<vmem>>, vector<256x256xf32>
    %dot_general3A = arith.constant dense<0.000000e+00> : vector<1024x256xf32>
    %dot_general3A_8 = tpu.matmul %get3A_1, %get3A_7, %dot_general3A {dimension_numbers = #tpu.dot_dimension_numbers<[1], [0], [0], [1], [0, 0, 1, 1], [], []>, transpose_lhs_hint = false} : vector<1024x256xf32>, vector<256x256xf32>, vector<1024x256xf32> -> vector<1024x256xf32>
    %get3A_9 = arith.constant 0 : index
    %get3A_10 = arith.constant 0 : index
    %get3A_11 = vector.load %arg2[%get3A_9, %get3A_10] : memref<1024x256xf32, #tpu.memory_space<vmem>>, vector<1024x256xf32>
    %get3A_12 = arith.constant 0 : index
    %get3A_13 = arith.constant 0 : index
    %get3A_14 = vector.load %arg5[%get3A_12, %get3A_13] : memref<256x256xf32, #tpu.memory_space<vmem>>, vector<256x256xf32>
    %dot_general3A_15 = arith.constant dense<0.000000e+00> : vector<1024x256xf32>
    %dot_general3A_16 = tpu.matmul %get3A_11, %get3A_14, %dot_general3A_15 {dimension_numbers = #tpu.dot_dimension_numbers<[1], [0], [0], [1], [0, 0, 1, 1], [], []>, transpose_lhs_hint = false} : vector<1024x256xf32>, vector<256x256xf32>, vector<1024x256xf32> -> vector<1024x256xf32>
    %add3A = arith.addf %dot_general3A_8, %dot_general3A_16 : vector<1024x256xf32>
    %get3A_17 = arith.constant 0 : index
    %get3A_18 = arith.constant 0 : index
    %get3A_19 = vector.load %arg6[%get3A_17, %get3A_18] : memref<256x256xf32, #tpu.memory_space<vmem>>, vector<256x256xf32>
    %dot_general3A_20 = arith.constant dense<0.000000e+00> : vector<1024x256xf32>
    %dot_general3A_21 = tpu.matmul %get3A_4, %get3A_19, %dot_general3A_20 {dimension_numbers = #tpu.dot_dimension_numbers<[1], [0], [0], [1], [0, 0, 1, 1], [], []>, transpose_lhs_hint = false} : vector<1024x256xf32>, vector<256x256xf32>, vector<1024x256xf32> -> vector<1024x256xf32>
    %add3A_22 = arith.addf %add3A, %dot_general3A_21 : vector<1024x256xf32>
    %get3A_23 = arith.constant 0 : index
    %get3A_24 = arith.constant 0 : index
    %get3A_25 = vector.load %arg8[%get3A_23, %get3A_24] : memref<1x256xf32, #tpu.memory_space<vmem>>, vector<1x256xf32>
    %add3A_26 = vector.broadcast %get3A_25 : vector<1x256xf32> to vector<1024x256xf32>
    %add3A_27 = arith.addf %add3A_22, %add3A_26 : vector<1024x256xf32>
    %max3A = arith.constant 0.000000e+00 : f32
    %max3A_28 = vector.broadcast %max3A : f32 to vector<1024x256xf32>
    %max3A_29 = arith.maximumf %add3A_27, %max3A_28 : vector<1024x256xf32>
    %get3A_30 = arith.constant 0 : index
    %get3A_31 = arith.constant 0 : index
    %get3A_32 = vector.load %arg7[%get3A_30, %get3A_31] : memref<256x256xf32, #tpu.memory_space<vmem>>, vector<256x256xf32>
    %dot_general3A_33 = arith.constant dense<0.000000e+00> : vector<1024x256xf32>
    %dot_general3A_34 = tpu.matmul %max3A_29, %get3A_32, %dot_general3A_33 {dimension_numbers = #tpu.dot_dimension_numbers<[1], [0], [0], [1], [0, 0, 1, 1], [], []>, transpose_lhs_hint = false} : vector<1024x256xf32>, vector<256x256xf32>, vector<1024x256xf32> -> vector<1024x256xf32>
    %get3A_35 = arith.constant 0 : index
    %get3A_36 = arith.constant 0 : index
    %get3A_37 = vector.load %arg9[%get3A_35, %get3A_36] : memref<1x256xf32, #tpu.memory_space<vmem>>, vector<1x256xf32>
    %add3A_38 = vector.broadcast %get3A_37 : vector<1x256xf32> to vector<1024x256xf32>
    %add3A_39 = arith.addf %dot_general3A_34, %add3A_38 : vector<1024x256xf32>
    %add3A_40 = arith.addf %get3A_4, %add3A_39 : vector<1024x256xf32>
    %mul3A = arith.constant 5.000000e-01 : f32
    %mul3A_41 = vector.broadcast %mul3A : f32 to vector<1024x256xf32>
    %mul3A_42 = arith.mulf %add3A_40, %mul3A_41 : vector<1024x256xf32>
    %add3A_43 = arith.addf %get3A_1, %mul3A_42 : vector<1024x256xf32>
    %max3A_44 = arith.constant 0.000000e+00 : f32
    %max3A_45 = vector.broadcast %max3A_44 : f32 to vector<1024x256xf32>
    %max3A_46 = arith.maximumf %add3A_43, %max3A_45 : vector<1024x256xf32>
    %iota3A = tpu.iota {dimensions = array<i32: 0>} : vector<1024x1xi32>
    %add3A_47 = arith.constant 81920 : i32
    %add3A_48 = vector.broadcast %add3A_47 : i32 to vector<1024x1xi32>
    %add3A_49 = arith.addi %iota3A, %add3A_48 : vector<1024x1xi32>
    %mul3A_50 = arith.constant 1024 : i32
    %mul3A_51 = arith.muli %arg0, %mul3A_50 : i32
    %add3A_52 = vector.broadcast %mul3A_51 : i32 to vector<1024x1xi32>
    %add3A_53 = arith.addi %add3A_49, %add3A_52 : vector<1024x1xi32>
    %lt3A = arith.constant 160000 : i32
    %lt3A_54 = vector.broadcast %lt3A : i32 to vector<1024x1xi32>
    %lt3A_55 = arith.cmpi slt, %add3A_53, %lt3A_54 : vector<1024x1xi32>
    %jit3A = arith.constant 0.000000e+00 : f32
    %broadcast_in_dim3A = vector.shape_cast %lt3A_55 : vector<1024x1xi1> to vector<1024x1xi1>
    %broadcast_in_dim3A_56 = vector.broadcast %broadcast_in_dim3A : vector<1024x1xi1> to vector<1024x256xi1>
    %broadcast_in_dim3A_57 = vector.broadcast %jit3A : f32 to vector<1024x256xf32>
    %select_n3A = arith.select %broadcast_in_dim3A_56, %max3A_46, %broadcast_in_dim3A_57 : vector<1024x256xi1>, vector<1024x256xf32>
    %slice3A = vector.extract_strided_slice %select_n3A {offsets = [0, 0], sizes = [1024, 128], strides = [1, 1]} : vector<1024x256xf32> to vector<1024x128xf32>
    %swap3A = arith.constant 0 : index
    %swap3A_58 = arith.constant 0 : index
    %swap3A_59 = arith.constant 0 : index
    %swap3A_60 = vector.load %arg10[%swap3A, %swap3A_58, %swap3A_59] : memref<2x1024x128xf32, #tpu.memory_space<vmem>>, vector<1x1024x128xf32>
    %swap3A_61 = vector.shape_cast %swap3A_60 : vector<1x1024x128xf32> to vector<1024x128xf32>
    %swap3A_62 = vector.shape_cast %slice3A : vector<1024x128xf32> to vector<1x1024x128xf32>
    tpu.vector_store %arg10[%swap3A, %swap3A_58, %swap3A_59], %swap3A_62 {strides = array<i32>} : memref<2x1024x128xf32, #tpu.memory_space<vmem>>, vector<1x1024x128xf32>,
    %slice3A_63 = vector.extract_strided_slice %select_n3A {offsets = [0, 128], sizes = [1024, 128], strides = [1, 1]} : vector<1024x256xf32> to vector<1024x128xf32>
    %swap3A_64 = arith.constant 1 : index
    %swap3A_65 = arith.constant 0 : index
    %swap3A_66 = arith.constant 0 : index
    %swap3A_67 = vector.load %arg10[%swap3A_64, %swap3A_65, %swap3A_66] : memref<2x1024x128xf32, #tpu.memory_space<vmem>>, vector<1x1024x128xf32>
    %swap3A_68 = vector.shape_cast %swap3A_67 : vector<1x1024x128xf32> to vector<1024x128xf32>
    %swap3A_69 = vector.shape_cast %slice3A_63 : vector<1024x128xf32> to vector<1x1024x128xf32>
    tpu.vector_store %arg10[%swap3A_64, %swap3A_65, %swap3A_66], %swap3A_69 {strides = array<i32>} : memref<2x1024x128xf32, #tpu.memory_space<vmem>>, vector<1x1024x128xf32>,
    return
  }
  func.func @transform_0(%arg0: i32) -> (i32, i32) {
    %c0_i32 = arith.constant 0 : i32
    %c0_i32_0 = arith.constant 0 : i32
    return %arg0, %c0_i32 : i32, i32
  }
  func.func @transform_1(%arg0: i32) -> (i32, i32) {
    %c0_i32 = arith.constant 0 : i32
    %c0_i32_0 = arith.constant 0 : i32
    return %arg0, %c0_i32 : i32, i32
  }
  func.func @transform_2(%arg0: i32) -> (i32, i32) {
    %add3A = arith.constant 80 : i32
    %add3A_0 = arith.addi %arg0, %add3A : i32
    %c0_i32 = arith.constant 0 : i32
    %c0_i32_1 = arith.constant 0 : i32
    return %add3A_0, %c0_i32 : i32, i32
  }
  func.func @transform_3(%arg0: i32) -> (i32, i32) {
    %c0_i32 = arith.constant 0 : i32
    %c0_i32_0 = arith.constant 0 : i32
    %c0_i32_1 = arith.constant 0 : i32
    return %c0_i32, %c0_i32_0 : i32, i32
  }
  func.func @transform_4(%arg0: i32) -> (i32, i32) {
    %c0_i32 = arith.constant 0 : i32
    %c0_i32_0 = arith.constant 0 : i32
    %c0_i32_1 = arith.constant 0 : i32
    return %c0_i32, %c0_i32_0 : i32, i32
  }
  func.func @transform_5(%arg0: i32) -> (i32, i32) {
    %c0_i32 = arith.constant 0 : i32
    %c0_i32_0 = arith.constant 0 : i32
    %c0_i32_1 = arith.constant 0 : i32
    return %c0_i32, %c0_i32_0 : i32, i32
  }
  func.func @transform_6(%arg0: i32) -> (i32, i32) {
    %c0_i32 = arith.constant 0 : i32
    %c0_i32_0 = arith.constant 0 : i32
    %c0_i32_1 = arith.constant 0 : i32
    return %c0_i32, %c0_i32_0 : i32, i32
  }
  func.func @transform_7(%arg0: i32) -> (i32, i32) {
    %c0_i32 = arith.constant 0 : i32
    %c0_i32_0 = arith.constant 0 : i32
    %c0_i32_1 = arith.constant 0 : i32
    return %c0_i32, %c0_i32_0 : i32, i32
  }
  func.func @transform_8(%arg0: i32) -> (i32, i32) {
    %c0_i32 = arith.constant 0 : i32
    %c0_i32_0 = arith.constant 0 : i32
    %c0_i32_1 = arith.constant 0 : i32
    return %c0_i32, %c0_i32_0 : i32, i32
  }
  func.func @transform_9(%arg0: i32) -> (i32, i32, i32) {
    %c0_i32 = arith.constant 0 : i32
    %c0_i32_0 = arith.constant 0 : i32
    %c0_i32_1 = arith.constant 0 : i32
    return %c0_i32, %arg0, %c0_i32_0 : i32, i32, i32
  }
}

module attributes {stable_mosaic.version = 14 : i64} {
  func.func @_z_from_h_body(%arg0: i32, %arg1: memref<1000x256xf32, #tpu.memory_space<vmem>>, %arg2: memref<2x1000x128xf32, #tpu.memory_space<vmem>>, %arg3: memref<256x256xf32, #tpu.memory_space<vmem>>, %arg4: memref<1x256xf32, #tpu.memory_space<vmem>>, %arg5: memref<256x256xf32, #tpu.memory_space<vmem>>, %arg6: memref<1x256xf32, #tpu.memory_space<vmem>>, %arg7: memref<1000x256xf32, #tpu.memory_space<vmem>>, %arg8: memref<8x256xf32, #tpu.memory_space<vmem>>) attributes {dimension_semantics = [#tpu.dimension_semantics<arbitrary>], iteration_bounds = array<i64: 10>, scalar_prefetch = 0 : i64, scratch_operands = 0 : i64, tpu.core_type = #tpu.core_type<tc>, window_params = [{transform_indices = @transform_0, window_bounds = array<i64: 1000, 256>}, {transform_indices = @transform_1, window_bounds = array<i64: 2, 1000, 128>}, {pipeline_mode = #tpu.pipeline_mode<synchronous>, transform_indices = @transform_2, window_bounds = array<i64: 256, 256>}, {pipeline_mode = #tpu.pipeline_mode<synchronous>, transform_indices = @transform_3, window_bounds = array<i64: 1, 256>}, {pipeline_mode = #tpu.pipeline_mode<synchronous>, transform_indices = @transform_4, window_bounds = array<i64: 256, 256>}, {pipeline_mode = #tpu.pipeline_mode<synchronous>, transform_indices = @transform_5, window_bounds = array<i64: 1, 256>}, {transform_indices = @transform_6, window_bounds = array<i64: 1000, 256>}, {pipeline_mode = #tpu.pipeline_mode<synchronous>, transform_indices = @transform_7, window_bounds = array<i64: 8, 256>}]} {
    %get3A = arith.constant 0 : index
    %get3A_0 = arith.constant 0 : index
    %get3A_1 = vector.load %arg1[%get3A, %get3A_0] : memref<1000x256xf32, #tpu.memory_space<vmem>>, vector<1000x256xf32>
    %get3A_2 = arith.constant 0 : index
    %get3A_3 = arith.constant 0 : index
    %get3A_4 = arith.constant 0 : index
    %get3A_5 = vector.load %arg2[%get3A_2, %get3A_3, %get3A_4] : memref<2x1000x128xf32, #tpu.memory_space<vmem>>, vector<1x1000x128xf32>
    %get3A_6 = vector.shape_cast %get3A_5 : vector<1x1000x128xf32> to vector<1000x128xf32>
    %get3A_7 = arith.constant 1 : index
    %get3A_8 = arith.constant 0 : index
    %get3A_9 = arith.constant 0 : index
    %get3A_10 = vector.load %arg2[%get3A_7, %get3A_8, %get3A_9] : memref<2x1000x128xf32, #tpu.memory_space<vmem>>, vector<1x1000x128xf32>
    %get3A_11 = vector.shape_cast %get3A_10 : vector<1x1000x128xf32> to vector<1000x128xf32>
    %concatenate3A = tpu.concatenate %get3A_6, %get3A_11 in 1 : vector<1000x128xf32>, vector<1000x128xf32> -> vector<1000x256xf32>
    %add3A = arith.addf %get3A_1, %concatenate3A : vector<1000x256xf32>
    %get3A_12 = arith.constant 0 : index
    %get3A_13 = arith.constant 0 : index
    %get3A_14 = vector.load %arg3[%get3A_12, %get3A_13] : memref<256x256xf32, #tpu.memory_space<vmem>>, vector<256x256xf32>
    %dot_general3A = arith.constant dense<0.000000e+00> : vector<1000x256xf32>
    %dot_general3A_15 = tpu.matmul %add3A, %get3A_14, %dot_general3A {dimension_numbers = #tpu.dot_dimension_numbers<[1], [0], [0], [1], [0, 0, 1, 1], [], []>, transpose_lhs_hint = false} : vector<1000x256xf32>, vector<256x256xf32>, vector<1000x256xf32> -> vector<1000x256xf32>
    %get3A_16 = arith.constant 0 : index
    %get3A_17 = arith.constant 0 : index
    %get3A_18 = vector.load %arg4[%get3A_16, %get3A_17] : memref<1x256xf32, #tpu.memory_space<vmem>>, vector<1x256xf32>
    %add3A_19 = vector.broadcast %get3A_18 : vector<1x256xf32> to vector<1000x256xf32>
    %add3A_20 = arith.addf %dot_general3A_15, %add3A_19 : vector<1000x256xf32>
    %max3A = arith.constant 0.000000e+00 : f32
    %max3A_21 = vector.broadcast %max3A : f32 to vector<1000x256xf32>
    %max3A_22 = arith.maximumf %add3A_20, %max3A_21 : vector<1000x256xf32>
    %get3A_23 = arith.constant 0 : index
    %get3A_24 = arith.constant 0 : index
    %get3A_25 = vector.load %arg5[%get3A_23, %get3A_24] : memref<256x256xf32, #tpu.memory_space<vmem>>, vector<256x256xf32>
    %dot_general3A_26 = arith.constant dense<0.000000e+00> : vector<1000x256xf32>
    %dot_general3A_27 = tpu.matmul %max3A_22, %get3A_25, %dot_general3A_26 {dimension_numbers = #tpu.dot_dimension_numbers<[1], [0], [0], [1], [0, 0, 1, 1], [], []>, transpose_lhs_hint = false} : vector<1000x256xf32>, vector<256x256xf32>, vector<1000x256xf32> -> vector<1000x256xf32>
    %get3A_28 = arith.constant 0 : index
    %get3A_29 = arith.constant 0 : index
    %get3A_30 = vector.load %arg6[%get3A_28, %get3A_29] : memref<1x256xf32, #tpu.memory_space<vmem>>, vector<1x256xf32>
    %add3A_31 = vector.broadcast %get3A_30 : vector<1x256xf32> to vector<1000x256xf32>
    %add3A_32 = arith.addf %dot_general3A_27, %add3A_31 : vector<1000x256xf32>
    %swap3A = arith.constant 0 : index
    %swap3A_33 = arith.constant 0 : index
    %swap3A_34 = vector.load %arg7[%swap3A, %swap3A_33] : memref<1000x256xf32, #tpu.memory_space<vmem>>, vector<1000x256xf32>
    tpu.vector_store %arg7[%swap3A, %swap3A_33], %add3A_32 {strides = array<i32>} : memref<1000x256xf32, #tpu.memory_space<vmem>>, vector<1000x256xf32>,
    %eq3A = arith.constant 0 : i32
    %eq3A_35 = arith.cmpi eq, %arg0, %eq3A : i32
    %convert_element_type3A = arith.extui %eq3A_35 : i1 to i32
    %cond3A = arith.constant 0 : i32
    %cond3A_36 = arith.cmpi ne, %convert_element_type3A, %cond3A : i32
    scf.if %cond3A_36 {
      %broadcast_in_dim3A_55 = arith.constant 0.000000e+00 : f32
      %broadcast_in_dim3A_56 = vector.broadcast %broadcast_in_dim3A_55 : f32 to vector<8x256xf32>
      %swap3A_57 = arith.constant 0 : index
      %swap3A_58 = arith.constant 0 : index
      %swap3A_59 = vector.load %arg8[%swap3A_57, %swap3A_58] : memref<8x256xf32, #tpu.memory_space<vmem>>, vector<8x256xf32>
      tpu.vector_store %arg8[%swap3A_57, %swap3A_58], %broadcast_in_dim3A_56 {strides = array<i32>} : memref<8x256xf32, #tpu.memory_space<vmem>>, vector<8x256xf32>,
    } else {
    }
    %get3A_37 = arith.constant 0 : index
    %get3A_38 = arith.constant 0 : index
    %get3A_39 = vector.load %arg8[%get3A_37, %get3A_38] : memref<8x256xf32, #tpu.memory_space<vmem>>, vector<1x256xf32>
    %reduce_sum3A = arith.constant dense<0.000000e+00> : vector<256xf32>
    %reduce_sum3A_40 = vector.multi_reduction <add>, %add3A_32, %reduce_sum3A [0] : vector<1000x256xf32> to vector<256xf32>
    %broadcast_in_dim3A = vector.shape_cast %reduce_sum3A_40 : vector<256xf32> to vector<1x256xf32>
    %add3A_41 = arith.addf %get3A_39, %broadcast_in_dim3A : vector<1x256xf32>
    %swap3A_42 = arith.constant 0 : index
    %swap3A_43 = arith.constant 0 : index
    %swap3A_44 = vector.load %arg8[%swap3A_42, %swap3A_43] : memref<8x256xf32, #tpu.memory_space<vmem>>, vector<1x256xf32>
    tpu.vector_store %arg8[%swap3A_42, %swap3A_43], %add3A_41 {strides = array<i32>} : memref<8x256xf32, #tpu.memory_space<vmem>>, vector<1x256xf32>,
    %get3A_45 = arith.constant 1 : index
    %get3A_46 = arith.constant 0 : index
    %get3A_47 = vector.load %arg8[%get3A_45, %get3A_46] : memref<8x256xf32, #tpu.memory_space<vmem>>, vector<1x256xf32>
    %mul3A = arith.mulf %add3A_32, %add3A_32 : vector<1000x256xf32>
    %reduce_sum3A_48 = arith.constant dense<0.000000e+00> : vector<256xf32>
    %reduce_sum3A_49 = vector.multi_reduction <add>, %mul3A, %reduce_sum3A_48 [0] : vector<1000x256xf32> to vector<256xf32>
    %broadcast_in_dim3A_50 = vector.shape_cast %reduce_sum3A_49 : vector<256xf32> to vector<1x256xf32>
    %add3A_51 = arith.addf %get3A_47, %broadcast_in_dim3A_50 : vector<1x256xf32>
    %swap3A_52 = arith.constant 1 : index
    %swap3A_53 = arith.constant 0 : index
    %swap3A_54 = vector.load %arg8[%swap3A_52, %swap3A_53] : memref<8x256xf32, #tpu.memory_space<vmem>>, vector<1x256xf32>
    tpu.vector_store %arg8[%swap3A_52, %swap3A_53], %add3A_51 {strides = array<i32>} : memref<8x256xf32, #tpu.memory_space<vmem>>, vector<1x256xf32>,
    return
  }
  func.func @transform_0(%arg0: i32) -> (i32, i32) {
    %c0_i32 = arith.constant 0 : i32
    %c0_i32_0 = arith.constant 0 : i32
    return %arg0, %c0_i32 : i32, i32
  }
  func.func @transform_1(%arg0: i32) -> (i32, i32, i32) {
    %c0_i32 = arith.constant 0 : i32
    %c0_i32_0 = arith.constant 0 : i32
    %c0_i32_1 = arith.constant 0 : i32
    return %c0_i32, %arg0, %c0_i32_0 : i32, i32, i32
  }
  func.func @transform_2(%arg0: i32) -> (i32, i32) {
    %c0_i32 = arith.constant 0 : i32
    %c0_i32_0 = arith.constant 0 : i32
    %c0_i32_1 = arith.constant 0 : i32
    return %c0_i32, %c0_i32_0 : i32, i32
  }
  func.func @transform_3(%arg0: i32) -> (i32, i32) {
    %c0_i32 = arith.constant 0 : i32
    %c0_i32_0 = arith.constant 0 : i32
    %c0_i32_1 = arith.constant 0 : i32
    return %c0_i32, %c0_i32_0 : i32, i32
  }
  func.func @transform_4(%arg0: i32) -> (i32, i32) {
    %c0_i32 = arith.constant 0 : i32
    %c0_i32_0 = arith.constant 0 : i32
    %c0_i32_1 = arith.constant 0 : i32
    return %c0_i32, %c0_i32_0 : i32, i32
  }
  func.func @transform_5(%arg0: i32) -> (i32, i32) {
    %c0_i32 = arith.constant 0 : i32
    %c0_i32_0 = arith.constant 0 : i32
    %c0_i32_1 = arith.constant 0 : i32
    return %c0_i32, %c0_i32_0 : i32, i32
  }
  func.func @transform_6(%arg0: i32) -> (i32, i32) {
    %c0_i32 = arith.constant 0 : i32
    %c0_i32_0 = arith.constant 0 : i32
    return %arg0, %c0_i32 : i32, i32
  }
  func.func @transform_7(%arg0: i32) -> (i32, i32) {
    %c0_i32 = arith.constant 0 : i32
    %c0_i32_0 = arith.constant 0 : i32
    %c0_i32_1 = arith.constant 0 : i32
    return %c0_i32, %c0_i32_0 : i32, i32
  }
}

module attributes {stable_mosaic.version = 14 : i64} {
  func.func @_head_body(%arg0: i32, %arg1: memref<1000x256xf32, #tpu.memory_space<vmem>>, %arg2: memref<1000x256xf32, #tpu.memory_space<vmem>>, %arg3: memref<8x256xf32, #tpu.memory_space<vmem>>, %arg4: memref<256x256xf32, #tpu.memory_space<vmem>>, %arg5: memref<1x256xf32, #tpu.memory_space<vmem>>, %arg6: memref<256x128xf32, #tpu.memory_space<vmem>>, %arg7: memref<1x128xf32, #tpu.memory_space<vmem>>, %arg8: memref<1000x128xf32, #tpu.memory_space<vmem>>) attributes {dimension_semantics = [#tpu.dimension_semantics<arbitrary>], iteration_bounds = array<i64: 10>, scalar_prefetch = 0 : i64, scratch_operands = 0 : i64, tpu.core_type = #tpu.core_type<tc>, window_params = [{transform_indices = @transform_0, window_bounds = array<i64: 1000, 256>}, {transform_indices = @transform_1, window_bounds = array<i64: 1000, 256>}, {pipeline_mode = #tpu.pipeline_mode<synchronous>, transform_indices = @transform_2, window_bounds = array<i64: 8, 256>}, {pipeline_mode = #tpu.pipeline_mode<synchronous>, transform_indices = @transform_3, window_bounds = array<i64: 256, 256>}, {pipeline_mode = #tpu.pipeline_mode<synchronous>, transform_indices = @transform_4, window_bounds = array<i64: 1, 256>}, {pipeline_mode = #tpu.pipeline_mode<synchronous>, transform_indices = @transform_5, window_bounds = array<i64: 256, 128>}, {pipeline_mode = #tpu.pipeline_mode<synchronous>, transform_indices = @transform_6, window_bounds = array<i64: 1, 128>}, {transform_indices = @transform_7, window_bounds = array<i64: 1000, 128>}]} {
    %get3A = arith.constant 0 : index
    %get3A_0 = arith.constant 0 : index
    %get3A_1 = vector.load %arg1[%get3A, %get3A_0] : memref<1000x256xf32, #tpu.memory_space<vmem>>, vector<1000x256xf32>
    %get3A_2 = arith.constant 0 : index
    %get3A_3 = arith.constant 0 : index
    %get3A_4 = vector.load %arg3[%get3A_2, %get3A_3] : memref<8x256xf32, #tpu.memory_space<vmem>>, vector<1x256xf32>
    %div3A = arith.constant 1.000000e+04 : f32
    %div3A_5 = vector.broadcast %div3A : f32 to vector<1x256xf32>
    %div3A_6 = arith.divf %get3A_4, %div3A_5 : vector<1x256xf32>
    %get3A_7 = arith.constant 1 : index
    %get3A_8 = arith.constant 0 : index
    %get3A_9 = vector.load %arg3[%get3A_7, %get3A_8] : memref<8x256xf32, #tpu.memory_space<vmem>>, vector<1x256xf32>
    %div3A_10 = arith.constant 1.000000e+04 : f32
    %div3A_11 = vector.broadcast %div3A_10 : f32 to vector<1x256xf32>
    %div3A_12 = arith.divf %get3A_9, %div3A_11 : vector<1x256xf32>
    %mul3A = arith.mulf %div3A_6, %div3A_6 : vector<1x256xf32>
    %sub3A = arith.subf %div3A_12, %mul3A : vector<1x256xf32>
    %get3A_13 = arith.constant 0 : index
    %get3A_14 = arith.constant 0 : index
    %get3A_15 = vector.load %arg2[%get3A_13, %get3A_14] : memref<1000x256xf32, #tpu.memory_space<vmem>>, vector<1000x256xf32>
    %sub3A_16 = vector.broadcast %div3A_6 : vector<1x256xf32> to vector<1000x256xf32>
    %sub3A_17 = arith.subf %get3A_15, %sub3A_16 : vector<1000x256xf32>
    %add3A = arith.constant 9.99999974E-6 : f32
    %add3A_18 = vector.broadcast %add3A : f32 to vector<1x256xf32>
    %add3A_19 = arith.addf %sub3A, %add3A_18 : vector<1x256xf32>
    %sqrt3A = math.sqrt %add3A_19 : vector<1x256xf32>
    %div3A_20 = vector.broadcast %sqrt3A : vector<1x256xf32> to vector<1000x256xf32>
    %div3A_21 = arith.divf %sub3A_17, %div3A_20 : vector<1000x256xf32>
    %max3A = arith.constant 0.000000e+00 : f32
    %max3A_22 = vector.broadcast %max3A : f32 to vector<1000x256xf32>
    %max3A_23 = arith.maximumf %div3A_21, %max3A_22 : vector<1000x256xf32>
    %add3A_24 = arith.addf %get3A_1, %max3A_23 : vector<1000x256xf32>
    %mul3A_25 = arith.constant 5.000000e-01 : f32
    %mul3A_26 = vector.broadcast %mul3A_25 : f32 to vector<1000x256xf32>
    %mul3A_27 = arith.mulf %add3A_24, %mul3A_26 : vector<1000x256xf32>
    %get3A_28 = arith.constant 0 : index
    %get3A_29 = arith.constant 0 : index
    %get3A_30 = vector.load %arg4[%get3A_28, %get3A_29] : memref<256x256xf32, #tpu.memory_space<vmem>>, vector<256x256xf32>
    %dot_general3A = arith.constant dense<0.000000e+00> : vector<1000x256xf32>
    %dot_general3A_31 = tpu.matmul %mul3A_27, %get3A_30, %dot_general3A {dimension_numbers = #tpu.dot_dimension_numbers<[1], [0], [0], [1], [0, 0, 1, 1], [], []>, transpose_lhs_hint = false} : vector<1000x256xf32>, vector<256x256xf32>, vector<1000x256xf32> -> vector<1000x256xf32>
    %get3A_32 = arith.constant 0 : index
    %get3A_33 = arith.constant 0 : index
    %get3A_34 = vector.load %arg5[%get3A_32, %get3A_33] : memref<1x256xf32, #tpu.memory_space<vmem>>, vector<1x256xf32>
    %add3A_35 = vector.broadcast %get3A_34 : vector<1x256xf32> to vector<1000x256xf32>
    %add3A_36 = arith.addf %dot_general3A_31, %add3A_35 : vector<1000x256xf32>
    %max3A_37 = arith.constant 0.000000e+00 : f32
    %max3A_38 = vector.broadcast %max3A_37 : f32 to vector<1000x256xf32>
    %max3A_39 = arith.maximumf %add3A_36, %max3A_38 : vector<1000x256xf32>
    %get3A_40 = arith.constant 0 : index
    %get3A_41 = arith.constant 0 : index
    %get3A_42 = vector.load %arg6[%get3A_40, %get3A_41] : memref<256x128xf32, #tpu.memory_space<vmem>>, vector<256x128xf32>
    %dot_general3A_43 = arith.constant dense<0.000000e+00> : vector<1000x128xf32>
    %dot_general3A_44 = tpu.matmul %max3A_39, %get3A_42, %dot_general3A_43 {dimension_numbers = #tpu.dot_dimension_numbers<[1], [0], [0], [1], [0, 0, 1, 1], [], []>, transpose_lhs_hint = false} : vector<1000x256xf32>, vector<256x128xf32>, vector<1000x128xf32> -> vector<1000x128xf32>
    %get3A_45 = arith.constant 0 : index
    %get3A_46 = arith.constant 0 : index
    %get3A_47 = vector.load %arg7[%get3A_45, %get3A_46] : memref<1x128xf32, #tpu.memory_space<vmem>>, vector<1x128xf32>
    %add3A_48 = vector.broadcast %get3A_47 : vector<1x128xf32> to vector<1000x128xf32>
    %add3A_49 = arith.addf %dot_general3A_44, %add3A_48 : vector<1000x128xf32>
    %swap3A = arith.constant 0 : index
    %swap3A_50 = arith.constant 0 : index
    %swap3A_51 = vector.load %arg8[%swap3A, %swap3A_50] : memref<1000x128xf32, #tpu.memory_space<vmem>>, vector<1000x128xf32>
    tpu.vector_store %arg8[%swap3A, %swap3A_50], %add3A_49 {strides = array<i32>} : memref<1000x128xf32, #tpu.memory_space<vmem>>, vector<1000x128xf32>,
    return
  }
  func.func @transform_0(%arg0: i32) -> (i32, i32) {
    %c0_i32 = arith.constant 0 : i32
    %c0_i32_0 = arith.constant 0 : i32
    return %arg0, %c0_i32 : i32, i32
  }
  func.func @transform_1(%arg0: i32) -> (i32, i32) {
    %c0_i32 = arith.constant 0 : i32
    %c0_i32_0 = arith.constant 0 : i32
    return %arg0, %c0_i32 : i32, i32
  }
  func.func @transform_2(%arg0: i32) -> (i32, i32) {
    %c0_i32 = arith.constant 0 : i32
    %c0_i32_0 = arith.constant 0 : i32
    %c0_i32_1 = arith.constant 0 : i32
    return %c0_i32, %c0_i32_0 : i32, i32
  }
  func.func @transform_3(%arg0: i32) -> (i32, i32) {
    %c0_i32 = arith.constant 0 : i32
    %c0_i32_0 = arith.constant 0 : i32
    %c0_i32_1 = arith.constant 0 : i32
    return %c0_i32, %c0_i32_0 : i32, i32
  }
  func.func @transform_4(%arg0: i32) -> (i32, i32) {
    %c0_i32 = arith.constant 0 : i32
    %c0_i32_0 = arith.constant 0 : i32
    %c0_i32_1 = arith.constant 0 : i32
    return %c0_i32, %c0_i32_0 : i32, i32
  }
  func.func @transform_5(%arg0: i32) -> (i32, i32) {
    %c0_i32 = arith.constant 0 : i32
    %c0_i32_0 = arith.constant 0 : i32
    %c0_i32_1 = arith.constant 0 : i32
    return %c0_i32, %c0_i32_0 : i32, i32
  }
  func.func @transform_6(%arg0: i32) -> (i32, i32) {
    %c0_i32 = arith.constant 0 : i32
    %c0_i32_0 = arith.constant 0 : i32
    %c0_i32_1 = arith.constant 0 : i32
    return %c0_i32, %c0_i32_0 : i32, i32
  }
  func.func @transform_7(%arg0: i32) -> (i32, i32) {
    %c0_i32 = arith.constant 0 : i32
    %c0_i32_0 = arith.constant 0 : i32
    return %arg0, %c0_i32 : i32, i32
  }
}

</mosaic_0001>

<sc_bundles>
// kernel: kernel.15.cloned.1.call-start
scs
__scs_entry_jumppad:
0x0: {  	(pc) =	sbr.rel $0x88, $3  }
0x1: {  	(tag) =	ssettag $0x0;
	lr =	simm.s32 $0x1  }
0x2: {  	[smem:$0x3F8E] =	sst lr;
	_ =	strace $0xD0000000  }
0x3: {  	_ = 	snop  }
0x4: {  	_ = 	snop  }
0x5: {  	_ = 	snop  }
0x6: {  	_ = 	snop  }
0x7: {  	_ = 	snop  }
__scs_overlays_trampoline_lowered:
0x8: {  	[smem:$0x3F9D] =	sst s0  }
0x9: {  	[smem:$0x3F9E] =	sst s1  }
0xa: {  	[smem:$0x3F9F] =	sst s2  }
0xb: {  	[smem:$0x3FA0] =	sst s3  }
0xc: {  	[smem:$0x3FA1] =	sst s4  }
0xd: {  	[smem:$0x3FA2] =	sst s5  }
0xe: {  	[smem:$0x3FA3] =	sst s6  }
0xf: {  	[smem:$0x3FA4] =	sst s7  }
0x10: {  	[smem:$0x3FA5] =	sst s8  }
0x11: {  	[smem:$0x3FA6] =	sst s9;
	s0 =	simm.s32 @!p0 $0x0  }
0x12: {  	s1 =	sld [smem:$0x3F8C];
	s0 =	simm.s32 @p0 $0x1  }
0x13: {  	[smem:$0x3FA7] =	sst s0;
	s0 =	simm.s32 @!p1 $0x0  }
0x14: {  	s2 =	sld [smem:$0x3F8B];
	s0 =	simm.s32 @p1 $0x1  }
0x15: {  	[smem:$0x3FA8] =	sst s0;
	s0 =	simm.s32 @!p2 $0x0  }
0x16: {  	s3 =	sld [smem:$0x3FDB];
	s0 =	simm.s32 @p2 $0x1  }
0x17: {  	s4 =	simm.s32 $0x1BF5;
	[smem:$0x3FAA] =	sst s0  }
0x18: {  	s0 =	sld [smem:$0x3F8D];
	_ =	swait.ge [sflag:s4], $0x0  }
0x19: {  	s7 =	sld [smem:$0x3F8E]  }
0x1a: {  	s8 =	sadd.s32 $0xFFFFE003, lr  }
0x1b: {  	s9 =	sadd.s32 $0xFFFFFEF7, lr;
	s5 =	simm.s32 $0xFFFFFFFF;
	p2 =	slt.u32 s8, $0xFFFFF086  }
0x1c: {  	p1 =	slt.u32 s9, $0xF7A;
	s5 =	simm.s32 @!p2 $0x0  }
0x1d: {  	s5 =	simm.s32 @p1 $0x1;
	p0 =	seq.s32 s7, s2  }
0x1e: {  	s7 =	smul.u32 @!p0 $0xF7A, s2;
	p2 =	seq.s32 @!p0 s5, $0x0  }
0x1f: {  	s9 =	smul.u32 $0xF7A, s1;
	s8 =	simm.s32 @!p0 $0x1BF5;
	p2 =	por !p2, p0  }
0x20: {  	[sflag:s8] =	ssyncset.s32 @!p0 $0xFFFFF086;
	s6 =	sadd.s32 @!p0 s3, s7;
	s7 =	simm.s32 @!p0 $0x108  }
0x21: {  	s3 =	sadd.s32 s3, s9;
	s6 =	sadd.s32 @!p0 $0x88, s6;
	s7 =	simm.s32 @p2 $0x1082  }
0x22: {  	[simem:s7], [sflag:s8] =	dma.local @!p0 [hbm:s6], $0xF7A  }
0x23: {  	s9 =	sor.u32 $0xD0000000, s2;
	s6 =	simm.s32 $0x108;
	_ =	swait.ge @!p0 [sflag:s8], $0x0  }
0x24: {  	s3 =	sadd.s32 $0x88, s3;
	s6 =	simm.s32 @!p1 $0x1082;
	[sflag:s4] =	ssyncset.s32 $0xFFFFF086  }
0x25: {  	[simem:s6], [sflag:s4] =	dma.local [hbm:s3], $0xF7A  }
0x26: {  	[smem:$0x3F8E] =	sst s1;
	(tag) =	ssettag s2;
	_ =	strace s9  }
0x27: {  	s1 =	sld [smem:$0x3F9E]  }
0x28: {  	s2 =	sld [smem:$0x3F9F]  }
0x29: {  	s4 =	sld [smem:$0x3FA1]  }
0x2a: {  	p0 =	seq.s32 s5, $0x0;
	s5 =	sld [smem:$0x3FA2]  }
0x2b: {  	s6 =	sld [smem:$0x3FA3]  }
0x2c: {  	s7 =	sld [smem:$0x3FA4]  }
0x2d: {  	s3 =	simm.s32 $0x108;
	s8 =	sld [smem:$0x3FA5]  }
0x2e: {  	s3 =	simm.s32 @!p0 $0x1082;
	s9 =	sld [smem:$0x3FA6]  }
0x2f: {  	lr =	sadd.s32 s0, s3;
	s0 =	sld [smem:$0x3F9D]  }
0x30: {  	s3 =	sld [smem:$0x3FA0]  }
0x31: {  	[smem:$0x3FA9] =	sst s10  }
0x32: {  	s10 =	sld [smem:$0x3FA7];
	_ =	sdelay $0x3  }
0x33: {  	p0 =	seq.s32 s10, $0x1;
	s10 =	sld [smem:$0x3FA9];
	_ =	sdelay $0x3  }
0x34: {  	[smem:$0x3FA9] =	sst s10  }
0x35: {  	s10 =	sld [smem:$0x3FA8];
	_ =	sdelay $0x3  }
0x36: {  	p1 =	seq.s32 s10, $0x1;
	s10 =	sld [smem:$0x3FA9];
	_ =	sdelay $0x3  }
0x37: {  	[smem:$0x3FA9] =	sst s10  }
0x38: {  	s10 =	sld [smem:$0x3FAA]  }
0x39: {  	_ = 	snop;
	(pc) =	sbr.ind lr, $3  }
0x3a: {  	_ = 	snop  }
0x3b: {  	_ = 	snop  }
0x3c: {  	p2 =	seq.s32 s10, $0x1;
	s10 =	sld [smem:$0x3FA9]  }
0x3d: {  	_ =	shalt  }
0x3e: {  	_ =	shalt  }
0x3f: {  	_ =	shalt  }
0x40: {  	_ =	shalt  }
0x41: {  	_ =	shalt  }
0x42: {  	_ =	shalt  }
0x43: {  	_ =	shalt  }
0x44: {  	_ =	shalt  }
0x45: {  	_ =	shalt  }
0x46: {  	_ =	shalt  }
0x47: {  	_ =	shalt  }
0x48: {  	_ =	shalt  }
0x49: {  	_ =	shalt  }
0x4a: {  	_ =	shalt  }
0x4b: {  	_ =	shalt  }
0x4c: {  	_ =	shalt  }
0x4d: {  	_ =	shalt  }
0x4e: {  	_ =	shalt  }
0x4f: {  	_ =	shalt  }
0x50: {  	_ =	shalt  }
0x51: {  	_ =	shalt  }
0x52: {  	_ =	shalt  }
0x53: {  	_ =	shalt  }
0x54: {  	_ =	shalt  }
0x55: {  	_ =	shalt  }
0x56: {  	_ =	shalt  }
0x57: {  	_ =	shalt  }
0x58: {  	_ =	shalt  }
0x59: {  	_ =	shalt  }
0x5a: {  	_ =	shalt  }
0x5b: {  	_ =	shalt  }
0x5c: {  	_ =	shalt  }
0x5d: {  	_ =	shalt  }
0x5e: {  	_ =	shalt  }
0x5f: {  	_ =	shalt  }
0x60: {  	_ =	shalt  }
0x61: {  	_ =	shalt  }
0x62: {  	_ =	shalt  }
0x63: {  	_ =	shalt  }
0x64: {  	_ =	shalt  }
0x65: {  	_ =	shalt  }
0x66: {  	_ =	shalt  }
0x67: {  	_ =	shalt  }
0x68: {  	_ =	shalt  }
0x69: {  	_ =	shalt  }
0x6a: {  	_ =	shalt  }
0x6b: {  	_ =	shalt  }
0x6c: {  	_ =	shalt  }
0x6d: {  	_ =	shalt  }
0x6e: {  	_ =	shalt  }
0x6f: {  	_ =	shalt  }
0x70: {  	_ =	shalt  }
0x71: {  	_ =	shalt  }
0x72: {  	_ =	shalt  }
0x73: {  	_ =	shalt  }
0x74: {  	_ =	shalt  }
0x75: {  	_ =	shalt  }
0x76: {  	_ =	shalt  }
0x77: {  	_ =	shalt  }
0x78: {  	_ =	shalt  }
0x79: {  	_ =	shalt  }
0x7a: {  	_ =	shalt  }
0x7b: {  	_ =	shalt  }
0x7c: {  	_ =	shalt  }
0x7d: {  	_ =	shalt  }
0x7e: {  	_ =	shalt  }
0x7f: {  	_ =	shalt  }
0x80: {  	_ =	shalt  }
0x81: {  	_ =	shalt  }
0x82: {  	_ =	shalt  }
0x83: {  	_ =	shalt  }
0x84: {  	_ =	shalt  }
0x85: {  	_ =	shalt  }
0x86: {  	_ =	shalt  }
0x87: {  	_ =	shalt  }
.Lfunc_end0:
.L_simem_size_0:
called_computation_lowered:
.L_overlay_start_0:
0x88: {  	s2 =	sld [smem:$0x3FD9]  }
0x89: {  	s3 =	sld [smem:$0x3FFE];
	_ =	sdelay $0x1  }
0x8a: {  	s1 =	srdreg.scid  }
0x8b: {  	s0 =	sand.u32 $0x1, s1  }
0x8c: {  	s17 =	sshll.u32 s0, $0xA;
	s2 =	sadd.s32 s3, s2  }
0x8d: {  	s2 =	sadd.s32 s2, s17  }
0x8e: {  	[smem:$0x3FB5] =	sst s2  }
0x8f: {  	_ = 	snop  }
0x90: {  	s2 =	sld [smem:$0x3FD0];
	(tm) =	ssettm $0x1  }
0x91: {  	s18 =	sld [smem:$0x3FFB];
	_ =	sdelay $0x3  }
0x92: {  	_ =	strace s18  }
0x93: {  	s3 =	sld [smem:$0x3FFC];
	_ =	sdelay $0x3  }
0x94: {  	_ =	strace s3  }
0x95: {  	s3 =	sld [smem:$0x3FFD];
	_ =	sdelay $0x3  }
0x96: {  	_ =	strace s3  }
0x97: {  	_ =	strace $0x8FFFFFFF  }
0x98: {  	s19 =	sld [smem:$0x3FDB];
	_ =	sdelay $0x1  }
0x99: {  	s4 =	simm.s32 $_scs_section_size  }
0x9a: {  	s5 =	simm.s32 $_size__tile_overlayer_lowered;
	s6 =	simm.s32 $_tile_overlayer_lowered  }
0x9b: {  	s22 =	simm.s32 $0x1BFF;
	s21 =	sshll.u32 s6, $0x1;
	s3 =	sadd.s32 s4, s19  }
0x9c: {  	s7 =	simm.s32 $0x0;
	s20 =	sshll.u32 s5, $0x1;
	s5 =	sadd.s32 s21, s3  }
0x9d: {  	[timem:s7], [sflag:s22] =	dma.local [hbm:s5], s20  }
0x9e: {  	_ =	swait.ge [sflag:s22], s20  }
0x9f: {  	s4 =	ssub.s32 $0x0, s20;
	[sflag:s22] =	ssyncset.done $0x0  }
0xa0: {  	[sflag:s22] =	ssyncadd.s32 s4;
	_ =	sdelay $0x1  }
0xa1: {  	s23 =	simm.s32 $0x1B8B  }
0xa2: {  	_ =	swait.ge [sflag:s23], $0x1  }
0xa3: {  	[sflag:s23] =	ssyncset.done $0x0  }
0xa4: {  	s25 =	simm.s32 $0x1B8E;
	s24 =	sld [smem:$0x3FFE];
	[sflag:s23] =	ssyncadd.s32 $0xFFFFFFFF  }
0xa5: {  	s26 =	simm.s32 $execute0_lowered;
	[smem:$0x3FD2] =	sst s25  }
0xa6: {  	s5 =	sshll.u32 s26, $0x1;
	_ =	strace $0x80000046;
	[dreg:$0x1] =	wrdreg $0xFFFFFFFF  }
0xa7: {  	s28 =	simm.s32 $_size_execute0_lowered;
	s3 =	sadd.s32 s3, s5;
	[dreg:$0x0] =	wrdreg $0x0  }
0xa8: {  	s5 =	sshll.u32 s28, $0x1;
	[dreg:$0x2] =	wrdreg s3  }
0xa9: {  	[dreg:$0x3] =	wrdreg s5  }
0xaa: {  	[dreg:$0x4] =	wrdreg $0xC0  }
0xab: {  	_ =	task [dreg:s7], $0x5FFFF  }
0xac: {  	[dreg:$0x1] =	wrdreg $0xFFFFFFFF  }
0xad: {  	[dreg:$0x0] =	wrdreg $0x60  }
0xae: {  	[dreg:$0x2] =	wrdreg s2  }
0xaf: {  	[dreg:$0x3] =	wrdreg s24  }
0xb0: {  	[dreg:$0x4] =	wrdreg $0x9  }
0xb1: {  	_ =	task.clear_ibuf [dreg:s7], $0x5FFFF;
	_ =	strace $0x90000046  }
0xb2: {  	s29 =	simm.s32 $0x9;
	_ =	strace $0x80000048  }
0xb3: {  	_ =	swait.ge [sflag:s29], $0x1  }
0xb4: {  	[sflag:s29] =	ssyncadd.s32 $0xFFFFFFFF  }
0xb5: {  	_ =	strace $0x90000048  }
0xb6: {  	_ =	sfence  }
0xb7: {  	s30 =	sld [smem:$0x0];
	_ =	sdelay $0x2  }
0xb8: {  	s31 =	sshll.u32 s1, $0xD;
	s1 =	sshrl.u32 s1, $0x2  }
0xb9: {  	s3 =	sand.u32 $0x4000, s31;
	s1 =	sadd.s32 s1, s30  }
0xba: {  	s0 =	sor.u32 s3, s0;
	s1 =	sshll.u32 s1, $0x11  }
0xbb: {  	s0 =	sor.u32 s1, s0  }
0xbc: {  	s0 =	sadd.s32 $0x8F2B, s0  }
0xbd: {  	[sflag:s0] =	ssyncadd.remote.s32 $0x1  }
0xbe: {  	_ =	sfence.sel $0xFFFF  }
0xbf: {  	[dreg:$0x0] =	wrdreg $0xFFFFFFFF;
	(pc) =	sbr.abs _section_cstart, $3  }
0xc0: {  	[dreg:$0x1] =	wrdreg $0xFFFFFFFF  }
0xc1: {  	_ =	task.clear_ibuf [dreg:s7], $0x2FFFF;
	_ =	strace $0x9FFFFFFF  }
0xc2: {  	(tm) =	ssettm $0x7FFFFFFF  }
0xc3: {  	_ =	shalt  }
tec
execute0_lowered:
.L_overlay_start_1:
0x0: {  	(tag) =	ssettag $0x1  }
0x1: {  	s1 =	srdreg.scid;
	s2 =	rddreg [dreg:$0x0]  }
0x2: {  	s0 =	stileid.u32;
	s5 =	rddreg [dreg:$0x1];
	s3 =	simm.s32 $0x0  }
0x3: {  	s7 =	simm.s32 $0x1;
	s4 =	sand.u32 $0x1, s1;
	s30 =	sshll.u32 s0, $0x1  }
0x4: {  	s8 =	simm.s32 $0x2780;
	s9 =	simm.s32 $0x3B80;
	s1 =	sor.u32 s4, s30  }
0x5: {  	[smem:$0x7FF] =	sst s3;
	s4 =	ssub.s32 $0x2, s4;
	s6 =	smul.u32 $0x280, s1  }
0x6: {  	s10 =	simm.s32 $0x0;
	s1 =	rddreg [dreg:$0x2];
	s31 =	sshrl.u32 s4, $0x1  }
0x7: {  	_ =	strace $0x80000047;
	s5 =	sadd.s32 s6, s5;
	s6 =	ssub.s32 s4, s31  }
0x8: {  	s4 =	sadd.s32 $0xA800, s5;
	s5 =	sadd.s32 $0xF800, s5;
	s6 =	smax.u32 s6, $0x1  }
.LBB2_1:
0x9: {  	[tilespmem:s3], [sflag:$0x1] =	stream.linear.gather [hbm4b:s2+s3], $0x2780, $0x38;
	[tilespmem:$0x4F80] =	vst v63  }
0xa: {  	_ =	swait.ge [sflag:s7], $0x2780  }
0xb: {  	[sflag:s7] =	ssyncset.done $0x0  }
0xc: {  	[sflag:s7] =	ssyncadd.s32 $0xFFFFD880  }
0xd: {  	[tilespmem:s8], [sflag:$0x1] =	stream.linear.gather [hbm4b:s4+s3], $0x1400, $0x38;
	[tilespmem:$0x4F80] =	vst v63  }
0xe: {  	_ =	swait.ge [sflag:s7], $0x1400  }
0xf: {  	[sflag:s7] =	ssyncset.done $0x0  }
0x10: {  	s11 =	simm.s32 $0x0;
	[sflag:s7] =	ssyncadd.s32 $0xFFFFEC00  }
0x11: {  	v0 =	vld [tilespmem:s11+$0x2780];
	_ =	sdelay $0x7  }
0x12: {  	s12 =	simm.s32 $0x10;
	s13 =	simm.s32 $0x80;
	v0 =	vld.idx.msk [tilespmem:v0+s3+$0x0], $0xffff  }
.LBB2_2:
0x13: {  	p0 =	sne.s32 s13, $0x4FC0;
	v1 =	vld [tilespmem:s12+$0x2780];
	_ =	sdelay $0x3  }
.Ltmp0:
0x14: {  	(pc) =	sbr.rel @p0 .LBB2_2-.Ltmp0, $2  }
0x15: {  	[tilespmem:s11+$0x3B80] =	vst v0;
	s11 =	smov.u32 s12;
	_ =	sdelay $0x2  }
0x16: {  	s12 =	sshra.s32 s13, $0x2;
	s13 =	sadd.s32 $0x40, s13;
	v0 =	vld.idx.msk [tilespmem:v1+s3+$0x0], $0xffff  }
0x17: {  	v1 =	vld [tilespmem:s12+$0x2780];
	_ =	sdelay $0x6  }
0x18: {  	[tilespmem:s11+$0x3B80] =	vst v0  }
0x19: {  	v0 =	vld.idx.msk [tilespmem:v1+s3+$0x0], $0xffff;
	_ =	sdelay $0x2  }
0x1a: {  	s10 =	sadd.s32 $0x1, s10  }
0x1b: {  	p0 =	sne.s32 s10, s6  }
.Ltmp1:
0x1c: {  	[tilespmem:s12+$0x3B80] =	vst v0;
	(pc) =	sbr.rel @p0 .LBB2_1-.Ltmp1, $4  }
0x1d: {  	[hbm4b:s5+s3] =	stream.linear.scatter [tilespmem:s9], [sflag:$0x1], $0x1400, $0x38;
	[tilespmem:$0x4F80] =	vst v63  }
0x1e: {  	_ =	swait.ge [sflag:s7], $0x1400  }
0x1f: {  	[sflag:s7] =	ssyncset.done $0x0  }
0x20: {  	[sflag:s7] =	ssyncadd.s32 $0xFFFFEC00  }
0x21: {  	_ =	sfence.sel $0x180000  }
0x22: {  	[bflag:$0x0] =	sbarrier.arrive $0xFFFF  }
0x23: {  	p0 =	sne.s32 s0, $0x0;
	_ =	strace $0x90000047  }
0x24: {  	s0 =	sadd.s32 @!p0 $0x100000, s1;
	[bflag:$0x2] =	sbarrier.arrive $0xFFFF  }
0x25: {  	[sflag:s0] =	ssyncadd.tile.s32 @!p0 $0x1;
	_ =	shalt  }
.Lfunc_end2:
_tile_overlayer_lowered:
.L_overlay_start_2:
0x26: {  	(tag) =	ssettag $0x2  }
0x27: {  	s0 =	rddreg [dreg:$0x0];
	s2 =	stileid.u32  }
0x28: {  	s1 =	rddreg [dreg:$0x1];
	p0 =	sne.s32 s2, $0x0  }
0x29: {  	s3 =	rddreg [dreg:$0x2];
	[bflag:$0x3] =	sbarrier.arrive $0xFFFF;
	s2 =	simm.s32 @!p0 $0x1C01  }
0x2a: {  	[timem:s3], [sflag:s2] =	dma.local @!p0 [hbm:s0], s1  }
0x2b: {  	s0 =	simm.s32 @!p0 $0x1  }
0x2c: {  	_ =	swait.ge @!p0 [sflag:s0], s1  }
0x2d: {  	s1 =	ssub.s32 @!p0 $0x0, s1;
	[sflag:s0] =	ssyncset.done @!p0 $0x0  }
0x2e: {  	[sflag:s0] =	ssyncadd.s32 @!p0 s1  }
0x2f: {  	[bflag:$0x3] =	sbarrier.arrive $0xFFFF  }
0x30: {  	_ =	shalt  }

// kernel: kernel.18.cloned.1.call-start
scs
__scs_entry_jumppad:
0x0: {  	(pc) =	sbr.rel $0x88, $3  }
0x1: {  	(tag) =	ssettag $0x0;
	lr =	simm.s32 $0x1  }
0x2: {  	[smem:$0x3F8E] =	sst lr;
	_ =	strace $0xD0000000  }
0x3: {  	_ = 	snop  }
0x4: {  	_ = 	snop  }
0x5: {  	_ = 	snop  }
0x6: {  	_ = 	snop  }
0x7: {  	_ = 	snop  }
__scs_overlays_trampoline_lowered:
0x8: {  	[smem:$0x3F9D] =	sst s0  }
0x9: {  	[smem:$0x3F9E] =	sst s1  }
0xa: {  	[smem:$0x3F9F] =	sst s2  }
0xb: {  	[smem:$0x3FA0] =	sst s3  }
0xc: {  	[smem:$0x3FA1] =	sst s4  }
0xd: {  	[smem:$0x3FA2] =	sst s5  }
0xe: {  	[smem:$0x3FA3] =	sst s6  }
0xf: {  	[smem:$0x3FA4] =	sst s7  }
0x10: {  	[smem:$0x3FA5] =	sst s8  }
0x11: {  	[smem:$0x3FA6] =	sst s9;
	s0 =	simm.s32 @!p0 $0x0  }
0x12: {  	s1 =	sld [smem:$0x3F8C];
	s0 =	simm.s32 @p0 $0x1  }
0x13: {  	[smem:$0x3FA7] =	sst s0;
	s0 =	simm.s32 @!p1 $0x0  }
0x14: {  	s2 =	sld [smem:$0x3F8B];
	s0 =	simm.s32 @p1 $0x1  }
0x15: {  	[smem:$0x3FA8] =	sst s0;
	s0 =	simm.s32 @!p2 $0x0  }
0x16: {  	s3 =	sld [smem:$0x3FDB];
	s0 =	simm.s32 @p2 $0x1  }
0x17: {  	s4 =	simm.s32 $0x1BF5;
	[smem:$0x3FAA] =	sst s0  }
0x18: {  	s0 =	sld [smem:$0x3F8D];
	_ =	swait.ge [sflag:s4], $0x0  }
0x19: {  	s7 =	sld [smem:$0x3F8E]  }
0x1a: {  	s8 =	sadd.s32 $0xFFFFE003, lr  }
0x1b: {  	s9 =	sadd.s32 $0xFFFFFEF7, lr;
	s5 =	simm.s32 $0xFFFFFFFF;
	p2 =	slt.u32 s8, $0xFFFFF086  }
0x1c: {  	p1 =	slt.u32 s9, $0xF7A;
	s5 =	simm.s32 @!p2 $0x0  }
0x1d: {  	s5 =	simm.s32 @p1 $0x1;
	p0 =	seq.s32 s7, s2  }
0x1e: {  	s7 =	smul.u32 @!p0 $0xF7A, s2;
	p2 =	seq.s32 @!p0 s5, $0x0  }
0x1f: {  	s9 =	smul.u32 $0xF7A, s1;
	s8 =	simm.s32 @!p0 $0x1BF5;
	p2 =	por !p2, p0  }
0x20: {  	[sflag:s8] =	ssyncset.s32 @!p0 $0xFFFFF086;
	s6 =	sadd.s32 @!p0 s3, s7;
	s7 =	simm.s32 @!p0 $0x108  }
0x21: {  	s3 =	sadd.s32 s3, s9;
	s6 =	sadd.s32 @!p0 $0x88, s6;
	s7 =	simm.s32 @p2 $0x1082  }
0x22: {  	[simem:s7], [sflag:s8] =	dma.local @!p0 [hbm:s6], $0xF7A  }
0x23: {  	s9 =	sor.u32 $0xD0000000, s2;
	s6 =	simm.s32 $0x108;
	_ =	swait.ge @!p0 [sflag:s8], $0x0  }
0x24: {  	s3 =	sadd.s32 $0x88, s3;
	s6 =	simm.s32 @!p1 $0x1082;
	[sflag:s4] =	ssyncset.s32 $0xFFFFF086  }
0x25: {  	[simem:s6], [sflag:s4] =	dma.local [hbm:s3], $0xF7A  }
0x26: {  	[smem:$0x3F8E] =	sst s1;
	(tag) =	ssettag s2;
	_ =	strace s9  }
0x27: {  	s1 =	sld [smem:$0x3F9E]  }
0x28: {  	s2 =	sld [smem:$0x3F9F]  }
0x29: {  	s4 =	sld [smem:$0x3FA1]  }
0x2a: {  	p0 =	seq.s32 s5, $0x0;
	s5 =	sld [smem:$0x3FA2]  }
0x2b: {  	s6 =	sld [smem:$0x3FA3]  }
0x2c: {  	s7 =	sld [smem:$0x3FA4]  }
0x2d: {  	s3 =	simm.s32 $0x108;
	s8 =	sld [smem:$0x3FA5]  }
0x2e: {  	s3 =	simm.s32 @!p0 $0x1082;
	s9 =	sld [smem:$0x3FA6]  }
0x2f: {  	lr =	sadd.s32 s0, s3;
	s0 =	sld [smem:$0x3F9D]  }
0x30: {  	s3 =	sld [smem:$0x3FA0]  }
0x31: {  	[smem:$0x3FA9] =	sst s10  }
0x32: {  	s10 =	sld [smem:$0x3FA7];
	_ =	sdelay $0x3  }
0x33: {  	p0 =	seq.s32 s10, $0x1;
	s10 =	sld [smem:$0x3FA9];
	_ =	sdelay $0x3  }
0x34: {  	[smem:$0x3FA9] =	sst s10  }
0x35: {  	s10 =	sld [smem:$0x3FA8];
	_ =	sdelay $0x3  }
0x36: {  	p1 =	seq.s32 s10, $0x1;
	s10 =	sld [smem:$0x3FA9];
	_ =	sdelay $0x3  }
0x37: {  	[smem:$0x3FA9] =	sst s10  }
0x38: {  	s10 =	sld [smem:$0x3FAA]  }
0x39: {  	_ = 	snop;
	(pc) =	sbr.ind lr, $3  }
0x3a: {  	_ = 	snop  }
0x3b: {  	_ = 	snop  }
0x3c: {  	p2 =	seq.s32 s10, $0x1;
	s10 =	sld [smem:$0x3FA9]  }
0x3d: {  	_ =	shalt  }
0x3e: {  	_ =	shalt  }
0x3f: {  	_ =	shalt  }
0x40: {  	_ =	shalt  }
0x41: {  	_ =	shalt  }
0x42: {  	_ =	shalt  }
0x43: {  	_ =	shalt  }
0x44: {  	_ =	shalt  }
0x45: {  	_ =	shalt  }
0x46: {  	_ =	shalt  }
0x47: {  	_ =	shalt  }
0x48: {  	_ =	shalt  }
0x49: {  	_ =	shalt  }
0x4a: {  	_ =	shalt  }
0x4b: {  	_ =	shalt  }
0x4c: {  	_ =	shalt  }
0x4d: {  	_ =	shalt  }
0x4e: {  	_ =	shalt  }
0x4f: {  	_ =	shalt  }
0x50: {  	_ =	shalt  }
0x51: {  	_ =	shalt  }
0x52: {  	_ =	shalt  }
0x53: {  	_ =	shalt  }
0x54: {  	_ =	shalt  }
0x55: {  	_ =	shalt  }
0x56: {  	_ =	shalt  }
0x57: {  	_ =	shalt  }
0x58: {  	_ =	shalt  }
0x59: {  	_ =	shalt  }
0x5a: {  	_ =	shalt  }
0x5b: {  	_ =	shalt  }
0x5c: {  	_ =	shalt  }
0x5d: {  	_ =	shalt  }
0x5e: {  	_ =	shalt  }
0x5f: {  	_ =	shalt  }
0x60: {  	_ =	shalt  }
0x61: {  	_ =	shalt  }
0x62: {  	_ =	shalt  }
0x63: {  	_ =	shalt  }
0x64: {  	_ =	shalt  }
0x65: {  	_ =	shalt  }
0x66: {  	_ =	shalt  }
0x67: {  	_ =	shalt  }
0x68: {  	_ =	shalt  }
0x69: {  	_ =	shalt  }
0x6a: {  	_ =	shalt  }
0x6b: {  	_ =	shalt  }
0x6c: {  	_ =	shalt  }
0x6d: {  	_ =	shalt  }
0x6e: {  	_ =	shalt  }
0x6f: {  	_ =	shalt  }
0x70: {  	_ =	shalt  }
0x71: {  	_ =	shalt  }
0x72: {  	_ =	shalt  }
0x73: {  	_ =	shalt  }
0x74: {  	_ =	shalt  }
0x75: {  	_ =	shalt  }
0x76: {  	_ =	shalt  }
0x77: {  	_ =	shalt  }
0x78: {  	_ =	shalt  }
0x79: {  	_ =	shalt  }
0x7a: {  	_ =	shalt  }
0x7b: {  	_ =	shalt  }
0x7c: {  	_ =	shalt  }
0x7d: {  	_ =	shalt  }
0x7e: {  	_ =	shalt  }
0x7f: {  	_ =	shalt  }
0x80: {  	_ =	shalt  }
0x81: {  	_ =	shalt  }
0x82: {  	_ =	shalt  }
0x83: {  	_ =	shalt  }
0x84: {  	_ =	shalt  }
0x85: {  	_ =	shalt  }
0x86: {  	_ =	shalt  }
0x87: {  	_ =	shalt  }
.Lfunc_end0:
.L_simem_size_0:
called_computation.1_lowered:
.L_overlay_start_0:
0x88: {  	s2 =	sld [smem:$0x3FD9]  }
0x89: {  	s3 =	sld [smem:$0x3FFE];
	_ =	sdelay $0x1  }
0x8a: {  	s1 =	srdreg.scid  }
0x8b: {  	s0 =	sand.u32 $0x1, s1  }
0x8c: {  	s16 =	sshll.u32 s0, $0xA;
	s2 =	sadd.s32 s3, s2  }
0x8d: {  	s2 =	sadd.s32 s2, s16  }
0x8e: {  	[smem:$0x3FB5] =	sst s2  }
0x8f: {  	_ = 	snop  }
0x90: {  	(tm) =	ssettm $0x1  }
0x91: {  	s17 =	sld [smem:$0x3FFB];
	_ =	sdelay $0x3  }
0x92: {  	_ =	strace s17  }
0x93: {  	s2 =	sld [smem:$0x3FFC];
	_ =	sdelay $0x3  }
0x94: {  	_ =	strace s2  }
0x95: {  	s2 =	sld [smem:$0x3FFD];
	_ =	sdelay $0x3  }
0x96: {  	_ =	strace s2  }
0x97: {  	_ =	strace $0x8FFFFFFF  }
0x98: {  	s18 =	sld [smem:$0x3FDB];
	_ =	sdelay $0x1  }
0x99: {  	s19 =	simm.s32 $_scs_section_size  }
0x9a: {  	s4 =	simm.s32 $_size__tile_overlayer_lowered;
	s5 =	simm.s32 $_tile_overlayer_lowered  }
0x9b: {  	s22 =	simm.s32 $0x1BFF;
	s21 =	sshll.u32 s5, $0x1;
	s2 =	sadd.s32 s19, s18  }
0x9c: {  	s6 =	simm.s32 $0x0;
	s20 =	sshll.u32 s4, $0x1;
	s4 =	sadd.s32 s21, s2  }
0x9d: {  	[timem:s6], [sflag:s22] =	dma.local [hbm:s4], s20  }
0x9e: {  	_ =	swait.ge [sflag:s22], s20  }
0x9f: {  	s3 =	ssub.s32 $0x0, s20;
	[sflag:s22] =	ssyncset.done $0x0  }
0xa0: {  	[sflag:s22] =	ssyncadd.s32 s3;
	_ =	sdelay $0x1  }
0xa1: {  	s23 =	simm.s32 $0x1B8B  }
0xa2: {  	_ =	swait.ge [sflag:s23], $0x1  }
0xa3: {  	[sflag:s23] =	ssyncset.done $0x0  }
0xa4: {  	s25 =	simm.s32 $0x1B8E;
	s24 =	sld [smem:$0x3FFE];
	[sflag:s23] =	ssyncadd.s32 $0xFFFFFFFF  }
0xa5: {  	s26 =	simm.s32 $execute0_lowered;
	[smem:$0x3FD2] =	sst s25  }
0xa6: {  	s4 =	sshll.u32 s26, $0x1;
	_ =	strace $0x80000049;
	[dreg:$0x1] =	wrdreg $0xFFFFFFFF  }
0xa7: {  	s28 =	simm.s32 $_size_execute0_lowered;
	s2 =	sadd.s32 s2, s4;
	[dreg:$0x0] =	wrdreg $0x0  }
0xa8: {  	s4 =	sshll.u32 s28, $0x1;
	[dreg:$0x2] =	wrdreg s2  }
0xa9: {  	[dreg:$0x3] =	wrdreg s4  }
0xaa: {  	[dreg:$0x4] =	wrdreg $0xC0  }
0xab: {  	_ =	task [dreg:s6], $0x5FFFF  }
0xac: {  	[dreg:$0x1] =	wrdreg $0xFFFFFFFF  }
0xad: {  	[dreg:$0x0] =	wrdreg $0x60  }
0xae: {  	[dreg:$0x2] =	wrdreg s24  }
0xaf: {  	[dreg:$0x3] =	wrdreg $0xA8000  }
0xb0: {  	[dreg:$0x4] =	wrdreg $0x9  }
0xb1: {  	_ =	task.clear_ibuf [dreg:s6], $0x5FFFF;
	_ =	strace $0x90000049  }
0xb2: {  	s29 =	simm.s32 $0x9;
	_ =	strace $0x8000004B  }
0xb3: {  	_ =	swait.ge [sflag:s29], $0x1  }
0xb4: {  	[sflag:s29] =	ssyncadd.s32 $0xFFFFFFFF  }
0xb5: {  	_ =	strace $0x9000004B  }
0xb6: {  	_ =	sfence  }
0xb7: {  	s30 =	sld [smem:$0x0];
	_ =	sdelay $0x2  }
0xb8: {  	s31 =	sshll.u32 s1, $0xD;
	s1 =	sshrl.u32 s1, $0x2  }
0xb9: {  	s3 =	sand.u32 $0x4000, s31;
	s1 =	sadd.s32 s1, s30  }
0xba: {  	s0 =	sor.u32 s3, s0;
	s1 =	sshll.u32 s1, $0x11  }
0xbb: {  	s0 =	sor.u32 s1, s0  }
0xbc: {  	s0 =	sadd.s32 $0x8F2B, s0  }
0xbd: {  	[sflag:s0] =	ssyncadd.remote.s32 $0x1  }
0xbe: {  	_ =	sfence.sel $0xFFFF  }
0xbf: {  	[dreg:$0x0] =	wrdreg $0xFFFFFFFF;
	(pc) =	sbr.abs _section_cstart, $3  }
0xc0: {  	[dreg:$0x1] =	wrdreg $0xFFFFFFFF  }
0xc1: {  	_ =	task.clear_ibuf [dreg:s6], $0x2FFFF;
	_ =	strace $0x9FFFFFFF  }
0xc2: {  	(tm) =	ssettm $0x7FFFFFFF  }
0xc3: {  	_ =	shalt  }
tec
execute0_lowered:
.L_overlay_start_1:
0x0: {  	(tag) =	ssettag $0x1  }
0x1: {  	s3 =	rddreg [dreg:$0x0]  }
0x2: {  	s1 =	rddreg [dreg:$0x1];
	s2 =	srdreg.scid  }
0x3: {  	s0 =	rddreg [dreg:$0x2];
	s19 =	stileid.u32;
	s14 =	simm.s32 $0x80  }
0x4: {  	s15 =	simm.s32 $0x2;
	s16 =	simm.s32 $0x2700;
	s18 =	smul.u32 $0x2800, s19  }
0x5: {  	s17 =	simm.s32 $0x2780;
	s4 =	sand.u32 $0x1, s2;
	s9 =	smul.u32 $0x28000, s19  }
0x6: {  	s2 =	simm.s32 $0x0;
	s10 =	smul.u32 $0x50000, s19;
	p0 =	sne.s32 s19, $0x0  }
0x7: {  	s19 =	sshll.u32 s19, $0x6;
	s5 =	smul.u32 $0x280000, s4;
	[smem:$0x7FF] =	sst s2  }
0x8: {  	s7 =	smul.u32 $0x28000, s4;
	s4 =	ssub.s32 $0x2, s4;
	s19 =	sor.u32 $0x1C03, s19  }
0x9: {  	_ =	strace $0x8000004A;
	s6 =	sshrl.u32 s18, $0x3;
	s8 =	sshrl.u32 s4, $0x1  }
0xa: {  	s11 =	sor.u32 $0x800, s9;
	s31 =	sshrl.u32 s10, $0x2;
	s13 =	sor.u32 $0x1800, s9  }
0xb: {  	s5 =	sadd.s32 s5, s3;
	s6 =	sadd.s32 s6, s3;
	s7 =	sadd.s32 s7, s3  }
0xc: {  	s8 =	ssub.s32 s4, s8;
	s21 =	sadd.s32 s31, s1;
	s3 =	sadd.s32 $0xF800, s7  }
0xd: {  	s4 =	sadd.s32 $0x5800, s6;
	s12 =	sadd.s32 $0x785800, s5;
	s20 =	sadd.s32 $0x5F800, s7  }
0xe: {  	s5 =	smax.u32 s8, $0x1;
	s6 =	sshrl.u32 @!p0 s1, $0x3;
	s7 =	simm.s32 $0x3  }
0xf: {  	s8 =	sadd.s32 s9, s12;
	s9 =	simm.s32 $0x2800;
	s10 =	sadd.s32 s12, s11  }
0x10: {  	s11 =	simm.s32 $0x6800;
	s12 =	sadd.s32 s12, s13;
	s13 =	simm.s32 $0x1  }
0x11: {  	s18 =	sadd.s32 s18, s20;
	s20 =	sshrl.u32 s21, $0x3;
	s21 =	simm.s32 $0x0  }
.LBB2_1:
0x12: {  	s22 =	simm.s32 @!p0 $0x1C03  }
0x13: {  	[spmem:s6], [sflag:s22] =	dma.local @!p0 [hbm:s3], $0x28000  }
0x14: {  	s22 =	simm.s32 @!p0 $0x3  }
0x15: {  	_ =	swait.ge @!p0 [sflag:s22], $0x28000  }
0x16: {  	[sflag:s22] =	ssyncset.done @!p0 $0x0  }
0x17: {  	[sflag:s22] =	ssyncadd.s32 @!p0 $0xFFFD8000  }
0x18: {  	[tilespmem:s2], [sflag:$0x3] =	stream.linear.gather [hbm4b:s4+s2], $0x2800, $0x38;
	[tilespmem:$0x1E800] =	vst v63  }
0x19: {  	_ =	swait.ge [sflag:s7], $0x2800  }
0x1a: {  	[sflag:s7] =	ssyncset.done $0x0  }
0x1b: {  	[sflag:s7] =	ssyncadd.s32 $0xFFFFD800  }
0x1c: {  	[bflag:$0x0] =	sbarrier.arrive $0xFFFF  }
0x1d: {  	[tilespmem:s9], [sflag:$0x1] =	stream.linear.gather [hbm4b:s8+s2], $0x4000, $0x38;
	[tilespmem:$0x1E800] =	vst v63  }
0x1e: {  	_ = 	snop  }
0x1f: {  	[tilespmem:s11], [sflag:$0x2] =	stream.linear.gather [hbm4b:s10+s2], $0x4000, $0x38;
	[tilespmem:$0x1E800] =	vst v63  }
0x20: {  	_ =	swait.ge [sflag:s13], $0x4000  }
0x21: {  	[sflag:s13] =	ssyncset.done $0x0  }
0x22: {  	s29 =	simm.s32 $0x0;
	[sflag:s13] =	ssyncadd.s32 $0xFFFFC000  }
0x23: {  	[spmem:s1] =	stream.indirect.scatter.add.f32 [tilespmem:s9], [sflag:$0x3], $0x80, s29, s14, $0xb8;
	[tilespmem:$0x1E800] =	vst v63  }
0x24: {  	_ =	swait.ge [sflag:s7], $0x4000  }
0x25: {  	[sflag:s7] =	ssyncset.done $0x0  }
0x26: {  	s30 =	sadd.s32 $0xFFFFF800, s12;
	[sflag:s7] =	ssyncadd.s32 $0xFFFFC000  }
0x27: {  	[tilespmem:s9], [sflag:$0x1] =	stream.linear.gather [hbm4b:s30+s2], $0x4000, $0x38;
	[tilespmem:$0x1E800] =	vst v63  }
0x28: {  	_ =	swait.ge [sflag:s15], $0x4000  }
0x29: {  	[sflag:s15] =	ssyncset.done $0x0  }
0x2a: {  	s31 =	simm.s32 $0x80;
	[sflag:s15] =	ssyncadd.s32 $0xFFFFC000  }
0x2b: {  	[spmem:s1] =	stream.indirect.scatter.add.f32 [tilespmem:s11], [sflag:$0x3], $0x80, s31, s14, $0xb8;
	[tilespmem:$0x1E800] =	vst v63  }
0x2c: {  	_ =	swait.ge [sflag:s7], $0x4000  }
0x2d: {  	s23 =	sadd.s32 $0x1000, s12;
	[sflag:s7] =	ssyncset.done $0x0  }
0x2e: {  	s24 =	smov.u32 s12;
	s22 =	simm.s32 $0x400;
	[sflag:s7] =	ssyncadd.s32 $0xFFFFC000  }
.LBB2_2:
0x2f: {  	[tilespmem:s11], [sflag:$0x2] =	stream.linear.gather [hbm4b:s24+s2], $0x4000, $0x38;
	[tilespmem:$0x1E800] =	vst v63  }
0x30: {  	s25 =	smov.u32 s22;
	s24 =	smov.u32 s23  }
0x31: {  	p1 =	sne.s32 s22, $0x9800;
	s22 =	sadd.s32 $0x400, s22;
	_ =	swait.ge [sflag:s13], $0x4000  }
0x32: {  	[sflag:s13] =	ssyncset.done $0x0  }
0x33: {  	s25 =	sshra.s32 s25, $0x2;
	[sflag:s13] =	ssyncadd.s32 $0xFFFFC000  }
0x34: {  	[spmem:s1] =	stream.indirect.scatter.add.f32 [tilespmem:s9], [sflag:$0x3], $0x80, s25, s14, $0xb8;
	[tilespmem:$0x1E800] =	vst v63  }
0x35: {  	_ =	swait.ge [sflag:s7], $0x4000  }
0x36: {  	[sflag:s7] =	ssyncset.done $0x0  }
0x37: {  	s26 =	sadd.s32 $0xFFFFF800, s23;
	[sflag:s7] =	ssyncadd.s32 $0xFFFFC000  }
0x38: {  	[tilespmem:s9], [sflag:$0x1] =	stream.linear.gather [hbm4b:s26+s2], $0x4000, $0x38;
	[tilespmem:$0x1E800] =	vst v63  }
0x39: {  	_ =	swait.ge [sflag:s15], $0x4000  }
0x3a: {  	[sflag:s15] =	ssyncset.done $0x0  }
.Ltmp0:
0x3b: {  	s25 =	sadd.s32 $0x80, s25;
	[sflag:s15] =	ssyncadd.s32 $0xFFFFC000;
	(pc) =	sbr.rel @p1 .LBB2_2-.Ltmp0, $4  }
0x3c: {  	[spmem:s1] =	stream.indirect.scatter.add.f32 [tilespmem:s11], [sflag:$0x3], $0x80, s25, s14, $0xb8;
	[tilespmem:$0x1E800] =	vst v63  }
0x3d: {  	_ =	swait.ge [sflag:s7], $0x4000  }
0x3e: {  	[sflag:s7] =	ssyncset.done $0x0  }
0x3f: {  	s23 =	sadd.s32 $0x1000, s23;
	[sflag:s7] =	ssyncadd.s32 $0xFFFFC000  }
0x40: {  	[tilespmem:s11], [sflag:$0x2] =	stream.linear.gather [hbm4b:s24+s2], $0x4000, $0x38;
	[tilespmem:$0x1E800] =	vst v63  }
0x41: {  	_ =	swait.ge [sflag:s13], $0x4000  }
0x42: {  	[sflag:s13] =	ssyncset.done $0x0  }
0x43: {  	[sflag:s13] =	ssyncadd.s32 $0xFFFFC000  }
0x44: {  	[spmem:s1] =	stream.indirect.scatter.add.f32 [tilespmem:s9], [sflag:$0x3], $0x80, s16, s14, $0xb8;
	[tilespmem:$0x1E800] =	vst v63  }
0x45: {  	_ =	swait.ge [sflag:s7], $0x4000  }
0x46: {  	[sflag:s7] =	ssyncset.done $0x0  }
0x47: {  	[sflag:s7] =	ssyncadd.s32 $0xFFFFC000  }
0x48: {  	_ =	swait.ge [sflag:s15], $0x4000  }
0x49: {  	[sflag:s15] =	ssyncset.done $0x0  }
0x4a: {  	[sflag:s15] =	ssyncadd.s32 $0xFFFFC000  }
0x4b: {  	[spmem:s1] =	stream.indirect.scatter.add.f32 [tilespmem:s11], [sflag:$0x3], $0x80, s17, s14, $0xb8;
	[tilespmem:$0x1E800] =	vst v63  }
0x4c: {  	_ =	swait.ge [sflag:s7], $0x4000  }
0x4d: {  	s21 =	sadd.s32 $0x1, s21;
	[sflag:s7] =	ssyncset.done $0x0  }
0x4e: {  	p1 =	sne.s32 s21, s5;
	[sflag:s7] =	ssyncadd.s32 $0xFFFFC000  }
.Ltmp1:
0x4f: {  	[bflag:$0x0] =	sbarrier.arrive $0xFFFF;
	(pc) =	sbr.rel @p1 .LBB2_1-.Ltmp1, $4  }
0x50: {  	[hbm:s18], [sflag:s19] =	dma.local [spmem:s20], $0x2800  }
0x51: {  	_ =	swait.ge [sflag:s7], $0x2800  }
0x52: {  	[sflag:s7] =	ssyncset.done $0x0  }
0x53: {  	[sflag:s7] =	ssyncadd.s32 $0xFFFFD800  }
0x54: {  	_ =	sfence.sel $0x180000  }
0x55: {  	[bflag:$0x0] =	sbarrier.arrive $0xFFFF  }
0x56: {  	_ =	strace $0x9000004A  }
0x57: {  	s0 =	sadd.s32 @!p0 $0x100000, s0;
	[bflag:$0x2] =	sbarrier.arrive $0xFFFF  }
0x58: {  	[sflag:s0] =	ssyncadd.tile.s32 @!p0 $0x1;
	_ =	shalt  }
.Lfunc_end2:
_tile_overlayer_lowered:
.L_overlay_start_2:
0x59: {  	(tag) =	ssettag $0x2  }
0x5a: {  	s0 =	rddreg [dreg:$0x0];
	s2 =	stileid.u32  }
0x5b: {  	s1 =	rddreg [dreg:$0x1];
	p0 =	sne.s32 s2, $0x0  }
0x5c: {  	s3 =	rddreg [dreg:$0x2];
	[bflag:$0x3] =	sbarrier.arrive $0xFFFF;
	s2 =	simm.s32 @!p0 $0x1C03  }
0x5d: {  	[timem:s3], [sflag:s2] =	dma.local @!p0 [hbm:s0], s1  }
0x5e: {  	s0 =	simm.s32 @!p0 $0x3  }
0x5f: {  	_ =	swait.ge @!p0 [sflag:s0], s1  }
0x60: {  	s1 =	ssub.s32 @!p0 $0x0, s1;
	[sflag:s0] =	ssyncset.done @!p0 $0x0  }
0x61: {  	[sflag:s0] =	ssyncadd.s32 @!p0 s1  }
0x62: {  	[bflag:$0x3] =	sbarrier.arrive $0xFFFF  }
0x63: {  	_ =	shalt  }

// kernel: kernel.21.cloned.1.call-start
scs
__scs_entry_jumppad:
0x0: {  	(pc) =	sbr.rel $0x88, $3  }
0x1: {  	(tag) =	ssettag $0x0;
	lr =	simm.s32 $0x1  }
0x2: {  	[smem:$0x3F8E] =	sst lr;
	_ =	strace $0xD0000000  }
0x3: {  	_ = 	snop  }
0x4: {  	_ = 	snop  }
0x5: {  	_ = 	snop  }
0x6: {  	_ = 	snop  }
0x7: {  	_ = 	snop  }
__scs_overlays_trampoline_lowered:
0x8: {  	[smem:$0x3F9D] =	sst s0  }
0x9: {  	[smem:$0x3F9E] =	sst s1  }
0xa: {  	[smem:$0x3F9F] =	sst s2  }
0xb: {  	[smem:$0x3FA0] =	sst s3  }
0xc: {  	[smem:$0x3FA1] =	sst s4  }
0xd: {  	[smem:$0x3FA2] =	sst s5  }
0xe: {  	[smem:$0x3FA3] =	sst s6  }
0xf: {  	[smem:$0x3FA4] =	sst s7  }
0x10: {  	[smem:$0x3FA5] =	sst s8  }
0x11: {  	[smem:$0x3FA6] =	sst s9;
	s0 =	simm.s32 @!p0 $0x0  }
0x12: {  	s1 =	sld [smem:$0x3F8C];
	s0 =	simm.s32 @p0 $0x1  }
0x13: {  	[smem:$0x3FA7] =	sst s0;
	s0 =	simm.s32 @!p1 $0x0  }
0x14: {  	s2 =	sld [smem:$0x3F8B];
	s0 =	simm.s32 @p1 $0x1  }
0x15: {  	[smem:$0x3FA8] =	sst s0;
	s0 =	simm.s32 @!p2 $0x0  }
0x16: {  	s3 =	sld [smem:$0x3FDB];
	s0 =	simm.s32 @p2 $0x1  }
0x17: {  	s4 =	simm.s32 $0x1BF5;
	[smem:$0x3FAA] =	sst s0  }
0x18: {  	s0 =	sld [smem:$0x3F8D];
	_ =	swait.ge [sflag:s4], $0x0  }
0x19: {  	s7 =	sld [smem:$0x3F8E]  }
0x1a: {  	s8 =	sadd.s32 $0xFFFFE003, lr  }
0x1b: {  	s9 =	sadd.s32 $0xFFFFFEF7, lr;
	s5 =	simm.s32 $0xFFFFFFFF;
	p2 =	slt.u32 s8, $0xFFFFF086  }
0x1c: {  	p1 =	slt.u32 s9, $0xF7A;
	s5 =	simm.s32 @!p2 $0x0  }
0x1d: {  	s5 =	simm.s32 @p1 $0x1;
	p0 =	seq.s32 s7, s2  }
0x1e: {  	s7 =	smul.u32 @!p0 $0xF7A, s2;
	p2 =	seq.s32 @!p0 s5, $0x0  }
0x1f: {  	s9 =	smul.u32 $0xF7A, s1;
	s8 =	simm.s32 @!p0 $0x1BF5;
	p2 =	por !p2, p0  }
0x20: {  	[sflag:s8] =	ssyncset.s32 @!p0 $0xFFFFF086;
	s6 =	sadd.s32 @!p0 s3, s7;
	s7 =	simm.s32 @!p0 $0x108  }
0x21: {  	s3 =	sadd.s32 s3, s9;
	s6 =	sadd.s32 @!p0 $0x88, s6;
	s7 =	simm.s32 @p2 $0x1082  }
0x22: {  	[simem:s7], [sflag:s8] =	dma.local @!p0 [hbm:s6], $0xF7A  }
0x23: {  	s9 =	sor.u32 $0xD0000000, s2;
	s6 =	simm.s32 $0x108;
	_ =	swait.ge @!p0 [sflag:s8], $0x0  }
0x24: {  	s3 =	sadd.s32 $0x88, s3;
	s6 =	simm.s32 @!p1 $0x1082;
	[sflag:s4] =	ssyncset.s32 $0xFFFFF086  }
0x25: {  	[simem:s6], [sflag:s4] =	dma.local [hbm:s3], $0xF7A  }
0x26: {  	[smem:$0x3F8E] =	sst s1;
	(tag) =	ssettag s2;
	_ =	strace s9  }
0x27: {  	s1 =	sld [smem:$0x3F9E]  }
0x28: {  	s2 =	sld [smem:$0x3F9F]  }
0x29: {  	s4 =	sld [smem:$0x3FA1]  }
0x2a: {  	p0 =	seq.s32 s5, $0x0;
	s5 =	sld [smem:$0x3FA2]  }
0x2b: {  	s6 =	sld [smem:$0x3FA3]  }
0x2c: {  	s7 =	sld [smem:$0x3FA4]  }
0x2d: {  	s3 =	simm.s32 $0x108;
	s8 =	sld [smem:$0x3FA5]  }
0x2e: {  	s3 =	simm.s32 @!p0 $0x1082;
	s9 =	sld [smem:$0x3FA6]  }
0x2f: {  	lr =	sadd.s32 s0, s3;
	s0 =	sld [smem:$0x3F9D]  }
0x30: {  	s3 =	sld [smem:$0x3FA0]  }
0x31: {  	[smem:$0x3FA9] =	sst s10  }
0x32: {  	s10 =	sld [smem:$0x3FA7];
	_ =	sdelay $0x3  }
0x33: {  	p0 =	seq.s32 s10, $0x1;
	s10 =	sld [smem:$0x3FA9];
	_ =	sdelay $0x3  }
0x34: {  	[smem:$0x3FA9] =	sst s10  }
0x35: {  	s10 =	sld [smem:$0x3FA8];
	_ =	sdelay $0x3  }
0x36: {  	p1 =	seq.s32 s10, $0x1;
	s10 =	sld [smem:$0x3FA9];
	_ =	sdelay $0x3  }
0x37: {  	[smem:$0x3FA9] =	sst s10  }
0x38: {  	s10 =	sld [smem:$0x3FAA]  }
0x39: {  	_ = 	snop;
	(pc) =	sbr.ind lr, $3  }
0x3a: {  	_ = 	snop  }
0x3b: {  	_ = 	snop  }
0x3c: {  	p2 =	seq.s32 s10, $0x1;
	s10 =	sld [smem:$0x3FA9]  }
0x3d: {  	_ =	shalt  }
0x3e: {  	_ =	shalt  }
0x3f: {  	_ =	shalt  }
0x40: {  	_ =	shalt  }
0x41: {  	_ =	shalt  }
0x42: {  	_ =	shalt  }
0x43: {  	_ =	shalt  }
0x44: {  	_ =	shalt  }
0x45: {  	_ =	shalt  }
0x46: {  	_ =	shalt  }
0x47: {  	_ =	shalt  }
0x48: {  	_ =	shalt  }
0x49: {  	_ =	shalt  }
0x4a: {  	_ =	shalt  }
0x4b: {  	_ =	shalt  }
0x4c: {  	_ =	shalt  }
0x4d: {  	_ =	shalt  }
0x4e: {  	_ =	shalt  }
0x4f: {  	_ =	shalt  }
0x50: {  	_ =	shalt  }
0x51: {  	_ =	shalt  }
0x52: {  	_ =	shalt  }
0x53: {  	_ =	shalt  }
0x54: {  	_ =	shalt  }
0x55: {  	_ =	shalt  }
0x56: {  	_ =	shalt  }
0x57: {  	_ =	shalt  }
0x58: {  	_ =	shalt  }
0x59: {  	_ =	shalt  }
0x5a: {  	_ =	shalt  }
0x5b: {  	_ =	shalt  }
0x5c: {  	_ =	shalt  }
0x5d: {  	_ =	shalt  }
0x5e: {  	_ =	shalt  }
0x5f: {  	_ =	shalt  }
0x60: {  	_ =	shalt  }
0x61: {  	_ =	shalt  }
0x62: {  	_ =	shalt  }
0x63: {  	_ =	shalt  }
0x64: {  	_ =	shalt  }
0x65: {  	_ =	shalt  }
0x66: {  	_ =	shalt  }
0x67: {  	_ =	shalt  }
0x68: {  	_ =	shalt  }
0x69: {  	_ =	shalt  }
0x6a: {  	_ =	shalt  }
0x6b: {  	_ =	shalt  }
0x6c: {  	_ =	shalt  }
0x6d: {  	_ =	shalt  }
0x6e: {  	_ =	shalt  }
0x6f: {  	_ =	shalt  }
0x70: {  	_ =	shalt  }
0x71: {  	_ =	shalt  }
0x72: {  	_ =	shalt  }
0x73: {  	_ =	shalt  }
0x74: {  	_ =	shalt  }
0x75: {  	_ =	shalt  }
0x76: {  	_ =	shalt  }
0x77: {  	_ =	shalt  }
0x78: {  	_ =	shalt  }
0x79: {  	_ =	shalt  }
0x7a: {  	_ =	shalt  }
0x7b: {  	_ =	shalt  }
0x7c: {  	_ =	shalt  }
0x7d: {  	_ =	shalt  }
0x7e: {  	_ =	shalt  }
0x7f: {  	_ =	shalt  }
0x80: {  	_ =	shalt  }
0x81: {  	_ =	shalt  }
0x82: {  	_ =	shalt  }
0x83: {  	_ =	shalt  }
0x84: {  	_ =	shalt  }
0x85: {  	_ =	shalt  }
0x86: {  	_ =	shalt  }
0x87: {  	_ =	shalt  }
.Lfunc_end0:
.L_simem_size_0:
called_computation.2_lowered:
.L_overlay_start_0:
0x88: {  	s2 =	sld [smem:$0x3FD9]  }
0x89: {  	s3 =	sld [smem:$0x3FFE];
	_ =	sdelay $0x1  }
0x8a: {  	s1 =	srdreg.scid  }
0x8b: {  	s0 =	sand.u32 $0x1, s1  }
0x8c: {  	s16 =	sshll.u32 s0, $0xA;
	s2 =	sadd.s32 s3, s2  }
0x8d: {  	s2 =	sadd.s32 s2, s16  }
0x8e: {  	[smem:$0x3FB5] =	sst s2  }
0x8f: {  	_ = 	snop  }
0x90: {  	(tm) =	ssettm $0x1  }
0x91: {  	s17 =	sld [smem:$0x3FFB];
	_ =	sdelay $0x3  }
0x92: {  	_ =	strace s17  }
0x93: {  	s2 =	sld [smem:$0x3FFC];
	_ =	sdelay $0x3  }
0x94: {  	_ =	strace s2  }
0x95: {  	s2 =	sld [smem:$0x3FFD];
	_ =	sdelay $0x3  }
0x96: {  	_ =	strace s2  }
0x97: {  	_ =	strace $0x8FFFFFFF  }
0x98: {  	s18 =	sld [smem:$0x3FDB];
	_ =	sdelay $0x1  }
0x99: {  	s19 =	simm.s32 $_scs_section_size  }
0x9a: {  	s4 =	simm.s32 $_size__tile_overlayer_lowered;
	s5 =	simm.s32 $_tile_overlayer_lowered  }
0x9b: {  	s22 =	simm.s32 $0x1BFF;
	s21 =	sshll.u32 s5, $0x1;
	s2 =	sadd.s32 s19, s18  }
0x9c: {  	s6 =	simm.s32 $0x0;
	s20 =	sshll.u32 s4, $0x1;
	s4 =	sadd.s32 s21, s2  }
0x9d: {  	[timem:s6], [sflag:s22] =	dma.local [hbm:s4], s20  }
0x9e: {  	_ =	swait.ge [sflag:s22], s20  }
0x9f: {  	s3 =	ssub.s32 $0x0, s20;
	[sflag:s22] =	ssyncset.done $0x0  }
0xa0: {  	[sflag:s22] =	ssyncadd.s32 s3;
	_ =	sdelay $0x1  }
0xa1: {  	s23 =	simm.s32 $0x1B8B  }
0xa2: {  	_ =	swait.ge [sflag:s23], $0x1  }
0xa3: {  	[sflag:s23] =	ssyncset.done $0x0  }
0xa4: {  	s25 =	simm.s32 $0x1B8E;
	s24 =	sld [smem:$0x3FFE];
	[sflag:s23] =	ssyncadd.s32 $0xFFFFFFFF  }
0xa5: {  	s26 =	simm.s32 $execute0_lowered;
	[smem:$0x3FD2] =	sst s25  }
0xa6: {  	s4 =	sshll.u32 s26, $0x1;
	_ =	strace $0x8000004C;
	[dreg:$0x1] =	wrdreg $0xFFFFFFFF  }
0xa7: {  	s28 =	simm.s32 $_size_execute0_lowered;
	s2 =	sadd.s32 s2, s4;
	[dreg:$0x0] =	wrdreg $0x0  }
0xa8: {  	s4 =	sshll.u32 s28, $0x1;
	[dreg:$0x2] =	wrdreg s2  }
0xa9: {  	[dreg:$0x3] =	wrdreg s4  }
0xaa: {  	[dreg:$0x4] =	wrdreg $0xC0  }
0xab: {  	_ =	task [dreg:s6], $0x5FFFF  }
0xac: {  	[dreg:$0x1] =	wrdreg $0xFFFFFFFF  }
0xad: {  	[dreg:$0x0] =	wrdreg $0x60  }
0xae: {  	[dreg:$0x2] =	wrdreg s24  }
0xaf: {  	[dreg:$0x3] =	wrdreg $0xA  }
0xb0: {  	_ =	task.clear_ibuf [dreg:s6], $0x4FFFF;
	_ =	strace $0x9000004C  }
0xb1: {  	s29 =	simm.s32 $0xA;
	_ =	strace $0x8000004E  }
0xb2: {  	_ =	swait.ge [sflag:s29], $0x1  }
0xb3: {  	[sflag:s29] =	ssyncadd.s32 $0xFFFFFFFF  }
0xb4: {  	_ =	strace $0x9000004E  }
0xb5: {  	_ =	sfence  }
0xb6: {  	s30 =	sld [smem:$0x0];
	_ =	sdelay $0x2  }
0xb7: {  	s31 =	sshll.u32 s1, $0xD;
	s1 =	sshrl.u32 s1, $0x2  }
0xb8: {  	s3 =	sand.u32 $0x4000, s31;
	s1 =	sadd.s32 s1, s30  }
0xb9: {  	s0 =	sor.u32 s3, s0;
	s1 =	sshll.u32 s1, $0x11  }
0xba: {  	s0 =	sor.u32 s1, s0  }
0xbb: {  	s0 =	sadd.s32 $0x8F2B, s0  }
0xbc: {  	[sflag:s0] =	ssyncadd.remote.s32 $0x1  }
0xbd: {  	_ =	sfence.sel $0xFFFF  }
0xbe: {  	[dreg:$0x0] =	wrdreg $0xFFFFFFFF;
	(pc) =	sbr.abs _section_cstart, $3  }
0xbf: {  	[dreg:$0x1] =	wrdreg $0xFFFFFFFF  }
0xc0: {  	_ =	task.clear_ibuf [dreg:s6], $0x2FFFF;
	_ =	strace $0x9FFFFFFF  }
0xc1: {  	(tm) =	ssettm $0x7FFFFFFF  }
tec
execute0_lowered:
.L_overlay_start_1:
0x0: {  	(tag) =	ssettag $0x1  }
0x1: {  	s0 =	srdreg.scid  }
0x2: {  	s11 =	stileid.u32;
	s4 =	rddreg [dreg:$0x0]  }
0x3: {  	s2 =	simm.s32 $0x0;
	s31 =	simm.s32 $0x1C00;
	s29 =	simm.s32 $0x2400  }
0x4: {  	s12 =	simm.s32 $0x2C00;
	s30 =	simm.s32 $0x9400;
	s14 =	simm.s32 $0xB400  }
0x5: {  	s15 =	simm.s32 $0xBC00;
	s13 =	simm.s32 $0xCC00;
	s8 =	smul.u32 $0x140000, s11  }
0x6: {  	s0 =	sand.u32 $0x1, s0;
	s1 =	sshll.u32 s11, $0x1;
	s21 =	smul.u32 $0x28000, s11  }
0x7: {  	[smem:$0x7FF] =	sst s2;
	s3 =	sadd.s32 $0x5F800, s4;
	s10 =	smul.u32 $0xA0000, s0  }
0x8: {  	s1 =	sor.u32 s0, s1;
	s7 =	ssub.s32 $0x2, s0;
	s0 =	smul.u32 $0x14000, s0  }
0x9: {  	s6 =	sadd.s32 $0xB3A00, s4;
	s11 =	simm.s32 $0xAC00;
	s5 =	smul.u32 $0xA00, s1  }
0xa: {  	_ =	strace $0x8000004D;
	s1 =	smul.u32 $0xA0000, s1;
	s9 =	sshrl.u32 s7, $0x1  }
0xb: {  	s24 =	sadd.s32 s21, s6;
	s7 =	ssub.s32 s7, s9;
	s19 =	sadd.s32 s10, s8  }
0xc: {  	s25 =	sadd.s32 s0, s24;
	s9 =	simm.s32 $0x9C00;
	s10 =	simm.s32 $0xA400  }
0xd: {  	s24 =	simm.s32 $0x6;
	s5 =	sshrl.u32 s5, $0x3;
	s1 =	sshrl.u32 s1, $0x3  }
0xe: {  	s26 =	sadd.s32 $0x800, s25;
	s28 =	smax.u32 s7, $0x1;
	s7 =	simm.s32 $0xD400  }
0xf: {  	s25 =	simm.s32 $0x8;
	s5 =	sadd.s32 s5, s4;
	s4 =	sadd.s32 $0x333A00, s4  }
0x10: {  	s17 =	sadd.s32 $0x13000, s1;
	s1 =	sadd.s32 $0x13800, s1;
	[dreg:$0x4] =	wrdreg s26  }
0x11: {  	[dreg:$0xc] =	wrdreg s28;
	s26 =	simm.s32 $0x0;
	s16 =	sadd.s32 $0xA800, s5  }
0x12: {  	s5 =	sadd.s32 $0x5800, s5;
	s18 =	sadd.s32 s6, s17;
	[dreg:$0x6] =	wrdreg s16  }
0x13: {  	s20 =	sadd.s32 s4, s17;
	s23 =	sadd.s32 s6, s1;
	[dreg:$0x7] =	wrdreg s5  }
0x14: {  	s8 =	sadd.s32 s21, s4;
	s1 =	sadd.s32 s4, s1;
	[dreg:$0x8] =	wrdreg s18  }
0x15: {  	s21 =	simm.s32 $0x1400;
	s17 =	simm.s32 $0x1;
	[dreg:$0x9] =	wrdreg s20  }
0x16: {  	s5 =	sshrl.u32 s19, $0x3;
	[dreg:$0xa] =	wrdreg s23;
	s0 =	sadd.s32 s0, s8  }
0x17: {  	[dreg:$0xb] =	wrdreg s1;
	s8 =	simm.s32 $0x4C00;
	s16 =	simm.s32 $0xC400  }
0x18: {  	s18 =	simm.s32 $0x3;
	s19 =	simm.s32 $0x2;
	s22 =	sadd.s32 s5, s4  }
0x19: {  	s20 =	simm.s32 $0x4;
	s5 =	sadd.s32 s5, s6;
	[dreg:$0x2] =	wrdreg s22  }
0x1a: {  	v2 =	vlaneseq.u32;
	s23 =	simm.s32 $0x7;
	s0 =	sadd.s32 $0x800, s0;
	[dreg:$0x3] =	wrdreg s5  }
0x1b: {  	vm0 =	vmmov $0xffff;
	v1 =	vshrl.u32 v2, $0x3;
	s4 =	simm.s32 $0x3400;
	s6 =	simm.s32 $0x4400;
	[dreg:$0x5] =	wrdreg s0  }
0x1c: {  	v0 =	vand.u32 $0x7, v2;
	v2 =	vor.u32 $0x8, v2;
	v1 =	vmul.u32 $0x8, v1;
	s5 =	simm.s32 $0x3C00;
	s0 =	simm.s32 $0x5400;
	s22 =	simm.s32 $0x5  }
.LBB2_1:
0x1d: {  	[dreg:$0xd] =	wrdreg s26  }
0x1e: {  	s1 =	rddreg [dreg:$0x6];
	s26 =	simm.s32 $0x9  }
0x1f: {  	[tilespmem:s2], [sflag:$0x9] =	stream.linear.gather [hbm4b:s1+s2], $0xA00, $0x38;
	[tilespmem:$0x11400] =	vst v63  }
0x20: {  	_ =	swait.ge [sflag:s26], $0xA00  }
0x21: {  	[sflag:s26] =	ssyncset.done $0x0  }
0x22: {  	s28 =	simm.s32 $0xA00;
	s1 =	rddreg [dreg:$0x7];
	[sflag:s26] =	ssyncadd.s32 $0xFFFFF600  }
0x23: {  	[tilespmem:s28], [sflag:$0x9] =	stream.linear.gather [hbm4b:s1+s2], $0xA00, $0x38;
	[tilespmem:$0x11400] =	vst v63  }
0x24: {  	_ =	swait.ge [sflag:s26], $0xA00  }
0x25: {  	[sflag:s26] =	ssyncset.done $0x0  }
0x26: {  	[sflag:s26] =	ssyncadd.s32 $0xFFFFF600  }
0x27: {  	v3 =	vld [tilespmem:$0x0];
	_ =	sdelay $0x4  }
0x28: {  	v4 =	vshll.u32 v3, $0x1  }
0x29: {  	v3 =	vand.u32 $0x7, v3;
	v4 =	vand.u32 $0xFFFFFFF0, v4  }
0x2a: {  	v3 =	vor.u32 v3, v4  }
0x2b: {  	v4 =	vperm.xlane v3, v0;
	_ =	sdelay $0x1  }
0x2c: {  	v3 =	vperm.xlane v3, v2;
	v4 =	vadd.s32 v1, v4;
	_ =	sdelay $0x1  }
0x2d: {  	v3 =	vadd.s32 v1, v3;
	_ =	sdelay $0x2  }
0x2e: {  	[tilespmem:s21], [sflag:$0x1] =	stream.indirect_vreg.gather [hbm4b:s3+s2], $0x80, v4, vm0, $0xb8;
	[tilespmem:$0x11400] =	vst v63  }
0x2f: {  	_ = 	snop  }
0x30: {  	[tilespmem:s31], [sflag:$0x1] =	stream.indirect_vreg.gather [hbm4b:s3+s2], $0x80, v3, vm0, $0xb8;
	[tilespmem:$0x11400] =	vst v63  }
0x31: {  	v3 =	vld [tilespmem:$0x10];
	_ =	sdelay $0x4  }
0x32: {  	v49 =	vshll.u32 v3, $0x1  }
0x33: {  	v3 =	vand.u32 $0x7, v3;
	v4 =	vand.u32 $0xFFFFFFF0, v49  }
0x34: {  	v3 =	vor.u32 v3, v4  }
0x35: {  	v4 =	vperm.xlane v3, v0;
	_ =	sdelay $0x1  }
0x36: {  	v3 =	vperm.xlane v3, v2;
	v4 =	vadd.s32 v1, v4;
	_ =	sdelay $0x1  }
0x37: {  	v3 =	vadd.s32 v1, v3;
	_ =	sdelay $0x2  }
0x38: {  	[tilespmem:s29], [sflag:$0x1] =	stream.indirect_vreg.gather [hbm4b:s3+s2], $0x80, v4, vm0, $0xb8;
	[tilespmem:$0x11400] =	vst v63  }
0x39: {  	_ = 	snop  }
0x3a: {  	[tilespmem:s12], [sflag:$0x1] =	stream.indirect_vreg.gather [hbm4b:s3+s2], $0x80, v3, vm0, $0xb8;
	[tilespmem:$0x11400] =	vst v63  }
0x3b: {  	v3 =	vld [tilespmem:$0x20];
	_ =	sdelay $0x4  }
0x3c: {  	v50 =	vshll.u32 v3, $0x1  }
0x3d: {  	v3 =	vand.u32 $0x7, v3;
	v4 =	vand.u32 $0xFFFFFFF0, v50  }
0x3e: {  	v3 =	vor.u32 v3, v4  }
0x3f: {  	v4 =	vperm.xlane v3, v0;
	_ =	sdelay $0x1  }
0x40: {  	v3 =	vperm.xlane v3, v2;
	v4 =	vadd.s32 v1, v4;
	_ =	sdelay $0x1  }
0x41: {  	v3 =	vadd.s32 v1, v3;
	_ =	sdelay $0x2  }
0x42: {  	[tilespmem:s4], [sflag:$0x1] =	stream.indirect_vreg.gather [hbm4b:s3+s2], $0x80, v4, vm0, $0xb8;
	[tilespmem:$0x11400] =	vst v63  }
0x43: {  	_ = 	snop  }
0x44: {  	[tilespmem:s5], [sflag:$0x1] =	stream.indirect_vreg.gather [hbm4b:s3+s2], $0x80, v3, vm0, $0xb8;
	[tilespmem:$0x11400] =	vst v63  }
0x45: {  	v3 =	vld [tilespmem:$0x30];
	_ =	sdelay $0x4  }
0x46: {  	v51 =	vshll.u32 v3, $0x1  }
0x47: {  	v3 =	vand.u32 $0x7, v3;
	v4 =	vand.u32 $0xFFFFFFF0, v51  }
0x48: {  	v3 =	vor.u32 v3, v4  }
0x49: {  	v4 =	vperm.xlane v3, v0;
	_ =	sdelay $0x1  }
0x4a: {  	v3 =	vperm.xlane v3, v2;
	v4 =	vadd.s32 v1, v4;
	_ =	sdelay $0x1  }
0x4b: {  	v3 =	vadd.s32 v1, v3;
	_ =	sdelay $0x2  }
0x4c: {  	[tilespmem:s6], [sflag:$0x1] =	stream.indirect_vreg.gather [hbm4b:s3+s2], $0x80, v4, vm0, $0xb8;
	[tilespmem:$0x11400] =	vst v63  }
0x4d: {  	_ = 	snop  }
0x4e: {  	[tilespmem:s8], [sflag:$0x1] =	stream.indirect_vreg.gather [hbm4b:s3+s2], $0x80, v3, vm0, $0xb8;
	[tilespmem:$0x11400] =	vst v63  }
0x4f: {  	v3 =	vld [tilespmem:$0xA00];
	_ =	sdelay $0x4  }
0x50: {  	v52 =	vshll.u32 v3, $0x1  }
0x51: {  	v3 =	vand.u32 $0x7, v3;
	v4 =	vand.u32 $0xFFFFFFF0, v52  }
0x52: {  	v3 =	vor.u32 v3, v4  }
0x53: {  	v4 =	vperm.xlane v3, v0;
	_ =	sdelay $0x1  }
0x54: {  	v3 =	vperm.xlane v3, v2;
	v4 =	vadd.s32 v1, v4;
	_ =	sdelay $0x1  }
0x55: {  	v3 =	vadd.s32 v1, v3;
	_ =	sdelay $0x2  }
0x56: {  	[tilespmem:s30], [sflag:$0x3] =	stream.indirect_vreg.gather [hbm4b:s3+s2], $0x80, v4, vm0, $0xb8;
	[tilespmem:$0x11400] =	vst v63  }
0x57: {  	_ = 	snop  }
0x58: {  	[tilespmem:s9], [sflag:$0x3] =	stream.indirect_vreg.gather [hbm4b:s3+s2], $0x80, v3, vm0, $0xb8;
	[tilespmem:$0x11400] =	vst v63  }
0x59: {  	v3 =	vld [tilespmem:$0xA10];
	_ =	sdelay $0x4  }
0x5a: {  	v53 =	vshll.u32 v3, $0x1  }
0x5b: {  	v3 =	vand.u32 $0x7, v3;
	v4 =	vand.u32 $0xFFFFFFF0, v53  }
0x5c: {  	v3 =	vor.u32 v3, v4  }
0x5d: {  	v4 =	vperm.xlane v3, v0;
	_ =	sdelay $0x1  }
0x5e: {  	v3 =	vperm.xlane v3, v2;
	v4 =	vadd.s32 v1, v4;
	_ =	sdelay $0x1  }
0x5f: {  	v3 =	vadd.s32 v1, v3;
	_ =	sdelay $0x2  }
0x60: {  	[tilespmem:s10], [sflag:$0x3] =	stream.indirect_vreg.gather [hbm4b:s3+s2], $0x80, v4, vm0, $0xb8;
	[tilespmem:$0x11400] =	vst v63  }
0x61: {  	_ = 	snop  }
0x62: {  	[tilespmem:s11], [sflag:$0x3] =	stream.indirect_vreg.gather [hbm4b:s3+s2], $0x80, v3, vm0, $0xb8;
	[tilespmem:$0x11400] =	vst v63  }
0x63: {  	v3 =	vld [tilespmem:$0xA20];
	_ =	sdelay $0x4  }
0x64: {  	v54 =	vshll.u32 v3, $0x1  }
0x65: {  	v3 =	vand.u32 $0x7, v3;
	v4 =	vand.u32 $0xFFFFFFF0, v54  }
0x66: {  	v3 =	vor.u32 v3, v4  }
0x67: {  	v4 =	vperm.xlane v3, v0;
	_ =	sdelay $0x1  }
0x68: {  	v3 =	vperm.xlane v3, v2;
	v4 =	vadd.s32 v1, v4;
	_ =	sdelay $0x1  }
0x69: {  	v3 =	vadd.s32 v1, v3;
	_ =	sdelay $0x2  }
0x6a: {  	[tilespmem:s14], [sflag:$0x3] =	stream.indirect_vreg.gather [hbm4b:s3+s2], $0x80, v4, vm0, $0xb8;
	[tilespmem:$0x11400] =	vst v63  }
0x6b: {  	_ = 	snop  }
0x6c: {  	[tilespmem:s15], [sflag:$0x3] =	stream.indirect_vreg.gather [hbm4b:s3+s2], $0x80, v3, vm0, $0xb8;
	[tilespmem:$0x11400] =	vst v63  }
0x6d: {  	v3 =	vld [tilespmem:$0xA30];
	_ =	sdelay $0x4  }
0x6e: {  	v55 =	vshll.u32 v3, $0x1  }
0x6f: {  	v3 =	vand.u32 $0x7, v3;
	v4 =	vand.u32 $0xFFFFFFF0, v55  }
0x70: {  	v3 =	vor.u32 v3, v4  }
0x71: {  	v4 =	vperm.xlane v3, v0;
	_ =	sdelay $0x1  }
0x72: {  	v3 =	vperm.xlane v3, v2;
	v4 =	vadd.s32 v1, v4;
	_ =	sdelay $0x1  }
0x73: {  	v3 =	vadd.s32 v1, v3;
	_ =	sdelay $0x2  }
0x74: {  	[tilespmem:s16], [sflag:$0x3] =	stream.indirect_vreg.gather [hbm4b:s3+s2], $0x80, v4, vm0, $0xb8;
	[tilespmem:$0x11400] =	vst v63  }
0x75: {  	_ = 	snop  }
0x76: {  	[tilespmem:s13], [sflag:$0x3] =	stream.indirect_vreg.gather [hbm4b:s3+s2], $0x80, v3, vm0, $0xb8;
	[tilespmem:$0x11400] =	vst v63  }
0x77: {  	v3 =	vld [tilespmem:$0x40];
	_ =	sdelay $0x4  }
0x78: {  	v56 =	vshll.u32 v3, $0x1  }
0x79: {  	v3 =	vand.u32 $0x7, v3;
	v4 =	vand.u32 $0xFFFFFFF0, v56  }
0x7a: {  	v3 =	vor.u32 v3, v4  }
0x7b: {  	v4 =	vperm.xlane v3, v0;
	_ =	sdelay $0x1  }
0x7c: {  	v3 =	vperm.xlane v3, v2;
	v4 =	vadd.s32 v1, v4;
	_ =	sdelay $0x1  }
0x7d: {  	v3 =	vadd.s32 v1, v3;
	_ =	sdelay $0x2  }
0x7e: {  	[tilespmem:s0], [sflag:$0x2] =	stream.indirect_vreg.gather [hbm4b:s3+s2], $0x80, v4, vm0, $0xb8;
	[tilespmem:$0x11400] =	vst v63  }
0x7f: {  	s9 =	simm.s32 $0x5C00  }
0x80: {  	[tilespmem:s9], [sflag:$0x2] =	stream.indirect_vreg.gather [hbm4b:s3+s2], $0x80, v3, vm0, $0xb8;
	[tilespmem:$0x11400] =	vst v63  }
0x81: {  	v3 =	vld [tilespmem:$0x50];
	_ =	sdelay $0x4  }
0x82: {  	v57 =	vshll.u32 v3, $0x1  }
0x83: {  	v3 =	vand.u32 $0x7, v3;
	v4 =	vand.u32 $0xFFFFFFF0, v57  }
0x84: {  	v3 =	vor.u32 v3, v4  }
0x85: {  	v4 =	vperm.xlane v3, v0;
	_ =	sdelay $0x1  }
0x86: {  	v3 =	vperm.xlane v3, v2;
	v4 =	vadd.s32 v1, v4;
	_ =	sdelay $0x1  }
0x87: {  	v3 =	vadd.s32 v1, v3;
	_ =	sdelay $0x1  }
0x88: {  	s10 =	simm.s32 $0x6400  }
0x89: {  	[tilespmem:s10], [sflag:$0x2] =	stream.indirect_vreg.gather [hbm4b:s3+s2], $0x80, v4, vm0, $0xb8;
	[tilespmem:$0x11400] =	vst v63  }
0x8a: {  	s11 =	simm.s32 $0x6C00  }
0x8b: {  	[tilespmem:s11], [sflag:$0x2] =	stream.indirect_vreg.gather [hbm4b:s3+s2], $0x80, v3, vm0, $0xb8;
	[tilespmem:$0x11400] =	vst v63  }
0x8c: {  	v3 =	vld [tilespmem:$0x60];
	_ =	sdelay $0x4  }
0x8d: {  	v58 =	vshll.u32 v3, $0x1  }
0x8e: {  	v3 =	vand.u32 $0x7, v3;
	v4 =	vand.u32 $0xFFFFFFF0, v58  }
0x8f: {  	v3 =	vor.u32 v3, v4  }
0x90: {  	v4 =	vperm.xlane v3, v0;
	_ =	sdelay $0x1  }
0x91: {  	v3 =	vperm.xlane v3, v2;
	v4 =	vadd.s32 v1, v4;
	_ =	sdelay $0x1  }
0x92: {  	v3 =	vadd.s32 v1, v3;
	_ =	sdelay $0x1  }
0x93: {  	s12 =	simm.s32 $0x7400  }
0x94: {  	[tilespmem:s12], [sflag:$0x2] =	stream.indirect_vreg.gather [hbm4b:s3+s2], $0x80, v4, vm0, $0xb8;
	[tilespmem:$0x11400] =	vst v63  }
0x95: {  	s13 =	simm.s32 $0x7C00  }
0x96: {  	[tilespmem:s13], [sflag:$0x2] =	stream.indirect_vreg.gather [hbm4b:s3+s2], $0x80, v3, vm0, $0xb8;
	[tilespmem:$0x11400] =	vst v63  }
0x97: {  	v3 =	vld [tilespmem:$0x70];
	_ =	sdelay $0x4  }
0x98: {  	v59 =	vshll.u32 v3, $0x1  }
0x99: {  	v3 =	vand.u32 $0x7, v3;
	v4 =	vand.u32 $0xFFFFFFF0, v59  }
0x9a: {  	v3 =	vor.u32 v3, v4  }
0x9b: {  	v4 =	vperm.xlane v3, v0;
	_ =	sdelay $0x1  }
0x9c: {  	v3 =	vperm.xlane v3, v2;
	v4 =	vadd.s32 v1, v4;
	_ =	sdelay $0x1  }
0x9d: {  	v3 =	vadd.s32 v1, v3;
	_ =	sdelay $0x1  }
0x9e: {  	s14 =	simm.s32 $0x8400  }
0x9f: {  	[tilespmem:s14], [sflag:$0x2] =	stream.indirect_vreg.gather [hbm4b:s3+s2], $0x80, v4, vm0, $0xb8;
	[tilespmem:$0x11400] =	vst v63  }
0xa0: {  	s15 =	simm.s32 $0x8C00  }
0xa1: {  	[tilespmem:s15], [sflag:$0x2] =	stream.indirect_vreg.gather [hbm4b:s3+s2], $0x80, v3, vm0, $0xb8;
	[tilespmem:$0x11400] =	vst v63  }
0xa2: {  	v3 =	vld [tilespmem:$0xA40];
	_ =	sdelay $0x4  }
0xa3: {  	v60 =	vshll.u32 v3, $0x1  }
0xa4: {  	v3 =	vand.u32 $0x7, v3;
	v4 =	vand.u32 $0xFFFFFFF0, v60  }
0xa5: {  	v3 =	vor.u32 v3, v4  }
0xa6: {  	v4 =	vperm.xlane v3, v0;
	_ =	sdelay $0x1  }
0xa7: {  	v3 =	vperm.xlane v3, v2;
	v4 =	vadd.s32 v1, v4;
	_ =	sdelay $0x1  }
0xa8: {  	v3 =	vadd.s32 v1, v3;
	_ =	sdelay $0x2  }
0xa9: {  	[tilespmem:s7], [sflag:$0x4] =	stream.indirect_vreg.gather [hbm4b:s3+s2], $0x80, v4, vm0, $0xb8;
	[tilespmem:$0x11400] =	vst v63  }
0xaa: {  	s16 =	simm.s32 $0xDC00  }
0xab: {  	[tilespmem:s16], [sflag:$0x4] =	stream.indirect_vreg.gather [hbm4b:s3+s2], $0x80, v3, vm0, $0xb8;
	[tilespmem:$0x11400] =	vst v63  }
0xac: {  	v3 =	vld [tilespmem:$0xA50];
	_ =	sdelay $0x4  }
0xad: {  	v61 =	vshll.u32 v3, $0x1  }
0xae: {  	v3 =	vand.u32 $0x7, v3;
	v4 =	vand.u32 $0xFFFFFFF0, v61  }
0xaf: {  	v3 =	vor.u32 v3, v4  }
0xb0: {  	v4 =	vperm.xlane v3, v0;
	_ =	sdelay $0x1  }
0xb1: {  	v3 =	vperm.xlane v3, v2;
	v4 =	vadd.s32 v1, v4;
	_ =	sdelay $0x1  }
0xb2: {  	v3 =	vadd.s32 v1, v3;
	_ =	sdelay $0x1  }
0xb3: {  	s21 =	simm.s32 $0xE400  }
0xb4: {  	[tilespmem:s21], [sflag:$0x4] =	stream.indirect_vreg.gather [hbm4b:s3+s2], $0x80, v4, vm0, $0xb8;
	[tilespmem:$0x11400] =	vst v63  }
0xb5: {  	s26 =	simm.s32 $0xEC00  }
0xb6: {  	[tilespmem:s26], [sflag:$0x4] =	stream.indirect_vreg.gather [hbm4b:s3+s2], $0x80, v3, vm0, $0xb8;
	[tilespmem:$0x11400] =	vst v63  }
0xb7: {  	v3 =	vld [tilespmem:$0xA60];
	_ =	sdelay $0x4  }
0xb8: {  	v62 =	vshll.u32 v3, $0x1  }
0xb9: {  	v3 =	vand.u32 $0x7, v3;
	v4 =	vand.u32 $0xFFFFFFF0, v62  }
0xba: {  	v3 =	vor.u32 v3, v4  }
0xbb: {  	v4 =	vperm.xlane v3, v0;
	_ =	sdelay $0x1  }
0xbc: {  	v3 =	vperm.xlane v3, v2;
	v4 =	vadd.s32 v1, v4;
	_ =	sdelay $0x1  }
0xbd: {  	v3 =	vadd.s32 v1, v3;
	_ =	sdelay $0x1  }
0xbe: {  	s30 =	simm.s32 $0xF400  }
0xbf: {  	[tilespmem:s30], [sflag:$0x4] =	stream.indirect_vreg.gather [hbm4b:s3+s2], $0x80, v4, vm0, $0xb8;
	[tilespmem:$0x11400] =	vst v63  }
0xc0: {  	s31 =	simm.s32 $0xFC00  }
0xc1: {  	[tilespmem:s31], [sflag:$0x4] =	stream.indirect_vreg.gather [hbm4b:s3+s2], $0x80, v3, vm0, $0xb8;
	[tilespmem:$0x11400] =	vst v63  }
0xc2: {  	v3 =	vld [tilespmem:$0xA70];
	_ =	sdelay $0x4  }
0xc3: {  	v63 =	vshll.u32 v3, $0x1  }
0xc4: {  	v3 =	vand.u32 $0x7, v3;
	v4 =	vand.u32 $0xFFFFFFF0, v63  }
0xc5: {  	v3 =	vor.u32 v3, v4  }
0xc6: {  	v4 =	vperm.xlane v3, v0;
	_ =	sdelay $0x1  }
0xc7: {  	v3 =	vperm.xlane v3, v2;
	v4 =	vadd.s32 v1, v4  }
0xc8: {  	s28 =	simm.s32 $0xAF0;
	s29 =	simm.s32 $0x0  }
0xc9: {  	s4 =	simm.s32 $0x10400;
	s5 =	simm.s32 $0x10C00;
	s6 =	simm.s32 $0x4400;
	v3 =	vadd.s32 v1, v3  }
0xca: {  	s8 =	simm.s32 $0x4C00;
	s9 =	simm.s32 $0x9C00;
	s10 =	simm.s32 $0xA400  }
0xcb: {  	s11 =	simm.s32 $0xAC00;
	s13 =	simm.s32 $0xCC00;
	s14 =	simm.s32 $0xB400  }
0xcc: {  	[tilespmem:s4], [sflag:$0x4] =	stream.indirect_vreg.gather [hbm4b:s3+s2], $0x80, v4, vm0, $0xb8;
	[tilespmem:$0x11400] =	vst v63  }
0xcd: {  	s15 =	simm.s32 $0xBC00;
	s16 =	simm.s32 $0xC400;
	s26 =	simm.s32 $0xF0  }
0xce: {  	[tilespmem:s5], [sflag:$0x4] =	stream.indirect_vreg.gather [hbm4b:s3+s2], $0x80, v3, vm0, $0xb8;
	[tilespmem:$0x11400] =	vst v63  }
.LBB2_2:
0xcf: {  	_ =	swait.ge [sflag:s17], $0x4000  }
0xd0: {  	[sflag:s17] =	ssyncset.done $0x0  }
0xd1: {  	[sflag:s17] =	ssyncadd.s32 $0xFFFFC000  }
0xd2: {  	_ =	swait.ge [sflag:s18], $0x4000  }
0xd3: {  	s30 =	simm.s32 $0x1400;
	s31 =	rddreg [dreg:$0x3];
	[sflag:s18] =	ssyncset.done $0x0  }
0xd4: {  	s1 =	rddreg [dreg:$0x2];
	[sflag:s18] =	ssyncadd.s32 $0xFFFFC000;
	s31 =	sadd.s32 s29, s31  }
0xd5: {  	[hbm4b:s31+s2] =	stream.linear.scatter [tilespmem:s30], [sflag:$0x5], $0x4000, $0x38;
	[tilespmem:$0x11400] =	vst v63  }
0xd6: {  	s0 =	simm.s32 $0x9400;
	s1 =	sadd.s32 s29, s1  }
0xd7: {  	[hbm4b:s1+s2] =	stream.linear.scatter [tilespmem:s0], [sflag:$0x7], $0x4000, $0x38;
	[tilespmem:$0x11400] =	vst v63  }
0xd8: {  	_ =	swait.ge [sflag:s19], $0x4000  }
0xd9: {  	[sflag:s19] =	ssyncset.done $0x0  }
0xda: {  	[sflag:s19] =	ssyncadd.s32 $0xFFFFC000  }
0xdb: {  	_ =	swait.ge [sflag:s20], $0x4000  }
0xdc: {  	s12 =	rddreg [dreg:$0x4]  }
0xdd: {  	[sflag:s20] =	ssyncset.done $0x0;
	s31 =	rddreg [dreg:$0x5]  }
0xde: {  	[sflag:s20] =	ssyncadd.s32 $0xFFFFC000;
	s1 =	sadd.s32 s29, s12;
	s12 =	simm.s32 $0x5400  }
0xdf: {  	[hbm4b:s1+s2] =	stream.linear.scatter [tilespmem:s12], [sflag:$0x6], $0x4000, $0x38;
	[tilespmem:$0x11400] =	vst v63  }
0xe0: {  	s21 =	sadd.s32 s29, s31  }
0xe1: {  	[hbm4b:s21+s2] =	stream.linear.scatter [tilespmem:s7], [sflag:$0x8], $0x4000, $0x38;
	[tilespmem:$0x11400] =	vst v63  }
0xe2: {  	_ =	swait.ge [sflag:s22], $0x4000  }
0xe3: {  	[sflag:s22] =	ssyncset.done $0x0  }
0xe4: {  	[sflag:s22] =	ssyncadd.s32 $0xFFFFC000  }
0xe5: {  	_ =	swait.ge [sflag:s23], $0x4000  }
0xe6: {  	[sflag:s23] =	ssyncset.done $0x0  }
0xe7: {  	[sflag:s23] =	ssyncadd.s32 $0xFFFFC000  }
0xe8: {  	v3 =	vld [tilespmem:s26+$0xFFFFFF90];
	_ =	sdelay $0x4  }
0xe9: {  	v4 =	vshll.u32 v3, $0x1  }
0xea: {  	v3 =	vand.u32 $0x7, v3;
	v4 =	vand.u32 $0xFFFFFFF0, v4  }
0xeb: {  	v3 =	vor.u32 v3, v4  }
0xec: {  	v4 =	vperm.xlane v3, v0;
	_ =	sdelay $0x1  }
0xed: {  	v3 =	vperm.xlane v3, v2;
	v4 =	vadd.s32 v1, v4;
	_ =	sdelay $0x1  }
0xee: {  	v3 =	vadd.s32 v1, v3;
	_ =	sdelay $0x2  }
0xef: {  	[tilespmem:s30], [sflag:$0x1] =	stream.indirect_vreg.gather [hbm4b:s3+s2], $0x80, v4, vm0, $0xb8;
	[tilespmem:$0x11400] =	vst v63  }
0xf0: {  	s31 =	simm.s32 $0x1C00  }
0xf1: {  	[tilespmem:s31], [sflag:$0x1] =	stream.indirect_vreg.gather [hbm4b:s3+s2], $0x80, v3, vm0, $0xb8;
	[tilespmem:$0x11400] =	vst v63  }
0xf2: {  	v3 =	vld [tilespmem:s26+$0xFFFFFFA0];
	_ =	sdelay $0x4  }
0xf3: {  	v49 =	vshll.u32 v3, $0x1  }
0xf4: {  	v3 =	vand.u32 $0x7, v3;
	v4 =	vand.u32 $0xFFFFFFF0, v49  }
0xf5: {  	v3 =	vor.u32 v3, v4  }
0xf6: {  	v4 =	vperm.xlane v3, v0;
	_ =	sdelay $0x1  }
0xf7: {  	v3 =	vperm.xlane v3, v2;
	v4 =	vadd.s32 v1, v4;
	_ =	sdelay $0x1  }
0xf8: {  	v3 =	vadd.s32 v1, v3;
	_ =	sdelay $0x1  }
0xf9: {  	s1 =	simm.s32 $0x2400  }
0xfa: {  	[tilespmem:s1], [sflag:$0x1] =	stream.indirect_vreg.gather [hbm4b:s3+s2], $0x80, v4, vm0, $0xb8;
	[tilespmem:$0x11400] =	vst v63  }
0xfb: {  	s1 =	simm.s32 $0x2C00  }
0xfc: {  	[tilespmem:s1], [sflag:$0x1] =	stream.indirect_vreg.gather [hbm4b:s3+s2], $0x80, v3, vm0, $0xb8;
	[tilespmem:$0x11400] =	vst v63  }
0xfd: {  	v3 =	vld [tilespmem:s26+$0xFFFFFFB0];
	_ =	sdelay $0x4  }
0xfe: {  	v50 =	vshll.u32 v3, $0x1  }
0xff: {  	v3 =	vand.u32 $0x7, v3;
	v4 =	vand.u32 $0xFFFFFFF0, v50  }
0x100: {  	v3 =	vor.u32 v3, v4  }
0x101: {  	v4 =	vperm.xlane v3, v0;
	_ =	sdelay $0x1  }
0x102: {  	v3 =	vperm.xlane v3, v2;
	v4 =	vadd.s32 v1, v4;
	_ =	sdelay $0x1  }
0x103: {  	v3 =	vadd.s32 v1, v3;
	_ =	sdelay $0x1  }
0x104: {  	s1 =	simm.s32 $0x3400  }
0x105: {  	[tilespmem:s1], [sflag:$0x1] =	stream.indirect_vreg.gather [hbm4b:s3+s2], $0x80, v4, vm0, $0xb8;
	[tilespmem:$0x11400] =	vst v63  }
0x106: {  	s1 =	simm.s32 $0x3C00  }
0x107: {  	[tilespmem:s1], [sflag:$0x1] =	stream.indirect_vreg.gather [hbm4b:s3+s2], $0x80, v3, vm0, $0xb8;
	[tilespmem:$0x11400] =	vst v63  }
0x108: {  	v3 =	vld [tilespmem:s26+$0xFFFFFFC0];
	_ =	sdelay $0x4  }
0x109: {  	v51 =	vshll.u32 v3, $0x1  }
0x10a: {  	v3 =	vand.u32 $0x7, v3;
	v4 =	vand.u32 $0xFFFFFFF0, v51  }
0x10b: {  	v3 =	vor.u32 v3, v4  }
0x10c: {  	v4 =	vperm.xlane v3, v0;
	_ =	sdelay $0x1  }
0x10d: {  	v3 =	vperm.xlane v3, v2;
	v4 =	vadd.s32 v1, v4;
	_ =	sdelay $0x1  }
0x10e: {  	v3 =	vadd.s32 v1, v3;
	_ =	sdelay $0x2  }
0x10f: {  	[tilespmem:s6], [sflag:$0x1] =	stream.indirect_vreg.gather [hbm4b:s3+s2], $0x80, v4, vm0, $0xb8;
	[tilespmem:$0x11400] =	vst v63  }
0x110: {  	_ = 	snop  }
0x111: {  	[tilespmem:s8], [sflag:$0x1] =	stream.indirect_vreg.gather [hbm4b:s3+s2], $0x80, v3, vm0, $0xb8;
	[tilespmem:$0x11400] =	vst v63  }
0x112: {  	v3 =	vld [tilespmem:s28+$0xFFFFFF90];
	_ =	sdelay $0x4  }
0x113: {  	v52 =	vshll.u32 v3, $0x1  }
0x114: {  	v3 =	vand.u32 $0x7, v3;
	v4 =	vand.u32 $0xFFFFFFF0, v52  }
0x115: {  	v3 =	vor.u32 v3, v4  }
0x116: {  	v4 =	vperm.xlane v3, v0;
	_ =	sdelay $0x1  }
0x117: {  	v3 =	vperm.xlane v3, v2;
	v4 =	vadd.s32 v1, v4;
	_ =	sdelay $0x1  }
0x118: {  	v3 =	vadd.s32 v1, v3;
	_ =	sdelay $0x2  }
0x119: {  	[tilespmem:s0], [sflag:$0x3] =	stream.indirect_vreg.gather [hbm4b:s3+s2], $0x80, v4, vm0, $0xb8;
	[tilespmem:$0x11400] =	vst v63  }
0x11a: {  	_ = 	snop  }
0x11b: {  	[tilespmem:s9], [sflag:$0x3] =	stream.indirect_vreg.gather [hbm4b:s3+s2], $0x80, v3, vm0, $0xb8;
	[tilespmem:$0x11400] =	vst v63  }
0x11c: {  	v3 =	vld [tilespmem:s28+$0xFFFFFFA0];
	_ =	sdelay $0x4  }
0x11d: {  	v53 =	vshll.u32 v3, $0x1  }
0x11e: {  	v3 =	vand.u32 $0x7, v3;
	v4 =	vand.u32 $0xFFFFFFF0, v53  }
0x11f: {  	v3 =	vor.u32 v3, v4  }
0x120: {  	v4 =	vperm.xlane v3, v0;
	_ =	sdelay $0x1  }
0x121: {  	v3 =	vperm.xlane v3, v2;
	v4 =	vadd.s32 v1, v4;
	_ =	sdelay $0x1  }
0x122: {  	v3 =	vadd.s32 v1, v3;
	_ =	sdelay $0x2  }
0x123: {  	[tilespmem:s10], [sflag:$0x3] =	stream.indirect_vreg.gather [hbm4b:s3+s2], $0x80, v4, vm0, $0xb8;
	[tilespmem:$0x11400] =	vst v63  }
0x124: {  	_ = 	snop  }
0x125: {  	[tilespmem:s11], [sflag:$0x3] =	stream.indirect_vreg.gather [hbm4b:s3+s2], $0x80, v3, vm0, $0xb8;
	[tilespmem:$0x11400] =	vst v63  }
0x126: {  	v3 =	vld [tilespmem:s28+$0xFFFFFFB0];
	_ =	sdelay $0x4  }
0x127: {  	v54 =	vshll.u32 v3, $0x1  }
0x128: {  	v3 =	vand.u32 $0x7, v3;
	v4 =	vand.u32 $0xFFFFFFF0, v54  }
0x129: {  	v3 =	vor.u32 v3, v4  }
0x12a: {  	v4 =	vperm.xlane v3, v0;
	_ =	sdelay $0x1  }
0x12b: {  	v3 =	vperm.xlane v3, v2;
	v4 =	vadd.s32 v1, v4;
	_ =	sdelay $0x1  }
0x12c: {  	v3 =	vadd.s32 v1, v3;
	_ =	sdelay $0x2  }
0x12d: {  	[tilespmem:s14], [sflag:$0x3] =	stream.indirect_vreg.gather [hbm4b:s3+s2], $0x80, v4, vm0, $0xb8;
	[tilespmem:$0x11400] =	vst v63  }
0x12e: {  	_ = 	snop  }
0x12f: {  	[tilespmem:s15], [sflag:$0x3] =	stream.indirect_vreg.gather [hbm4b:s3+s2], $0x80, v3, vm0, $0xb8;
	[tilespmem:$0x11400] =	vst v63  }
0x130: {  	v3 =	vld [tilespmem:s28+$0xFFFFFFC0];
	_ =	sdelay $0x4  }
0x131: {  	v55 =	vshll.u32 v3, $0x1  }
0x132: {  	v3 =	vand.u32 $0x7, v3;
	v4 =	vand.u32 $0xFFFFFFF0, v55  }
0x133: {  	v3 =	vor.u32 v3, v4  }
0x134: {  	v4 =	vperm.xlane v3, v0;
	_ =	sdelay $0x1  }
0x135: {  	v3 =	vperm.xlane v3, v2;
	v4 =	vadd.s32 v1, v4;
	_ =	sdelay $0x1  }
0x136: {  	v3 =	vadd.s32 v1, v3;
	_ =	sdelay $0x2  }
0x137: {  	[tilespmem:s16], [sflag:$0x3] =	stream.indirect_vreg.gather [hbm4b:s3+s2], $0x80, v4, vm0, $0xb8;
	[tilespmem:$0x11400] =	vst v63  }
0x138: {  	_ = 	snop  }
0x139: {  	[tilespmem:s13], [sflag:$0x3] =	stream.indirect_vreg.gather [hbm4b:s3+s2], $0x80, v3, vm0, $0xb8;
	[tilespmem:$0x11400] =	vst v63  }
0x13a: {  	_ =	swait.ge [sflag:s24], $0x4000  }
0x13b: {  	[sflag:s24] =	ssyncset.done $0x0  }
0x13c: {  	[sflag:s24] =	ssyncadd.s32 $0xFFFFC000  }
0x13d: {  	_ =	swait.ge [sflag:s25], $0x4000  }
0x13e: {  	[sflag:s25] =	ssyncset.done $0x0  }
0x13f: {  	[sflag:s25] =	ssyncadd.s32 $0xFFFFC000  }
0x140: {  	v3 =	vld [tilespmem:s26+$0xFFFFFFD0];
	_ =	sdelay $0x4  }
0x141: {  	v56 =	vshll.u32 v3, $0x1  }
0x142: {  	v3 =	vand.u32 $0x7, v3;
	v4 =	vand.u32 $0xFFFFFFF0, v56  }
0x143: {  	v3 =	vor.u32 v3, v4  }
0x144: {  	v4 =	vperm.xlane v3, v0;
	_ =	sdelay $0x1  }
0x145: {  	v3 =	vperm.xlane v3, v2;
	v4 =	vadd.s32 v1, v4;
	_ =	sdelay $0x1  }
0x146: {  	v3 =	vadd.s32 v1, v3;
	_ =	sdelay $0x2  }
0x147: {  	[tilespmem:s12], [sflag:$0x2] =	stream.indirect_vreg.gather [hbm4b:s3+s2], $0x80, v4, vm0, $0xb8;
	[tilespmem:$0x11400] =	vst v63  }
0x148: {  	s12 =	simm.s32 $0x5C00  }
0x149: {  	[tilespmem:s12], [sflag:$0x2] =	stream.indirect_vreg.gather [hbm4b:s3+s2], $0x80, v3, vm0, $0xb8;
	[tilespmem:$0x11400] =	vst v63  }
0x14a: {  	v3 =	vld [tilespmem:s26+$0xFFFFFFE0];
	_ =	sdelay $0x4  }
0x14b: {  	v57 =	vshll.u32 v3, $0x1  }
0x14c: {  	v3 =	vand.u32 $0x7, v3;
	v4 =	vand.u32 $0xFFFFFFF0, v57  }
0x14d: {  	v3 =	vor.u32 v3, v4  }
0x14e: {  	v4 =	vperm.xlane v3, v0;
	_ =	sdelay $0x1  }
0x14f: {  	v3 =	vperm.xlane v3, v2;
	v4 =	vadd.s32 v1, v4;
	_ =	sdelay $0x1  }
0x150: {  	v3 =	vadd.s32 v1, v3;
	_ =	sdelay $0x1  }
0x151: {  	s12 =	simm.s32 $0x6400  }
0x152: {  	[tilespmem:s12], [sflag:$0x2] =	stream.indirect_vreg.gather [hbm4b:s3+s2], $0x80, v4, vm0, $0xb8;
	[tilespmem:$0x11400] =	vst v63  }
0x153: {  	s12 =	simm.s32 $0x6C00  }
0x154: {  	[tilespmem:s12], [sflag:$0x2] =	stream.indirect_vreg.gather [hbm4b:s3+s2], $0x80, v3, vm0, $0xb8;
	[tilespmem:$0x11400] =	vst v63  }
0x155: {  	v3 =	vld [tilespmem:s26+$0xFFFFFFF0];
	_ =	sdelay $0x4  }
0x156: {  	v58 =	vshll.u32 v3, $0x1  }
0x157: {  	v3 =	vand.u32 $0x7, v3;
	v4 =	vand.u32 $0xFFFFFFF0, v58  }
0x158: {  	v3 =	vor.u32 v3, v4  }
0x159: {  	v4 =	vperm.xlane v3, v0;
	_ =	sdelay $0x1  }
0x15a: {  	v3 =	vperm.xlane v3, v2;
	v4 =	vadd.s32 v1, v4;
	_ =	sdelay $0x1  }
0x15b: {  	v3 =	vadd.s32 v1, v3;
	_ =	sdelay $0x1  }
0x15c: {  	s12 =	simm.s32 $0x7400  }
0x15d: {  	[tilespmem:s12], [sflag:$0x2] =	stream.indirect_vreg.gather [hbm4b:s3+s2], $0x80, v4, vm0, $0xb8;
	[tilespmem:$0x11400] =	vst v63  }
0x15e: {  	s12 =	simm.s32 $0x7C00  }
0x15f: {  	[tilespmem:s12], [sflag:$0x2] =	stream.indirect_vreg.gather [hbm4b:s3+s2], $0x80, v3, vm0, $0xb8;
	[tilespmem:$0x11400] =	vst v63  }
0x160: {  	v3 =	vld [tilespmem:s26+$0x0];
	_ =	sdelay $0x4  }
0x161: {  	v59 =	vshll.u32 v3, $0x1  }
0x162: {  	v3 =	vand.u32 $0x7, v3;
	v4 =	vand.u32 $0xFFFFFFF0, v59  }
0x163: {  	v3 =	vor.u32 v3, v4  }
0x164: {  	v4 =	vperm.xlane v3, v0;
	_ =	sdelay $0x1  }
0x165: {  	v3 =	vperm.xlane v3, v2;
	v4 =	vadd.s32 v1, v4;
	_ =	sdelay $0x1  }
0x166: {  	v3 =	vadd.s32 v1, v3;
	_ =	sdelay $0x1  }
0x167: {  	s12 =	simm.s32 $0x8400  }
0x168: {  	[tilespmem:s12], [sflag:$0x2] =	stream.indirect_vreg.gather [hbm4b:s3+s2], $0x80, v4, vm0, $0xb8;
	[tilespmem:$0x11400] =	vst v63  }
0x169: {  	s12 =	simm.s32 $0x8C00  }
0x16a: {  	[tilespmem:s12], [sflag:$0x2] =	stream.indirect_vreg.gather [hbm4b:s3+s2], $0x80, v3, vm0, $0xb8;
	[tilespmem:$0x11400] =	vst v63  }
0x16b: {  	v3 =	vld [tilespmem:s28+$0xFFFFFFD0];
	_ =	sdelay $0x4  }
0x16c: {  	v60 =	vshll.u32 v3, $0x1  }
0x16d: {  	v3 =	vand.u32 $0x7, v3;
	v4 =	vand.u32 $0xFFFFFFF0, v60  }
0x16e: {  	v3 =	vor.u32 v3, v4  }
0x16f: {  	v4 =	vperm.xlane v3, v0;
	_ =	sdelay $0x1  }
0x170: {  	v3 =	vperm.xlane v3, v2;
	v4 =	vadd.s32 v1, v4;
	_ =	sdelay $0x1  }
0x171: {  	v3 =	vadd.s32 v1, v3;
	_ =	sdelay $0x2  }
0x172: {  	[tilespmem:s7], [sflag:$0x4] =	stream.indirect_vreg.gather [hbm4b:s3+s2], $0x80, v4, vm0, $0xb8;
	[tilespmem:$0x11400] =	vst v63  }
0x173: {  	s12 =	simm.s32 $0xDC00  }
0x174: {  	[tilespmem:s12], [sflag:$0x4] =	stream.indirect_vreg.gather [hbm4b:s3+s2], $0x80, v3, vm0, $0xb8;
	[tilespmem:$0x11400] =	vst v63  }
0x175: {  	v3 =	vld [tilespmem:s28+$0xFFFFFFE0];
	_ =	sdelay $0x4  }
0x176: {  	v61 =	vshll.u32 v3, $0x1  }
0x177: {  	v3 =	vand.u32 $0x7, v3;
	v4 =	vand.u32 $0xFFFFFFF0, v61  }
0x178: {  	v3 =	vor.u32 v3, v4  }
0x179: {  	v4 =	vperm.xlane v3, v0;
	_ =	sdelay $0x1  }
0x17a: {  	v3 =	vperm.xlane v3, v2;
	v4 =	vadd.s32 v1, v4;
	_ =	sdelay $0x1  }
0x17b: {  	v3 =	vadd.s32 v1, v3;
	_ =	sdelay $0x1  }
0x17c: {  	s12 =	simm.s32 $0xE400  }
0x17d: {  	[tilespmem:s12], [sflag:$0x4] =	stream.indirect_vreg.gather [hbm4b:s3+s2], $0x80, v4, vm0, $0xb8;
	[tilespmem:$0x11400] =	vst v63  }
0x17e: {  	s12 =	simm.s32 $0xEC00  }
0x17f: {  	[tilespmem:s12], [sflag:$0x4] =	stream.indirect_vreg.gather [hbm4b:s3+s2], $0x80, v3, vm0, $0xb8;
	[tilespmem:$0x11400] =	vst v63  }
0x180: {  	v3 =	vld [tilespmem:s28+$0xFFFFFFF0];
	_ =	sdelay $0x4  }
0x181: {  	v62 =	vshll.u32 v3, $0x1  }
0x182: {  	v3 =	vand.u32 $0x7, v3;
	v4 =	vand.u32 $0xFFFFFFF0, v62  }
0x183: {  	v3 =	vor.u32 v3, v4  }
0x184: {  	v4 =	vperm.xlane v3, v0;
	_ =	sdelay $0x1  }
0x185: {  	v3 =	vperm.xlane v3, v2;
	v4 =	vadd.s32 v1, v4;
	_ =	sdelay $0x1  }
0x186: {  	v3 =	vadd.s32 v1, v3;
	_ =	sdelay $0x1  }
0x187: {  	s12 =	simm.s32 $0xF400  }
0x188: {  	[tilespmem:s12], [sflag:$0x4] =	stream.indirect_vreg.gather [hbm4b:s3+s2], $0x80, v4, vm0, $0xb8;
	[tilespmem:$0x11400] =	vst v63  }
0x189: {  	s12 =	simm.s32 $0xFC00  }
0x18a: {  	[tilespmem:s12], [sflag:$0x4] =	stream.indirect_vreg.gather [hbm4b:s3+s2], $0x80, v3, vm0, $0xb8;
	[tilespmem:$0x11400] =	vst v63  }
0x18b: {  	v3 =	vld [tilespmem:s28+$0x0];
	_ =	sdelay $0x4  }
0x18c: {  	v63 =	vshll.u32 v3, $0x1  }
0x18d: {  	v3 =	vand.u32 $0x7, v3;
	v4 =	vand.u32 $0xFFFFFFF0, v63  }
0x18e: {  	v3 =	vor.u32 v3, v4  }
0x18f: {  	v4 =	vperm.xlane v3, v0;
	_ =	sdelay $0x1  }
0x190: {  	v3 =	vperm.xlane v3, v2;
	v4 =	vadd.s32 v1, v4;
	_ =	sdelay $0x1  }
0x191: {  	p0 =	sne.s32 s29, $0x12000;
	v3 =	vadd.s32 v1, v3  }
.Ltmp0:
0x192: {  	_ = 	snop;
	(pc) =	sbr.rel @p0 .LBB2_2-.Ltmp0, $4  }
0x193: {  	s29 =	sadd.s32 $0x1000, s29;
	s21 =	simm.s32 $0x1400;
	s30 =	simm.s32 $0x9400  }
0x194: {  	[tilespmem:s4], [sflag:$0x4] =	stream.indirect_vreg.gather [hbm4b:s3+s2], $0x80, v4, vm0, $0xb8;
	[tilespmem:$0x11400] =	vst v63  }
0x195: {  	s0 =	simm.s32 $0x5400;
	s26 =	sadd.s32 $0x80, s26;
	s28 =	sadd.s32 $0x80, s28  }
0x196: {  	[tilespmem:s5], [sflag:$0x4] =	stream.indirect_vreg.gather [hbm4b:s3+s2], $0x80, v3, vm0, $0xb8;
	[tilespmem:$0x11400] =	vst v63  }
0x197: {  	_ =	swait.ge [sflag:s17], $0x4000  }
0x198: {  	[sflag:s17] =	ssyncset.done $0x0  }
0x199: {  	[sflag:s17] =	ssyncadd.s32 $0xFFFFC000  }
0x19a: {  	_ =	swait.ge [sflag:s18], $0x4000  }
0x19b: {  	[sflag:s18] =	ssyncset.done $0x0  }
0x19c: {  	s1 =	rddreg [dreg:$0x8];
	[sflag:s18] =	ssyncadd.s32 $0xFFFFC000  }
0x19d: {  	[hbm4b:s1+s2] =	stream.linear.scatter [tilespmem:s21], [sflag:$0x5], $0x4000, $0x38;
	[tilespmem:$0x11400] =	vst v63  }
0x19e: {  	s15 =	rddreg [dreg:$0x9]  }
0x19f: {  	[hbm4b:s15+s2] =	stream.linear.scatter [tilespmem:s30], [sflag:$0x7], $0x4000, $0x38;
	[tilespmem:$0x11400] =	vst v63  }
0x1a0: {  	_ =	swait.ge [sflag:s19], $0x4000  }
0x1a1: {  	[sflag:s19] =	ssyncset.done $0x0  }
0x1a2: {  	[sflag:s19] =	ssyncadd.s32 $0xFFFFC000  }
0x1a3: {  	_ =	swait.ge [sflag:s20], $0x4000  }
0x1a4: {  	[sflag:s20] =	ssyncset.done $0x0  }
0x1a5: {  	s16 =	rddreg [dreg:$0xa];
	[sflag:s20] =	ssyncadd.s32 $0xFFFFC000  }
0x1a6: {  	[hbm4b:s16+s2] =	stream.linear.scatter [tilespmem:s0], [sflag:$0x6], $0x4000, $0x38;
	[tilespmem:$0x11400] =	vst v63  }
0x1a7: {  	s26 =	rddreg [dreg:$0xb]  }
0x1a8: {  	[hbm4b:s26+s2] =	stream.linear.scatter [tilespmem:s7], [sflag:$0x8], $0x4000, $0x38;
	[tilespmem:$0x11400] =	vst v63  }
0x1a9: {  	_ =	swait.ge [sflag:s22], $0x4000  }
0x1aa: {  	[sflag:s22] =	ssyncset.done $0x0  }
0x1ab: {  	[sflag:s22] =	ssyncadd.s32 $0xFFFFC000  }
0x1ac: {  	_ =	swait.ge [sflag:s23], $0x4000  }
0x1ad: {  	[sflag:s23] =	ssyncset.done $0x0  }
0x1ae: {  	[sflag:s23] =	ssyncadd.s32 $0xFFFFC000  }
0x1af: {  	_ =	swait.ge [sflag:s24], $0x4000  }
0x1b0: {  	[sflag:s24] =	ssyncset.done $0x0  }
0x1b1: {  	[sflag:s24] =	ssyncadd.s32 $0xFFFFC000  }
0x1b2: {  	_ =	swait.ge [sflag:s25], $0x4000  }
0x1b3: {  	s26 =	rddreg [dreg:$0xd]  }
0x1b4: {  	s28 =	rddreg [dreg:$0xc];
	s26 =	sadd.s32 $0x1, s26  }
0x1b5: {  	s29 =	simm.s32 $0x2400;
	p0 =	sne.s32 s26, s28  }
.Ltmp1:
0x1b6: {  	s12 =	simm.s32 $0x2C00;
	s4 =	simm.s32 $0x3400;
	(pc) =	sbr.rel @p0 .LBB2_1-.Ltmp1, $4  }
0x1b7: {  	s5 =	simm.s32 $0x3C00;
	s6 =	simm.s32 $0x4400;
	s8 =	simm.s32 $0x4C00  }
0x1b8: {  	s9 =	simm.s32 $0x9C00;
	s10 =	simm.s32 $0xA400;
	s11 =	simm.s32 $0xAC00  }
0x1b9: {  	s14 =	simm.s32 $0xB400;
	s13 =	simm.s32 $0xCC00;
	[sflag:s25] =	ssyncset.done $0x0  }
0x1ba: {  	s15 =	simm.s32 $0xBC00;
	s16 =	simm.s32 $0xC400;
	[sflag:s25] =	ssyncadd.s32 $0xFFFFC000  }
0x1bb: {  	_ =	sfence.sel $0x180000  }
0x1bc: {  	[bflag:$0x0] =	sbarrier.arrive $0xFFFF  }
0x1bd: {  	_ =	strace $0x9000004D  }
0x1be: {  	s0 =	stileid.u32;
	[bflag:$0x2] =	sbarrier.arrive $0xFFFF  }
0x1bf: {  	p0 =	sne.s32 s0, $0x0;
	s0 =	rddreg [dreg:$0x1]  }
0x1c0: {  	s0 =	sadd.s32 @!p0 $0x100000, s0  }
0x1c1: {  	[sflag:s0] =	ssyncadd.tile.s32 @!p0 $0x1;
	_ =	shalt  }
.Lfunc_end2:
_tile_overlayer_lowered:
.L_overlay_start_2:
0x1c2: {  	(tag) =	ssettag $0x2  }
0x1c3: {  	s0 =	rddreg [dreg:$0x0];
	s2 =	stileid.u32  }
0x1c4: {  	s1 =	rddreg [dreg:$0x1];
	p0 =	sne.s32 s2, $0x0  }
0x1c5: {  	s3 =	rddreg [dreg:$0x2];
	[bflag:$0x3] =	sbarrier.arrive $0xFFFF;
	s2 =	simm.s32 @!p0 $0x1C09  }
0x1c6: {  	[timem:s3], [sflag:s2] =	dma.local @!p0 [hbm:s0], s1  }
0x1c7: {  	s0 =	simm.s32 @!p0 $0x9  }
0x1c8: {  	_ =	swait.ge @!p0 [sflag:s0], s1  }
0x1c9: {  	s1 =	ssub.s32 @!p0 $0x0, s1;
	[sflag:s0] =	ssyncset.done @!p0 $0x0  }
0x1ca: {  	[sflag:s0] =	ssyncadd.s32 @!p0 s1  }
0x1cb: {  	[bflag:$0x3] =	sbarrier.arrive $0xFFFF  }
0x1cc: {  	_ =	shalt  }

// kernel: kernel.24.cloned.1.call-start
scs
__scs_entry_jumppad:
0x0: {  	(pc) =	sbr.rel $0x88, $3  }
0x1: {  	(tag) =	ssettag $0x0;
	lr =	simm.s32 $0x1  }
0x2: {  	[smem:$0x3F8E] =	sst lr;
	_ =	strace $0xD0000000  }
0x3: {  	_ = 	snop  }
0x4: {  	_ = 	snop  }
0x5: {  	_ = 	snop  }
0x6: {  	_ = 	snop  }
0x7: {  	_ = 	snop  }
__scs_overlays_trampoline_lowered:
0x8: {  	[smem:$0x3F9D] =	sst s0  }
0x9: {  	[smem:$0x3F9E] =	sst s1  }
0xa: {  	[smem:$0x3F9F] =	sst s2  }
0xb: {  	[smem:$0x3FA0] =	sst s3  }
0xc: {  	[smem:$0x3FA1] =	sst s4  }
0xd: {  	[smem:$0x3FA2] =	sst s5  }
0xe: {  	[smem:$0x3FA3] =	sst s6  }
0xf: {  	[smem:$0x3FA4] =	sst s7  }
0x10: {  	[smem:$0x3FA5] =	sst s8  }
0x11: {  	[smem:$0x3FA6] =	sst s9;
	s0 =	simm.s32 @!p0 $0x0  }
0x12: {  	s1 =	sld [smem:$0x3F8C];
	s0 =	simm.s32 @p0 $0x1  }
0x13: {  	[smem:$0x3FA7] =	sst s0;
	s0 =	simm.s32 @!p1 $0x0  }
0x14: {  	s2 =	sld [smem:$0x3F8B];
	s0 =	simm.s32 @p1 $0x1  }
0x15: {  	[smem:$0x3FA8] =	sst s0;
	s0 =	simm.s32 @!p2 $0x0  }
0x16: {  	s3 =	sld [smem:$0x3FDB];
	s0 =	simm.s32 @p2 $0x1  }
0x17: {  	s4 =	simm.s32 $0x1BF5;
	[smem:$0x3FAA] =	sst s0  }
0x18: {  	s0 =	sld [smem:$0x3F8D];
	_ =	swait.ge [sflag:s4], $0x0  }
0x19: {  	s7 =	sld [smem:$0x3F8E]  }
0x1a: {  	s8 =	sadd.s32 $0xFFFFE003, lr  }
0x1b: {  	s9 =	sadd.s32 $0xFFFFFEF7, lr;
	s5 =	simm.s32 $0xFFFFFFFF;
	p2 =	slt.u32 s8, $0xFFFFF086  }
0x1c: {  	p1 =	slt.u32 s9, $0xF7A;
	s5 =	simm.s32 @!p2 $0x0  }
0x1d: {  	s5 =	simm.s32 @p1 $0x1;
	p0 =	seq.s32 s7, s2  }
0x1e: {  	s7 =	smul.u32 @!p0 $0xF7A, s2;
	p2 =	seq.s32 @!p0 s5, $0x0  }
0x1f: {  	s9 =	smul.u32 $0xF7A, s1;
	s8 =	simm.s32 @!p0 $0x1BF5;
	p2 =	por !p2, p0  }
0x20: {  	[sflag:s8] =	ssyncset.s32 @!p0 $0xFFFFF086;
	s6 =	sadd.s32 @!p0 s3, s7;
	s7 =	simm.s32 @!p0 $0x108  }
0x21: {  	s3 =	sadd.s32 s3, s9;
	s6 =	sadd.s32 @!p0 $0x88, s6;
	s7 =	simm.s32 @p2 $0x1082  }
0x22: {  	[simem:s7], [sflag:s8] =	dma.local @!p0 [hbm:s6], $0xF7A  }
0x23: {  	s9 =	sor.u32 $0xD0000000, s2;
	s6 =	simm.s32 $0x108;
	_ =	swait.ge @!p0 [sflag:s8], $0x0  }
0x24: {  	s3 =	sadd.s32 $0x88, s3;
	s6 =	simm.s32 @!p1 $0x1082;
	[sflag:s4] =	ssyncset.s32 $0xFFFFF086  }
0x25: {  	[simem:s6], [sflag:s4] =	dma.local [hbm:s3], $0xF7A  }
0x26: {  	[smem:$0x3F8E] =	sst s1;
	(tag) =	ssettag s2;
	_ =	strace s9  }
0x27: {  	s1 =	sld [smem:$0x3F9E]  }
0x28: {  	s2 =	sld [smem:$0x3F9F]  }
0x29: {  	s4 =	sld [smem:$0x3FA1]  }
0x2a: {  	p0 =	seq.s32 s5, $0x0;
	s5 =	sld [smem:$0x3FA2]  }
0x2b: {  	s6 =	sld [smem:$0x3FA3]  }
0x2c: {  	s7 =	sld [smem:$0x3FA4]  }
0x2d: {  	s3 =	simm.s32 $0x108;
	s8 =	sld [smem:$0x3FA5]  }
0x2e: {  	s3 =	simm.s32 @!p0 $0x1082;
	s9 =	sld [smem:$0x3FA6]  }
0x2f: {  	lr =	sadd.s32 s0, s3;
	s0 =	sld [smem:$0x3F9D]  }
0x30: {  	s3 =	sld [smem:$0x3FA0]  }
0x31: {  	[smem:$0x3FA9] =	sst s10  }
0x32: {  	s10 =	sld [smem:$0x3FA7];
	_ =	sdelay $0x3  }
0x33: {  	p0 =	seq.s32 s10, $0x1;
	s10 =	sld [smem:$0x3FA9];
	_ =	sdelay $0x3  }
0x34: {  	[smem:$0x3FA9] =	sst s10  }
0x35: {  	s10 =	sld [smem:$0x3FA8];
	_ =	sdelay $0x3  }
0x36: {  	p1 =	seq.s32 s10, $0x1;
	s10 =	sld [smem:$0x3FA9];
	_ =	sdelay $0x3  }
0x37: {  	[smem:$0x3FA9] =	sst s10  }
0x38: {  	s10 =	sld [smem:$0x3FAA]  }
0x39: {  	_ = 	snop;
	(pc) =	sbr.ind lr, $3  }
0x3a: {  	_ = 	snop  }
0x3b: {  	_ = 	snop  }
0x3c: {  	p2 =	seq.s32 s10, $0x1;
	s10 =	sld [smem:$0x3FA9]  }
0x3d: {  	_ =	shalt  }
0x3e: {  	_ =	shalt  }
0x3f: {  	_ =	shalt  }
0x40: {  	_ =	shalt  }
0x41: {  	_ =	shalt  }
0x42: {  	_ =	shalt  }
0x43: {  	_ =	shalt  }
0x44: {  	_ =	shalt  }
0x45: {  	_ =	shalt  }
0x46: {  	_ =	shalt  }
0x47: {  	_ =	shalt  }
0x48: {  	_ =	shalt  }
0x49: {  	_ =	shalt  }
0x4a: {  	_ =	shalt  }
0x4b: {  	_ =	shalt  }
0x4c: {  	_ =	shalt  }
0x4d: {  	_ =	shalt  }
0x4e: {  	_ =	shalt  }
0x4f: {  	_ =	shalt  }
0x50: {  	_ =	shalt  }
0x51: {  	_ =	shalt  }
0x52: {  	_ =	shalt  }
0x53: {  	_ =	shalt  }
0x54: {  	_ =	shalt  }
0x55: {  	_ =	shalt  }
0x56: {  	_ =	shalt  }
0x57: {  	_ =	shalt  }
0x58: {  	_ =	shalt  }
0x59: {  	_ =	shalt  }
0x5a: {  	_ =	shalt  }
0x5b: {  	_ =	shalt  }
0x5c: {  	_ =	shalt  }
0x5d: {  	_ =	shalt  }
0x5e: {  	_ =	shalt  }
0x5f: {  	_ =	shalt  }
0x60: {  	_ =	shalt  }
0x61: {  	_ =	shalt  }
0x62: {  	_ =	shalt  }
0x63: {  	_ =	shalt  }
0x64: {  	_ =	shalt  }
0x65: {  	_ =	shalt  }
0x66: {  	_ =	shalt  }
0x67: {  	_ =	shalt  }
0x68: {  	_ =	shalt  }
0x69: {  	_ =	shalt  }
0x6a: {  	_ =	shalt  }
0x6b: {  	_ =	shalt  }
0x6c: {  	_ =	shalt  }
0x6d: {  	_ =	shalt  }
0x6e: {  	_ =	shalt  }
0x6f: {  	_ =	shalt  }
0x70: {  	_ =	shalt  }
0x71: {  	_ =	shalt  }
0x72: {  	_ =	shalt  }
0x73: {  	_ =	shalt  }
0x74: {  	_ =	shalt  }
0x75: {  	_ =	shalt  }
0x76: {  	_ =	shalt  }
0x77: {  	_ =	shalt  }
0x78: {  	_ =	shalt  }
0x79: {  	_ =	shalt  }
0x7a: {  	_ =	shalt  }
0x7b: {  	_ =	shalt  }
0x7c: {  	_ =	shalt  }
0x7d: {  	_ =	shalt  }
0x7e: {  	_ =	shalt  }
0x7f: {  	_ =	shalt  }
0x80: {  	_ =	shalt  }
0x81: {  	_ =	shalt  }
0x82: {  	_ =	shalt  }
0x83: {  	_ =	shalt  }
0x84: {  	_ =	shalt  }
0x85: {  	_ =	shalt  }
0x86: {  	_ =	shalt  }
0x87: {  	_ =	shalt  }
.Lfunc_end0:
.L_simem_size_0:
called_computation.3_lowered:
.L_overlay_start_0:
0x88: {  	s2 =	sld [smem:$0x3FD9]  }
0x89: {  	s3 =	sld [smem:$0x3FFE];
	_ =	sdelay $0x1  }
0x8a: {  	s1 =	srdreg.scid  }
0x8b: {  	s0 =	sand.u32 $0x1, s1  }
0x8c: {  	s17 =	sshll.u32 s0, $0xA;
	s2 =	sadd.s32 s3, s2  }
0x8d: {  	s2 =	sadd.s32 s2, s17  }
0x8e: {  	[smem:$0x3FB5] =	sst s2  }
0x8f: {  	_ = 	snop  }
0x90: {  	(tm) =	ssettm $0x1  }
0x91: {  	s18 =	sld [smem:$0x3FFB];
	_ =	sdelay $0x3  }
0x92: {  	_ =	strace s18  }
0x93: {  	s2 =	sld [smem:$0x3FFC];
	_ =	sdelay $0x3  }
0x94: {  	_ =	strace s2  }
0x95: {  	s2 =	sld [smem:$0x3FFD];
	_ =	sdelay $0x3  }
0x96: {  	_ =	strace s2  }
0x97: {  	_ =	strace $0x8FFFFFFF  }
0x98: {  	s19 =	sld [smem:$0x3FDB];
	_ =	sdelay $0x1  }
0x99: {  	s20 =	simm.s32 $_scs_section_size  }
0x9a: {  	s4 =	simm.s32 $_size__tile_overlayer_lowered;
	s5 =	simm.s32 $_tile_overlayer_lowered  }
0x9b: {  	s6 =	simm.s32 $0x1BFF;
	s21 =	sshll.u32 s5, $0x1;
	s3 =	sadd.s32 s20, s19  }
0x9c: {  	s22 =	simm.s32 $0x0;
	s4 =	sshll.u32 s4, $0x1;
	s5 =	sadd.s32 s21, s3  }
0x9d: {  	[timem:s22], [sflag:s6] =	dma.local [hbm:s5], s4  }
0x9e: {  	_ =	swait.ge [sflag:s6], s4  }
0x9f: {  	s4 =	ssub.s32 $0x0, s4;
	[sflag:s6] =	ssyncset.done $0x0  }
0xa0: {  	[sflag:s6] =	ssyncadd.s32 s4;
	_ =	sdelay $0x1  }
0xa1: {  	s23 =	simm.s32 $0x1B8B  }
0xa2: {  	_ =	swait.ge [sflag:s23], $0x1  }
0xa3: {  	[sflag:s23] =	ssyncset.done $0x0  }
0xa4: {  	[sflag:s23] =	ssyncadd.s32 $0xFFFFFFFF  }
0xa5: {  	s4 =	sld [smem:$0x0]  }
0xa6: {  	s5 =	sand.u32 $0xFFFFFFFE, s1  }
0xa7: {  	p0 =	sne.s32 s1, s5  }
0xa8: {  	s5 =	sshll.u32 @p0 s5, $0xE  }
0xa9: {  	s5 =	sadd.s32 @p0 $0x11B8D, s5;
	s6 =	sshll.u32 @p0 s4, $0x11  }
0xaa: {  	s5 =	sor.u32 @p0 s6, s5  }
0xab: {  	[sflag:s5] =	ssyncadd.remote.s32 @p0 $0x1;
	_ =	sdelay $0x1  }
0xac: {  	s5 =	simm.s32 @p0 $0x1B8D  }
0xad: {  	_ =	swait.eq @p0 [sflag:s5], $0x1  }
0xae: {  	[sflag:s5] =	ssyncadd.s32 @p0 $0xFFFFFFFF  }
0xaf: {  	s6 =	sshll.u32 @!p0 s1, $0xE  }
0xb0: {  	s6 =	sor.u32 @!p0 $0x4000, s6;
	s5 =	simm.s32 @!p0 $0x1B8D  }
0xb1: {  	s4 =	sshll.u32 @!p0 s4, $0x11;
	s6 =	sadd.s32 @!p0 $0x11B8D, s6;
	_ =	swait.eq @!p0 [sflag:s5], $0x1  }
0xb2: {  	s4 =	sor.u32 @!p0 s4, s6;
	[sflag:s5] =	ssyncadd.s32 @!p0 $0xFFFFFFFF  }
0xb3: {  	s25 =	simm.s32 $0x1B8E;
	s24 =	sld [smem:$0x3FFE];
	[sflag:s4] =	ssyncadd.remote.s32 @!p0 $0x1  }
0xb4: {  	s26 =	simm.s32 $execute0_lowered;
	[smem:$0x3FD2] =	sst s25  }
0xb5: {  	s5 =	sshll.u32 s26, $0x1;
	_ =	strace $0x8000004F;
	[dreg:$0x1] =	wrdreg $0xFFFFFFFF  }
0xb6: {  	s28 =	simm.s32 $_size_execute0_lowered;
	s3 =	sadd.s32 s3, s5;
	[dreg:$0x0] =	wrdreg $0x0  }
0xb7: {  	s5 =	sshll.u32 s28, $0x1;
	[dreg:$0x2] =	wrdreg s3  }
0xb8: {  	[dreg:$0x3] =	wrdreg s5  }
0xb9: {  	[dreg:$0x4] =	wrdreg $0xC0  }
0xba: {  	_ =	task [dreg:s22], $0x5FFFF  }
0xbb: {  	[dreg:$0x1] =	wrdreg $0xFFFFFFFF  }
0xbc: {  	[dreg:$0x0] =	wrdreg $0x60  }
0xbd: {  	[dreg:$0x2] =	wrdreg s24  }
0xbe: {  	[dreg:$0x3] =	wrdreg $0x9  }
0xbf: {  	_ =	task.clear_ibuf [dreg:s22], $0x4FFFF;
	_ =	strace $0x9000004F  }
0xc0: {  	s29 =	simm.s32 $0x9;
	_ =	strace $0x80000051  }
0xc1: {  	_ =	swait.ge [sflag:s29], $0x1  }
0xc2: {  	[sflag:s29] =	ssyncadd.s32 $0xFFFFFFFF  }
0xc3: {  	_ =	strace $0x90000051  }
0xc4: {  	_ =	sfence  }
0xc5: {  	s30 =	sld [smem:$0x0];
	_ =	sdelay $0x2  }
0xc6: {  	s31 =	sshll.u32 s1, $0xD;
	s1 =	sshrl.u32 s1, $0x2  }
0xc7: {  	s4 =	sand.u32 $0x4000, s31;
	s1 =	sadd.s32 s1, s30  }
0xc8: {  	s0 =	sor.u32 s4, s0;
	s1 =	sshll.u32 s1, $0x11  }
0xc9: {  	s0 =	sor.u32 s1, s0  }
0xca: {  	s0 =	sadd.s32 $0x8F2B, s0  }
0xcb: {  	[sflag:s0] =	ssyncadd.remote.s32 $0x1  }
0xcc: {  	_ =	sfence.sel $0xFFFF  }
0xcd: {  	[dreg:$0x0] =	wrdreg $0xFFFFFFFF;
	(pc) =	sbr.abs _section_cstart, $3  }
0xce: {  	[dreg:$0x1] =	wrdreg $0xFFFFFFFF  }
0xcf: {  	_ =	task.clear_ibuf [dreg:s22], $0x2FFFF;
	_ =	strace $0x9FFFFFFF  }
0xd0: {  	(tm) =	ssettm $0x7FFFFFFF  }
0xd1: {  	_ =	shalt  }
tec
execute0_lowered:
.L_overlay_start_1:
0x0: {  	(tag) =	ssettag $0x1  }
0x1: {  	s0 =	rddreg [dreg:$0x0];
	s2 =	simm.s32 $0x0;
	s1 =	srdreg.scid  }
0x2: {  	s11 =	stileid.u32;
	s31 =	simm.s32 $0x1C00;
	s29 =	simm.s32 $0x2400  }
0x3: {  	s12 =	simm.s32 $0x2C00;
	s30 =	simm.s32 $0x9400;
	s13 =	simm.s32 $0xCC00  }
0x4: {  	[smem:$0x7FF] =	sst s2;
	s1 =	sand.u32 $0x1, s1;
	s10 =	smul.u32 $0x140000, s11  }
0x5: {  	s3 =	sshll.u32 s11, $0x1;
	s5 =	sadd.s32 $0x5B3A00, s0;
	s20 =	smul.u32 $0x28000, s11  }
0x6: {  	s7 =	sadd.s32 $0x833A00, s0;
	s11 =	simm.s32 $0xAC00;
	s14 =	smul.u32 $0xA0000, s1  }
0x7: {  	s4 =	sor.u32 s1, s3;
	s8 =	ssub.s32 $0x2, s1;
	s1 =	smul.u32 $0x14000, s1  }
0x8: {  	_ =	strace $0x80000050;
	s3 =	sadd.s32 $0x5F800, s0;
	s6 =	smul.u32 $0xA00, s4  }
0x9: {  	s4 =	smul.u32 $0xA0000, s4;
	s9 =	sshrl.u32 s8, $0x1;
	s23 =	sadd.s32 s20, s5  }
0xa: {  	s8 =	ssub.s32 s8, s9;
	s18 =	sadd.s32 s14, s10;
	s24 =	sadd.s32 s1, s23  }
0xb: {  	s9 =	simm.s32 $0x9C00;
	s10 =	simm.s32 $0xA400;
	s14 =	simm.s32 $0xB400  }
0xc: {  	s23 =	simm.s32 $0x7;
	s6 =	sshrl.u32 s6, $0x3;
	s4 =	sshrl.u32 s4, $0x3  }
0xd: {  	s25 =	sadd.s32 $0x800, s24;
	s28 =	smax.u32 s8, $0x1;
	s8 =	simm.s32 $0x4C00  }
0xe: {  	s24 =	simm.s32 $0x6;
	s0 =	sadd.s32 s0, s6;
	s16 =	sadd.s32 $0x13000, s4  }
0xf: {  	s4 =	sadd.s32 $0x13800, s4;
	s6 =	sadd.s32 s20, s7;
	[dreg:$0x4] =	wrdreg s25  }
0x10: {  	[dreg:$0xc] =	wrdreg s28;
	s20 =	simm.s32 $0x4;
	s15 =	sadd.s32 $0xD000, s0  }
0x11: {  	s25 =	simm.s32 $0x8;
	s0 =	sadd.s32 $0x8000, s0;
	[dreg:$0x6] =	wrdreg s15  }
0x12: {  	s17 =	sadd.s32 s5, s16;
	s19 =	sadd.s32 s7, s16;
	[dreg:$0x7] =	wrdreg s0  }
0x13: {  	s22 =	sadd.s32 s5, s4;
	s1 =	sadd.s32 s1, s6;
	[dreg:$0x8] =	wrdreg s17  }
0x14: {  	s4 =	sadd.s32 s7, s4;
	s6 =	simm.s32 $0x4400;
	[dreg:$0x9] =	wrdreg s19  }
0x15: {  	s16 =	simm.s32 $0xC400;
	s0 =	sshrl.u32 s18, $0x3;
	[dreg:$0xa] =	wrdreg s22  }
0x16: {  	[dreg:$0xb] =	wrdreg s4;
	s26 =	sadd.s32 $0x800, s1;
	s4 =	simm.s32 $0x3400  }
0x17: {  	s15 =	simm.s32 $0xBC00;
	s1 =	simm.s32 $0x5400;
	s17 =	simm.s32 $0x1  }
0x18: {  	s18 =	simm.s32 $0x3;
	s19 =	simm.s32 $0x2;
	s22 =	simm.s32 $0x5  }
0x19: {  	v2 =	vlaneseq.u32;
	s21 =	sadd.s32 s0, s7;
	s0 =	sadd.s32 s0, s5;
	[dreg:$0x5] =	wrdreg s26  }
0x1a: {  	vm0 =	vmmov $0xffff;
	v1 =	vshrl.u32 v2, $0x3;
	s5 =	simm.s32 $0x3C00;
	s7 =	simm.s32 $0xD400;
	[dreg:$0x2] =	wrdreg s21  }
0x1b: {  	v0 =	vand.u32 $0x7, v2;
	v2 =	vor.u32 $0x8, v2;
	v1 =	vmul.u32 $0x8, v1;
	s26 =	simm.s32 $0x0;
	[dreg:$0x3] =	wrdreg s0;
	s21 =	simm.s32 $0x1400  }
.LBB2_1:
0x1c: {  	[dreg:$0xd] =	wrdreg s26  }
0x1d: {  	s0 =	rddreg [dreg:$0x6];
	s26 =	simm.s32 $0x9  }
0x1e: {  	[tilespmem:s2], [sflag:$0x9] =	stream.linear.gather [hbm4b:s0+s2], $0xA00, $0x38;
	[tilespmem:$0x11400] =	vst v63  }
0x1f: {  	_ =	swait.ge [sflag:s26], $0xA00  }
0x20: {  	[sflag:s26] =	ssyncset.done $0x0  }
0x21: {  	s28 =	simm.s32 $0xA00;
	s0 =	rddreg [dreg:$0x7];
	[sflag:s26] =	ssyncadd.s32 $0xFFFFF600  }
0x22: {  	[tilespmem:s28], [sflag:$0x9] =	stream.linear.gather [hbm4b:s0+s2], $0xA00, $0x38;
	[tilespmem:$0x11400] =	vst v63  }
0x23: {  	_ =	swait.ge [sflag:s26], $0xA00  }
0x24: {  	[sflag:s26] =	ssyncset.done $0x0  }
0x25: {  	[sflag:s26] =	ssyncadd.s32 $0xFFFFF600  }
0x26: {  	v3 =	vld [tilespmem:$0x0];
	_ =	sdelay $0x4  }
0x27: {  	v4 =	vshll.u32 v3, $0x1  }
0x28: {  	v3 =	vand.u32 $0x7, v3;
	v4 =	vand.u32 $0xFFFFFFF0, v4  }
0x29: {  	v3 =	vor.u32 v3, v4  }
0x2a: {  	v4 =	vperm.xlane v3, v0;
	_ =	sdelay $0x1  }
0x2b: {  	v3 =	vperm.xlane v3, v2;
	v4 =	vadd.s32 v1, v4;
	_ =	sdelay $0x1  }
0x2c: {  	v3 =	vadd.s32 v1, v3;
	_ =	sdelay $0x2  }
0x2d: {  	[tilespmem:s21], [sflag:$0x1] =	stream.indirect_vreg.gather [hbm4b:s3+s2], $0x80, v4, vm0, $0xb8;
	[tilespmem:$0x11400] =	vst v63  }
0x2e: {  	_ = 	snop  }
0x2f: {  	[tilespmem:s31], [sflag:$0x1] =	stream.indirect_vreg.gather [hbm4b:s3+s2], $0x80, v3, vm0, $0xb8;
	[tilespmem:$0x11400] =	vst v63  }
0x30: {  	v3 =	vld [tilespmem:$0x10];
	_ =	sdelay $0x4  }
0x31: {  	v49 =	vshll.u32 v3, $0x1  }
0x32: {  	v3 =	vand.u32 $0x7, v3;
	v4 =	vand.u32 $0xFFFFFFF0, v49  }
0x33: {  	v3 =	vor.u32 v3, v4  }
0x34: {  	v4 =	vperm.xlane v3, v0;
	_ =	sdelay $0x1  }
0x35: {  	v3 =	vperm.xlane v3, v2;
	v4 =	vadd.s32 v1, v4;
	_ =	sdelay $0x1  }
0x36: {  	v3 =	vadd.s32 v1, v3;
	_ =	sdelay $0x2  }
0x37: {  	[tilespmem:s29], [sflag:$0x1] =	stream.indirect_vreg.gather [hbm4b:s3+s2], $0x80, v4, vm0, $0xb8;
	[tilespmem:$0x11400] =	vst v63  }
0x38: {  	_ = 	snop  }
0x39: {  	[tilespmem:s12], [sflag:$0x1] =	stream.indirect_vreg.gather [hbm4b:s3+s2], $0x80, v3, vm0, $0xb8;
	[tilespmem:$0x11400] =	vst v63  }
0x3a: {  	v3 =	vld [tilespmem:$0x20];
	_ =	sdelay $0x4  }
0x3b: {  	v50 =	vshll.u32 v3, $0x1  }
0x3c: {  	v3 =	vand.u32 $0x7, v3;
	v4 =	vand.u32 $0xFFFFFFF0, v50  }
0x3d: {  	v3 =	vor.u32 v3, v4  }
0x3e: {  	v4 =	vperm.xlane v3, v0;
	_ =	sdelay $0x1  }
0x3f: {  	v3 =	vperm.xlane v3, v2;
	v4 =	vadd.s32 v1, v4;
	_ =	sdelay $0x1  }
0x40: {  	v3 =	vadd.s32 v1, v3;
	_ =	sdelay $0x2  }
0x41: {  	[tilespmem:s4], [sflag:$0x1] =	stream.indirect_vreg.gather [hbm4b:s3+s2], $0x80, v4, vm0, $0xb8;
	[tilespmem:$0x11400] =	vst v63  }
0x42: {  	_ = 	snop  }
0x43: {  	[tilespmem:s5], [sflag:$0x1] =	stream.indirect_vreg.gather [hbm4b:s3+s2], $0x80, v3, vm0, $0xb8;
	[tilespmem:$0x11400] =	vst v63  }
0x44: {  	v3 =	vld [tilespmem:$0x30];
	_ =	sdelay $0x4  }
0x45: {  	v51 =	vshll.u32 v3, $0x1  }
0x46: {  	v3 =	vand.u32 $0x7, v3;
	v4 =	vand.u32 $0xFFFFFFF0, v51  }
0x47: {  	v3 =	vor.u32 v3, v4  }
0x48: {  	v4 =	vperm.xlane v3, v0;
	_ =	sdelay $0x1  }
0x49: {  	v3 =	vperm.xlane v3, v2;
	v4 =	vadd.s32 v1, v4;
	_ =	sdelay $0x1  }
0x4a: {  	v3 =	vadd.s32 v1, v3;
	_ =	sdelay $0x2  }
0x4b: {  	[tilespmem:s6], [sflag:$0x1] =	stream.indirect_vreg.gather [hbm4b:s3+s2], $0x80, v4, vm0, $0xb8;
	[tilespmem:$0x11400] =	vst v63  }
0x4c: {  	_ = 	snop  }
0x4d: {  	[tilespmem:s8], [sflag:$0x1] =	stream.indirect_vreg.gather [hbm4b:s3+s2], $0x80, v3, vm0, $0xb8;
	[tilespmem:$0x11400] =	vst v63  }
0x4e: {  	v3 =	vld [tilespmem:$0xA00];
	_ =	sdelay $0x4  }
0x4f: {  	v52 =	vshll.u32 v3, $0x1  }
0x50: {  	v3 =	vand.u32 $0x7, v3;
	v4 =	vand.u32 $0xFFFFFFF0, v52  }
0x51: {  	v3 =	vor.u32 v3, v4  }
0x52: {  	v4 =	vperm.xlane v3, v0;
	_ =	sdelay $0x1  }
0x53: {  	v3 =	vperm.xlane v3, v2;
	v4 =	vadd.s32 v1, v4;
	_ =	sdelay $0x1  }
0x54: {  	v3 =	vadd.s32 v1, v3;
	_ =	sdelay $0x2  }
0x55: {  	[tilespmem:s30], [sflag:$0x3] =	stream.indirect_vreg.gather [hbm4b:s3+s2], $0x80, v4, vm0, $0xb8;
	[tilespmem:$0x11400] =	vst v63  }
0x56: {  	_ = 	snop  }
0x57: {  	[tilespmem:s9], [sflag:$0x3] =	stream.indirect_vreg.gather [hbm4b:s3+s2], $0x80, v3, vm0, $0xb8;
	[tilespmem:$0x11400] =	vst v63  }
0x58: {  	v3 =	vld [tilespmem:$0xA10];
	_ =	sdelay $0x4  }
0x59: {  	v53 =	vshll.u32 v3, $0x1  }
0x5a: {  	v3 =	vand.u32 $0x7, v3;
	v4 =	vand.u32 $0xFFFFFFF0, v53  }
0x5b: {  	v3 =	vor.u32 v3, v4  }
0x5c: {  	v4 =	vperm.xlane v3, v0;
	_ =	sdelay $0x1  }
0x5d: {  	v3 =	vperm.xlane v3, v2;
	v4 =	vadd.s32 v1, v4;
	_ =	sdelay $0x1  }
0x5e: {  	v3 =	vadd.s32 v1, v3;
	_ =	sdelay $0x2  }
0x5f: {  	[tilespmem:s10], [sflag:$0x3] =	stream.indirect_vreg.gather [hbm4b:s3+s2], $0x80, v4, vm0, $0xb8;
	[tilespmem:$0x11400] =	vst v63  }
0x60: {  	_ = 	snop  }
0x61: {  	[tilespmem:s11], [sflag:$0x3] =	stream.indirect_vreg.gather [hbm4b:s3+s2], $0x80, v3, vm0, $0xb8;
	[tilespmem:$0x11400] =	vst v63  }
0x62: {  	v3 =	vld [tilespmem:$0xA20];
	_ =	sdelay $0x4  }
0x63: {  	v54 =	vshll.u32 v3, $0x1  }
0x64: {  	v3 =	vand.u32 $0x7, v3;
	v4 =	vand.u32 $0xFFFFFFF0, v54  }
0x65: {  	v3 =	vor.u32 v3, v4  }
0x66: {  	v4 =	vperm.xlane v3, v0;
	_ =	sdelay $0x1  }
0x67: {  	v3 =	vperm.xlane v3, v2;
	v4 =	vadd.s32 v1, v4;
	_ =	sdelay $0x1  }
0x68: {  	v3 =	vadd.s32 v1, v3;
	_ =	sdelay $0x2  }
0x69: {  	[tilespmem:s14], [sflag:$0x3] =	stream.indirect_vreg.gather [hbm4b:s3+s2], $0x80, v4, vm0, $0xb8;
	[tilespmem:$0x11400] =	vst v63  }
0x6a: {  	_ = 	snop  }
0x6b: {  	[tilespmem:s15], [sflag:$0x3] =	stream.indirect_vreg.gather [hbm4b:s3+s2], $0x80, v3, vm0, $0xb8;
	[tilespmem:$0x11400] =	vst v63  }
0x6c: {  	v3 =	vld [tilespmem:$0xA30];
	_ =	sdelay $0x4  }
0x6d: {  	v55 =	vshll.u32 v3, $0x1  }
0x6e: {  	v3 =	vand.u32 $0x7, v3;
	v4 =	vand.u32 $0xFFFFFFF0, v55  }
0x6f: {  	v3 =	vor.u32 v3, v4  }
0x70: {  	v4 =	vperm.xlane v3, v0;
	_ =	sdelay $0x1  }
0x71: {  	v3 =	vperm.xlane v3, v2;
	v4 =	vadd.s32 v1, v4;
	_ =	sdelay $0x1  }
0x72: {  	v3 =	vadd.s32 v1, v3;
	_ =	sdelay $0x2  }
0x73: {  	[tilespmem:s16], [sflag:$0x3] =	stream.indirect_vreg.gather [hbm4b:s3+s2], $0x80, v4, vm0, $0xb8;
	[tilespmem:$0x11400] =	vst v63  }
0x74: {  	_ = 	snop  }
0x75: {  	[tilespmem:s13], [sflag:$0x3] =	stream.indirect_vreg.gather [hbm4b:s3+s2], $0x80, v3, vm0, $0xb8;
	[tilespmem:$0x11400] =	vst v63  }
0x76: {  	v3 =	vld [tilespmem:$0x40];
	_ =	sdelay $0x4  }
0x77: {  	v56 =	vshll.u32 v3, $0x1  }
0x78: {  	v3 =	vand.u32 $0x7, v3;
	v4 =	vand.u32 $0xFFFFFFF0, v56  }
0x79: {  	v3 =	vor.u32 v3, v4  }
0x7a: {  	v4 =	vperm.xlane v3, v0;
	_ =	sdelay $0x1  }
0x7b: {  	v3 =	vperm.xlane v3, v2;
	v4 =	vadd.s32 v1, v4;
	_ =	sdelay $0x1  }
0x7c: {  	v3 =	vadd.s32 v1, v3;
	_ =	sdelay $0x2  }
0x7d: {  	[tilespmem:s1], [sflag:$0x2] =	stream.indirect_vreg.gather [hbm4b:s3+s2], $0x80, v4, vm0, $0xb8;
	[tilespmem:$0x11400] =	vst v63  }
0x7e: {  	s9 =	simm.s32 $0x5C00  }
0x7f: {  	[tilespmem:s9], [sflag:$0x2] =	stream.indirect_vreg.gather [hbm4b:s3+s2], $0x80, v3, vm0, $0xb8;
	[tilespmem:$0x11400] =	vst v63  }
0x80: {  	v3 =	vld [tilespmem:$0x50];
	_ =	sdelay $0x4  }
0x81: {  	v57 =	vshll.u32 v3, $0x1  }
0x82: {  	v3 =	vand.u32 $0x7, v3;
	v4 =	vand.u32 $0xFFFFFFF0, v57  }
0x83: {  	v3 =	vor.u32 v3, v4  }
0x84: {  	v4 =	vperm.xlane v3, v0;
	_ =	sdelay $0x1  }
0x85: {  	v3 =	vperm.xlane v3, v2;
	v4 =	vadd.s32 v1, v4;
	_ =	sdelay $0x1  }
0x86: {  	v3 =	vadd.s32 v1, v3;
	_ =	sdelay $0x1  }
0x87: {  	s10 =	simm.s32 $0x6400  }
0x88: {  	[tilespmem:s10], [sflag:$0x2] =	stream.indirect_vreg.gather [hbm4b:s3+s2], $0x80, v4, vm0, $0xb8;
	[tilespmem:$0x11400] =	vst v63  }
0x89: {  	s11 =	simm.s32 $0x6C00  }
0x8a: {  	[tilespmem:s11], [sflag:$0x2] =	stream.indirect_vreg.gather [hbm4b:s3+s2], $0x80, v3, vm0, $0xb8;
	[tilespmem:$0x11400] =	vst v63  }
0x8b: {  	v3 =	vld [tilespmem:$0x60];
	_ =	sdelay $0x4  }
0x8c: {  	v58 =	vshll.u32 v3, $0x1  }
0x8d: {  	v3 =	vand.u32 $0x7, v3;
	v4 =	vand.u32 $0xFFFFFFF0, v58  }
0x8e: {  	v3 =	vor.u32 v3, v4  }
0x8f: {  	v4 =	vperm.xlane v3, v0;
	_ =	sdelay $0x1  }
0x90: {  	v3 =	vperm.xlane v3, v2;
	v4 =	vadd.s32 v1, v4;
	_ =	sdelay $0x1  }
0x91: {  	v3 =	vadd.s32 v1, v3;
	_ =	sdelay $0x1  }
0x92: {  	s12 =	simm.s32 $0x7400  }
0x93: {  	[tilespmem:s12], [sflag:$0x2] =	stream.indirect_vreg.gather [hbm4b:s3+s2], $0x80, v4, vm0, $0xb8;
	[tilespmem:$0x11400] =	vst v63  }
0x94: {  	s13 =	simm.s32 $0x7C00  }
0x95: {  	[tilespmem:s13], [sflag:$0x2] =	stream.indirect_vreg.gather [hbm4b:s3+s2], $0x80, v3, vm0, $0xb8;
	[tilespmem:$0x11400] =	vst v63  }
0x96: {  	v3 =	vld [tilespmem:$0x70];
	_ =	sdelay $0x4  }
0x97: {  	v59 =	vshll.u32 v3, $0x1  }
0x98: {  	v3 =	vand.u32 $0x7, v3;
	v4 =	vand.u32 $0xFFFFFFF0, v59  }
0x99: {  	v3 =	vor.u32 v3, v4  }
0x9a: {  	v4 =	vperm.xlane v3, v0;
	_ =	sdelay $0x1  }
0x9b: {  	v3 =	vperm.xlane v3, v2;
	v4 =	vadd.s32 v1, v4;
	_ =	sdelay $0x1  }
0x9c: {  	v3 =	vadd.s32 v1, v3;
	_ =	sdelay $0x1  }
0x9d: {  	s14 =	simm.s32 $0x8400  }
0x9e: {  	[tilespmem:s14], [sflag:$0x2] =	stream.indirect_vreg.gather [hbm4b:s3+s2], $0x80, v4, vm0, $0xb8;
	[tilespmem:$0x11400] =	vst v63  }
0x9f: {  	s15 =	simm.s32 $0x8C00  }
0xa0: {  	[tilespmem:s15], [sflag:$0x2] =	stream.indirect_vreg.gather [hbm4b:s3+s2], $0x80, v3, vm0, $0xb8;
	[tilespmem:$0x11400] =	vst v63  }
0xa1: {  	v3 =	vld [tilespmem:$0xA40];
	_ =	sdelay $0x4  }
0xa2: {  	v60 =	vshll.u32 v3, $0x1  }
0xa3: {  	v3 =	vand.u32 $0x7, v3;
	v4 =	vand.u32 $0xFFFFFFF0, v60  }
0xa4: {  	v3 =	vor.u32 v3, v4  }
0xa5: {  	v4 =	vperm.xlane v3, v0;
	_ =	sdelay $0x1  }
0xa6: {  	v3 =	vperm.xlane v3, v2;
	v4 =	vadd.s32 v1, v4;
	_ =	sdelay $0x1  }
0xa7: {  	v3 =	vadd.s32 v1, v3;
	_ =	sdelay $0x2  }
0xa8: {  	[tilespmem:s7], [sflag:$0x4] =	stream.indirect_vreg.gather [hbm4b:s3+s2], $0x80, v4, vm0, $0xb8;
	[tilespmem:$0x11400] =	vst v63  }
0xa9: {  	s16 =	simm.s32 $0xDC00  }
0xaa: {  	[tilespmem:s16], [sflag:$0x4] =	stream.indirect_vreg.gather [hbm4b:s3+s2], $0x80, v3, vm0, $0xb8;
	[tilespmem:$0x11400] =	vst v63  }
0xab: {  	v3 =	vld [tilespmem:$0xA50];
	_ =	sdelay $0x4  }
0xac: {  	v61 =	vshll.u32 v3, $0x1  }
0xad: {  	v3 =	vand.u32 $0x7, v3;
	v4 =	vand.u32 $0xFFFFFFF0, v61  }
0xae: {  	v3 =	vor.u32 v3, v4  }
0xaf: {  	v4 =	vperm.xlane v3, v0;
	_ =	sdelay $0x1  }
0xb0: {  	v3 =	vperm.xlane v3, v2;
	v4 =	vadd.s32 v1, v4;
	_ =	sdelay $0x1  }
0xb1: {  	v3 =	vadd.s32 v1, v3;
	_ =	sdelay $0x1  }
0xb2: {  	s21 =	simm.s32 $0xE400  }
0xb3: {  	[tilespmem:s21], [sflag:$0x4] =	stream.indirect_vreg.gather [hbm4b:s3+s2], $0x80, v4, vm0, $0xb8;
	[tilespmem:$0x11400] =	vst v63  }
0xb4: {  	s26 =	simm.s32 $0xEC00  }
0xb5: {  	[tilespmem:s26], [sflag:$0x4] =	stream.indirect_vreg.gather [hbm4b:s3+s2], $0x80, v3, vm0, $0xb8;
	[tilespmem:$0x11400] =	vst v63  }
0xb6: {  	v3 =	vld [tilespmem:$0xA60];
	_ =	sdelay $0x4  }
0xb7: {  	v62 =	vshll.u32 v3, $0x1  }
0xb8: {  	v3 =	vand.u32 $0x7, v3;
	v4 =	vand.u32 $0xFFFFFFF0, v62  }
0xb9: {  	v3 =	vor.u32 v3, v4  }
0xba: {  	v4 =	vperm.xlane v3, v0;
	_ =	sdelay $0x1  }
0xbb: {  	v3 =	vperm.xlane v3, v2;
	v4 =	vadd.s32 v1, v4;
	_ =	sdelay $0x1  }
0xbc: {  	v3 =	vadd.s32 v1, v3;
	_ =	sdelay $0x1  }
0xbd: {  	s30 =	simm.s32 $0xF400  }
0xbe: {  	[tilespmem:s30], [sflag:$0x4] =	stream.indirect_vreg.gather [hbm4b:s3+s2], $0x80, v4, vm0, $0xb8;
	[tilespmem:$0x11400] =	vst v63  }
0xbf: {  	s31 =	simm.s32 $0xFC00  }
0xc0: {  	[tilespmem:s31], [sflag:$0x4] =	stream.indirect_vreg.gather [hbm4b:s3+s2], $0x80, v3, vm0, $0xb8;
	[tilespmem:$0x11400] =	vst v63  }
0xc1: {  	v3 =	vld [tilespmem:$0xA70];
	_ =	sdelay $0x4  }
0xc2: {  	v63 =	vshll.u32 v3, $0x1  }
0xc3: {  	v3 =	vand.u32 $0x7, v3;
	v4 =	vand.u32 $0xFFFFFFF0, v63  }
0xc4: {  	v3 =	vor.u32 v3, v4  }
0xc5: {  	v4 =	vperm.xlane v3, v0;
	_ =	sdelay $0x1  }
0xc6: {  	v3 =	vperm.xlane v3, v2;
	v4 =	vadd.s32 v1, v4  }
0xc7: {  	s28 =	simm.s32 $0xAF0;
	s29 =	simm.s32 $0x0  }
0xc8: {  	s4 =	simm.s32 $0x10400;
	s5 =	simm.s32 $0x10C00;
	s6 =	simm.s32 $0x4400;
	v3 =	vadd.s32 v1, v3  }
0xc9: {  	s8 =	simm.s32 $0x4C00;
	s9 =	simm.s32 $0x9C00;
	s10 =	simm.s32 $0xA400  }
0xca: {  	s11 =	simm.s32 $0xAC00;
	s13 =	simm.s32 $0xCC00;
	s14 =	simm.s32 $0xB400  }
0xcb: {  	[tilespmem:s4], [sflag:$0x4] =	stream.indirect_vreg.gather [hbm4b:s3+s2], $0x80, v4, vm0, $0xb8;
	[tilespmem:$0x11400] =	vst v63  }
0xcc: {  	s15 =	simm.s32 $0xBC00;
	s16 =	simm.s32 $0xC400;
	s26 =	simm.s32 $0xF0  }
0xcd: {  	[tilespmem:s5], [sflag:$0x4] =	stream.indirect_vreg.gather [hbm4b:s3+s2], $0x80, v3, vm0, $0xb8;
	[tilespmem:$0x11400] =	vst v63  }
.LBB2_2:
0xce: {  	_ =	swait.ge [sflag:s17], $0x4000  }
0xcf: {  	[sflag:s17] =	ssyncset.done $0x0  }
0xd0: {  	[sflag:s17] =	ssyncadd.s32 $0xFFFFC000  }
0xd1: {  	_ =	swait.ge [sflag:s18], $0x4000  }
0xd2: {  	s30 =	simm.s32 $0x1400;
	s31 =	rddreg [dreg:$0x3];
	[sflag:s18] =	ssyncset.done $0x0  }
0xd3: {  	s0 =	rddreg [dreg:$0x2];
	[sflag:s18] =	ssyncadd.s32 $0xFFFFC000;
	s31 =	sadd.s32 s29, s31  }
0xd4: {  	[hbm4b:s31+s2] =	stream.linear.scatter [tilespmem:s30], [sflag:$0x5], $0x4000, $0x38;
	[tilespmem:$0x11400] =	vst v63  }
0xd5: {  	s1 =	simm.s32 $0x9400;
	s0 =	sadd.s32 s29, s0  }
0xd6: {  	[hbm4b:s0+s2] =	stream.linear.scatter [tilespmem:s1], [sflag:$0x7], $0x4000, $0x38;
	[tilespmem:$0x11400] =	vst v63  }
0xd7: {  	_ =	swait.ge [sflag:s19], $0x4000  }
0xd8: {  	[sflag:s19] =	ssyncset.done $0x0  }
0xd9: {  	[sflag:s19] =	ssyncadd.s32 $0xFFFFC000  }
0xda: {  	_ =	swait.ge [sflag:s20], $0x4000  }
0xdb: {  	s12 =	rddreg [dreg:$0x4]  }
0xdc: {  	[sflag:s20] =	ssyncset.done $0x0;
	s31 =	rddreg [dreg:$0x5]  }
0xdd: {  	[sflag:s20] =	ssyncadd.s32 $0xFFFFC000;
	s0 =	sadd.s32 s29, s12;
	s12 =	simm.s32 $0x5400  }
0xde: {  	[hbm4b:s0+s2] =	stream.linear.scatter [tilespmem:s12], [sflag:$0x6], $0x4000, $0x38;
	[tilespmem:$0x11400] =	vst v63  }
0xdf: {  	s21 =	sadd.s32 s29, s31  }
0xe0: {  	[hbm4b:s21+s2] =	stream.linear.scatter [tilespmem:s7], [sflag:$0x8], $0x4000, $0x38;
	[tilespmem:$0x11400] =	vst v63  }
0xe1: {  	_ =	swait.ge [sflag:s22], $0x4000  }
0xe2: {  	[sflag:s22] =	ssyncset.done $0x0  }
0xe3: {  	[sflag:s22] =	ssyncadd.s32 $0xFFFFC000  }
0xe4: {  	_ =	swait.ge [sflag:s23], $0x4000  }
0xe5: {  	[sflag:s23] =	ssyncset.done $0x0  }
0xe6: {  	[sflag:s23] =	ssyncadd.s32 $0xFFFFC000  }
0xe7: {  	v3 =	vld [tilespmem:s26+$0xFFFFFF90];
	_ =	sdelay $0x4  }
0xe8: {  	v4 =	vshll.u32 v3, $0x1  }
0xe9: {  	v3 =	vand.u32 $0x7, v3;
	v4 =	vand.u32 $0xFFFFFFF0, v4  }
0xea: {  	v3 =	vor.u32 v3, v4  }
0xeb: {  	v4 =	vperm.xlane v3, v0;
	_ =	sdelay $0x1  }
0xec: {  	v3 =	vperm.xlane v3, v2;
	v4 =	vadd.s32 v1, v4;
	_ =	sdelay $0x1  }
0xed: {  	v3 =	vadd.s32 v1, v3;
	_ =	sdelay $0x2  }
0xee: {  	[tilespmem:s30], [sflag:$0x1] =	stream.indirect_vreg.gather [hbm4b:s3+s2], $0x80, v4, vm0, $0xb8;
	[tilespmem:$0x11400] =	vst v63  }
0xef: {  	s31 =	simm.s32 $0x1C00  }
0xf0: {  	[tilespmem:s31], [sflag:$0x1] =	stream.indirect_vreg.gather [hbm4b:s3+s2], $0x80, v3, vm0, $0xb8;
	[tilespmem:$0x11400] =	vst v63  }
0xf1: {  	v3 =	vld [tilespmem:s26+$0xFFFFFFA0];
	_ =	sdelay $0x4  }
0xf2: {  	v49 =	vshll.u32 v3, $0x1  }
0xf3: {  	v3 =	vand.u32 $0x7, v3;
	v4 =	vand.u32 $0xFFFFFFF0, v49  }
0xf4: {  	v3 =	vor.u32 v3, v4  }
0xf5: {  	v4 =	vperm.xlane v3, v0;
	_ =	sdelay $0x1  }
0xf6: {  	v3 =	vperm.xlane v3, v2;
	v4 =	vadd.s32 v1, v4;
	_ =	sdelay $0x1  }
0xf7: {  	v3 =	vadd.s32 v1, v3;
	_ =	sdelay $0x1  }
0xf8: {  	s0 =	simm.s32 $0x2400  }
0xf9: {  	[tilespmem:s0], [sflag:$0x1] =	stream.indirect_vreg.gather [hbm4b:s3+s2], $0x80, v4, vm0, $0xb8;
	[tilespmem:$0x11400] =	vst v63  }
0xfa: {  	s0 =	simm.s32 $0x2C00  }
0xfb: {  	[tilespmem:s0], [sflag:$0x1] =	stream.indirect_vreg.gather [hbm4b:s3+s2], $0x80, v3, vm0, $0xb8;
	[tilespmem:$0x11400] =	vst v63  }
0xfc: {  	v3 =	vld [tilespmem:s26+$0xFFFFFFB0];
	_ =	sdelay $0x4  }
0xfd: {  	v50 =	vshll.u32 v3, $0x1  }
0xfe: {  	v3 =	vand.u32 $0x7, v3;
	v4 =	vand.u32 $0xFFFFFFF0, v50  }
0xff: {  	v3 =	vor.u32 v3, v4  }
0x100: {  	v4 =	vperm.xlane v3, v0;
	_ =	sdelay $0x1  }
0x101: {  	v3 =	vperm.xlane v3, v2;
	v4 =	vadd.s32 v1, v4;
	_ =	sdelay $0x1  }
0x102: {  	v3 =	vadd.s32 v1, v3;
	_ =	sdelay $0x1  }
0x103: {  	s0 =	simm.s32 $0x3400  }
0x104: {  	[tilespmem:s0], [sflag:$0x1] =	stream.indirect_vreg.gather [hbm4b:s3+s2], $0x80, v4, vm0, $0xb8;
	[tilespmem:$0x11400] =	vst v63  }
0x105: {  	s0 =	simm.s32 $0x3C00  }
0x106: {  	[tilespmem:s0], [sflag:$0x1] =	stream.indirect_vreg.gather [hbm4b:s3+s2], $0x80, v3, vm0, $0xb8;
	[tilespmem:$0x11400] =	vst v63  }
0x107: {  	v3 =	vld [tilespmem:s26+$0xFFFFFFC0];
	_ =	sdelay $0x4  }
0x108: {  	v51 =	vshll.u32 v3, $0x1  }
0x109: {  	v3 =	vand.u32 $0x7, v3;
	v4 =	vand.u32 $0xFFFFFFF0, v51  }
0x10a: {  	v3 =	vor.u32 v3, v4  }
0x10b: {  	v4 =	vperm.xlane v3, v0;
	_ =	sdelay $0x1  }
0x10c: {  	v3 =	vperm.xlane v3, v2;
	v4 =	vadd.s32 v1, v4;
	_ =	sdelay $0x1  }
0x10d: {  	v3 =	vadd.s32 v1, v3;
	_ =	sdelay $0x2  }
0x10e: {  	[tilespmem:s6], [sflag:$0x1] =	stream.indirect_vreg.gather [hbm4b:s3+s2], $0x80, v4, vm0, $0xb8;
	[tilespmem:$0x11400] =	vst v63  }
0x10f: {  	_ = 	snop  }
0x110: {  	[tilespmem:s8], [sflag:$0x1] =	stream.indirect_vreg.gather [hbm4b:s3+s2], $0x80, v3, vm0, $0xb8;
	[tilespmem:$0x11400] =	vst v63  }
0x111: {  	v3 =	vld [tilespmem:s28+$0xFFFFFF90];
	_ =	sdelay $0x4  }
0x112: {  	v52 =	vshll.u32 v3, $0x1  }
0x113: {  	v3 =	vand.u32 $0x7, v3;
	v4 =	vand.u32 $0xFFFFFFF0, v52  }
0x114: {  	v3 =	vor.u32 v3, v4  }
0x115: {  	v4 =	vperm.xlane v3, v0;
	_ =	sdelay $0x1  }
0x116: {  	v3 =	vperm.xlane v3, v2;
	v4 =	vadd.s32 v1, v4;
	_ =	sdelay $0x1  }
0x117: {  	v3 =	vadd.s32 v1, v3;
	_ =	sdelay $0x2  }
0x118: {  	[tilespmem:s1], [sflag:$0x3] =	stream.indirect_vreg.gather [hbm4b:s3+s2], $0x80, v4, vm0, $0xb8;
	[tilespmem:$0x11400] =	vst v63  }
0x119: {  	_ = 	snop  }
0x11a: {  	[tilespmem:s9], [sflag:$0x3] =	stream.indirect_vreg.gather [hbm4b:s3+s2], $0x80, v3, vm0, $0xb8;
	[tilespmem:$0x11400] =	vst v63  }
0x11b: {  	v3 =	vld [tilespmem:s28+$0xFFFFFFA0];
	_ =	sdelay $0x4  }
0x11c: {  	v53 =	vshll.u32 v3, $0x1  }
0x11d: {  	v3 =	vand.u32 $0x7, v3;
	v4 =	vand.u32 $0xFFFFFFF0, v53  }
0x11e: {  	v3 =	vor.u32 v3, v4  }
0x11f: {  	v4 =	vperm.xlane v3, v0;
	_ =	sdelay $0x1  }
0x120: {  	v3 =	vperm.xlane v3, v2;
	v4 =	vadd.s32 v1, v4;
	_ =	sdelay $0x1  }
0x121: {  	v3 =	vadd.s32 v1, v3;
	_ =	sdelay $0x2  }
0x122: {  	[tilespmem:s10], [sflag:$0x3] =	stream.indirect_vreg.gather [hbm4b:s3+s2], $0x80, v4, vm0, $0xb8;
	[tilespmem:$0x11400] =	vst v63  }
0x123: {  	_ = 	snop  }
0x124: {  	[tilespmem:s11], [sflag:$0x3] =	stream.indirect_vreg.gather [hbm4b:s3+s2], $0x80, v3, vm0, $0xb8;
	[tilespmem:$0x11400] =	vst v63  }
0x125: {  	v3 =	vld [tilespmem:s28+$0xFFFFFFB0];
	_ =	sdelay $0x4  }
0x126: {  	v54 =	vshll.u32 v3, $0x1  }
0x127: {  	v3 =	vand.u32 $0x7, v3;
	v4 =	vand.u32 $0xFFFFFFF0, v54  }
0x128: {  	v3 =	vor.u32 v3, v4  }
0x129: {  	v4 =	vperm.xlane v3, v0;
	_ =	sdelay $0x1  }
0x12a: {  	v3 =	vperm.xlane v3, v2;
	v4 =	vadd.s32 v1, v4;
	_ =	sdelay $0x1  }
0x12b: {  	v3 =	vadd.s32 v1, v3;
	_ =	sdelay $0x2  }
0x12c: {  	[tilespmem:s14], [sflag:$0x3] =	stream.indirect_vreg.gather [hbm4b:s3+s2], $0x80, v4, vm0, $0xb8;
	[tilespmem:$0x11400] =	vst v63  }
0x12d: {  	_ = 	snop  }
0x12e: {  	[tilespmem:s15], [sflag:$0x3] =	stream.indirect_vreg.gather [hbm4b:s3+s2], $0x80, v3, vm0, $0xb8;
	[tilespmem:$0x11400] =	vst v63  }
0x12f: {  	v3 =	vld [tilespmem:s28+$0xFFFFFFC0];
	_ =	sdelay $0x4  }
0x130: {  	v55 =	vshll.u32 v3, $0x1  }
0x131: {  	v3 =	vand.u32 $0x7, v3;
	v4 =	vand.u32 $0xFFFFFFF0, v55  }
0x132: {  	v3 =	vor.u32 v3, v4  }
0x133: {  	v4 =	vperm.xlane v3, v0;
	_ =	sdelay $0x1  }
0x134: {  	v3 =	vperm.xlane v3, v2;
	v4 =	vadd.s32 v1, v4;
	_ =	sdelay $0x1  }
0x135: {  	v3 =	vadd.s32 v1, v3;
	_ =	sdelay $0x2  }
0x136: {  	[tilespmem:s16], [sflag:$0x3] =	stream.indirect_vreg.gather [hbm4b:s3+s2], $0x80, v4, vm0, $0xb8;
	[tilespmem:$0x11400] =	vst v63  }
0x137: {  	_ = 	snop  }
0x138: {  	[tilespmem:s13], [sflag:$0x3] =	stream.indirect_vreg.gather [hbm4b:s3+s2], $0x80, v3, vm0, $0xb8;
	[tilespmem:$0x11400] =	vst v63  }
0x139: {  	_ =	swait.ge [sflag:s24], $0x4000  }
0x13a: {  	[sflag:s24] =	ssyncset.done $0x0  }
0x13b: {  	[sflag:s24] =	ssyncadd.s32 $0xFFFFC000  }
0x13c: {  	_ =	swait.ge [sflag:s25], $0x4000  }
0x13d: {  	[sflag:s25] =	ssyncset.done $0x0  }
0x13e: {  	[sflag:s25] =	ssyncadd.s32 $0xFFFFC000  }
0x13f: {  	v3 =	vld [tilespmem:s26+$0xFFFFFFD0];
	_ =	sdelay $0x4  }
0x140: {  	v56 =	vshll.u32 v3, $0x1  }
0x141: {  	v3 =	vand.u32 $0x7, v3;
	v4 =	vand.u32 $0xFFFFFFF0, v56  }
0x142: {  	v3 =	vor.u32 v3, v4  }
0x143: {  	v4 =	vperm.xlane v3, v0;
	_ =	sdelay $0x1  }
0x144: {  	v3 =	vperm.xlane v3, v2;
	v4 =	vadd.s32 v1, v4;
	_ =	sdelay $0x1  }
0x145: {  	v3 =	vadd.s32 v1, v3;
	_ =	sdelay $0x2  }
0x146: {  	[tilespmem:s12], [sflag:$0x2] =	stream.indirect_vreg.gather [hbm4b:s3+s2], $0x80, v4, vm0, $0xb8;
	[tilespmem:$0x11400] =	vst v63  }
0x147: {  	s12 =	simm.s32 $0x5C00  }
0x148: {  	[tilespmem:s12], [sflag:$0x2] =	stream.indirect_vreg.gather [hbm4b:s3+s2], $0x80, v3, vm0, $0xb8;
	[tilespmem:$0x11400] =	vst v63  }
0x149: {  	v3 =	vld [tilespmem:s26+$0xFFFFFFE0];
	_ =	sdelay $0x4  }
0x14a: {  	v57 =	vshll.u32 v3, $0x1  }
0x14b: {  	v3 =	vand.u32 $0x7, v3;
	v4 =	vand.u32 $0xFFFFFFF0, v57  }
0x14c: {  	v3 =	vor.u32 v3, v4  }
0x14d: {  	v4 =	vperm.xlane v3, v0;
	_ =	sdelay $0x1  }
0x14e: {  	v3 =	vperm.xlane v3, v2;
	v4 =	vadd.s32 v1, v4;
	_ =	sdelay $0x1  }
0x14f: {  	v3 =	vadd.s32 v1, v3;
	_ =	sdelay $0x1  }
0x150: {  	s12 =	simm.s32 $0x6400  }
0x151: {  	[tilespmem:s12], [sflag:$0x2] =	stream.indirect_vreg.gather [hbm4b:s3+s2], $0x80, v4, vm0, $0xb8;
	[tilespmem:$0x11400] =	vst v63  }
0x152: {  	s12 =	simm.s32 $0x6C00  }
0x153: {  	[tilespmem:s12], [sflag:$0x2] =	stream.indirect_vreg.gather [hbm4b:s3+s2], $0x80, v3, vm0, $0xb8;
	[tilespmem:$0x11400] =	vst v63  }
0x154: {  	v3 =	vld [tilespmem:s26+$0xFFFFFFF0];
	_ =	sdelay $0x4  }
0x155: {  	v58 =	vshll.u32 v3, $0x1  }
0x156: {  	v3 =	vand.u32 $0x7, v3;
	v4 =	vand.u32 $0xFFFFFFF0, v58  }
0x157: {  	v3 =	vor.u32 v3, v4  }
0x158: {  	v4 =	vperm.xlane v3, v0;
	_ =	sdelay $0x1  }
0x159: {  	v3 =	vperm.xlane v3, v2;
	v4 =	vadd.s32 v1, v4;
	_ =	sdelay $0x1  }
0x15a: {  	v3 =	vadd.s32 v1, v3;
	_ =	sdelay $0x1  }
0x15b: {  	s12 =	simm.s32 $0x7400  }
0x15c: {  	[tilespmem:s12], [sflag:$0x2] =	stream.indirect_vreg.gather [hbm4b:s3+s2], $0x80, v4, vm0, $0xb8;
	[tilespmem:$0x11400] =	vst v63  }
0x15d: {  	s12 =	simm.s32 $0x7C00  }
0x15e: {  	[tilespmem:s12], [sflag:$0x2] =	stream.indirect_vreg.gather [hbm4b:s3+s2], $0x80, v3, vm0, $0xb8;
	[tilespmem:$0x11400] =	vst v63  }
0x15f: {  	v3 =	vld [tilespmem:s26+$0x0];
	_ =	sdelay $0x4  }
0x160: {  	v59 =	vshll.u32 v3, $0x1  }
0x161: {  	v3 =	vand.u32 $0x7, v3;
	v4 =	vand.u32 $0xFFFFFFF0, v59  }
0x162: {  	v3 =	vor.u32 v3, v4  }
0x163: {  	v4 =	vperm.xlane v3, v0;
	_ =	sdelay $0x1  }
0x164: {  	v3 =	vperm.xlane v3, v2;
	v4 =	vadd.s32 v1, v4;
	_ =	sdelay $0x1  }
0x165: {  	v3 =	vadd.s32 v1, v3;
	_ =	sdelay $0x1  }
0x166: {  	s12 =	simm.s32 $0x8400  }
0x167: {  	[tilespmem:s12], [sflag:$0x2] =	stream.indirect_vreg.gather [hbm4b:s3+s2], $0x80, v4, vm0, $0xb8;
	[tilespmem:$0x11400] =	vst v63  }
0x168: {  	s12 =	simm.s32 $0x8C00  }
0x169: {  	[tilespmem:s12], [sflag:$0x2] =	stream.indirect_vreg.gather [hbm4b:s3+s2], $0x80, v3, vm0, $0xb8;
	[tilespmem:$0x11400] =	vst v63  }
0x16a: {  	v3 =	vld [tilespmem:s28+$0xFFFFFFD0];
	_ =	sdelay $0x4  }
0x16b: {  	v60 =	vshll.u32 v3, $0x1  }
0x16c: {  	v3 =	vand.u32 $0x7, v3;
	v4 =	vand.u32 $0xFFFFFFF0, v60  }
0x16d: {  	v3 =	vor.u32 v3, v4  }
0x16e: {  	v4 =	vperm.xlane v3, v0;
	_ =	sdelay $0x1  }
0x16f: {  	v3 =	vperm.xlane v3, v2;
	v4 =	vadd.s32 v1, v4;
	_ =	sdelay $0x1  }
0x170: {  	v3 =	vadd.s32 v1, v3;
	_ =	sdelay $0x2  }
0x171: {  	[tilespmem:s7], [sflag:$0x4] =	stream.indirect_vreg.gather [hbm4b:s3+s2], $0x80, v4, vm0, $0xb8;
	[tilespmem:$0x11400] =	vst v63  }
0x172: {  	s12 =	simm.s32 $0xDC00  }
0x173: {  	[tilespmem:s12], [sflag:$0x4] =	stream.indirect_vreg.gather [hbm4b:s3+s2], $0x80, v3, vm0, $0xb8;
	[tilespmem:$0x11400] =	vst v63  }
0x174: {  	v3 =	vld [tilespmem:s28+$0xFFFFFFE0];
	_ =	sdelay $0x4  }
0x175: {  	v61 =	vshll.u32 v3, $0x1  }
0x176: {  	v3 =	vand.u32 $0x7, v3;
	v4 =	vand.u32 $0xFFFFFFF0, v61  }
0x177: {  	v3 =	vor.u32 v3, v4  }
0x178: {  	v4 =	vperm.xlane v3, v0;
	_ =	sdelay $0x1  }
0x179: {  	v3 =	vperm.xlane v3, v2;
	v4 =	vadd.s32 v1, v4;
	_ =	sdelay $0x1  }
0x17a: {  	v3 =	vadd.s32 v1, v3;
	_ =	sdelay $0x1  }
0x17b: {  	s12 =	simm.s32 $0xE400  }
0x17c: {  	[tilespmem:s12], [sflag:$0x4] =	stream.indirect_vreg.gather [hbm4b:s3+s2], $0x80, v4, vm0, $0xb8;
	[tilespmem:$0x11400] =	vst v63  }
0x17d: {  	s12 =	simm.s32 $0xEC00  }
0x17e: {  	[tilespmem:s12], [sflag:$0x4] =	stream.indirect_vreg.gather [hbm4b:s3+s2], $0x80, v3, vm0, $0xb8;
	[tilespmem:$0x11400] =	vst v63  }
0x17f: {  	v3 =	vld [tilespmem:s28+$0xFFFFFFF0];
	_ =	sdelay $0x4  }
0x180: {  	v62 =	vshll.u32 v3, $0x1  }
0x181: {  	v3 =	vand.u32 $0x7, v3;
	v4 =	vand.u32 $0xFFFFFFF0, v62  }
0x182: {  	v3 =	vor.u32 v3, v4  }
0x183: {  	v4 =	vperm.xlane v3, v0;
	_ =	sdelay $0x1  }
0x184: {  	v3 =	vperm.xlane v3, v2;
	v4 =	vadd.s32 v1, v4;
	_ =	sdelay $0x1  }
0x185: {  	v3 =	vadd.s32 v1, v3;
	_ =	sdelay $0x1  }
0x186: {  	s12 =	simm.s32 $0xF400  }
0x187: {  	[tilespmem:s12], [sflag:$0x4] =	stream.indirect_vreg.gather [hbm4b:s3+s2], $0x80, v4, vm0, $0xb8;
	[tilespmem:$0x11400] =	vst v63  }
0x188: {  	s12 =	simm.s32 $0xFC00  }
0x189: {  	[tilespmem:s12], [sflag:$0x4] =	stream.indirect_vreg.gather [hbm4b:s3+s2], $0x80, v3, vm0, $0xb8;
	[tilespmem:$0x11400] =	vst v63  }
0x18a: {  	v3 =	vld [tilespmem:s28+$0x0];
	_ =	sdelay $0x4  }
0x18b: {  	v63 =	vshll.u32 v3, $0x1  }
0x18c: {  	v3 =	vand.u32 $0x7, v3;
	v4 =	vand.u32 $0xFFFFFFF0, v63  }
0x18d: {  	v3 =	vor.u32 v3, v4  }
0x18e: {  	v4 =	vperm.xlane v3, v0;
	_ =	sdelay $0x1  }
0x18f: {  	v3 =	vperm.xlane v3, v2;
	v4 =	vadd.s32 v1, v4;
	_ =	sdelay $0x1  }
0x190: {  	p0 =	sne.s32 s29, $0x12000;
	v3 =	vadd.s32 v1, v3  }
.Ltmp0:
0x191: {  	_ = 	snop;
	(pc) =	sbr.rel @p0 .LBB2_2-.Ltmp0, $4  }
0x192: {  	s29 =	sadd.s32 $0x1000, s29;
	s21 =	simm.s32 $0x1400;
	s30 =	simm.s32 $0x9400  }
0x193: {  	[tilespmem:s4], [sflag:$0x4] =	stream.indirect_vreg.gather [hbm4b:s3+s2], $0x80, v4, vm0, $0xb8;
	[tilespmem:$0x11400] =	vst v63  }
0x194: {  	s1 =	simm.s32 $0x5400;
	s26 =	sadd.s32 $0x80, s26;
	s28 =	sadd.s32 $0x80, s28  }
0x195: {  	[tilespmem:s5], [sflag:$0x4] =	stream.indirect_vreg.gather [hbm4b:s3+s2], $0x80, v3, vm0, $0xb8;
	[tilespmem:$0x11400] =	vst v63  }
0x196: {  	_ =	swait.ge [sflag:s17], $0x4000  }
0x197: {  	[sflag:s17] =	ssyncset.done $0x0  }
0x198: {  	[sflag:s17] =	ssyncadd.s32 $0xFFFFC000  }
0x199: {  	_ =	swait.ge [sflag:s18], $0x4000  }
0x19a: {  	[sflag:s18] =	ssyncset.done $0x0  }
0x19b: {  	s0 =	rddreg [dreg:$0x8];
	[sflag:s18] =	ssyncadd.s32 $0xFFFFC000  }
0x19c: {  	[hbm4b:s0+s2] =	stream.linear.scatter [tilespmem:s21], [sflag:$0x5], $0x4000, $0x38;
	[tilespmem:$0x11400] =	vst v63  }
0x19d: {  	s15 =	rddreg [dreg:$0x9]  }
0x19e: {  	[hbm4b:s15+s2] =	stream.linear.scatter [tilespmem:s30], [sflag:$0x7], $0x4000, $0x38;
	[tilespmem:$0x11400] =	vst v63  }
0x19f: {  	_ =	swait.ge [sflag:s19], $0x4000  }
0x1a0: {  	[sflag:s19] =	ssyncset.done $0x0  }
0x1a1: {  	[sflag:s19] =	ssyncadd.s32 $0xFFFFC000  }
0x1a2: {  	_ =	swait.ge [sflag:s20], $0x4000  }
0x1a3: {  	[sflag:s20] =	ssyncset.done $0x0  }
0x1a4: {  	s16 =	rddreg [dreg:$0xa];
	[sflag:s20] =	ssyncadd.s32 $0xFFFFC000  }
0x1a5: {  	[hbm4b:s16+s2] =	stream.linear.scatter [tilespmem:s1], [sflag:$0x6], $0x4000, $0x38;
	[tilespmem:$0x11400] =	vst v63  }
0x1a6: {  	s26 =	rddreg [dreg:$0xb]  }
0x1a7: {  	[hbm4b:s26+s2] =	stream.linear.scatter [tilespmem:s7], [sflag:$0x8], $0x4000, $0x38;
	[tilespmem:$0x11400] =	vst v63  }
0x1a8: {  	_ =	swait.ge [sflag:s22], $0x4000  }
0x1a9: {  	[sflag:s22] =	ssyncset.done $0x0  }
0x1aa: {  	[sflag:s22] =	ssyncadd.s32 $0xFFFFC000  }
0x1ab: {  	_ =	swait.ge [sflag:s23], $0x4000  }
0x1ac: {  	[sflag:s23] =	ssyncset.done $0x0  }
0x1ad: {  	[sflag:s23] =	ssyncadd.s32 $0xFFFFC000  }
0x1ae: {  	_ =	swait.ge [sflag:s24], $0x4000  }
0x1af: {  	[sflag:s24] =	ssyncset.done $0x0  }
0x1b0: {  	[sflag:s24] =	ssyncadd.s32 $0xFFFFC000  }
0x1b1: {  	_ =	swait.ge [sflag:s25], $0x4000  }
0x1b2: {  	s26 =	rddreg [dreg:$0xd]  }
0x1b3: {  	s28 =	rddreg [dreg:$0xc];
	s26 =	sadd.s32 $0x1, s26  }
0x1b4: {  	s29 =	simm.s32 $0x2400;
	p0 =	sne.s32 s26, s28  }
.Ltmp1:
0x1b5: {  	s12 =	simm.s32 $0x2C00;
	s4 =	simm.s32 $0x3400;
	(pc) =	sbr.rel @p0 .LBB2_1-.Ltmp1, $4  }
0x1b6: {  	s5 =	simm.s32 $0x3C00;
	s6 =	simm.s32 $0x4400;
	s8 =	simm.s32 $0x4C00  }
0x1b7: {  	s9 =	simm.s32 $0x9C00;
	s10 =	simm.s32 $0xA400;
	s11 =	simm.s32 $0xAC00  }
0x1b8: {  	s14 =	simm.s32 $0xB400;
	s13 =	simm.s32 $0xCC00;
	[sflag:s25] =	ssyncset.done $0x0  }
0x1b9: {  	s15 =	simm.s32 $0xBC00;
	s16 =	simm.s32 $0xC400;
	[sflag:s25] =	ssyncadd.s32 $0xFFFFC000  }
0x1ba: {  	_ =	sfence.sel $0x180000  }
0x1bb: {  	[bflag:$0x0] =	sbarrier.arrive $0xFFFF  }
0x1bc: {  	_ =	strace $0x90000050  }
0x1bd: {  	s0 =	stileid.u32;
	[bflag:$0x2] =	sbarrier.arrive $0xFFFF  }
0x1be: {  	p0 =	sne.s32 s0, $0x0;
	s0 =	rddreg [dreg:$0x1]  }
0x1bf: {  	s0 =	sadd.s32 @!p0 $0x100000, s0  }
0x1c0: {  	[sflag:s0] =	ssyncadd.tile.s32 @!p0 $0x1;
	_ =	shalt  }
.Lfunc_end2:
_tile_overlayer_lowered:
.L_overlay_start_2:
0x1c1: {  	(tag) =	ssettag $0x2  }
0x1c2: {  	s0 =	rddreg [dreg:$0x0];
	s2 =	stileid.u32  }
0x1c3: {  	s1 =	rddreg [dreg:$0x1];
	p0 =	sne.s32 s2, $0x0  }
0x1c4: {  	s3 =	rddreg [dreg:$0x2];
	[bflag:$0x3] =	sbarrier.arrive $0xFFFF;
	s2 =	simm.s32 @!p0 $0x1C09  }
0x1c5: {  	[timem:s3], [sflag:s2] =	dma.local @!p0 [hbm:s0], s1  }
0x1c6: {  	s0 =	simm.s32 @!p0 $0x9  }
0x1c7: {  	_ =	swait.ge @!p0 [sflag:s0], s1  }
0x1c8: {  	s1 =	ssub.s32 @!p0 $0x0, s1;
	[sflag:s0] =	ssyncset.done @!p0 $0x0  }
0x1c9: {  	[sflag:s0] =	ssyncadd.s32 @!p0 s1  }
0x1ca: {  	[bflag:$0x3] =	sbarrier.arrive $0xFFFF  }
0x1cb: {  	_ =	shalt  }

// kernel: kernel.27.cloned.1.call-start
scs
__scs_entry_jumppad:
0x0: {  	(pc) =	sbr.rel $0x88, $3  }
0x1: {  	(tag) =	ssettag $0x0;
	lr =	simm.s32 $0x1  }
0x2: {  	[smem:$0x3F8E] =	sst lr;
	_ =	strace $0xD0000000  }
0x3: {  	_ = 	snop  }
0x4: {  	_ = 	snop  }
0x5: {  	_ = 	snop  }
0x6: {  	_ = 	snop  }
0x7: {  	_ = 	snop  }
__scs_overlays_trampoline_lowered:
0x8: {  	[smem:$0x3F9D] =	sst s0  }
0x9: {  	[smem:$0x3F9E] =	sst s1  }
0xa: {  	[smem:$0x3F9F] =	sst s2  }
0xb: {  	[smem:$0x3FA0] =	sst s3  }
0xc: {  	[smem:$0x3FA1] =	sst s4  }
0xd: {  	[smem:$0x3FA2] =	sst s5  }
0xe: {  	[smem:$0x3FA3] =	sst s6  }
0xf: {  	[smem:$0x3FA4] =	sst s7  }
0x10: {  	[smem:$0x3FA5] =	sst s8  }
0x11: {  	[smem:$0x3FA6] =	sst s9;
	s0 =	simm.s32 @!p0 $0x0  }
0x12: {  	s1 =	sld [smem:$0x3F8C];
	s0 =	simm.s32 @p0 $0x1  }
0x13: {  	[smem:$0x3FA7] =	sst s0;
	s0 =	simm.s32 @!p1 $0x0  }
0x14: {  	s2 =	sld [smem:$0x3F8B];
	s0 =	simm.s32 @p1 $0x1  }
0x15: {  	[smem:$0x3FA8] =	sst s0;
	s0 =	simm.s32 @!p2 $0x0  }
0x16: {  	s3 =	sld [smem:$0x3FDB];
	s0 =	simm.s32 @p2 $0x1  }
0x17: {  	s4 =	simm.s32 $0x1BF5;
	[smem:$0x3FAA] =	sst s0  }
0x18: {  	s0 =	sld [smem:$0x3F8D];
	_ =	swait.ge [sflag:s4], $0x0  }
0x19: {  	s7 =	sld [smem:$0x3F8E]  }
0x1a: {  	s8 =	sadd.s32 $0xFFFFE003, lr  }
0x1b: {  	s9 =	sadd.s32 $0xFFFFFEF7, lr;
	s5 =	simm.s32 $0xFFFFFFFF;
	p2 =	slt.u32 s8, $0xFFFFF086  }
0x1c: {  	p1 =	slt.u32 s9, $0xF7A;
	s5 =	simm.s32 @!p2 $0x0  }
0x1d: {  	s5 =	simm.s32 @p1 $0x1;
	p0 =	seq.s32 s7, s2  }
0x1e: {  	s7 =	smul.u32 @!p0 $0xF7A, s2;
	p2 =	seq.s32 @!p0 s5, $0x0  }
0x1f: {  	s9 =	smul.u32 $0xF7A, s1;
	s8 =	simm.s32 @!p0 $0x1BF5;
	p2 =	por !p2, p0  }
0x20: {  	[sflag:s8] =	ssyncset.s32 @!p0 $0xFFFFF086;
	s6 =	sadd.s32 @!p0 s3, s7;
	s7 =	simm.s32 @!p0 $0x108  }
0x21: {  	s3 =	sadd.s32 s3, s9;
	s6 =	sadd.s32 @!p0 $0x88, s6;
	s7 =	simm.s32 @p2 $0x1082  }
0x22: {  	[simem:s7], [sflag:s8] =	dma.local @!p0 [hbm:s6], $0xF7A  }
0x23: {  	s9 =	sor.u32 $0xD0000000, s2;
	s6 =	simm.s32 $0x108;
	_ =	swait.ge @!p0 [sflag:s8], $0x0  }
0x24: {  	s3 =	sadd.s32 $0x88, s3;
	s6 =	simm.s32 @!p1 $0x1082;
	[sflag:s4] =	ssyncset.s32 $0xFFFFF086  }
0x25: {  	[simem:s6], [sflag:s4] =	dma.local [hbm:s3], $0xF7A  }
0x26: {  	[smem:$0x3F8E] =	sst s1;
	(tag) =	ssettag s2;
	_ =	strace s9  }
0x27: {  	s1 =	sld [smem:$0x3F9E]  }
0x28: {  	s2 =	sld [smem:$0x3F9F]  }
0x29: {  	s4 =	sld [smem:$0x3FA1]  }
0x2a: {  	p0 =	seq.s32 s5, $0x0;
	s5 =	sld [smem:$0x3FA2]  }
0x2b: {  	s6 =	sld [smem:$0x3FA3]  }
0x2c: {  	s7 =	sld [smem:$0x3FA4]  }
0x2d: {  	s3 =	simm.s32 $0x108;
	s8 =	sld [smem:$0x3FA5]  }
0x2e: {  	s3 =	simm.s32 @!p0 $0x1082;
	s9 =	sld [smem:$0x3FA6]  }
0x2f: {  	lr =	sadd.s32 s0, s3;
	s0 =	sld [smem:$0x3F9D]  }
0x30: {  	s3 =	sld [smem:$0x3FA0]  }
0x31: {  	[smem:$0x3FA9] =	sst s10  }
0x32: {  	s10 =	sld [smem:$0x3FA7];
	_ =	sdelay $0x3  }
0x33: {  	p0 =	seq.s32 s10, $0x1;
	s10 =	sld [smem:$0x3FA9];
	_ =	sdelay $0x3  }
0x34: {  	[smem:$0x3FA9] =	sst s10  }
0x35: {  	s10 =	sld [smem:$0x3FA8];
	_ =	sdelay $0x3  }
0x36: {  	p1 =	seq.s32 s10, $0x1;
	s10 =	sld [smem:$0x3FA9];
	_ =	sdelay $0x3  }
0x37: {  	[smem:$0x3FA9] =	sst s10  }
0x38: {  	s10 =	sld [smem:$0x3FAA]  }
0x39: {  	_ = 	snop;
	(pc) =	sbr.ind lr, $3  }
0x3a: {  	_ = 	snop  }
0x3b: {  	_ = 	snop  }
0x3c: {  	p2 =	seq.s32 s10, $0x1;
	s10 =	sld [smem:$0x3FA9]  }
0x3d: {  	_ =	shalt  }
0x3e: {  	_ =	shalt  }
0x3f: {  	_ =	shalt  }
0x40: {  	_ =	shalt  }
0x41: {  	_ =	shalt  }
0x42: {  	_ =	shalt  }
0x43: {  	_ =	shalt  }
0x44: {  	_ =	shalt  }
0x45: {  	_ =	shalt  }
0x46: {  	_ =	shalt  }
0x47: {  	_ =	shalt  }
0x48: {  	_ =	shalt  }
0x49: {  	_ =	shalt  }
0x4a: {  	_ =	shalt  }
0x4b: {  	_ =	shalt  }
0x4c: {  	_ =	shalt  }
0x4d: {  	_ =	shalt  }
0x4e: {  	_ =	shalt  }
0x4f: {  	_ =	shalt  }
0x50: {  	_ =	shalt  }
0x51: {  	_ =	shalt  }
0x52: {  	_ =	shalt  }
0x53: {  	_ =	shalt  }
0x54: {  	_ =	shalt  }
0x55: {  	_ =	shalt  }
0x56: {  	_ =	shalt  }
0x57: {  	_ =	shalt  }
0x58: {  	_ =	shalt  }
0x59: {  	_ =	shalt  }
0x5a: {  	_ =	shalt  }
0x5b: {  	_ =	shalt  }
0x5c: {  	_ =	shalt  }
0x5d: {  	_ =	shalt  }
0x5e: {  	_ =	shalt  }
0x5f: {  	_ =	shalt  }
0x60: {  	_ =	shalt  }
0x61: {  	_ =	shalt  }
0x62: {  	_ =	shalt  }
0x63: {  	_ =	shalt  }
0x64: {  	_ =	shalt  }
0x65: {  	_ =	shalt  }
0x66: {  	_ =	shalt  }
0x67: {  	_ =	shalt  }
0x68: {  	_ =	shalt  }
0x69: {  	_ =	shalt  }
0x6a: {  	_ =	shalt  }
0x6b: {  	_ =	shalt  }
0x6c: {  	_ =	shalt  }
0x6d: {  	_ =	shalt  }
0x6e: {  	_ =	shalt  }
0x6f: {  	_ =	shalt  }
0x70: {  	_ =	shalt  }
0x71: {  	_ =	shalt  }
0x72: {  	_ =	shalt  }
0x73: {  	_ =	shalt  }
0x74: {  	_ =	shalt  }
0x75: {  	_ =	shalt  }
0x76: {  	_ =	shalt  }
0x77: {  	_ =	shalt  }
0x78: {  	_ =	shalt  }
0x79: {  	_ =	shalt  }
0x7a: {  	_ =	shalt  }
0x7b: {  	_ =	shalt  }
0x7c: {  	_ =	shalt  }
0x7d: {  	_ =	shalt  }
0x7e: {  	_ =	shalt  }
0x7f: {  	_ =	shalt  }
0x80: {  	_ =	shalt  }
0x81: {  	_ =	shalt  }
0x82: {  	_ =	shalt  }
0x83: {  	_ =	shalt  }
0x84: {  	_ =	shalt  }
0x85: {  	_ =	shalt  }
0x86: {  	_ =	shalt  }
0x87: {  	_ =	shalt  }
.Lfunc_end0:
.L_simem_size_0:
called_computation.4_lowered:
.L_overlay_start_0:
0x88: {  	s2 =	sld [smem:$0x3FD9]  }
0x89: {  	s3 =	sld [smem:$0x3FFE];
	_ =	sdelay $0x1  }
0x8a: {  	s1 =	srdreg.scid  }
0x8b: {  	s0 =	sand.u32 $0x1, s1  }
0x8c: {  	s17 =	sshll.u32 s0, $0xA;
	s2 =	sadd.s32 s3, s2  }
0x8d: {  	s2 =	sadd.s32 s2, s17  }
0x8e: {  	[smem:$0x3FB5] =	sst s2  }
0x8f: {  	_ = 	snop  }
0x90: {  	(tm) =	ssettm $0x1  }
0x91: {  	s18 =	sld [smem:$0x3FFB];
	_ =	sdelay $0x3  }
0x92: {  	_ =	strace s18  }
0x93: {  	s2 =	sld [smem:$0x3FFC];
	_ =	sdelay $0x3  }
0x94: {  	_ =	strace s2  }
0x95: {  	s2 =	sld [smem:$0x3FFD];
	_ =	sdelay $0x3  }
0x96: {  	_ =	strace s2  }
0x97: {  	_ =	strace $0x8FFFFFFF  }
0x98: {  	s19 =	sld [smem:$0x3FDB];
	_ =	sdelay $0x1  }
0x99: {  	s20 =	simm.s32 $_scs_section_size  }
0x9a: {  	s4 =	simm.s32 $_size__tile_overlayer_lowered;
	s5 =	simm.s32 $_tile_overlayer_lowered  }
0x9b: {  	s6 =	simm.s32 $0x1BFF;
	s21 =	sshll.u32 s5, $0x1;
	s3 =	sadd.s32 s20, s19  }
0x9c: {  	s22 =	simm.s32 $0x0;
	s4 =	sshll.u32 s4, $0x1;
	s5 =	sadd.s32 s21, s3  }
0x9d: {  	[timem:s22], [sflag:s6] =	dma.local [hbm:s5], s4  }
0x9e: {  	_ =	swait.ge [sflag:s6], s4  }
0x9f: {  	s4 =	ssub.s32 $0x0, s4;
	[sflag:s6] =	ssyncset.done $0x0  }
0xa0: {  	[sflag:s6] =	ssyncadd.s32 s4;
	_ =	sdelay $0x1  }
0xa1: {  	s23 =	simm.s32 $0x1B8B  }
0xa2: {  	_ =	swait.ge [sflag:s23], $0x1  }
0xa3: {  	[sflag:s23] =	ssyncset.done $0x0  }
0xa4: {  	[sflag:s23] =	ssyncadd.s32 $0xFFFFFFFF  }
0xa5: {  	s4 =	sld [smem:$0x0]  }
0xa6: {  	s5 =	sand.u32 $0xFFFFFFFE, s1  }
0xa7: {  	p0 =	sne.s32 s1, s5  }
0xa8: {  	s5 =	sshll.u32 @p0 s5, $0xE  }
0xa9: {  	s5 =	sadd.s32 @p0 $0x11B8D, s5;
	s6 =	sshll.u32 @p0 s4, $0x11  }
0xaa: {  	s5 =	sor.u32 @p0 s6, s5  }
0xab: {  	[sflag:s5] =	ssyncadd.remote.s32 @p0 $0x1;
	_ =	sdelay $0x1  }
0xac: {  	s5 =	simm.s32 @p0 $0x1B8D  }
0xad: {  	_ =	swait.eq @p0 [sflag:s5], $0x1  }
0xae: {  	[sflag:s5] =	ssyncadd.s32 @p0 $0xFFFFFFFF  }
0xaf: {  	s6 =	sshll.u32 @!p0 s1, $0xE  }
0xb0: {  	s6 =	sor.u32 @!p0 $0x4000, s6;
	s5 =	simm.s32 @!p0 $0x1B8D  }
0xb1: {  	s4 =	sshll.u32 @!p0 s4, $0x11;
	s6 =	sadd.s32 @!p0 $0x11B8D, s6;
	_ =	swait.eq @!p0 [sflag:s5], $0x1  }
0xb2: {  	s4 =	sor.u32 @!p0 s4, s6;
	[sflag:s5] =	ssyncadd.s32 @!p0 $0xFFFFFFFF  }
0xb3: {  	s25 =	simm.s32 $0x1B8E;
	s24 =	sld [smem:$0x3FFE];
	[sflag:s4] =	ssyncadd.remote.s32 @!p0 $0x1  }
0xb4: {  	s26 =	simm.s32 $execute0_lowered;
	[smem:$0x3FD2] =	sst s25  }
0xb5: {  	s5 =	sshll.u32 s26, $0x1;
	_ =	strace $0x80000052;
	[dreg:$0x1] =	wrdreg $0xFFFFFFFF  }
0xb6: {  	s28 =	simm.s32 $_size_execute0_lowered;
	s3 =	sadd.s32 s3, s5;
	[dreg:$0x0] =	wrdreg $0x0  }
0xb7: {  	s5 =	sshll.u32 s28, $0x1;
	[dreg:$0x2] =	wrdreg s3  }
0xb8: {  	[dreg:$0x3] =	wrdreg s5  }
0xb9: {  	[dreg:$0x4] =	wrdreg $0xC0  }
0xba: {  	_ =	task [dreg:s22], $0x5FFFF  }
0xbb: {  	[dreg:$0x1] =	wrdreg $0xFFFFFFFF  }
0xbc: {  	[dreg:$0x0] =	wrdreg $0x60  }
0xbd: {  	[dreg:$0x2] =	wrdreg s24  }
0xbe: {  	[dreg:$0x3] =	wrdreg $0x94000  }
0xbf: {  	[dreg:$0x4] =	wrdreg $0xA  }
0xc0: {  	_ =	task.clear_ibuf [dreg:s22], $0x5FFFF;
	_ =	strace $0x90000052  }
0xc1: {  	s29 =	simm.s32 $0xA;
	_ =	strace $0x80000054  }
0xc2: {  	_ =	swait.ge [sflag:s29], $0x1  }
0xc3: {  	[sflag:s29] =	ssyncadd.s32 $0xFFFFFFFF  }
0xc4: {  	_ =	strace $0x90000054  }
0xc5: {  	_ =	sfence  }
0xc6: {  	s30 =	sld [smem:$0x0];
	_ =	sdelay $0x2  }
0xc7: {  	s31 =	sshll.u32 s1, $0xD;
	s1 =	sshrl.u32 s1, $0x2  }
0xc8: {  	s4 =	sand.u32 $0x4000, s31;
	s1 =	sadd.s32 s1, s30  }
0xc9: {  	s0 =	sor.u32 s4, s0;
	s1 =	sshll.u32 s1, $0x11  }
0xca: {  	s0 =	sor.u32 s1, s0  }
0xcb: {  	s0 =	sadd.s32 $0x8F2B, s0  }
0xcc: {  	[sflag:s0] =	ssyncadd.remote.s32 $0x1  }
0xcd: {  	_ =	sfence.sel $0xFFFF  }
0xce: {  	[dreg:$0x0] =	wrdreg $0xFFFFFFFF;
	(pc) =	sbr.abs _section_cstart, $3  }
0xcf: {  	[dreg:$0x1] =	wrdreg $0xFFFFFFFF  }
0xd0: {  	_ =	task.clear_ibuf [dreg:s22], $0x2FFFF;
	_ =	strace $0x9FFFFFFF  }
0xd1: {  	(tm) =	ssettm $0x7FFFFFFF  }
tec
execute0_lowered:
.L_overlay_start_1:
0x0: {  	(tag) =	ssettag $0x1  }
0x1: {  	s3 =	rddreg [dreg:$0x0]  }
0x2: {  	s1 =	rddreg [dreg:$0x1]  }
0x3: {  	s0 =	rddreg [dreg:$0x2];
	s19 =	stileid.u32  }
0x4: {  	s4 =	srdreg.scid;
	s2 =	simm.s32 $0x0;
	s5 =	smul.u32 $0x1400, s19  }
0x5: {  	s14 =	simm.s32 $0x80;
	s15 =	simm.s32 $0x2;
	s8 =	smul.u32 $0x50000, s19  }
0x6: {  	s16 =	simm.s32 $0x1300;
	s17 =	simm.s32 $0x1380;
	s10 =	smul.u32 $0x14000, s19  }
0x7: {  	s4 =	sand.u32 $0x1, s4;
	[smem:$0x7FF] =	sst s2;
	s21 =	smul.u32 $0x2800, s19  }
0x8: {  	p0 =	sne.s32 s19, $0x0;
	s19 =	sshll.u32 s19, $0x6;
	s6 =	smul.u32 $0x140000, s4  }
0x9: {  	_ =	strace $0x80000053;
	s7 =	smul.u32 $0x28000, s4;
	s4 =	ssub.s32 $0x2, s4  }
0xa: {  	s19 =	sor.u32 $0x1C03, s19;
	s5 =	sshrl.u32 s5, $0x3;
	s30 =	sshrl.u32 s4, $0x1  }
0xb: {  	s31 =	sshrl.u32 s8, $0x2;
	s11 =	sor.u32 $0x800, s10;
	s13 =	sor.u32 $0x1800, s10  }
0xc: {  	s6 =	sadd.s32 s6, s3;
	s5 =	sadd.s32 s5, s3;
	s7 =	sadd.s32 s7, s3  }
0xd: {  	s9 =	ssub.s32 s4, s30;
	s3 =	sadd.s32 $0xF800, s7;
	s4 =	sadd.s32 $0xAB3A00, s5  }
0xe: {  	s20 =	sadd.s32 s31, s1;
	s12 =	sadd.s32 $0x1185800, s6;
	s18 =	sadd.s32 $0xAB6200, s7  }
0xf: {  	s5 =	smax.u32 s9, $0x1;
	s6 =	sshrl.u32 @!p0 s1, $0x3;
	s7 =	simm.s32 $0x3  }
0x10: {  	s9 =	simm.s32 $0x1400;
	s20 =	sshrl.u32 s20, $0x3;
	s8 =	sadd.s32 s10, s12  }
0x11: {  	s10 =	sadd.s32 s12, s11;
	s11 =	simm.s32 $0x5400;
	s12 =	sadd.s32 s12, s13  }
0x12: {  	s13 =	simm.s32 $0x1;
	s18 =	sadd.s32 s21, s18;
	s21 =	simm.s32 $0x0  }
.LBB2_1:
0x13: {  	s22 =	simm.s32 @!p0 $0x1C03  }
0x14: {  	[spmem:s6], [sflag:s22] =	dma.local @!p0 [hbm:s3], $0x28000  }
0x15: {  	s22 =	simm.s32 @!p0 $0x3  }
0x16: {  	_ =	swait.ge @!p0 [sflag:s22], $0x28000  }
0x17: {  	[sflag:s22] =	ssyncset.done @!p0 $0x0  }
0x18: {  	[sflag:s22] =	ssyncadd.s32 @!p0 $0xFFFD8000  }
0x19: {  	[tilespmem:s2], [sflag:$0x3] =	stream.linear.gather [hbm4b:s4+s2], $0x1400, $0x38;
	[tilespmem:$0x1D400] =	vst v63  }
0x1a: {  	_ =	swait.ge [sflag:s7], $0x1400  }
0x1b: {  	[sflag:s7] =	ssyncset.done $0x0  }
0x1c: {  	[sflag:s7] =	ssyncadd.s32 $0xFFFFEC00  }
0x1d: {  	[bflag:$0x0] =	sbarrier.arrive $0xFFFF  }
0x1e: {  	[tilespmem:s9], [sflag:$0x1] =	stream.linear.gather [hbm4b:s8+s2], $0x4000, $0x38;
	[tilespmem:$0x1D400] =	vst v63  }
0x1f: {  	_ = 	snop  }
0x20: {  	[tilespmem:s11], [sflag:$0x2] =	stream.linear.gather [hbm4b:s10+s2], $0x4000, $0x38;
	[tilespmem:$0x1D400] =	vst v63  }
0x21: {  	_ =	swait.ge [sflag:s13], $0x4000  }
0x22: {  	[sflag:s13] =	ssyncset.done $0x0  }
0x23: {  	s29 =	simm.s32 $0x0;
	[sflag:s13] =	ssyncadd.s32 $0xFFFFC000  }
0x24: {  	[spmem:s1] =	stream.indirect.scatter.add.f32 [tilespmem:s9], [sflag:$0x3], $0x80, s29, s14, $0xb8;
	[tilespmem:$0x1D400] =	vst v63  }
0x25: {  	_ =	swait.ge [sflag:s7], $0x4000  }
0x26: {  	[sflag:s7] =	ssyncset.done $0x0  }
0x27: {  	s30 =	sadd.s32 $0xFFFFF800, s12;
	[sflag:s7] =	ssyncadd.s32 $0xFFFFC000  }
0x28: {  	[tilespmem:s9], [sflag:$0x1] =	stream.linear.gather [hbm4b:s30+s2], $0x4000, $0x38;
	[tilespmem:$0x1D400] =	vst v63  }
0x29: {  	_ =	swait.ge [sflag:s15], $0x4000  }
0x2a: {  	[sflag:s15] =	ssyncset.done $0x0  }
0x2b: {  	s31 =	simm.s32 $0x80;
	[sflag:s15] =	ssyncadd.s32 $0xFFFFC000  }
0x2c: {  	[spmem:s1] =	stream.indirect.scatter.add.f32 [tilespmem:s11], [sflag:$0x3], $0x80, s31, s14, $0xb8;
	[tilespmem:$0x1D400] =	vst v63  }
0x2d: {  	_ =	swait.ge [sflag:s7], $0x4000  }
0x2e: {  	s23 =	sadd.s32 $0x1000, s12;
	[sflag:s7] =	ssyncset.done $0x0  }
0x2f: {  	s24 =	smov.u32 s12;
	s22 =	simm.s32 $0x400;
	[sflag:s7] =	ssyncadd.s32 $0xFFFFC000  }
.LBB2_2:
0x30: {  	[tilespmem:s11], [sflag:$0x2] =	stream.linear.gather [hbm4b:s24+s2], $0x4000, $0x38;
	[tilespmem:$0x1D400] =	vst v63  }
0x31: {  	s25 =	smov.u32 s22;
	s24 =	smov.u32 s23  }
0x32: {  	p1 =	sne.s32 s22, $0x4800;
	s22 =	sadd.s32 $0x400, s22;
	_ =	swait.ge [sflag:s13], $0x4000  }
0x33: {  	[sflag:s13] =	ssyncset.done $0x0  }
0x34: {  	s25 =	sshra.s32 s25, $0x2;
	[sflag:s13] =	ssyncadd.s32 $0xFFFFC000  }
0x35: {  	[spmem:s1] =	stream.indirect.scatter.add.f32 [tilespmem:s9], [sflag:$0x3], $0x80, s25, s14, $0xb8;
	[tilespmem:$0x1D400] =	vst v63  }
0x36: {  	_ =	swait.ge [sflag:s7], $0x4000  }
0x37: {  	[sflag:s7] =	ssyncset.done $0x0  }
0x38: {  	s26 =	sadd.s32 $0xFFFFF800, s23;
	[sflag:s7] =	ssyncadd.s32 $0xFFFFC000  }
0x39: {  	[tilespmem:s9], [sflag:$0x1] =	stream.linear.gather [hbm4b:s26+s2], $0x4000, $0x38;
	[tilespmem:$0x1D400] =	vst v63  }
0x3a: {  	_ =	swait.ge [sflag:s15], $0x4000  }
0x3b: {  	[sflag:s15] =	ssyncset.done $0x0  }
.Ltmp0:
0x3c: {  	s25 =	sadd.s32 $0x80, s25;
	[sflag:s15] =	ssyncadd.s32 $0xFFFFC000;
	(pc) =	sbr.rel @p1 .LBB2_2-.Ltmp0, $4  }
0x3d: {  	[spmem:s1] =	stream.indirect.scatter.add.f32 [tilespmem:s11], [sflag:$0x3], $0x80, s25, s14, $0xb8;
	[tilespmem:$0x1D400] =	vst v63  }
0x3e: {  	_ =	swait.ge [sflag:s7], $0x4000  }
0x3f: {  	[sflag:s7] =	ssyncset.done $0x0  }
0x40: {  	s23 =	sadd.s32 $0x1000, s23;
	[sflag:s7] =	ssyncadd.s32 $0xFFFFC000  }
0x41: {  	[tilespmem:s11], [sflag:$0x2] =	stream.linear.gather [hbm4b:s24+s2], $0x4000, $0x38;
	[tilespmem:$0x1D400] =	vst v63  }
0x42: {  	_ =	swait.ge [sflag:s13], $0x4000  }
0x43: {  	[sflag:s13] =	ssyncset.done $0x0  }
0x44: {  	[sflag:s13] =	ssyncadd.s32 $0xFFFFC000  }
0x45: {  	[spmem:s1] =	stream.indirect.scatter.add.f32 [tilespmem:s9], [sflag:$0x3], $0x80, s16, s14, $0xb8;
	[tilespmem:$0x1D400] =	vst v63  }
0x46: {  	_ =	swait.ge [sflag:s7], $0x4000  }
0x47: {  	[sflag:s7] =	ssyncset.done $0x0  }
0x48: {  	[sflag:s7] =	ssyncadd.s32 $0xFFFFC000  }
0x49: {  	_ =	swait.ge [sflag:s15], $0x4000  }
0x4a: {  	[sflag:s15] =	ssyncset.done $0x0  }
0x4b: {  	[sflag:s15] =	ssyncadd.s32 $0xFFFFC000  }
0x4c: {  	[spmem:s1] =	stream.indirect.scatter.add.f32 [tilespmem:s11], [sflag:$0x3], $0x80, s17, s14, $0xb8;
	[tilespmem:$0x1D400] =	vst v63  }
0x4d: {  	_ =	swait.ge [sflag:s7], $0x4000  }
0x4e: {  	s21 =	sadd.s32 $0x1, s21;
	[sflag:s7] =	ssyncset.done $0x0  }
0x4f: {  	p1 =	sne.s32 s21, s5;
	[sflag:s7] =	ssyncadd.s32 $0xFFFFC000  }
.Ltmp1:
0x50: {  	[bflag:$0x0] =	sbarrier.arrive $0xFFFF;
	(pc) =	sbr.rel @p1 .LBB2_1-.Ltmp1, $4  }
0x51: {  	[hbm:s18], [sflag:s19] =	dma.local [spmem:s20], $0x2800  }
0x52: {  	_ =	swait.ge [sflag:s7], $0x2800  }
0x53: {  	[sflag:s7] =	ssyncset.done $0x0  }
0x54: {  	[sflag:s7] =	ssyncadd.s32 $0xFFFFD800  }
0x55: {  	_ =	sfence.sel $0x180000  }
0x56: {  	[bflag:$0x0] =	sbarrier.arrive $0xFFFF  }
0x57: {  	_ =	strace $0x90000053  }
0x58: {  	s0 =	sadd.s32 @!p0 $0x100000, s0;
	[bflag:$0x2] =	sbarrier.arrive $0xFFFF  }
0x59: {  	[sflag:s0] =	ssyncadd.tile.s32 @!p0 $0x1;
	_ =	shalt  }
.Lfunc_end2:
_tile_overlayer_lowered:
.L_overlay_start_2:
0x5a: {  	(tag) =	ssettag $0x2  }
0x5b: {  	s0 =	rddreg [dreg:$0x0];
	s2 =	stileid.u32  }
0x5c: {  	s1 =	rddreg [dreg:$0x1];
	p0 =	sne.s32 s2, $0x0  }
0x5d: {  	s3 =	rddreg [dreg:$0x2];
	[bflag:$0x3] =	sbarrier.arrive $0xFFFF;
	s2 =	simm.s32 @!p0 $0x1C03  }
0x5e: {  	[timem:s3], [sflag:s2] =	dma.local @!p0 [hbm:s0], s1  }
0x5f: {  	s0 =	simm.s32 @!p0 $0x3  }
0x60: {  	_ =	swait.ge @!p0 [sflag:s0], s1  }
0x61: {  	s1 =	ssub.s32 @!p0 $0x0, s1;
	[sflag:s0] =	ssyncset.done @!p0 $0x0  }
0x62: {  	[sflag:s0] =	ssyncadd.s32 @!p0 s1  }
0x63: {  	[bflag:$0x3] =	sbarrier.arrive $0xFFFF  }
0x64: {  	_ =	shalt  }

// kernel: kernel.30.cloned.1.call-start
scs
__scs_entry_jumppad:
0x0: {  	(pc) =	sbr.rel $0x88, $3  }
0x1: {  	(tag) =	ssettag $0x0;
	lr =	simm.s32 $0x1  }
0x2: {  	[smem:$0x3F8E] =	sst lr;
	_ =	strace $0xD0000000  }
0x3: {  	_ = 	snop  }
0x4: {  	_ = 	snop  }
0x5: {  	_ = 	snop  }
0x6: {  	_ = 	snop  }
0x7: {  	_ = 	snop  }
__scs_overlays_trampoline_lowered:
0x8: {  	[smem:$0x3F9D] =	sst s0  }
0x9: {  	[smem:$0x3F9E] =	sst s1  }
0xa: {  	[smem:$0x3F9F] =	sst s2  }
0xb: {  	[smem:$0x3FA0] =	sst s3  }
0xc: {  	[smem:$0x3FA1] =	sst s4  }
0xd: {  	[smem:$0x3FA2] =	sst s5  }
0xe: {  	[smem:$0x3FA3] =	sst s6  }
0xf: {  	[smem:$0x3FA4] =	sst s7  }
0x10: {  	[smem:$0x3FA5] =	sst s8  }
0x11: {  	[smem:$0x3FA6] =	sst s9;
	s0 =	simm.s32 @!p0 $0x0  }
0x12: {  	s1 =	sld [smem:$0x3F8C];
	s0 =	simm.s32 @p0 $0x1  }
0x13: {  	[smem:$0x3FA7] =	sst s0;
	s0 =	simm.s32 @!p1 $0x0  }
0x14: {  	s2 =	sld [smem:$0x3F8B];
	s0 =	simm.s32 @p1 $0x1  }
0x15: {  	[smem:$0x3FA8] =	sst s0;
	s0 =	simm.s32 @!p2 $0x0  }
0x16: {  	s3 =	sld [smem:$0x3FDB];
	s0 =	simm.s32 @p2 $0x1  }
0x17: {  	s4 =	simm.s32 $0x1BF5;
	[smem:$0x3FAA] =	sst s0  }
0x18: {  	s0 =	sld [smem:$0x3F8D];
	_ =	swait.ge [sflag:s4], $0x0  }
0x19: {  	s7 =	sld [smem:$0x3F8E]  }
0x1a: {  	s8 =	sadd.s32 $0xFFFFE003, lr  }
0x1b: {  	s9 =	sadd.s32 $0xFFFFFEF7, lr;
	s5 =	simm.s32 $0xFFFFFFFF;
	p2 =	slt.u32 s8, $0xFFFFF086  }
0x1c: {  	p1 =	slt.u32 s9, $0xF7A;
	s5 =	simm.s32 @!p2 $0x0  }
0x1d: {  	s5 =	simm.s32 @p1 $0x1;
	p0 =	seq.s32 s7, s2  }
0x1e: {  	s7 =	smul.u32 @!p0 $0xF7A, s2;
	p2 =	seq.s32 @!p0 s5, $0x0  }
0x1f: {  	s9 =	smul.u32 $0xF7A, s1;
	s8 =	simm.s32 @!p0 $0x1BF5;
	p2 =	por !p2, p0  }
0x20: {  	[sflag:s8] =	ssyncset.s32 @!p0 $0xFFFFF086;
	s6 =	sadd.s32 @!p0 s3, s7;
	s7 =	simm.s32 @!p0 $0x108  }
0x21: {  	s3 =	sadd.s32 s3, s9;
	s6 =	sadd.s32 @!p0 $0x88, s6;
	s7 =	simm.s32 @p2 $0x1082  }
0x22: {  	[simem:s7], [sflag:s8] =	dma.local @!p0 [hbm:s6], $0xF7A  }
0x23: {  	s9 =	sor.u32 $0xD0000000, s2;
	s6 =	simm.s32 $0x108;
	_ =	swait.ge @!p0 [sflag:s8], $0x0  }
0x24: {  	s3 =	sadd.s32 $0x88, s3;
	s6 =	simm.s32 @!p1 $0x1082;
	[sflag:s4] =	ssyncset.s32 $0xFFFFF086  }
0x25: {  	[simem:s6], [sflag:s4] =	dma.local [hbm:s3], $0xF7A  }
0x26: {  	[smem:$0x3F8E] =	sst s1;
	(tag) =	ssettag s2;
	_ =	strace s9  }
0x27: {  	s1 =	sld [smem:$0x3F9E]  }
0x28: {  	s2 =	sld [smem:$0x3F9F]  }
0x29: {  	s4 =	sld [smem:$0x3FA1]  }
0x2a: {  	p0 =	seq.s32 s5, $0x0;
	s5 =	sld [smem:$0x3FA2]  }
0x2b: {  	s6 =	sld [smem:$0x3FA3]  }
0x2c: {  	s7 =	sld [smem:$0x3FA4]  }
0x2d: {  	s3 =	simm.s32 $0x108;
	s8 =	sld [smem:$0x3FA5]  }
0x2e: {  	s3 =	simm.s32 @!p0 $0x1082;
	s9 =	sld [smem:$0x3FA6]  }
0x2f: {  	lr =	sadd.s32 s0, s3;
	s0 =	sld [smem:$0x3F9D]  }
0x30: {  	s3 =	sld [smem:$0x3FA0]  }
0x31: {  	[smem:$0x3FA9] =	sst s10  }
0x32: {  	s10 =	sld [smem:$0x3FA7];
	_ =	sdelay $0x3  }
0x33: {  	p0 =	seq.s32 s10, $0x1;
	s10 =	sld [smem:$0x3FA9];
	_ =	sdelay $0x3  }
0x34: {  	[smem:$0x3FA9] =	sst s10  }
0x35: {  	s10 =	sld [smem:$0x3FA8];
	_ =	sdelay $0x3  }
0x36: {  	p1 =	seq.s32 s10, $0x1;
	s10 =	sld [smem:$0x3FA9];
	_ =	sdelay $0x3  }
0x37: {  	[smem:$0x3FA9] =	sst s10  }
0x38: {  	s10 =	sld [smem:$0x3FAA]  }
0x39: {  	_ = 	snop;
	(pc) =	sbr.ind lr, $3  }
0x3a: {  	_ = 	snop  }
0x3b: {  	_ = 	snop  }
0x3c: {  	p2 =	seq.s32 s10, $0x1;
	s10 =	sld [smem:$0x3FA9]  }
0x3d: {  	_ =	shalt  }
0x3e: {  	_ =	shalt  }
0x3f: {  	_ =	shalt  }
0x40: {  	_ =	shalt  }
0x41: {  	_ =	shalt  }
0x42: {  	_ =	shalt  }
0x43: {  	_ =	shalt  }
0x44: {  	_ =	shalt  }
0x45: {  	_ =	shalt  }
0x46: {  	_ =	shalt  }
0x47: {  	_ =	shalt  }
0x48: {  	_ =	shalt  }
0x49: {  	_ =	shalt  }
0x4a: {  	_ =	shalt  }
0x4b: {  	_ =	shalt  }
0x4c: {  	_ =	shalt  }
0x4d: {  	_ =	shalt  }
0x4e: {  	_ =	shalt  }
0x4f: {  	_ =	shalt  }
0x50: {  	_ =	shalt  }
0x51: {  	_ =	shalt  }
0x52: {  	_ =	shalt  }
0x53: {  	_ =	shalt  }
0x54: {  	_ =	shalt  }
0x55: {  	_ =	shalt  }
0x56: {  	_ =	shalt  }
0x57: {  	_ =	shalt  }
0x58: {  	_ =	shalt  }
0x59: {  	_ =	shalt  }
0x5a: {  	_ =	shalt  }
0x5b: {  	_ =	shalt  }
0x5c: {  	_ =	shalt  }
0x5d: {  	_ =	shalt  }
0x5e: {  	_ =	shalt  }
0x5f: {  	_ =	shalt  }
0x60: {  	_ =	shalt  }
0x61: {  	_ =	shalt  }
0x62: {  	_ =	shalt  }
0x63: {  	_ =	shalt  }
0x64: {  	_ =	shalt  }
0x65: {  	_ =	shalt  }
0x66: {  	_ =	shalt  }
0x67: {  	_ =	shalt  }
0x68: {  	_ =	shalt  }
0x69: {  	_ =	shalt  }
0x6a: {  	_ =	shalt  }
0x6b: {  	_ =	shalt  }
0x6c: {  	_ =	shalt  }
0x6d: {  	_ =	shalt  }
0x6e: {  	_ =	shalt  }
0x6f: {  	_ =	shalt  }
0x70: {  	_ =	shalt  }
0x71: {  	_ =	shalt  }
0x72: {  	_ =	shalt  }
0x73: {  	_ =	shalt  }
0x74: {  	_ =	shalt  }
0x75: {  	_ =	shalt  }
0x76: {  	_ =	shalt  }
0x77: {  	_ =	shalt  }
0x78: {  	_ =	shalt  }
0x79: {  	_ =	shalt  }
0x7a: {  	_ =	shalt  }
0x7b: {  	_ =	shalt  }
0x7c: {  	_ =	shalt  }
0x7d: {  	_ =	shalt  }
0x7e: {  	_ =	shalt  }
0x7f: {  	_ =	shalt  }
0x80: {  	_ =	shalt  }
0x81: {  	_ =	shalt  }
0x82: {  	_ =	shalt  }
0x83: {  	_ =	shalt  }
0x84: {  	_ =	shalt  }
0x85: {  	_ =	shalt  }
0x86: {  	_ =	shalt  }
0x87: {  	_ =	shalt  }
.Lfunc_end0:
.L_simem_size_0:
called_computation.5_lowered:
.L_overlay_start_0:
0x88: {  	s2 =	sld [smem:$0x3FD9]  }
0x89: {  	s3 =	sld [smem:$0x3FFE];
	_ =	sdelay $0x1  }
0x8a: {  	s1 =	srdreg.scid  }
0x8b: {  	s0 =	sand.u32 $0x1, s1  }
0x8c: {  	s16 =	sshll.u32 s0, $0xA;
	s2 =	sadd.s32 s3, s2  }
0x8d: {  	s2 =	sadd.s32 s2, s16  }
0x8e: {  	[smem:$0x3FB5] =	sst s2  }
0x8f: {  	_ = 	snop  }
0x90: {  	(tm) =	ssettm $0x1  }
0x91: {  	s17 =	sld [smem:$0x3FFB];
	_ =	sdelay $0x3  }
0x92: {  	_ =	strace s17  }
0x93: {  	s2 =	sld [smem:$0x3FFC];
	_ =	sdelay $0x3  }
0x94: {  	_ =	strace s2  }
0x95: {  	s2 =	sld [smem:$0x3FFD];
	_ =	sdelay $0x3  }
0x96: {  	_ =	strace s2  }
0x97: {  	_ =	strace $0x8FFFFFFF  }
0x98: {  	s18 =	sld [smem:$0x3FDB];
	_ =	sdelay $0x1  }
0x99: {  	s19 =	simm.s32 $_scs_section_size  }
0x9a: {  	s4 =	simm.s32 $_size__tile_overlayer_lowered;
	s5 =	simm.s32 $_tile_overlayer_lowered  }
0x9b: {  	s22 =	simm.s32 $0x1BFF;
	s21 =	sshll.u32 s5, $0x1;
	s2 =	sadd.s32 s19, s18  }
0x9c: {  	s6 =	simm.s32 $0x0;
	s20 =	sshll.u32 s4, $0x1;
	s4 =	sadd.s32 s21, s2  }
0x9d: {  	[timem:s6], [sflag:s22] =	dma.local [hbm:s4], s20  }
0x9e: {  	_ =	swait.ge [sflag:s22], s20  }
0x9f: {  	s3 =	ssub.s32 $0x0, s20;
	[sflag:s22] =	ssyncset.done $0x0  }
0xa0: {  	[sflag:s22] =	ssyncadd.s32 s3;
	_ =	sdelay $0x1  }
0xa1: {  	s23 =	simm.s32 $0x1B8B  }
0xa2: {  	_ =	swait.ge [sflag:s23], $0x1  }
0xa3: {  	[sflag:s23] =	ssyncset.done $0x0  }
0xa4: {  	s25 =	simm.s32 $0x1B8E;
	s24 =	sld [smem:$0x3FFE];
	[sflag:s23] =	ssyncadd.s32 $0xFFFFFFFF  }
0xa5: {  	s26 =	simm.s32 $execute0_lowered;
	[smem:$0x3FD2] =	sst s25  }
0xa6: {  	s4 =	sshll.u32 s26, $0x1;
	_ =	strace $0x80000055;
	[dreg:$0x1] =	wrdreg $0xFFFFFFFF  }
0xa7: {  	s28 =	simm.s32 $_size_execute0_lowered;
	s2 =	sadd.s32 s2, s4;
	[dreg:$0x0] =	wrdreg $0x0  }
0xa8: {  	s4 =	sshll.u32 s28, $0x1;
	[dreg:$0x2] =	wrdreg s2  }
0xa9: {  	[dreg:$0x3] =	wrdreg s4  }
0xaa: {  	[dreg:$0x4] =	wrdreg $0xC0  }
0xab: {  	_ =	task [dreg:s6], $0x5FFFF  }
0xac: {  	[dreg:$0x1] =	wrdreg $0xFFFFFFFF  }
0xad: {  	[dreg:$0x0] =	wrdreg $0x60  }
0xae: {  	[dreg:$0x2] =	wrdreg s24  }
0xaf: {  	[dreg:$0x3] =	wrdreg $0x94000  }
0xb0: {  	[dreg:$0x4] =	wrdreg $0x9  }
0xb1: {  	_ =	task.clear_ibuf [dreg:s6], $0x5FFFF;
	_ =	strace $0x90000055  }
0xb2: {  	s29 =	simm.s32 $0x9;
	_ =	strace $0x80000057  }
0xb3: {  	_ =	swait.ge [sflag:s29], $0x1  }
0xb4: {  	[sflag:s29] =	ssyncadd.s32 $0xFFFFFFFF  }
0xb5: {  	_ =	strace $0x90000057  }
0xb6: {  	_ =	sfence  }
0xb7: {  	s30 =	sld [smem:$0x0];
	_ =	sdelay $0x2  }
0xb8: {  	s31 =	sshll.u32 s1, $0xD;
	s1 =	sshrl.u32 s1, $0x2  }
0xb9: {  	s3 =	sand.u32 $0x4000, s31;
	s1 =	sadd.s32 s1, s30  }
0xba: {  	s0 =	sor.u32 s3, s0;
	s1 =	sshll.u32 s1, $0x11  }
0xbb: {  	s0 =	sor.u32 s1, s0  }
0xbc: {  	s0 =	sadd.s32 $0x8F2B, s0  }
0xbd: {  	[sflag:s0] =	ssyncadd.remote.s32 $0x1  }
0xbe: {  	_ =	sfence.sel $0xFFFF  }
0xbf: {  	[dreg:$0x0] =	wrdreg $0xFFFFFFFF;
	(pc) =	sbr.abs _section_cstart, $3  }
0xc0: {  	[dreg:$0x1] =	wrdreg $0xFFFFFFFF  }
0xc1: {  	_ =	task.clear_ibuf [dreg:s6], $0x2FFFF;
	_ =	strace $0x9FFFFFFF  }
0xc2: {  	(tm) =	ssettm $0x7FFFFFFF  }
0xc3: {  	_ =	shalt  }
tec
execute0_lowered:
.L_overlay_start_1:
0x0: {  	(tag) =	ssettag $0x1  }
0x1: {  	s3 =	rddreg [dreg:$0x0]  }
0x2: {  	s1 =	rddreg [dreg:$0x1]  }
0x3: {  	s0 =	rddreg [dreg:$0x2];
	s19 =	stileid.u32  }
0x4: {  	s4 =	srdreg.scid;
	s2 =	simm.s32 $0x0;
	s5 =	smul.u32 $0x1400, s19  }
0x5: {  	s14 =	simm.s32 $0x80;
	s15 =	simm.s32 $0x2;
	s8 =	smul.u32 $0x50000, s19  }
0x6: {  	s16 =	simm.s32 $0x1300;
	s17 =	simm.s32 $0x1380;
	s10 =	smul.u32 $0x14000, s19  }
0x7: {  	s4 =	sand.u32 $0x1, s4;
	[smem:$0x7FF] =	sst s2;
	s21 =	smul.u32 $0x2800, s19  }
0x8: {  	p0 =	sne.s32 s19, $0x0;
	s19 =	sshll.u32 s19, $0x6;
	s6 =	smul.u32 $0x140000, s4  }
0x9: {  	_ =	strace $0x80000056;
	s7 =	smul.u32 $0x28000, s4;
	s4 =	ssub.s32 $0x2, s4  }
0xa: {  	s19 =	sor.u32 $0x1C03, s19;
	s5 =	sshrl.u32 s5, $0x3;
	s30 =	sshrl.u32 s4, $0x1  }
0xb: {  	s31 =	sshrl.u32 s8, $0x2;
	s11 =	sor.u32 $0x800, s10;
	s13 =	sor.u32 $0x1800, s10  }
0xc: {  	s6 =	sadd.s32 s6, s3;
	s5 =	sadd.s32 s5, s3;
	s7 =	sadd.s32 s7, s3  }
0xd: {  	s9 =	ssub.s32 s4, s30;
	s20 =	sadd.s32 s31, s1;
	s3 =	sadd.s32 $0xAB6200, s7  }
0xe: {  	s4 =	sadd.s32 $0xB06200, s5;
	s12 =	sadd.s32 $0xB3A00, s6;
	s18 =	sadd.s32 $0x5800, s7  }
0xf: {  	s5 =	smax.u32 s9, $0x1;
	s6 =	sshrl.u32 @!p0 s1, $0x3;
	s7 =	simm.s32 $0x3  }
0x10: {  	s9 =	simm.s32 $0x1400;
	s20 =	sshrl.u32 s20, $0x3;
	s8 =	sadd.s32 s10, s12  }
0x11: {  	s10 =	sadd.s32 s12, s11;
	s11 =	simm.s32 $0x5400;
	s12 =	sadd.s32 s12, s13  }
0x12: {  	s13 =	simm.s32 $0x1;
	s18 =	sadd.s32 s21, s18;
	s21 =	simm.s32 $0x0  }
.LBB2_1:
0x13: {  	s22 =	simm.s32 @!p0 $0x1C03  }
0x14: {  	[spmem:s6], [sflag:s22] =	dma.local @!p0 [hbm:s3], $0x28000  }
0x15: {  	s22 =	simm.s32 @!p0 $0x3  }
0x16: {  	_ =	swait.ge @!p0 [sflag:s22], $0x28000  }
0x17: {  	[sflag:s22] =	ssyncset.done @!p0 $0x0  }
0x18: {  	[sflag:s22] =	ssyncadd.s32 @!p0 $0xFFFD8000  }
0x19: {  	[tilespmem:s2], [sflag:$0x3] =	stream.linear.gather [hbm4b:s4+s2], $0x1400, $0x38;
	[tilespmem:$0x1D400] =	vst v63  }
0x1a: {  	_ =	swait.ge [sflag:s7], $0x1400  }
0x1b: {  	[sflag:s7] =	ssyncset.done $0x0  }
0x1c: {  	[sflag:s7] =	ssyncadd.s32 $0xFFFFEC00  }
0x1d: {  	[bflag:$0x0] =	sbarrier.arrive $0xFFFF  }
0x1e: {  	[tilespmem:s9], [sflag:$0x1] =	stream.linear.gather [hbm4b:s8+s2], $0x4000, $0x38;
	[tilespmem:$0x1D400] =	vst v63  }
0x1f: {  	_ = 	snop  }
0x20: {  	[tilespmem:s11], [sflag:$0x2] =	stream.linear.gather [hbm4b:s10+s2], $0x4000, $0x38;
	[tilespmem:$0x1D400] =	vst v63  }
0x21: {  	_ =	swait.ge [sflag:s13], $0x4000  }
0x22: {  	[sflag:s13] =	ssyncset.done $0x0  }
0x23: {  	s29 =	simm.s32 $0x0;
	[sflag:s13] =	ssyncadd.s32 $0xFFFFC000  }
0x24: {  	[spmem:s1] =	stream.indirect.scatter.add.f32 [tilespmem:s9], [sflag:$0x3], $0x80, s29, s14, $0xb8;
	[tilespmem:$0x1D400] =	vst v63  }
0x25: {  	_ =	swait.ge [sflag:s7], $0x4000  }
0x26: {  	[sflag:s7] =	ssyncset.done $0x0  }
0x27: {  	s30 =	sadd.s32 $0xFFFFF800, s12;
	[sflag:s7] =	ssyncadd.s32 $0xFFFFC000  }
0x28: {  	[tilespmem:s9], [sflag:$0x1] =	stream.linear.gather [hbm4b:s30+s2], $0x4000, $0x38;
	[tilespmem:$0x1D400] =	vst v63  }
0x29: {  	_ =	swait.ge [sflag:s15], $0x4000  }
0x2a: {  	[sflag:s15] =	ssyncset.done $0x0  }
0x2b: {  	s31 =	simm.s32 $0x80;
	[sflag:s15] =	ssyncadd.s32 $0xFFFFC000  }
0x2c: {  	[spmem:s1] =	stream.indirect.scatter.add.f32 [tilespmem:s11], [sflag:$0x3], $0x80, s31, s14, $0xb8;
	[tilespmem:$0x1D400] =	vst v63  }
0x2d: {  	_ =	swait.ge [sflag:s7], $0x4000  }
0x2e: {  	s23 =	sadd.s32 $0x1000, s12;
	[sflag:s7] =	ssyncset.done $0x0  }
0x2f: {  	s24 =	smov.u32 s12;
	s22 =	simm.s32 $0x400;
	[sflag:s7] =	ssyncadd.s32 $0xFFFFC000  }
.LBB2_2:
0x30: {  	[tilespmem:s11], [sflag:$0x2] =	stream.linear.gather [hbm4b:s24+s2], $0x4000, $0x38;
	[tilespmem:$0x1D400] =	vst v63  }
0x31: {  	s25 =	smov.u32 s22;
	s24 =	smov.u32 s23  }
0x32: {  	p1 =	sne.s32 s22, $0x4800;
	s22 =	sadd.s32 $0x400, s22;
	_ =	swait.ge [sflag:s13], $0x4000  }
0x33: {  	[sflag:s13] =	ssyncset.done $0x0  }
0x34: {  	s25 =	sshra.s32 s25, $0x2;
	[sflag:s13] =	ssyncadd.s32 $0xFFFFC000  }
0x35: {  	[spmem:s1] =	stream.indirect.scatter.add.f32 [tilespmem:s9], [sflag:$0x3], $0x80, s25, s14, $0xb8;
	[tilespmem:$0x1D400] =	vst v63  }
0x36: {  	_ =	swait.ge [sflag:s7], $0x4000  }
0x37: {  	[sflag:s7] =	ssyncset.done $0x0  }
0x38: {  	s26 =	sadd.s32 $0xFFFFF800, s23;
	[sflag:s7] =	ssyncadd.s32 $0xFFFFC000  }
0x39: {  	[tilespmem:s9], [sflag:$0x1] =	stream.linear.gather [hbm4b:s26+s2], $0x4000, $0x38;
	[tilespmem:$0x1D400] =	vst v63  }
0x3a: {  	_ =	swait.ge [sflag:s15], $0x4000  }
0x3b: {  	[sflag:s15] =	ssyncset.done $0x0  }
.Ltmp0:
0x3c: {  	s25 =	sadd.s32 $0x80, s25;
	[sflag:s15] =	ssyncadd.s32 $0xFFFFC000;
	(pc) =	sbr.rel @p1 .LBB2_2-.Ltmp0, $4  }
0x3d: {  	[spmem:s1] =	stream.indirect.scatter.add.f32 [tilespmem:s11], [sflag:$0x3], $0x80, s25, s14, $0xb8;
	[tilespmem:$0x1D400] =	vst v63  }
0x3e: {  	_ =	swait.ge [sflag:s7], $0x4000  }
0x3f: {  	[sflag:s7] =	ssyncset.done $0x0  }
0x40: {  	s23 =	sadd.s32 $0x1000, s23;
	[sflag:s7] =	ssyncadd.s32 $0xFFFFC000  }
0x41: {  	[tilespmem:s11], [sflag:$0x2] =	stream.linear.gather [hbm4b:s24+s2], $0x4000, $0x38;
	[tilespmem:$0x1D400] =	vst v63  }
0x42: {  	_ =	swait.ge [sflag:s13], $0x4000  }
0x43: {  	[sflag:s13] =	ssyncset.done $0x0  }
0x44: {  	[sflag:s13] =	ssyncadd.s32 $0xFFFFC000  }
0x45: {  	[spmem:s1] =	stream.indirect.scatter.add.f32 [tilespmem:s9], [sflag:$0x3], $0x80, s16, s14, $0xb8;
	[tilespmem:$0x1D400] =	vst v63  }
0x46: {  	_ =	swait.ge [sflag:s7], $0x4000  }
0x47: {  	[sflag:s7] =	ssyncset.done $0x0  }
0x48: {  	[sflag:s7] =	ssyncadd.s32 $0xFFFFC000  }
0x49: {  	_ =	swait.ge [sflag:s15], $0x4000  }
0x4a: {  	[sflag:s15] =	ssyncset.done $0x0  }
0x4b: {  	[sflag:s15] =	ssyncadd.s32 $0xFFFFC000  }
0x4c: {  	[spmem:s1] =	stream.indirect.scatter.add.f32 [tilespmem:s11], [sflag:$0x3], $0x80, s17, s14, $0xb8;
	[tilespmem:$0x1D400] =	vst v63  }
0x4d: {  	_ =	swait.ge [sflag:s7], $0x4000  }
0x4e: {  	s21 =	sadd.s32 $0x1, s21;
	[sflag:s7] =	ssyncset.done $0x0  }
0x4f: {  	p1 =	sne.s32 s21, s5;
	[sflag:s7] =	ssyncadd.s32 $0xFFFFC000  }
.Ltmp1:
0x50: {  	[bflag:$0x0] =	sbarrier.arrive $0xFFFF;
	(pc) =	sbr.rel @p1 .LBB2_1-.Ltmp1, $4  }
0x51: {  	[hbm:s18], [sflag:s19] =	dma.local [spmem:s20], $0x2800  }
0x52: {  	_ =	swait.ge [sflag:s7], $0x2800  }
0x53: {  	[sflag:s7] =	ssyncset.done $0x0  }
0x54: {  	[sflag:s7] =	ssyncadd.s32 $0xFFFFD800  }
0x55: {  	_ =	sfence.sel $0x180000  }
0x56: {  	[bflag:$0x0] =	sbarrier.arrive $0xFFFF  }
0x57: {  	_ =	strace $0x90000056  }
0x58: {  	s0 =	sadd.s32 @!p0 $0x100000, s0;
	[bflag:$0x2] =	sbarrier.arrive $0xFFFF  }
0x59: {  	[sflag:s0] =	ssyncadd.tile.s32 @!p0 $0x1;
	_ =	shalt  }
.Lfunc_end2:
_tile_overlayer_lowered:
.L_overlay_start_2:
0x5a: {  	(tag) =	ssettag $0x2  }
0x5b: {  	s0 =	rddreg [dreg:$0x0];
	s2 =	stileid.u32  }
0x5c: {  	s1 =	rddreg [dreg:$0x1];
	p0 =	sne.s32 s2, $0x0  }
0x5d: {  	s3 =	rddreg [dreg:$0x2];
	[bflag:$0x3] =	sbarrier.arrive $0xFFFF;
	s2 =	simm.s32 @!p0 $0x1C03  }
0x5e: {  	[timem:s3], [sflag:s2] =	dma.local @!p0 [hbm:s0], s1  }
0x5f: {  	s0 =	simm.s32 @!p0 $0x3  }
0x60: {  	_ =	swait.ge @!p0 [sflag:s0], s1  }
0x61: {  	s1 =	ssub.s32 @!p0 $0x0, s1;
	[sflag:s0] =	ssyncset.done @!p0 $0x0  }
0x62: {  	[sflag:s0] =	ssyncadd.s32 @!p0 s1  }
0x63: {  	[bflag:$0x3] =	sbarrier.arrive $0xFFFF  }
0x64: {  	_ =	shalt  }

</sc_bundles>
